<compile_context>
chip_gen: v7x
topology: tpu7x:2x2x1
jax: 0.10.2.dev20260603
libtpu: 0.0.44.dev20260713+nightly
codegen_flags: <defaults>
</compile_context>

<pallas_src>
import jax
import jax.numpy as jnp
from jax import lax
from jax.experimental import pallas as pl
from jax.experimental.pallas import tpu as pltpu
from jax.experimental.pallas import tpu_sc as plsc

E = 320000
D = 128
T = 640000

NW = 32
NT = T // NW
C = 160
NCH = NT // C

_SC_PARAMS = pltpu.CompilerParams(needs_layout_passes=False)


def _matmul3_body(f_ref, wt_ref, b_ref, o0, o1, o2):
    f = f_ref[...]
    o0[...] = jnp.dot(f, wt_ref[0:D, :], preferred_element_type=jnp.float32)
    o1[...] = jnp.dot(f, wt_ref[D:2 * D, :], preferred_element_type=jnp.float32)
    o2[...] = (jnp.dot(f, wt_ref[2 * D:3 * D, :],
                       preferred_element_type=jnp.float32) + b_ref[...])


def _matmul3(f_edge, Wt, b2):
    BE = 4000
    out = jax.ShapeDtypeStruct((E, D), jnp.float32)
    return pl.pallas_call(
        _matmul3_body,
        grid=(E // BE,),
        in_specs=[
            pl.BlockSpec((BE, D), lambda i: (i, 0)),
            pl.BlockSpec((3 * D, D), lambda i: (0, 0)),
            pl.BlockSpec((1, D), lambda i: (0, 0)),
        ],
        out_specs=[
            pl.BlockSpec((BE, D), lambda i: (i, 0)),
            pl.BlockSpec((BE, D), lambda i: (i, 0)),
            pl.BlockSpec((BE, D), lambda i: (i, 0)),
        ],
        out_shape=[out, out, out],
    )(f_edge, Wt, b2)


def _gelu_body(s_ref, o_ref):
    x = s_ref[...]
    o_ref[...] = 0.5 * x * (1.0 + lax.erf(x * 0.7071067811865476))


def _gelu_dense(s):
    BT = 4000
    return pl.pallas_call(
        _gelu_body,
        grid=(T // BT,),
        in_specs=[pl.BlockSpec((BT, D), lambda i: (i, 0))],
        out_specs=pl.BlockSpec((BT, D), lambda i: (i, 0)),
        out_shape=jax.ShapeDtypeStruct((T, D), jnp.float32),
    )(s)


def _gather_gelu_body(g0_hbm, g1_hbm, g2_hbm, i0_hbm, i1_hbm, i2_hbm,
                      h_hbm,
                      i0a, i1a, i2a, r0a, r1a, r2a, sem_a, isem_a,
                      i0b, i1b, i2b, r0b, r1b, r2b, sem_b, isem_b):
    wid = lax.axis_index("s") * 2 + lax.axis_index("c")
    base = wid * NT
    bufs = ((i0a, i1a, i2a, r0a, r1a, r2a, sem_a, isem_a),
            (i0b, i1b, i2b, r0b, r1b, r2b, sem_b, isem_b))

    def fire_idx(k, b):
        i0v, i1v, i2v, _, _, _, _, isem = bufs[b]
        off = base + jnp.minimum(k, NCH - 1) * C
        pltpu.async_copy(i0_hbm.at[pl.ds(off, C)], i0v, isem)
        pltpu.async_copy(i1_hbm.at[pl.ds(off, C)], i1v, isem)
        pltpu.async_copy(i2_hbm.at[pl.ds(off, C)], i2v, isem)

    def drain_idx(b):
        i0v, i1v, i2v, _, _, _, _, isem = bufs[b]
        pltpu.make_async_copy(i0_hbm.at[pl.ds(0, C)], i0v, isem).wait()
        pltpu.make_async_copy(i1_hbm.at[pl.ds(0, C)], i1v, isem).wait()
        pltpu.make_async_copy(i2_hbm.at[pl.ds(0, C)], i2v, isem).wait()

    def fire_g(b):
        i0v, i1v, i2v, r0, r1, r2, sem, _ = bufs[b]
        pltpu.async_copy(g0_hbm.at[i0v], r0, sem)
        pltpu.async_copy(g1_hbm.at[i1v], r1, sem)
        pltpu.async_copy(g2_hbm.at[i2v], r2, sem)

    def drain_g(b):
        _, _, _, r0, r1, r2, sem, _ = bufs[b]
        pltpu.make_async_copy(g0_hbm.at[pl.ds(0, C)], r0, sem).wait()
        pltpu.make_async_copy(g1_hbm.at[pl.ds(0, C)], r1, sem).wait()
        pltpu.make_async_copy(g2_hbm.at[pl.ds(0, C)], r2, sem).wait()

    def compute_store(k, b):
        _, _, _, r0, r1, r2, _, _ = bufs[b]

        def row(i, carry2):
            for j in range(D // 16):
                sl = pl.ds(j * 16, 16)
                r0[i, sl] = r0[i, sl] + r1[i, sl] + r2[i, sl]
            return carry2

        lax.fori_loop(0, C, row, 0, unroll=4)
        pltpu.sync_copy(r0, h_hbm.at[pl.ds(base + k * C, C)])

    fire_idx(0, 0)
    fire_idx(1, 1)
    drain_idx(0)
    fire_g(0)

    def pair(g, carry):
        k0 = g * 2
        drain_idx(1)
        fire_g(1)
        drain_g(0)
        fire_idx(k0 + 2, 0)
        compute_store(k0, 0)
        drain_idx(0)
        fire_g(0)
        drain_g(1)
        fire_idx(k0 + 3, 1)
        compute_store(k0 + 1, 1)
        return carry

    lax.fori_loop(0, (NCH - 1) // 2, pair, 0)
    drain_idx(1)
    drain_g(0)
    compute_store(NCH - 1, 0)


def _gather_gelu(g0, g1, g2, i0, i1, i2):
    ibuf = pltpu.VMEM((C,), jnp.int32)
    rbuf = pltpu.VMEM((C, D), jnp.float32)
    kern = pl.kernel(
        _gather_gelu_body,
        out_type=jax.ShapeDtypeStruct((T, D), jnp.float32),
        mesh=plsc.VectorSubcoreMesh(core_axis_name="c", subcore_axis_name="s"),
        scratch_types=[
            ibuf, ibuf, ibuf, rbuf, rbuf, rbuf,
            pltpu.SemaphoreType.DMA, pltpu.SemaphoreType.DMA,
            ibuf, ibuf, ibuf, rbuf, rbuf, rbuf,
            pltpu.SemaphoreType.DMA, pltpu.SemaphoreType.DMA,
        ],
    )
    return kern(g0, g1, g2, i0, i1, i2)


CH = 10880
NP = 15
EP = NP * 2 * CH
CB = 192
C2 = 8000
SCAN = T // 16
S = 4160
FB = 3840
MY = CH // 16
ZB = 136


def _scatter_body(h_hbm, i2_hbm, sums_hbm,
                  i2_v, cidx_st, cdst_st, cdst_b, rows, acc, sem):
    c = lax.axis_index("c")
    s = lax.axis_index("s")
    scan0 = s * SCAN
    my0 = s * MY

    def zero_rows(i, carry):
        for j in range(D // 16):
            rows[i, pl.ds(j * 16, 16)] = jnp.zeros((16,), jnp.float32)
        return carry

    def zero_my_slice():
        lax.fori_loop(0, ZB, zero_rows, 0)
        for k in range(MY // ZB):
            pltpu.sync_copy(rows.at[pl.ds(0, ZB)],
                            acc.at[pl.ds(my0 + k * ZB, ZB)])

    def do_batch(bi, carry2):
        for k in range(CB // 16):
            cdst_b[pl.ds(k * 16, 16)] = cdst_st[pl.ds(bi * CB + k * 16, 16)]
        pltpu.async_copy(h_hbm.at[cidx_st.at[pl.ds(bi * CB, CB)]],
                         rows, sem).wait()
        pltpu.sync_copy(rows, acc.at[cdst_b], add=True)
        return carry2

    zero_my_slice()
    plsc.subcore_barrier()

    def one_pass(p, carry):
        base = (p * 2 + c) * CH

        def chunkfn(k, cnt):
            off = scan0 + k * C2
            pltpu.sync_copy(i2_hbm.at[pl.ds(off, C2)], i2_v)

            def vec(j, cnt2):
                v = i2_v[pl.ds(j * 16, 16)]
                t = off + j * 16 + lax.iota(jnp.int32, 16)
                m = (v >= base) & (v < base + CH)
                plsc.store_compressed(cidx_st.at[pl.ds(cnt2, 16)], t, mask=m)
                plsc.store_compressed(cdst_st.at[pl.ds(cnt2, 16)], v - base,
                                      mask=m)
                cnt2 = cnt2 + jnp.sum(m.astype(jnp.int32))

                @pl.when(cnt2 >= FB)
                def flush():
                    lax.fori_loop(0, FB // CB, do_batch, 0)
                    cidx_st[pl.ds(0, 16)] = cidx_st[pl.ds(FB, 16)]
                    cdst_st[pl.ds(0, 16)] = cdst_st[pl.ds(FB, 16)]

                return jnp.where(cnt2 >= FB, cnt2 - FB, cnt2)

            return lax.fori_loop(0, C2 // 16, vec, cnt)

        cnt = lax.fori_loop(0, SCAN // C2, chunkfn, 0)

        spread = s * 16 + lax.iota(jnp.int32, 16)
        for kk in range(CB // 16):
            cidx_st[pl.ds(cnt + kk * 16, 16)] = spread
            cdst_st[pl.ds(cnt + kk * 16, 16)] = jnp.full((16,), CH, jnp.int32)
        nb = (cnt + CB - 1) // CB
        lax.fori_loop(0, nb, do_batch, 0)
        plsc.subcore_barrier()

        pltpu.sync_copy(acc.at[pl.ds(my0, MY)],
                        sums_hbm.at[pl.ds(base + my0, MY)])
        zero_my_slice()
        plsc.subcore_barrier()
        return carry

    lax.fori_loop(0, NP, one_pass, 0)


def _scatter(h, i2):
    kern = pl.kernel(
        _scatter_body,
        out_type=jax.ShapeDtypeStruct((EP, D), jnp.float32),
        mesh=plsc.VectorSubcoreMesh(core_axis_name="c", subcore_axis_name="s"),
        scratch_types=[
            pltpu.VMEM((C2,), jnp.int32),
            pltpu.VMEM((S,), jnp.int32),
            pltpu.VMEM((S,), jnp.int32),
            pltpu.VMEM((CB,), jnp.int32),
            pltpu.VMEM((CB, D), jnp.float32),
            pltpu.VMEM_SHARED((CH + 1, D), jnp.float32),
            pltpu.SemaphoreType.DMA,
        ],
        compiler_params=_SC_PARAMS,
    )
    return kern(h, i2)


def _finalize_body(s_ref, g_ref, bt_ref, o_ref):
    x = s_ref[...].astype(jnp.float32)
    mu = jnp.mean(x, axis=-1, keepdims=True)
    var = jnp.mean((x - mu) ** 2, axis=-1, keepdims=True)
    o_ref[...] = (x - mu) * lax.rsqrt(var + 1e-5) * g_ref[...] + bt_ref[...]


def _finalize(sums, gamma, beta):
    BE2 = 4000
    return pl.pallas_call(
        _finalize_body,
        grid=(E // BE2,),
        in_specs=[
            pl.BlockSpec((BE2, D), lambda i: (i, 0)),
            pl.BlockSpec((1, D), lambda i: (0, 0)),
            pl.BlockSpec((1, D), lambda i: (0, 0)),
        ],
        out_specs=pl.BlockSpec((BE2, D), lambda i: (i, 0)),
        out_shape=jax.ShapeDtypeStruct((E, D), jnp.float32),
    )(sums, gamma.reshape(1, D), beta.reshape(1, D))


def kernel(f_edge, triangle, W, b, gamma, beta):
    tri = triangle.astype(jnp.int32)
    i0 = tri[:, 0]
    i1 = tri[:, 1]
    i2 = tri[:, 2]
    Wt = W.T
    b2 = b.reshape(1, D)

    g0, g1, g2 = _matmul3(f_edge, Wt, b2)
    s = _gather_gelu(g0, g1, g2, i0, i1, i2)
    h = _gelu_dense(s)
    sums = _scatter(h, i2)
    return _finalize(sums, gamma, beta)

# --- scband reference (transcript-rebuilt; emitter-appended) ---
"""Pipeline reference for scband-triangle-update-87196426043570 (READ-ONLY COPY).

The authoritative reference and input builder live on the scoring server;
editing this copy changes nothing except your own understanding.
"""

import jax, jax.numpy as jnp
import numpy as np

E = 320000
D = 128
T = 640000


def setup_inputs(seed: int = 0) -> dict:
    key = jax.random.key(seed)
    k1, k2, k3 = jax.random.split(key, 3)
    f_edge = jax.random.normal(k1, (E, D), dtype=jnp.float32)
    triangle = jax.random.randint(k2, (T, 3), 0, E, dtype=jnp.int64)
    # nn.Linear(3*D, D): weight [D, 3D], bias [D]
    W = jax.random.normal(k3, (D, 3 * D), dtype=jnp.float32) * (1.0 / np.sqrt(3 * D))
    b = jnp.zeros((D,), dtype=jnp.float32)
    # nn.LayerNorm(D)
    gamma = jnp.ones((D,), dtype=jnp.float32)
    beta = jnp.zeros((D,), dtype=jnp.float32)
    return {"f_edge": f_edge, "triangle": triangle, "W": W, "b": b, "gamma": gamma, "beta": beta}


def reference(f_edge, triangle, W, b, gamma, beta):
    # f_edge[triangle] -> [T, 3, D]; flatten -> [T, 3D]
    f_tri = jnp.take(f_edge, triangle, axis=0).reshape(triangle.shape[0], -1)
    # Linear(3D -> D) then exact (erf) GELU, matching torch nn.GELU()
    h = f_tri @ W.T + b
    h = jax.nn.gelu(h, approximate=False)
    # dropout is identity in eval mode
    # scatter_mean over triangle[:, 2] with dim_size = E
    seg = triangle[:, 2]
    sums = jnp.zeros((f_edge.shape[0], h.shape[1]), dtype=h.dtype).at[seg].add(h)
    counts = jnp.zeros((f_edge.shape[0],), dtype=h.dtype).at[seg].add(1.0)
    mean = sums / jnp.clip(counts, 1.0, None)[:, None]
    # LayerNorm(D), eps = 1e-5
    mu = jnp.mean(mean, axis=-1, keepdims=True)
    var = jnp.mean((mean - mu) ** 2, axis=-1, keepdims=True)
    out = (mean - mu) / jnp.sqrt(var + 1e-5) * gamma + beta
    return out

if __name__ == "__main__":
    import jax
    _d = setup_inputs()
    print(jax.jit(kernel)(*tuple(_d.values())))

</pallas_src>

<mosaic_0001>
#map = affine_map<(d0, d1) -> (0, 0)>
#map1 = affine_map<(d0, d1) -> (0)>
module attributes {stable_mosaic.version = 14 : i64} {
  func.func @_gather_gelu_body(%arg0: i32, %arg1: i32, %arg2: memref<320000x128xf32, #tpu.memory_space<hbm>>, %arg3: memref<320000x128xf32, #tpu.memory_space<hbm>>, %arg4: memref<320000x128xf32, #tpu.memory_space<hbm>>, %arg5: memref<640000xi32, #tpu.memory_space<hbm>>, %arg6: memref<640000xi32, #tpu.memory_space<hbm>>, %arg7: memref<640000xi32, #tpu.memory_space<hbm>>, %arg8: memref<640000x128xf32, #tpu.memory_space<hbm>>, %arg9: memref<160xi32, #tpu.memory_space<vmem>>, %arg10: memref<160xi32, #tpu.memory_space<vmem>>, %arg11: memref<160xi32, #tpu.memory_space<vmem>>, %arg12: memref<160x128xf32, #tpu.memory_space<vmem>>, %arg13: memref<160x128xf32, #tpu.memory_space<vmem>>, %arg14: memref<160x128xf32, #tpu.memory_space<vmem>>, %arg15: memref<!tpu.dma_semaphore, #tpu.memory_space<semaphore_mem>>, %arg16: memref<!tpu.dma_semaphore, #tpu.memory_space<semaphore_mem>>, %arg17: memref<160xi32, #tpu.memory_space<vmem>>, %arg18: memref<160xi32, #tpu.memory_space<vmem>>, %arg19: memref<160xi32, #tpu.memory_space<vmem>>, %arg20: memref<160x128xf32, #tpu.memory_space<vmem>>, %arg21: memref<160x128xf32, #tpu.memory_space<vmem>>, %arg22: memref<160x128xf32, #tpu.memory_space<vmem>>, %arg23: memref<!tpu.dma_semaphore, #tpu.memory_space<semaphore_mem>>, %arg24: memref<!tpu.dma_semaphore, #tpu.memory_space<semaphore_mem>>) attributes {dimension_semantics = [#tpu.dimension_semantics<core_parallel>, #tpu.dimension_semantics<subcore_parallel>], iteration_bounds = array<i64: 2, 16>, scalar_prefetch = 0 : i64, scratch_operands = 16 : i64, tpu.core_type = #tpu.core_type<sc_vector_subcore>, window_params = [{transform_indices = #map}, {transform_indices = #map}, {transform_indices = #map}, {transform_indices = #map1}, {transform_indices = #map1}, {transform_indices = #map1}, {transform_indices = #map}]} {
    %mul3A = arith.constant 2 : i32
    %mul3A_0 = arith.muli %arg1, %mul3A : i32
    %add3A = arith.addi %mul3A_0, %arg0 : i32
    %mul3A_1 = arith.constant 20000 : i32
    %mul3A_2 = arith.muli %add3A, %mul3A_1 : i32
    %min3A = arith.constant 0 : i32
    %min3A_3 = arith.constant 124 : i32
    %min3A_4 = arith.minsi %min3A, %min3A_3 : i32
    %mul3A_5 = arith.constant 160 : i32
    %mul3A_6 = arith.muli %min3A_4, %mul3A_5 : i32
    %add3A_7 = arith.addi %mul3A_2, %mul3A_6 : i32
    %dma_start3A = tpu.memref_slice %arg5[%add3A_7] : memref<640000xi32, #tpu.memory_space<hbm>> -> memref<160xi32, #tpu.memory_space<hbm>>
    %dma_start3A_8 = tpu.memref_slice %arg5[%add3A_7] : memref<640000xi32, #tpu.memory_space<hbm>> -> memref<160xi32, #tpu.memory_space<hbm>>
    tpu.enqueue_dma source(%dma_start3A_8 : memref<160xi32, #tpu.memory_space<hbm>>) target(%arg9 : memref<160xi32, #tpu.memory_space<vmem>>) target_semaphore(%arg16 : memref<!tpu.dma_semaphore, #tpu.memory_space<semaphore_mem>>)
    %dma_start3A_9 = tpu.memref_slice %arg6[%add3A_7] : memref<640000xi32, #tpu.memory_space<hbm>> -> memref<160xi32, #tpu.memory_space<hbm>>
    %dma_start3A_10 = tpu.memref_slice %arg6[%add3A_7] : memref<640000xi32, #tpu.memory_space<hbm>> -> memref<160xi32, #tpu.memory_space<hbm>>
    tpu.enqueue_dma source(%dma_start3A_10 : memref<160xi32, #tpu.memory_space<hbm>>) target(%arg10 : memref<160xi32, #tpu.memory_space<vmem>>) target_semaphore(%arg16 : memref<!tpu.dma_semaphore, #tpu.memory_space<semaphore_mem>>)
    %dma_start3A_11 = tpu.memref_slice %arg7[%add3A_7] : memref<640000xi32, #tpu.memory_space<hbm>> -> memref<160xi32, #tpu.memory_space<hbm>>
    %dma_start3A_12 = tpu.memref_slice %arg7[%add3A_7] : memref<640000xi32, #tpu.memory_space<hbm>> -> memref<160xi32, #tpu.memory_space<hbm>>
    tpu.enqueue_dma source(%dma_start3A_12 : memref<160xi32, #tpu.memory_space<hbm>>) target(%arg11 : memref<160xi32, #tpu.memory_space<vmem>>) target_semaphore(%arg16 : memref<!tpu.dma_semaphore, #tpu.memory_space<semaphore_mem>>)
    %min3A_13 = arith.constant 1 : i32
    %min3A_14 = arith.constant 124 : i32
    %min3A_15 = arith.minsi %min3A_13, %min3A_14 : i32
    %mul3A_16 = arith.constant 160 : i32
    %mul3A_17 = arith.muli %min3A_15, %mul3A_16 : i32
    %add3A_18 = arith.addi %mul3A_2, %mul3A_17 : i32
    %dma_start3A_19 = tpu.memref_slice %arg5[%add3A_18] : memref<640000xi32, #tpu.memory_space<hbm>> -> memref<160xi32, #tpu.memory_space<hbm>>
    %dma_start3A_20 = tpu.memref_slice %arg5[%add3A_18] : memref<640000xi32, #tpu.memory_space<hbm>> -> memref<160xi32, #tpu.memory_space<hbm>>
    tpu.enqueue_dma source(%dma_start3A_20 : memref<160xi32, #tpu.memory_space<hbm>>) target(%arg17 : memref<160xi32, #tpu.memory_space<vmem>>) target_semaphore(%arg24 : memref<!tpu.dma_semaphore, #tpu.memory_space<semaphore_mem>>)
    %dma_start3A_21 = tpu.memref_slice %arg6[%add3A_18] : memref<640000xi32, #tpu.memory_space<hbm>> -> memref<160xi32, #tpu.memory_space<hbm>>
    %dma_start3A_22 = tpu.memref_slice %arg6[%add3A_18] : memref<640000xi32, #tpu.memory_space<hbm>> -> memref<160xi32, #tpu.memory_space<hbm>>
    tpu.enqueue_dma source(%dma_start3A_22 : memref<160xi32, #tpu.memory_space<hbm>>) target(%arg18 : memref<160xi32, #tpu.memory_space<vmem>>) target_semaphore(%arg24 : memref<!tpu.dma_semaphore, #tpu.memory_space<semaphore_mem>>)
    %dma_start3A_23 = tpu.memref_slice %arg7[%add3A_18] : memref<640000xi32, #tpu.memory_space<hbm>> -> memref<160xi32, #tpu.memory_space<hbm>>
    %dma_start3A_24 = tpu.memref_slice %arg7[%add3A_18] : memref<640000xi32, #tpu.memory_space<hbm>> -> memref<160xi32, #tpu.memory_space<hbm>>
    tpu.enqueue_dma source(%dma_start3A_24 : memref<160xi32, #tpu.memory_space<hbm>>) target(%arg19 : memref<160xi32, #tpu.memory_space<vmem>>) target_semaphore(%arg24 : memref<!tpu.dma_semaphore, #tpu.memory_space<semaphore_mem>>)
    %dma_wait3A = arith.constant 0 : i32
    %dma_wait3A_25 = tpu.memref_slice %arg5[%dma_wait3A] : memref<640000xi32, #tpu.memory_space<hbm>> -> memref<160xi32, #tpu.memory_space<hbm>>
    %dma_wait3A_26 = arith.constant 0 : i32
    %dma_wait3A_27 = tpu.memref_slice %arg5[%dma_wait3A_26] : memref<640000xi32, #tpu.memory_space<hbm>> -> memref<160xi32, #tpu.memory_space<hbm>>
    tpu.wait_dma2 semaphore(%arg16 : memref<!tpu.dma_semaphore, #tpu.memory_space<semaphore_mem>>) src(%dma_wait3A_27 : memref<160xi32, #tpu.memory_space<hbm>>) dst(%arg9 : memref<160xi32, #tpu.memory_space<vmem>>)
    %dma_wait3A_28 = arith.constant 0 : i32
    %dma_wait3A_29 = tpu.memref_slice %arg6[%dma_wait3A_28] : memref<640000xi32, #tpu.memory_space<hbm>> -> memref<160xi32, #tpu.memory_space<hbm>>
    %dma_wait3A_30 = arith.constant 0 : i32
    %dma_wait3A_31 = tpu.memref_slice %arg6[%dma_wait3A_30] : memref<640000xi32, #tpu.memory_space<hbm>> -> memref<160xi32, #tpu.memory_space<hbm>>
    tpu.wait_dma2 semaphore(%arg16 : memref<!tpu.dma_semaphore, #tpu.memory_space<semaphore_mem>>) src(%dma_wait3A_31 : memref<160xi32, #tpu.memory_space<hbm>>) dst(%arg10 : memref<160xi32, #tpu.memory_space<vmem>>)
    %dma_wait3A_32 = arith.constant 0 : i32
    %dma_wait3A_33 = tpu.memref_slice %arg7[%dma_wait3A_32] : memref<640000xi32, #tpu.memory_space<hbm>> -> memref<160xi32, #tpu.memory_space<hbm>>
    %dma_wait3A_34 = arith.constant 0 : i32
    %dma_wait3A_35 = tpu.memref_slice %arg7[%dma_wait3A_34] : memref<640000xi32, #tpu.memory_space<hbm>> -> memref<160xi32, #tpu.memory_space<hbm>>
    tpu.wait_dma2 semaphore(%arg16 : memref<!tpu.dma_semaphore, #tpu.memory_space<semaphore_mem>>) src(%dma_wait3A_35 : memref<160xi32, #tpu.memory_space<hbm>>) dst(%arg11 : memref<160xi32, #tpu.memory_space<vmem>>)
    %dma_start3A_36 = arith.constant 0 : i32
    %dma_start3A_37 = arith.constant 0 : i32
    %dma_start3A_38 = tpu.memref_slice %arg2[%dma_start3A_36, %dma_start3A_37] : memref<320000x128xf32, #tpu.memory_space<hbm>> -> memref<320000x128xf32, #tpu.memory_space<hbm>>
    tpu.enqueue_indirect_dma source(%dma_start3A_38 : memref<320000x128xf32, #tpu.memory_space<hbm>>) target(%arg12 : memref<160x128xf32, #tpu.memory_space<vmem>>) offsets(%arg9 : memref<160xi32, #tpu.memory_space<vmem>>) semaphore(%arg15 : memref<!tpu.dma_semaphore, #tpu.memory_space<semaphore_mem>>)
    %dma_start3A_39 = arith.constant 0 : i32
    %dma_start3A_40 = arith.constant 0 : i32
    %dma_start3A_41 = tpu.memref_slice %arg3[%dma_start3A_39, %dma_start3A_40] : memref<320000x128xf32, #tpu.memory_space<hbm>> -> memref<320000x128xf32, #tpu.memory_space<hbm>>
    tpu.enqueue_indirect_dma source(%dma_start3A_41 : memref<320000x128xf32, #tpu.memory_space<hbm>>) target(%arg13 : memref<160x128xf32, #tpu.memory_space<vmem>>) offsets(%arg10 : memref<160xi32, #tpu.memory_space<vmem>>) semaphore(%arg15 : memref<!tpu.dma_semaphore, #tpu.memory_space<semaphore_mem>>)
    %dma_start3A_42 = arith.constant 0 : i32
    %dma_start3A_43 = arith.constant 0 : i32
    %dma_start3A_44 = tpu.memref_slice %arg4[%dma_start3A_42, %dma_start3A_43] : memref<320000x128xf32, #tpu.memory_space<hbm>> -> memref<320000x128xf32, #tpu.memory_space<hbm>>
    tpu.enqueue_indirect_dma source(%dma_start3A_44 : memref<320000x128xf32, #tpu.memory_space<hbm>>) target(%arg14 : memref<160x128xf32, #tpu.memory_space<vmem>>) offsets(%arg11 : memref<160xi32, #tpu.memory_space<vmem>>) semaphore(%arg15 : memref<!tpu.dma_semaphore, #tpu.memory_space<semaphore_mem>>)
    %scan3A = arith.constant 0 : i32
    %scan3A_45 = arith.constant 0 : i32
    %scan3A_46 = arith.constant 62 : i32
    %scan3A_47 = arith.addi %scan3A_45, %scan3A_46 : i32
    %scan3A_48 = arith.constant 1 : i32
    scf.for %scan3A_88 = %scan3A_45 to %scan3A_47 step %scan3A_48  : i32 {
      %mul3A_89 = arith.constant 2 : i32
      %mul3A_90 = arith.muli %scan3A_88, %mul3A_89 : i32
      %dma_wait3A_91 = arith.constant 0 : i32
      %dma_wait3A_92 = tpu.memref_slice %arg5[%dma_wait3A_91] : memref<640000xi32, #tpu.memory_space<hbm>> -> memref<160xi32, #tpu.memory_space<hbm>>
      %dma_wait3A_93 = arith.constant 0 : i32
      %dma_wait3A_94 = tpu.memref_slice %arg5[%dma_wait3A_93] : memref<640000xi32, #tpu.memory_space<hbm>> -> memref<160xi32, #tpu.memory_space<hbm>>
      tpu.wait_dma2 semaphore(%arg24 : memref<!tpu.dma_semaphore, #tpu.memory_space<semaphore_mem>>) src(%dma_wait3A_94 : memref<160xi32, #tpu.memory_space<hbm>>) dst(%arg17 : memref<160xi32, #tpu.memory_space<vmem>>)
      %dma_wait3A_95 = arith.constant 0 : i32
      %dma_wait3A_96 = tpu.memref_slice %arg6[%dma_wait3A_95] : memref<640000xi32, #tpu.memory_space<hbm>> -> memref<160xi32, #tpu.memory_space<hbm>>
      %dma_wait3A_97 = arith.constant 0 : i32
      %dma_wait3A_98 = tpu.memref_slice %arg6[%dma_wait3A_97] : memref<640000xi32, #tpu.memory_space<hbm>> -> memref<160xi32, #tpu.memory_space<hbm>>
      tpu.wait_dma2 semaphore(%arg24 : memref<!tpu.dma_semaphore, #tpu.memory_space<semaphore_mem>>) src(%dma_wait3A_98 : memref<160xi32, #tpu.memory_space<hbm>>) dst(%arg18 : memref<160xi32, #tpu.memory_space<vmem>>)
      %dma_wait3A_99 = arith.constant 0 : i32
      %dma_wait3A_100 = tpu.memref_slice %arg7[%dma_wait3A_99] : memref<640000xi32, #tpu.memory_space<hbm>> -> memref<160xi32, #tpu.memory_space<hbm>>
      %dma_wait3A_101 = arith.constant 0 : i32
      %dma_wait3A_102 = tpu.memref_slice %arg7[%dma_wait3A_101] : memref<640000xi32, #tpu.memory_space<hbm>> -> memref<160xi32, #tpu.memory_space<hbm>>
      tpu.wait_dma2 semaphore(%arg24 : memref<!tpu.dma_semaphore, #tpu.memory_space<semaphore_mem>>) src(%dma_wait3A_102 : memref<160xi32, #tpu.memory_space<hbm>>) dst(%arg19 : memref<160xi32, #tpu.memory_space<vmem>>)
      %dma_start3A_103 = arith.constant 0 : i32
      %dma_start3A_104 = arith.constant 0 : i32
      %dma_start3A_105 = tpu.memref_slice %arg2[%dma_start3A_103, %dma_start3A_104] : memref<320000x128xf32, #tpu.memory_space<hbm>> -> memref<320000x128xf32, #tpu.memory_space<hbm>>
      tpu.enqueue_indirect_dma source(%dma_start3A_105 : memref<320000x128xf32, #tpu.memory_space<hbm>>) target(%arg20 : memref<160x128xf32, #tpu.memory_space<vmem>>) offsets(%arg17 : memref<160xi32, #tpu.memory_space<vmem>>) semaphore(%arg23 : memref<!tpu.dma_semaphore, #tpu.memory_space<semaphore_mem>>)
      %dma_start3A_106 = arith.constant 0 : i32
      %dma_start3A_107 = arith.constant 0 : i32
      %dma_start3A_108 = tpu.memref_slice %arg3[%dma_start3A_106, %dma_start3A_107] : memref<320000x128xf32, #tpu.memory_space<hbm>> -> memref<320000x128xf32, #tpu.memory_space<hbm>>
      tpu.enqueue_indirect_dma source(%dma_start3A_108 : memref<320000x128xf32, #tpu.memory_space<hbm>>) target(%arg21 : memref<160x128xf32, #tpu.memory_space<vmem>>) offsets(%arg18 : memref<160xi32, #tpu.memory_space<vmem>>) semaphore(%arg23 : memref<!tpu.dma_semaphore, #tpu.memory_space<semaphore_mem>>)
      %dma_start3A_109 = arith.constant 0 : i32
      %dma_start3A_110 = arith.constant 0 : i32
      %dma_start3A_111 = tpu.memref_slice %arg4[%dma_start3A_109, %dma_start3A_110] : memref<320000x128xf32, #tpu.memory_space<hbm>> -> memref<320000x128xf32, #tpu.memory_space<hbm>>
      tpu.enqueue_indirect_dma source(%dma_start3A_111 : memref<320000x128xf32, #tpu.memory_space<hbm>>) target(%arg22 : memref<160x128xf32, #tpu.memory_space<vmem>>) offsets(%arg19 : memref<160xi32, #tpu.memory_space<vmem>>) semaphore(%arg23 : memref<!tpu.dma_semaphore, #tpu.memory_space<semaphore_mem>>)
      %dma_wait3A_112 = arith.constant 0 : i32
      %dma_wait3A_113 = arith.constant 0 : i32
      %dma_wait3A_114 = tpu.memref_slice %arg2[%dma_wait3A_112, %dma_wait3A_113] : memref<320000x128xf32, #tpu.memory_space<hbm>> -> memref<160x128xf32, #tpu.memory_space<hbm>>
      %dma_wait3A_115 = arith.constant 0 : i32
      %dma_wait3A_116 = arith.constant 0 : i32
      %dma_wait3A_117 = tpu.memref_slice %arg2[%dma_wait3A_115, %dma_wait3A_116] : memref<320000x128xf32, #tpu.memory_space<hbm>> -> memref<160x128xf32, #tpu.memory_space<hbm>>
      tpu.wait_dma2 semaphore(%arg15 : memref<!tpu.dma_semaphore, #tpu.memory_space<semaphore_mem>>) src(%dma_wait3A_117 : memref<160x128xf32, #tpu.memory_space<hbm>>) dst(%arg12 : memref<160x128xf32, #tpu.memory_space<vmem>>)
      %dma_wait3A_118 = arith.constant 0 : i32
      %dma_wait3A_119 = arith.constant 0 : i32
      %dma_wait3A_120 = tpu.memref_slice %arg3[%dma_wait3A_118, %dma_wait3A_119] : memref<320000x128xf32, #tpu.memory_space<hbm>> -> memref<160x128xf32, #tpu.memory_space<hbm>>
      %dma_wait3A_121 = arith.constant 0 : i32
      %dma_wait3A_122 = arith.constant 0 : i32
      %dma_wait3A_123 = tpu.memref_slice %arg3[%dma_wait3A_121, %dma_wait3A_122] : memref<320000x128xf32, #tpu.memory_space<hbm>> -> memref<160x128xf32, #tpu.memory_space<hbm>>
      tpu.wait_dma2 semaphore(%arg15 : memref<!tpu.dma_semaphore, #tpu.memory_space<semaphore_mem>>) src(%dma_wait3A_123 : memref<160x128xf32, #tpu.memory_space<hbm>>) dst(%arg13 : memref<160x128xf32, #tpu.memory_space<vmem>>)
      %dma_wait3A_124 = arith.constant 0 : i32
      %dma_wait3A_125 = arith.constant 0 : i32
      %dma_wait3A_126 = tpu.memref_slice %arg4[%dma_wait3A_124, %dma_wait3A_125] : memref<320000x128xf32, #tpu.memory_space<hbm>> -> memref<160x128xf32, #tpu.memory_space<hbm>>
      %dma_wait3A_127 = arith.constant 0 : i32
      %dma_wait3A_128 = arith.constant 0 : i32
      %dma_wait3A_129 = tpu.memref_slice %arg4[%dma_wait3A_127, %dma_wait3A_128] : memref<320000x128xf32, #tpu.memory_space<hbm>> -> memref<160x128xf32, #tpu.memory_space<hbm>>
      tpu.wait_dma2 semaphore(%arg15 : memref<!tpu.dma_semaphore, #tpu.memory_space<semaphore_mem>>) src(%dma_wait3A_129 : memref<160x128xf32, #tpu.memory_space<hbm>>) dst(%arg14 : memref<160x128xf32, #tpu.memory_space<vmem>>)
      %add3A_130 = arith.constant 2 : i32
      %add3A_131 = arith.addi %mul3A_90, %add3A_130 : i32
      %min3A_132 = arith.constant 124 : i32
      %min3A_133 = arith.minsi %add3A_131, %min3A_132 : i32
      %mul3A_134 = arith.constant 160 : i32
      %mul3A_135 = arith.muli %min3A_133, %mul3A_134 : i32
      %add3A_136 = arith.addi %mul3A_2, %mul3A_135 : i32
      %dma_start3A_137 = tpu.memref_slice %arg5[%add3A_136] : memref<640000xi32, #tpu.memory_space<hbm>> -> memref<160xi32, #tpu.memory_space<hbm>>
      %dma_start3A_138 = tpu.memref_slice %arg5[%add3A_136] : memref<640000xi32, #tpu.memory_space<hbm>> -> memref<160xi32, #tpu.memory_space<hbm>>
      tpu.enqueue_dma source(%dma_start3A_138 : memref<160xi32, #tpu.memory_space<hbm>>) target(%arg9 : memref<160xi32, #tpu.memory_space<vmem>>) target_semaphore(%arg16 : memref<!tpu.dma_semaphore, #tpu.memory_space<semaphore_mem>>)
      %dma_start3A_139 = tpu.memref_slice %arg6[%add3A_136] : memref<640000xi32, #tpu.memory_space<hbm>> -> memref<160xi32, #tpu.memory_space<hbm>>
      %dma_start3A_140 = tpu.memref_slice %arg6[%add3A_136] : memref<640000xi32, #tpu.memory_space<hbm>> -> memref<160xi32, #tpu.memory_space<hbm>>
      tpu.enqueue_dma source(%dma_start3A_140 : memref<160xi32, #tpu.memory_space<hbm>>) target(%arg10 : memref<160xi32, #tpu.memory_space<vmem>>) target_semaphore(%arg16 : memref<!tpu.dma_semaphore, #tpu.memory_space<semaphore_mem>>)
      %dma_start3A_141 = tpu.memref_slice %arg7[%add3A_136] : memref<640000xi32, #tpu.memory_space<hbm>> -> memref<160xi32, #tpu.memory_space<hbm>>
      %dma_start3A_142 = tpu.memref_slice %arg7[%add3A_136] : memref<640000xi32, #tpu.memory_space<hbm>> -> memref<160xi32, #tpu.memory_space<hbm>>
      tpu.enqueue_dma source(%dma_start3A_142 : memref<160xi32, #tpu.memory_space<hbm>>) target(%arg11 : memref<160xi32, #tpu.memory_space<vmem>>) target_semaphore(%arg16 : memref<!tpu.dma_semaphore, #tpu.memory_space<semaphore_mem>>)
      %scan3A_143 = arith.constant 0 : i32
      %scan3A_144 = arith.constant 0 : i32
      %scan3A_145 = arith.constant 160 : i32
      %scan3A_146 = arith.addi %scan3A_144, %scan3A_145 : i32
      %scan3A_147 = arith.constant 4 : i32
      scf.for %scan3A_215 = %scan3A_144 to %scan3A_146 step %scan3A_147  : i32 {
        %get3A = arith.index_cast %scan3A_215 : i32 to index
        %get3A_216 = arith.constant 0 : index
        %get3A_217 = tpu.vector_load %arg12[%get3A, %get3A_216] {strides = array<i32>} : memref<160x128xf32, #tpu.memory_space<vmem>>, vector<1x16xf32>,
        %get3A_218 = vector.shape_cast %get3A_217 : vector<1x16xf32> to vector<16xf32>
        %get3A_219 = arith.index_cast %scan3A_215 : i32 to index
        %get3A_220 = arith.constant 0 : index
        %get3A_221 = tpu.vector_load %arg13[%get3A_219, %get3A_220] {strides = array<i32>} : memref<160x128xf32, #tpu.memory_space<vmem>>, vector<1x16xf32>,
        %get3A_222 = vector.shape_cast %get3A_221 : vector<1x16xf32> to vector<16xf32>
        %add3A_223 = arith.addf %get3A_218, %get3A_222 : vector<16xf32>
        %get3A_224 = arith.index_cast %scan3A_215 : i32 to index
        %get3A_225 = arith.constant 0 : index
        %get3A_226 = tpu.vector_load %arg14[%get3A_224, %get3A_225] {strides = array<i32>} : memref<160x128xf32, #tpu.memory_space<vmem>>, vector<1x16xf32>,
        %get3A_227 = vector.shape_cast %get3A_226 : vector<1x16xf32> to vector<16xf32>
        %add3A_228 = arith.addf %add3A_223, %get3A_227 : vector<16xf32>
        %swap3A = arith.index_cast %scan3A_215 : i32 to index
        %swap3A_229 = arith.constant 0 : index
        %swap3A_230 = tpu.vector_load %arg12[%swap3A, %swap3A_229] {strides = array<i32>} : memref<160x128xf32, #tpu.memory_space<vmem>>, vector<1x16xf32>,
        %swap3A_231 = vector.shape_cast %swap3A_230 : vector<1x16xf32> to vector<16xf32>
        %swap3A_232 = vector.shape_cast %add3A_228 : vector<16xf32> to vector<1x16xf32>
        tpu.vector_store %arg12[%swap3A, %swap3A_229], %swap3A_232 {strides = array<i32>} : memref<160x128xf32, #tpu.memory_space<vmem>>, vector<1x16xf32>,
        %get3A_233 = arith.index_cast %scan3A_215 : i32 to index
        %get3A_234 = arith.constant 16 : index
        %get3A_235 = tpu.vector_load %arg12[%get3A_233, %get3A_234] {strides = array<i32>} : memref<160x128xf32, #tpu.memory_space<vmem>>, vector<1x16xf32>,
        %get3A_236 = vector.shape_cast %get3A_235 : vector<1x16xf32> to vector<16xf32>
        %get3A_237 = arith.index_cast %scan3A_215 : i32 to index
        %get3A_238 = arith.constant 16 : index
        %get3A_239 = tpu.vector_load %arg13[%get3A_237, %get3A_238] {strides = array<i32>} : memref<160x128xf32, #tpu.memory_space<vmem>>, vector<1x16xf32>,
        %get3A_240 = vector.shape_cast %get3A_239 : vector<1x16xf32> to vector<16xf32>
        %add3A_241 = arith.addf %get3A_236, %get3A_240 : vector<16xf32>
        %get3A_242 = arith.index_cast %scan3A_215 : i32 to index
        %get3A_243 = arith.constant 16 : index
        %get3A_244 = tpu.vector_load %arg14[%get3A_242, %get3A_243] {strides = array<i32>} : memref<160x128xf32, #tpu.memory_space<vmem>>, vector<1x16xf32>,
        %get3A_245 = vector.shape_cast %get3A_244 : vector<1x16xf32> to vector<16xf32>
        %add3A_246 = arith.addf %add3A_241, %get3A_245 : vector<16xf32>
        %swap3A_247 = arith.index_cast %scan3A_215 : i32 to index
        %swap3A_248 = arith.constant 16 : index
        %swap3A_249 = tpu.vector_load %arg12[%swap3A_247, %swap3A_248] {strides = array<i32>} : memref<160x128xf32, #tpu.memory_space<vmem>>, vector<1x16xf32>,
        %swap3A_250 = vector.shape_cast %swap3A_249 : vector<1x16xf32> to vector<16xf32>
        %swap3A_251 = vector.shape_cast %add3A_246 : vector<16xf32> to vector<1x16xf32>
        tpu.vector_store %arg12[%swap3A_247, %swap3A_248], %swap3A_251 {strides = array<i32>} : memref<160x128xf32, #tpu.memory_space<vmem>>, vector<1x16xf32>,
        %get3A_252 = arith.index_cast %scan3A_215 : i32 to index
        %get3A_253 = arith.constant 32 : index
        %get3A_254 = tpu.vector_load %arg12[%get3A_252, %get3A_253] {strides = array<i32>} : memref<160x128xf32, #tpu.memory_space<vmem>>, vector<1x16xf32>,
        %get3A_255 = vector.shape_cast %get3A_254 : vector<1x16xf32> to vector<16xf32>
        %get3A_256 = arith.index_cast %scan3A_215 : i32 to index
        %get3A_257 = arith.constant 32 : index
        %get3A_258 = tpu.vector_load %arg13[%get3A_256, %get3A_257] {strides = array<i32>} : memref<160x128xf32, #tpu.memory_space<vmem>>, vector<1x16xf32>,
        %get3A_259 = vector.shape_cast %get3A_258 : vector<1x16xf32> to vector<16xf32>
        %add3A_260 = arith.addf %get3A_255, %get3A_259 : vector<16xf32>
        %get3A_261 = arith.index_cast %scan3A_215 : i32 to index
        %get3A_262 = arith.constant 32 : index
        %get3A_263 = tpu.vector_load %arg14[%get3A_261, %get3A_262] {strides = array<i32>} : memref<160x128xf32, #tpu.memory_space<vmem>>, vector<1x16xf32>,
        %get3A_264 = vector.shape_cast %get3A_263 : vector<1x16xf32> to vector<16xf32>
        %add3A_265 = arith.addf %add3A_260, %get3A_264 : vector<16xf32>
        %swap3A_266 = arith.index_cast %scan3A_215 : i32 to index
        %swap3A_267 = arith.constant 32 : index
        %swap3A_268 = tpu.vector_load %arg12[%swap3A_266, %swap3A_267] {strides = array<i32>} : memref<160x128xf32, #tpu.memory_space<vmem>>, vector<1x16xf32>,
        %swap3A_269 = vector.shape_cast %swap3A_268 : vector<1x16xf32> to vector<16xf32>
        %swap3A_270 = vector.shape_cast %add3A_265 : vector<16xf32> to vector<1x16xf32>
        tpu.vector_store %arg12[%swap3A_266, %swap3A_267], %swap3A_270 {strides = array<i32>} : memref<160x128xf32, #tpu.memory_space<vmem>>, vector<1x16xf32>,
        %get3A_271 = arith.index_cast %scan3A_215 : i32 to index
        %get3A_272 = arith.constant 48 : index
        %get3A_273 = tpu.vector_load %arg12[%get3A_271, %get3A_272] {strides = array<i32>} : memref<160x128xf32, #tpu.memory_space<vmem>>, vector<1x16xf32>,
        %get3A_274 = vector.shape_cast %get3A_273 : vector<1x16xf32> to vector<16xf32>
        %get3A_275 = arith.index_cast %scan3A_215 : i32 to index
        %get3A_276 = arith.constant 48 : index
        %get3A_277 = tpu.vector_load %arg13[%get3A_275, %get3A_276] {strides = array<i32>} : memref<160x128xf32, #tpu.memory_space<vmem>>, vector<1x16xf32>,
        %get3A_278 = vector.shape_cast %get3A_277 : vector<1x16xf32> to vector<16xf32>
        %add3A_279 = arith.addf %get3A_274, %get3A_278 : vector<16xf32>
        %get3A_280 = arith.index_cast %scan3A_215 : i32 to index
        %get3A_281 = arith.constant 48 : index
        %get3A_282 = tpu.vector_load %arg14[%get3A_280, %get3A_281] {strides = array<i32>} : memref<160x128xf32, #tpu.memory_space<vmem>>, vector<1x16xf32>,
        %get3A_283 = vector.shape_cast %get3A_282 : vector<1x16xf32> to vector<16xf32>
        %add3A_284 = arith.addf %add3A_279, %get3A_283 : vector<16xf32>
        %swap3A_285 = arith.index_cast %scan3A_215 : i32 to index
        %swap3A_286 = arith.constant 48 : index
        %swap3A_287 = tpu.vector_load %arg12[%swap3A_285, %swap3A_286] {strides = array<i32>} : memref<160x128xf32, #tpu.memory_space<vmem>>, vector<1x16xf32>,
        %swap3A_288 = vector.shape_cast %swap3A_287 : vector<1x16xf32> to vector<16xf32>
        %swap3A_289 = vector.shape_cast %add3A_284 : vector<16xf32> to vector<1x16xf32>
        tpu.vector_store %arg12[%swap3A_285, %swap3A_286], %swap3A_289 {strides = array<i32>} : memref<160x128xf32, #tpu.memory_space<vmem>>, vector<1x16xf32>,
        %get3A_290 = arith.index_cast %scan3A_215 : i32 to index
        %get3A_291 = arith.constant 64 : index
        %get3A_292 = tpu.vector_load %arg12[%get3A_290, %get3A_291] {strides = array<i32>} : memref<160x128xf32, #tpu.memory_space<vmem>>, vector<1x16xf32>,
        %get3A_293 = vector.shape_cast %get3A_292 : vector<1x16xf32> to vector<16xf32>
        %get3A_294 = arith.index_cast %scan3A_215 : i32 to index
        %get3A_295 = arith.constant 64 : index
        %get3A_296 = tpu.vector_load %arg13[%get3A_294, %get3A_295] {strides = array<i32>} : memref<160x128xf32, #tpu.memory_space<vmem>>, vector<1x16xf32>,
        %get3A_297 = vector.shape_cast %get3A_296 : vector<1x16xf32> to vector<16xf32>
        %add3A_298 = arith.addf %get3A_293, %get3A_297 : vector<16xf32>
        %get3A_299 = arith.index_cast %scan3A_215 : i32 to index
        %get3A_300 = arith.constant 64 : index
        %get3A_301 = tpu.vector_load %arg14[%get3A_299, %get3A_300] {strides = array<i32>} : memref<160x128xf32, #tpu.memory_space<vmem>>, vector<1x16xf32>,
        %get3A_302 = vector.shape_cast %get3A_301 : vector<1x16xf32> to vector<16xf32>
        %add3A_303 = arith.addf %add3A_298, %get3A_302 : vector<16xf32>
        %swap3A_304 = arith.index_cast %scan3A_215 : i32 to index
        %swap3A_305 = arith.constant 64 : index
        %swap3A_306 = tpu.vector_load %arg12[%swap3A_304, %swap3A_305] {strides = array<i32>} : memref<160x128xf32, #tpu.memory_space<vmem>>, vector<1x16xf32>,
        %swap3A_307 = vector.shape_cast %swap3A_306 : vector<1x16xf32> to vector<16xf32>
        %swap3A_308 = vector.shape_cast %add3A_303 : vector<16xf32> to vector<1x16xf32>
        tpu.vector_store %arg12[%swap3A_304, %swap3A_305], %swap3A_308 {strides = array<i32>} : memref<160x128xf32, #tpu.memory_space<vmem>>, vector<1x16xf32>,
        %get3A_309 = arith.index_cast %scan3A_215 : i32 to index
        %get3A_310 = arith.constant 80 : index
        %get3A_311 = tpu.vector_load %arg12[%get3A_309, %get3A_310] {strides = array<i32>} : memref<160x128xf32, #tpu.memory_space<vmem>>, vector<1x16xf32>,
        %get3A_312 = vector.shape_cast %get3A_311 : vector<1x16xf32> to vector<16xf32>
        %get3A_313 = arith.index_cast %scan3A_215 : i32 to index
        %get3A_314 = arith.constant 80 : index
        %get3A_315 = tpu.vector_load %arg13[%get3A_313, %get3A_314] {strides = array<i32>} : memref<160x128xf32, #tpu.memory_space<vmem>>, vector<1x16xf32>,
        %get3A_316 = vector.shape_cast %get3A_315 : vector<1x16xf32> to vector<16xf32>
        %add3A_317 = arith.addf %get3A_312, %get3A_316 : vector<16xf32>
        %get3A_318 = arith.index_cast %scan3A_215 : i32 to index
        %get3A_319 = arith.constant 80 : index
        %get3A_320 = tpu.vector_load %arg14[%get3A_318, %get3A_319] {strides = array<i32>} : memref<160x128xf32, #tpu.memory_space<vmem>>, vector<1x16xf32>,
        %get3A_321 = vector.shape_cast %get3A_320 : vector<1x16xf32> to vector<16xf32>
        %add3A_322 = arith.addf %add3A_317, %get3A_321 : vector<16xf32>
        %swap3A_323 = arith.index_cast %scan3A_215 : i32 to index
        %swap3A_324 = arith.constant 80 : index
        %swap3A_325 = tpu.vector_load %arg12[%swap3A_323, %swap3A_324] {strides = array<i32>} : memref<160x128xf32, #tpu.memory_space<vmem>>, vector<1x16xf32>,
        %swap3A_326 = vector.shape_cast %swap3A_325 : vector<1x16xf32> to vector<16xf32>
        %swap3A_327 = vector.shape_cast %add3A_322 : vector<16xf32> to vector<1x16xf32>
        tpu.vector_store %arg12[%swap3A_323, %swap3A_324], %swap3A_327 {strides = array<i32>} : memref<160x128xf32, #tpu.memory_space<vmem>>, vector<1x16xf32>,
        %get3A_328 = arith.index_cast %scan3A_215 : i32 to index
        %get3A_329 = arith.constant 96 : index
        %get3A_330 = tpu.vector_load %arg12[%get3A_328, %get3A_329] {strides = array<i32>} : memref<160x128xf32, #tpu.memory_space<vmem>>, vector<1x16xf32>,
        %get3A_331 = vector.shape_cast %get3A_330 : vector<1x16xf32> to vector<16xf32>
        %get3A_332 = arith.index_cast %scan3A_215 : i32 to index
        %get3A_333 = arith.constant 96 : index
        %get3A_334 = tpu.vector_load %arg13[%get3A_332, %get3A_333] {strides = array<i32>} : memref<160x128xf32, #tpu.memory_space<vmem>>, vector<1x16xf32>,
        %get3A_335 = vector.shape_cast %get3A_334 : vector<1x16xf32> to vector<16xf32>
        %add3A_336 = arith.addf %get3A_331, %get3A_335 : vector<16xf32>
        %get3A_337 = arith.index_cast %scan3A_215 : i32 to index
        %get3A_338 = arith.constant 96 : index
        %get3A_339 = tpu.vector_load %arg14[%get3A_337, %get3A_338] {strides = array<i32>} : memref<160x128xf32, #tpu.memory_space<vmem>>, vector<1x16xf32>,
        %get3A_340 = vector.shape_cast %get3A_339 : vector<1x16xf32> to vector<16xf32>
        %add3A_341 = arith.addf %add3A_336, %get3A_340 : vector<16xf32>
        %swap3A_342 = arith.index_cast %scan3A_215 : i32 to index
        %swap3A_343 = arith.constant 96 : index
        %swap3A_344 = tpu.vector_load %arg12[%swap3A_342, %swap3A_343] {strides = array<i32>} : memref<160x128xf32, #tpu.memory_space<vmem>>, vector<1x16xf32>,
        %swap3A_345 = vector.shape_cast %swap3A_344 : vector<1x16xf32> to vector<16xf32>
        %swap3A_346 = vector.shape_cast %add3A_341 : vector<16xf32> to vector<1x16xf32>
        tpu.vector_store %arg12[%swap3A_342, %swap3A_343], %swap3A_346 {strides = array<i32>} : memref<160x128xf32, #tpu.memory_space<vmem>>, vector<1x16xf32>,
        %get3A_347 = arith.index_cast %scan3A_215 : i32 to index
        %get3A_348 = arith.constant 112 : index
        %get3A_349 = tpu.vector_load %arg12[%get3A_347, %get3A_348] {strides = array<i32>} : memref<160x128xf32, #tpu.memory_space<vmem>>, vector<1x16xf32>,
        %get3A_350 = vector.shape_cast %get3A_349 : vector<1x16xf32> to vector<16xf32>
        %get3A_351 = arith.index_cast %scan3A_215 : i32 to index
        %get3A_352 = arith.constant 112 : index
        %get3A_353 = tpu.vector_load %arg13[%get3A_351, %get3A_352] {strides = array<i32>} : memref<160x128xf32, #tpu.memory_space<vmem>>, vector<1x16xf32>,
        %get3A_354 = vector.shape_cast %get3A_353 : vector<1x16xf32> to vector<16xf32>
        %add3A_355 = arith.addf %get3A_350, %get3A_354 : vector<16xf32>
        %get3A_356 = arith.index_cast %scan3A_215 : i32 to index
        %get3A_357 = arith.constant 112 : index
        %get3A_358 = tpu.vector_load %arg14[%get3A_356, %get3A_357] {strides = array<i32>} : memref<160x128xf32, #tpu.memory_space<vmem>>, vector<1x16xf32>,
        %get3A_359 = vector.shape_cast %get3A_358 : vector<1x16xf32> to vector<16xf32>
        %add3A_360 = arith.addf %add3A_355, %get3A_359 : vector<16xf32>
        %swap3A_361 = arith.index_cast %scan3A_215 : i32 to index
        %swap3A_362 = arith.constant 112 : index
        %swap3A_363 = tpu.vector_load %arg12[%swap3A_361, %swap3A_362] {strides = array<i32>} : memref<160x128xf32, #tpu.memory_space<vmem>>, vector<1x16xf32>,
        %swap3A_364 = vector.shape_cast %swap3A_363 : vector<1x16xf32> to vector<16xf32>
        %swap3A_365 = vector.shape_cast %add3A_360 : vector<16xf32> to vector<1x16xf32>
        tpu.vector_store %arg12[%swap3A_361, %swap3A_362], %swap3A_365 {strides = array<i32>} : memref<160x128xf32, #tpu.memory_space<vmem>>, vector<1x16xf32>,
        %scan3A_366 = arith.constant 1 : i32
        %scan3A_367 = arith.addi %scan3A_215, %scan3A_366 : i32
        %get3A_368 = arith.index_cast %scan3A_367 : i32 to index
        %get3A_369 = arith.constant 0 : index
        %get3A_370 = tpu.vector_load %arg12[%get3A_368, %get3A_369] {strides = array<i32>} : memref<160x128xf32, #tpu.memory_space<vmem>>, vector<1x16xf32>,
        %get3A_371 = vector.shape_cast %get3A_370 : vector<1x16xf32> to vector<16xf32>
        %get3A_372 = arith.index_cast %scan3A_367 : i32 to index
        %get3A_373 = arith.constant 0 : index
        %get3A_374 = tpu.vector_load %arg13[%get3A_372, %get3A_373] {strides = array<i32>} : memref<160x128xf32, #tpu.memory_space<vmem>>, vector<1x16xf32>,
        %get3A_375 = vector.shape_cast %get3A_374 : vector<1x16xf32> to vector<16xf32>
        %add3A_376 = arith.addf %get3A_371, %get3A_375 : vector<16xf32>
        %get3A_377 = arith.index_cast %scan3A_367 : i32 to index
        %get3A_378 = arith.constant 0 : index
        %get3A_379 = tpu.vector_load %arg14[%get3A_377, %get3A_378] {strides = array<i32>} : memref<160x128xf32, #tpu.memory_space<vmem>>, vector<1x16xf32>,
        %get3A_380 = vector.shape_cast %get3A_379 : vector<1x16xf32> to vector<16xf32>
        %add3A_381 = arith.addf %add3A_376, %get3A_380 : vector<16xf32>
        %swap3A_382 = arith.index_cast %scan3A_367 : i32 to index
        %swap3A_383 = arith.constant 0 : index
        %swap3A_384 = tpu.vector_load %arg12[%swap3A_382, %swap3A_383] {strides = array<i32>} : memref<160x128xf32, #tpu.memory_space<vmem>>, vector<1x16xf32>,
        %swap3A_385 = vector.shape_cast %swap3A_384 : vector<1x16xf32> to vector<16xf32>
        %swap3A_386 = vector.shape_cast %add3A_381 : vector<16xf32> to vector<1x16xf32>
        tpu.vector_store %arg12[%swap3A_382, %swap3A_383], %swap3A_386 {strides = array<i32>} : memref<160x128xf32, #tpu.memory_space<vmem>>, vector<1x16xf32>,
        %get3A_387 = arith.index_cast %scan3A_367 : i32 to index
        %get3A_388 = arith.constant 16 : index
        %get3A_389 = tpu.vector_load %arg12[%get3A_387, %get3A_388] {strides = array<i32>} : memref<160x128xf32, #tpu.memory_space<vmem>>, vector<1x16xf32>,
        %get3A_390 = vector.shape_cast %get3A_389 : vector<1x16xf32> to vector<16xf32>
        %get3A_391 = arith.index_cast %scan3A_367 : i32 to index
        %get3A_392 = arith.constant 16 : index
        %get3A_393 = tpu.vector_load %arg13[%get3A_391, %get3A_392] {strides = array<i32>} : memref<160x128xf32, #tpu.memory_space<vmem>>, vector<1x16xf32>,
        %get3A_394 = vector.shape_cast %get3A_393 : vector<1x16xf32> to vector<16xf32>
        %add3A_395 = arith.addf %get3A_390, %get3A_394 : vector<16xf32>
        %get3A_396 = arith.index_cast %scan3A_367 : i32 to index
        %get3A_397 = arith.constant 16 : index
        %get3A_398 = tpu.vector_load %arg14[%get3A_396, %get3A_397] {strides = array<i32>} : memref<160x128xf32, #tpu.memory_space<vmem>>, vector<1x16xf32>,
        %get3A_399 = vector.shape_cast %get3A_398 : vector<1x16xf32> to vector<16xf32>
        %add3A_400 = arith.addf %add3A_395, %get3A_399 : vector<16xf32>
        %swap3A_401 = arith.index_cast %scan3A_367 : i32 to index
        %swap3A_402 = arith.constant 16 : index
        %swap3A_403 = tpu.vector_load %arg12[%swap3A_401, %swap3A_402] {strides = array<i32>} : memref<160x128xf32, #tpu.memory_space<vmem>>, vector<1x16xf32>,
        %swap3A_404 = vector.shape_cast %swap3A_403 : vector<1x16xf32> to vector<16xf32>
        %swap3A_405 = vector.shape_cast %add3A_400 : vector<16xf32> to vector<1x16xf32>
        tpu.vector_store %arg12[%swap3A_401, %swap3A_402], %swap3A_405 {strides = array<i32>} : memref<160x128xf32, #tpu.memory_space<vmem>>, vector<1x16xf32>,
        %get3A_406 = arith.index_cast %scan3A_367 : i32 to index
        %get3A_407 = arith.constant 32 : index
        %get3A_408 = tpu.vector_load %arg12[%get3A_406, %get3A_407] {strides = array<i32>} : memref<160x128xf32, #tpu.memory_space<vmem>>, vector<1x16xf32>,
        %get3A_409 = vector.shape_cast %get3A_408 : vector<1x16xf32> to vector<16xf32>
        %get3A_410 = arith.index_cast %scan3A_367 : i32 to index
        %get3A_411 = arith.constant 32 : index
        %get3A_412 = tpu.vector_load %arg13[%get3A_410, %get3A_411] {strides = array<i32>} : memref<160x128xf32, #tpu.memory_space<vmem>>, vector<1x16xf32>,
        %get3A_413 = vector.shape_cast %get3A_412 : vector<1x16xf32> to vector<16xf32>
        %add3A_414 = arith.addf %get3A_409, %get3A_413 : vector<16xf32>
        %get3A_415 = arith.index_cast %scan3A_367 : i32 to index
        %get3A_416 = arith.constant 32 : index
        %get3A_417 = tpu.vector_load %arg14[%get3A_415, %get3A_416] {strides = array<i32>} : memref<160x128xf32, #tpu.memory_space<vmem>>, vector<1x16xf32>,
        %get3A_418 = vector.shape_cast %get3A_417 : vector<1x16xf32> to vector<16xf32>
        %add3A_419 = arith.addf %add3A_414, %get3A_418 : vector<16xf32>
        %swap3A_420 = arith.index_cast %scan3A_367 : i32 to index
        %swap3A_421 = arith.constant 32 : index
        %swap3A_422 = tpu.vector_load %arg12[%swap3A_420, %swap3A_421] {strides = array<i32>} : memref<160x128xf32, #tpu.memory_space<vmem>>, vector<1x16xf32>,
        %swap3A_423 = vector.shape_cast %swap3A_422 : vector<1x16xf32> to vector<16xf32>
        %swap3A_424 = vector.shape_cast %add3A_419 : vector<16xf32> to vector<1x16xf32>
        tpu.vector_store %arg12[%swap3A_420, %swap3A_421], %swap3A_424 {strides = array<i32>} : memref<160x128xf32, #tpu.memory_space<vmem>>, vector<1x16xf32>,
        %get3A_425 = arith.index_cast %scan3A_367 : i32 to index
        %get3A_426 = arith.constant 48 : index
        %get3A_427 = tpu.vector_load %arg12[%get3A_425, %get3A_426] {strides = array<i32>} : memref<160x128xf32, #tpu.memory_space<vmem>>, vector<1x16xf32>,
        %get3A_428 = vector.shape_cast %get3A_427 : vector<1x16xf32> to vector<16xf32>
        %get3A_429 = arith.index_cast %scan3A_367 : i32 to index
        %get3A_430 = arith.constant 48 : index
        %get3A_431 = tpu.vector_load %arg13[%get3A_429, %get3A_430] {strides = array<i32>} : memref<160x128xf32, #tpu.memory_space<vmem>>, vector<1x16xf32>,
        %get3A_432 = vector.shape_cast %get3A_431 : vector<1x16xf32> to vector<16xf32>
        %add3A_433 = arith.addf %get3A_428, %get3A_432 : vector<16xf32>
        %get3A_434 = arith.index_cast %scan3A_367 : i32 to index
        %get3A_435 = arith.constant 48 : index
        %get3A_436 = tpu.vector_load %arg14[%get3A_434, %get3A_435] {strides = array<i32>} : memref<160x128xf32, #tpu.memory_space<vmem>>, vector<1x16xf32>,
        %get3A_437 = vector.shape_cast %get3A_436 : vector<1x16xf32> to vector<16xf32>
        %add3A_438 = arith.addf %add3A_433, %get3A_437 : vector<16xf32>
        %swap3A_439 = arith.index_cast %scan3A_367 : i32 to index
        %swap3A_440 = arith.constant 48 : index
        %swap3A_441 = tpu.vector_load %arg12[%swap3A_439, %swap3A_440] {strides = array<i32>} : memref<160x128xf32, #tpu.memory_space<vmem>>, vector<1x16xf32>,
        %swap3A_442 = vector.shape_cast %swap3A_441 : vector<1x16xf32> to vector<16xf32>
        %swap3A_443 = vector.shape_cast %add3A_438 : vector<16xf32> to vector<1x16xf32>
        tpu.vector_store %arg12[%swap3A_439, %swap3A_440], %swap3A_443 {strides = array<i32>} : memref<160x128xf32, #tpu.memory_space<vmem>>, vector<1x16xf32>,
        %get3A_444 = arith.index_cast %scan3A_367 : i32 to index
        %get3A_445 = arith.constant 64 : index
        %get3A_446 = tpu.vector_load %arg12[%get3A_444, %get3A_445] {strides = array<i32>} : memref<160x128xf32, #tpu.memory_space<vmem>>, vector<1x16xf32>,
        %get3A_447 = vector.shape_cast %get3A_446 : vector<1x16xf32> to vector<16xf32>
        %get3A_448 = arith.index_cast %scan3A_367 : i32 to index
        %get3A_449 = arith.constant 64 : index
        %get3A_450 = tpu.vector_load %arg13[%get3A_448, %get3A_449] {strides = array<i32>} : memref<160x128xf32, #tpu.memory_space<vmem>>, vector<1x16xf32>,
        %get3A_451 = vector.shape_cast %get3A_450 : vector<1x16xf32> to vector<16xf32>
        %add3A_452 = arith.addf %get3A_447, %get3A_451 : vector<16xf32>
        %get3A_453 = arith.index_cast %scan3A_367 : i32 to index
        %get3A_454 = arith.constant 64 : index
        %get3A_455 = tpu.vector_load %arg14[%get3A_453, %get3A_454] {strides = array<i32>} : memref<160x128xf32, #tpu.memory_space<vmem>>, vector<1x16xf32>,
        %get3A_456 = vector.shape_cast %get3A_455 : vector<1x16xf32> to vector<16xf32>
        %add3A_457 = arith.addf %add3A_452, %get3A_456 : vector<16xf32>
        %swap3A_458 = arith.index_cast %scan3A_367 : i32 to index
        %swap3A_459 = arith.constant 64 : index
        %swap3A_460 = tpu.vector_load %arg12[%swap3A_458, %swap3A_459] {strides = array<i32>} : memref<160x128xf32, #tpu.memory_space<vmem>>, vector<1x16xf32>,
        %swap3A_461 = vector.shape_cast %swap3A_460 : vector<1x16xf32> to vector<16xf32>
        %swap3A_462 = vector.shape_cast %add3A_457 : vector<16xf32> to vector<1x16xf32>
        tpu.vector_store %arg12[%swap3A_458, %swap3A_459], %swap3A_462 {strides = array<i32>} : memref<160x128xf32, #tpu.memory_space<vmem>>, vector<1x16xf32>,
        %get3A_463 = arith.index_cast %scan3A_367 : i32 to index
        %get3A_464 = arith.constant 80 : index
        %get3A_465 = tpu.vector_load %arg12[%get3A_463, %get3A_464] {strides = array<i32>} : memref<160x128xf32, #tpu.memory_space<vmem>>, vector<1x16xf32>,
        %get3A_466 = vector.shape_cast %get3A_465 : vector<1x16xf32> to vector<16xf32>
        %get3A_467 = arith.index_cast %scan3A_367 : i32 to index
        %get3A_468 = arith.constant 80 : index
        %get3A_469 = tpu.vector_load %arg13[%get3A_467, %get3A_468] {strides = array<i32>} : memref<160x128xf32, #tpu.memory_space<vmem>>, vector<1x16xf32>,
        %get3A_470 = vector.shape_cast %get3A_469 : vector<1x16xf32> to vector<16xf32>
        %add3A_471 = arith.addf %get3A_466, %get3A_470 : vector<16xf32>
        %get3A_472 = arith.index_cast %scan3A_367 : i32 to index
        %get3A_473 = arith.constant 80 : index
        %get3A_474 = tpu.vector_load %arg14[%get3A_472, %get3A_473] {strides = array<i32>} : memref<160x128xf32, #tpu.memory_space<vmem>>, vector<1x16xf32>,
        %get3A_475 = vector.shape_cast %get3A_474 : vector<1x16xf32> to vector<16xf32>
        %add3A_476 = arith.addf %add3A_471, %get3A_475 : vector<16xf32>
        %swap3A_477 = arith.index_cast %scan3A_367 : i32 to index
        %swap3A_478 = arith.constant 80 : index
        %swap3A_479 = tpu.vector_load %arg12[%swap3A_477, %swap3A_478] {strides = array<i32>} : memref<160x128xf32, #tpu.memory_space<vmem>>, vector<1x16xf32>,
        %swap3A_480 = vector.shape_cast %swap3A_479 : vector<1x16xf32> to vector<16xf32>
        %swap3A_481 = vector.shape_cast %add3A_476 : vector<16xf32> to vector<1x16xf32>
        tpu.vector_store %arg12[%swap3A_477, %swap3A_478], %swap3A_481 {strides = array<i32>} : memref<160x128xf32, #tpu.memory_space<vmem>>, vector<1x16xf32>,
        %get3A_482 = arith.index_cast %scan3A_367 : i32 to index
        %get3A_483 = arith.constant 96 : index
        %get3A_484 = tpu.vector_load %arg12[%get3A_482, %get3A_483] {strides = array<i32>} : memref<160x128xf32, #tpu.memory_space<vmem>>, vector<1x16xf32>,
        %get3A_485 = vector.shape_cast %get3A_484 : vector<1x16xf32> to vector<16xf32>
        %get3A_486 = arith.index_cast %scan3A_367 : i32 to index
        %get3A_487 = arith.constant 96 : index
        %get3A_488 = tpu.vector_load %arg13[%get3A_486, %get3A_487] {strides = array<i32>} : memref<160x128xf32, #tpu.memory_space<vmem>>, vector<1x16xf32>,
        %get3A_489 = vector.shape_cast %get3A_488 : vector<1x16xf32> to vector<16xf32>
        %add3A_490 = arith.addf %get3A_485, %get3A_489 : vector<16xf32>
        %get3A_491 = arith.index_cast %scan3A_367 : i32 to index
        %get3A_492 = arith.constant 96 : index
        %get3A_493 = tpu.vector_load %arg14[%get3A_491, %get3A_492] {strides = array<i32>} : memref<160x128xf32, #tpu.memory_space<vmem>>, vector<1x16xf32>,
        %get3A_494 = vector.shape_cast %get3A_493 : vector<1x16xf32> to vector<16xf32>
        %add3A_495 = arith.addf %add3A_490, %get3A_494 : vector<16xf32>
        %swap3A_496 = arith.index_cast %scan3A_367 : i32 to index
        %swap3A_497 = arith.constant 96 : index
        %swap3A_498 = tpu.vector_load %arg12[%swap3A_496, %swap3A_497] {strides = array<i32>} : memref<160x128xf32, #tpu.memory_space<vmem>>, vector<1x16xf32>,
        %swap3A_499 = vector.shape_cast %swap3A_498 : vector<1x16xf32> to vector<16xf32>
        %swap3A_500 = vector.shape_cast %add3A_495 : vector<16xf32> to vector<1x16xf32>
        tpu.vector_store %arg12[%swap3A_496, %swap3A_497], %swap3A_500 {strides = array<i32>} : memref<160x128xf32, #tpu.memory_space<vmem>>, vector<1x16xf32>,
        %get3A_501 = arith.index_cast %scan3A_367 : i32 to index
        %get3A_502 = arith.constant 112 : index
        %get3A_503 = tpu.vector_load %arg12[%get3A_501, %get3A_502] {strides = array<i32>} : memref<160x128xf32, #tpu.memory_space<vmem>>, vector<1x16xf32>,
        %get3A_504 = vector.shape_cast %get3A_503 : vector<1x16xf32> to vector<16xf32>
        %get3A_505 = arith.index_cast %scan3A_367 : i32 to index
        %get3A_506 = arith.constant 112 : index
        %get3A_507 = tpu.vector_load %arg13[%get3A_505, %get3A_506] {strides = array<i32>} : memref<160x128xf32, #tpu.memory_space<vmem>>, vector<1x16xf32>,
        %get3A_508 = vector.shape_cast %get3A_507 : vector<1x16xf32> to vector<16xf32>
        %add3A_509 = arith.addf %get3A_504, %get3A_508 : vector<16xf32>
        %get3A_510 = arith.index_cast %scan3A_367 : i32 to index
        %get3A_511 = arith.constant 112 : index
        %get3A_512 = tpu.vector_load %arg14[%get3A_510, %get3A_511] {strides = array<i32>} : memref<160x128xf32, #tpu.memory_space<vmem>>, vector<1x16xf32>,
        %get3A_513 = vector.shape_cast %get3A_512 : vector<1x16xf32> to vector<16xf32>
        %add3A_514 = arith.addf %add3A_509, %get3A_513 : vector<16xf32>
        %swap3A_515 = arith.index_cast %scan3A_367 : i32 to index
        %swap3A_516 = arith.constant 112 : index
        %swap3A_517 = tpu.vector_load %arg12[%swap3A_515, %swap3A_516] {strides = array<i32>} : memref<160x128xf32, #tpu.memory_space<vmem>>, vector<1x16xf32>,
        %swap3A_518 = vector.shape_cast %swap3A_517 : vector<1x16xf32> to vector<16xf32>
        %swap3A_519 = vector.shape_cast %add3A_514 : vector<16xf32> to vector<1x16xf32>
        tpu.vector_store %arg12[%swap3A_515, %swap3A_516], %swap3A_519 {strides = array<i32>} : memref<160x128xf32, #tpu.memory_space<vmem>>, vector<1x16xf32>,
        %scan3A_520 = arith.constant 2 : i32
        %scan3A_521 = arith.addi %scan3A_215, %scan3A_520 : i32
        %get3A_522 = arith.index_cast %scan3A_521 : i32 to index
        %get3A_523 = arith.constant 0 : index
        %get3A_524 = tpu.vector_load %arg12[%get3A_522, %get3A_523] {strides = array<i32>} : memref<160x128xf32, #tpu.memory_space<vmem>>, vector<1x16xf32>,
        %get3A_525 = vector.shape_cast %get3A_524 : vector<1x16xf32> to vector<16xf32>
        %get3A_526 = arith.index_cast %scan3A_521 : i32 to index
        %get3A_527 = arith.constant 0 : index
        %get3A_528 = tpu.vector_load %arg13[%get3A_526, %get3A_527] {strides = array<i32>} : memref<160x128xf32, #tpu.memory_space<vmem>>, vector<1x16xf32>,
        %get3A_529 = vector.shape_cast %get3A_528 : vector<1x16xf32> to vector<16xf32>
        %add3A_530 = arith.addf %get3A_525, %get3A_529 : vector<16xf32>
        %get3A_531 = arith.index_cast %scan3A_521 : i32 to index
        %get3A_532 = arith.constant 0 : index
        %get3A_533 = tpu.vector_load %arg14[%get3A_531, %get3A_532] {strides = array<i32>} : memref<160x128xf32, #tpu.memory_space<vmem>>, vector<1x16xf32>,
        %get3A_534 = vector.shape_cast %get3A_533 : vector<1x16xf32> to vector<16xf32>
        %add3A_535 = arith.addf %add3A_530, %get3A_534 : vector<16xf32>
        %swap3A_536 = arith.index_cast %scan3A_521 : i32 to index
        %swap3A_537 = arith.constant 0 : index
        %swap3A_538 = tpu.vector_load %arg12[%swap3A_536, %swap3A_537] {strides = array<i32>} : memref<160x128xf32, #tpu.memory_space<vmem>>, vector<1x16xf32>,
        %swap3A_539 = vector.shape_cast %swap3A_538 : vector<1x16xf32> to vector<16xf32>
        %swap3A_540 = vector.shape_cast %add3A_535 : vector<16xf32> to vector<1x16xf32>
        tpu.vector_store %arg12[%swap3A_536, %swap3A_537], %swap3A_540 {strides = array<i32>} : memref<160x128xf32, #tpu.memory_space<vmem>>, vector<1x16xf32>,
        %get3A_541 = arith.index_cast %scan3A_521 : i32 to index
        %get3A_542 = arith.constant 16 : index
        %get3A_543 = tpu.vector_load %arg12[%get3A_541, %get3A_542] {strides = array<i32>} : memref<160x128xf32, #tpu.memory_space<vmem>>, vector<1x16xf32>,
        %get3A_544 = vector.shape_cast %get3A_543 : vector<1x16xf32> to vector<16xf32>
        %get3A_545 = arith.index_cast %scan3A_521 : i32 to index
        %get3A_546 = arith.constant 16 : index
        %get3A_547 = tpu.vector_load %arg13[%get3A_545, %get3A_546] {strides = array<i32>} : memref<160x128xf32, #tpu.memory_space<vmem>>, vector<1x16xf32>,
        %get3A_548 = vector.shape_cast %get3A_547 : vector<1x16xf32> to vector<16xf32>
        %add3A_549 = arith.addf %get3A_544, %get3A_548 : vector<16xf32>
        %get3A_550 = arith.index_cast %scan3A_521 : i32 to index
        %get3A_551 = arith.constant 16 : index
        %get3A_552 = tpu.vector_load %arg14[%get3A_550, %get3A_551] {strides = array<i32>} : memref<160x128xf32, #tpu.memory_space<vmem>>, vector<1x16xf32>,
        %get3A_553 = vector.shape_cast %get3A_552 : vector<1x16xf32> to vector<16xf32>
        %add3A_554 = arith.addf %add3A_549, %get3A_553 : vector<16xf32>
        %swap3A_555 = arith.index_cast %scan3A_521 : i32 to index
        %swap3A_556 = arith.constant 16 : index
        %swap3A_557 = tpu.vector_load %arg12[%swap3A_555, %swap3A_556] {strides = array<i32>} : memref<160x128xf32, #tpu.memory_space<vmem>>, vector<1x16xf32>,
        %swap3A_558 = vector.shape_cast %swap3A_557 : vector<1x16xf32> to vector<16xf32>
        %swap3A_559 = vector.shape_cast %add3A_554 : vector<16xf32> to vector<1x16xf32>
        tpu.vector_store %arg12[%swap3A_555, %swap3A_556], %swap3A_559 {strides = array<i32>} : memref<160x128xf32, #tpu.memory_space<vmem>>, vector<1x16xf32>,
        %get3A_560 = arith.index_cast %scan3A_521 : i32 to index
        %get3A_561 = arith.constant 32 : index
        %get3A_562 = tpu.vector_load %arg12[%get3A_560, %get3A_561] {strides = array<i32>} : memref<160x128xf32, #tpu.memory_space<vmem>>, vector<1x16xf32>,
        %get3A_563 = vector.shape_cast %get3A_562 : vector<1x16xf32> to vector<16xf32>
        %get3A_564 = arith.index_cast %scan3A_521 : i32 to index
        %get3A_565 = arith.constant 32 : index
        %get3A_566 = tpu.vector_load %arg13[%get3A_564, %get3A_565] {strides = array<i32>} : memref<160x128xf32, #tpu.memory_space<vmem>>, vector<1x16xf32>,
        %get3A_567 = vector.shape_cast %get3A_566 : vector<1x16xf32> to vector<16xf32>
        %add3A_568 = arith.addf %get3A_563, %get3A_567 : vector<16xf32>
        %get3A_569 = arith.index_cast %scan3A_521 : i32 to index
        %get3A_570 = arith.constant 32 : index
        %get3A_571 = tpu.vector_load %arg14[%get3A_569, %get3A_570] {strides = array<i32>} : memref<160x128xf32, #tpu.memory_space<vmem>>, vector<1x16xf32>,
        %get3A_572 = vector.shape_cast %get3A_571 : vector<1x16xf32> to vector<16xf32>
        %add3A_573 = arith.addf %add3A_568, %get3A_572 : vector<16xf32>
        %swap3A_574 = arith.index_cast %scan3A_521 : i32 to index
        %swap3A_575 = arith.constant 32 : index
        %swap3A_576 = tpu.vector_load %arg12[%swap3A_574, %swap3A_575] {strides = array<i32>} : memref<160x128xf32, #tpu.memory_space<vmem>>, vector<1x16xf32>,
        %swap3A_577 = vector.shape_cast %swap3A_576 : vector<1x16xf32> to vector<16xf32>
        %swap3A_578 = vector.shape_cast %add3A_573 : vector<16xf32> to vector<1x16xf32>
        tpu.vector_store %arg12[%swap3A_574, %swap3A_575], %swap3A_578 {strides = array<i32>} : memref<160x128xf32, #tpu.memory_space<vmem>>, vector<1x16xf32>,
        %get3A_579 = arith.index_cast %scan3A_521 : i32 to index
        %get3A_580 = arith.constant 48 : index
        %get3A_581 = tpu.vector_load %arg12[%get3A_579, %get3A_580] {strides = array<i32>} : memref<160x128xf32, #tpu.memory_space<vmem>>, vector<1x16xf32>,
        %get3A_582 = vector.shape_cast %get3A_581 : vector<1x16xf32> to vector<16xf32>
        %get3A_583 = arith.index_cast %scan3A_521 : i32 to index
        %get3A_584 = arith.constant 48 : index
        %get3A_585 = tpu.vector_load %arg13[%get3A_583, %get3A_584] {strides = array<i32>} : memref<160x128xf32, #tpu.memory_space<vmem>>, vector<1x16xf32>,
        %get3A_586 = vector.shape_cast %get3A_585 : vector<1x16xf32> to vector<16xf32>
        %add3A_587 = arith.addf %get3A_582, %get3A_586 : vector<16xf32>
        %get3A_588 = arith.index_cast %scan3A_521 : i32 to index
        %get3A_589 = arith.constant 48 : index
        %get3A_590 = tpu.vector_load %arg14[%get3A_588, %get3A_589] {strides = array<i32>} : memref<160x128xf32, #tpu.memory_space<vmem>>, vector<1x16xf32>,
        %get3A_591 = vector.shape_cast %get3A_590 : vector<1x16xf32> to vector<16xf32>
        %add3A_592 = arith.addf %add3A_587, %get3A_591 : vector<16xf32>
        %swap3A_593 = arith.index_cast %scan3A_521 : i32 to index
        %swap3A_594 = arith.constant 48 : index
        %swap3A_595 = tpu.vector_load %arg12[%swap3A_593, %swap3A_594] {strides = array<i32>} : memref<160x128xf32, #tpu.memory_space<vmem>>, vector<1x16xf32>,
        %swap3A_596 = vector.shape_cast %swap3A_595 : vector<1x16xf32> to vector<16xf32>
        %swap3A_597 = vector.shape_cast %add3A_592 : vector<16xf32> to vector<1x16xf32>
        tpu.vector_store %arg12[%swap3A_593, %swap3A_594], %swap3A_597 {strides = array<i32>} : memref<160x128xf32, #tpu.memory_space<vmem>>, vector<1x16xf32>,
        %get3A_598 = arith.index_cast %scan3A_521 : i32 to index
        %get3A_599 = arith.constant 64 : index
        %get3A_600 = tpu.vector_load %arg12[%get3A_598, %get3A_599] {strides = array<i32>} : memref<160x128xf32, #tpu.memory_space<vmem>>, vector<1x16xf32>,
        %get3A_601 = vector.shape_cast %get3A_600 : vector<1x16xf32> to vector<16xf32>
        %get3A_602 = arith.index_cast %scan3A_521 : i32 to index
        %get3A_603 = arith.constant 64 : index
        %get3A_604 = tpu.vector_load %arg13[%get3A_602, %get3A_603] {strides = array<i32>} : memref<160x128xf32, #tpu.memory_space<vmem>>, vector<1x16xf32>,
        %get3A_605 = vector.shape_cast %get3A_604 : vector<1x16xf32> to vector<16xf32>
        %add3A_606 = arith.addf %get3A_601, %get3A_605 : vector<16xf32>
        %get3A_607 = arith.index_cast %scan3A_521 : i32 to index
        %get3A_608 = arith.constant 64 : index
        %get3A_609 = tpu.vector_load %arg14[%get3A_607, %get3A_608] {strides = array<i32>} : memref<160x128xf32, #tpu.memory_space<vmem>>, vector<1x16xf32>,
        %get3A_610 = vector.shape_cast %get3A_609 : vector<1x16xf32> to vector<16xf32>
        %add3A_611 = arith.addf %add3A_606, %get3A_610 : vector<16xf32>
        %swap3A_612 = arith.index_cast %scan3A_521 : i32 to index
        %swap3A_613 = arith.constant 64 : index
        %swap3A_614 = tpu.vector_load %arg12[%swap3A_612, %swap3A_613] {strides = array<i32>} : memref<160x128xf32, #tpu.memory_space<vmem>>, vector<1x16xf32>,
        %swap3A_615 = vector.shape_cast %swap3A_614 : vector<1x16xf32> to vector<16xf32>
        %swap3A_616 = vector.shape_cast %add3A_611 : vector<16xf32> to vector<1x16xf32>
        tpu.vector_store %arg12[%swap3A_612, %swap3A_613], %swap3A_616 {strides = array<i32>} : memref<160x128xf32, #tpu.memory_space<vmem>>, vector<1x16xf32>,
        %get3A_617 = arith.index_cast %scan3A_521 : i32 to index
        %get3A_618 = arith.constant 80 : index
        %get3A_619 = tpu.vector_load %arg12[%get3A_617, %get3A_618] {strides = array<i32>} : memref<160x128xf32, #tpu.memory_space<vmem>>, vector<1x16xf32>,
        %get3A_620 = vector.shape_cast %get3A_619 : vector<1x16xf32> to vector<16xf32>
        %get3A_621 = arith.index_cast %scan3A_521 : i32 to index
        %get3A_622 = arith.constant 80 : index
        %get3A_623 = tpu.vector_load %arg13[%get3A_621, %get3A_622] {strides = array<i32>} : memref<160x128xf32, #tpu.memory_space<vmem>>, vector<1x16xf32>,
        %get3A_624 = vector.shape_cast %get3A_623 : vector<1x16xf32> to vector<16xf32>
        %add3A_625 = arith.addf %get3A_620, %get3A_624 : vector<16xf32>
        %get3A_626 = arith.index_cast %scan3A_521 : i32 to index
        %get3A_627 = arith.constant 80 : index
        %get3A_628 = tpu.vector_load %arg14[%get3A_626, %get3A_627] {strides = array<i32>} : memref<160x128xf32, #tpu.memory_space<vmem>>, vector<1x16xf32>,
        %get3A_629 = vector.shape_cast %get3A_628 : vector<1x16xf32> to vector<16xf32>
        %add3A_630 = arith.addf %add3A_625, %get3A_629 : vector<16xf32>
        %swap3A_631 = arith.index_cast %scan3A_521 : i32 to index
        %swap3A_632 = arith.constant 80 : index
        %swap3A_633 = tpu.vector_load %arg12[%swap3A_631, %swap3A_632] {strides = array<i32>} : memref<160x128xf32, #tpu.memory_space<vmem>>, vector<1x16xf32>,
        %swap3A_634 = vector.shape_cast %swap3A_633 : vector<1x16xf32> to vector<16xf32>
        %swap3A_635 = vector.shape_cast %add3A_630 : vector<16xf32> to vector<1x16xf32>
        tpu.vector_store %arg12[%swap3A_631, %swap3A_632], %swap3A_635 {strides = array<i32>} : memref<160x128xf32, #tpu.memory_space<vmem>>, vector<1x16xf32>,
        %get3A_636 = arith.index_cast %scan3A_521 : i32 to index
        %get3A_637 = arith.constant 96 : index
        %get3A_638 = tpu.vector_load %arg12[%get3A_636, %get3A_637] {strides = array<i32>} : memref<160x128xf32, #tpu.memory_space<vmem>>, vector<1x16xf32>,
        %get3A_639 = vector.shape_cast %get3A_638 : vector<1x16xf32> to vector<16xf32>
        %get3A_640 = arith.index_cast %scan3A_521 : i32 to index
        %get3A_641 = arith.constant 96 : index
        %get3A_642 = tpu.vector_load %arg13[%get3A_640, %get3A_641] {strides = array<i32>} : memref<160x128xf32, #tpu.memory_space<vmem>>, vector<1x16xf32>,
        %get3A_643 = vector.shape_cast %get3A_642 : vector<1x16xf32> to vector<16xf32>
        %add3A_644 = arith.addf %get3A_639, %get3A_643 : vector<16xf32>
        %get3A_645 = arith.index_cast %scan3A_521 : i32 to index
        %get3A_646 = arith.constant 96 : index
        %get3A_647 = tpu.vector_load %arg14[%get3A_645, %get3A_646] {strides = array<i32>} : memref<160x128xf32, #tpu.memory_space<vmem>>, vector<1x16xf32>,
        %get3A_648 = vector.shape_cast %get3A_647 : vector<1x16xf32> to vector<16xf32>
        %add3A_649 = arith.addf %add3A_644, %get3A_648 : vector<16xf32>
        %swap3A_650 = arith.index_cast %scan3A_521 : i32 to index
        %swap3A_651 = arith.constant 96 : index
        %swap3A_652 = tpu.vector_load %arg12[%swap3A_650, %swap3A_651] {strides = array<i32>} : memref<160x128xf32, #tpu.memory_space<vmem>>, vector<1x16xf32>,
        %swap3A_653 = vector.shape_cast %swap3A_652 : vector<1x16xf32> to vector<16xf32>
        %swap3A_654 = vector.shape_cast %add3A_649 : vector<16xf32> to vector<1x16xf32>
        tpu.vector_store %arg12[%swap3A_650, %swap3A_651], %swap3A_654 {strides = array<i32>} : memref<160x128xf32, #tpu.memory_space<vmem>>, vector<1x16xf32>,
        %get3A_655 = arith.index_cast %scan3A_521 : i32 to index
        %get3A_656 = arith.constant 112 : index
        %get3A_657 = tpu.vector_load %arg12[%get3A_655, %get3A_656] {strides = array<i32>} : memref<160x128xf32, #tpu.memory_space<vmem>>, vector<1x16xf32>,
        %get3A_658 = vector.shape_cast %get3A_657 : vector<1x16xf32> to vector<16xf32>
        %get3A_659 = arith.index_cast %scan3A_521 : i32 to index
        %get3A_660 = arith.constant 112 : index
        %get3A_661 = tpu.vector_load %arg13[%get3A_659, %get3A_660] {strides = array<i32>} : memref<160x128xf32, #tpu.memory_space<vmem>>, vector<1x16xf32>,
        %get3A_662 = vector.shape_cast %get3A_661 : vector<1x16xf32> to vector<16xf32>
        %add3A_663 = arith.addf %get3A_658, %get3A_662 : vector<16xf32>
        %get3A_664 = arith.index_cast %scan3A_521 : i32 to index
        %get3A_665 = arith.constant 112 : index
        %get3A_666 = tpu.vector_load %arg14[%get3A_664, %get3A_665] {strides = array<i32>} : memref<160x128xf32, #tpu.memory_space<vmem>>, vector<1x16xf32>,
        %get3A_667 = vector.shape_cast %get3A_666 : vector<1x16xf32> to vector<16xf32>
        %add3A_668 = arith.addf %add3A_663, %get3A_667 : vector<16xf32>
        %swap3A_669 = arith.index_cast %scan3A_521 : i32 to index
        %swap3A_670 = arith.constant 112 : index
        %swap3A_671 = tpu.vector_load %arg12[%swap3A_669, %swap3A_670] {strides = array<i32>} : memref<160x128xf32, #tpu.memory_space<vmem>>, vector<1x16xf32>,
        %swap3A_672 = vector.shape_cast %swap3A_671 : vector<1x16xf32> to vector<16xf32>
        %swap3A_673 = vector.shape_cast %add3A_668 : vector<16xf32> to vector<1x16xf32>
        tpu.vector_store %arg12[%swap3A_669, %swap3A_670], %swap3A_673 {strides = array<i32>} : memref<160x128xf32, #tpu.memory_space<vmem>>, vector<1x16xf32>,
        %scan3A_674 = arith.constant 3 : i32
        %scan3A_675 = arith.addi %scan3A_215, %scan3A_674 : i32
        %get3A_676 = arith.index_cast %scan3A_675 : i32 to index
        %get3A_677 = arith.constant 0 : index
        %get3A_678 = tpu.vector_load %arg12[%get3A_676, %get3A_677] {strides = array<i32>} : memref<160x128xf32, #tpu.memory_space<vmem>>, vector<1x16xf32>,
        %get3A_679 = vector.shape_cast %get3A_678 : vector<1x16xf32> to vector<16xf32>
        %get3A_680 = arith.index_cast %scan3A_675 : i32 to index
        %get3A_681 = arith.constant 0 : index
        %get3A_682 = tpu.vector_load %arg13[%get3A_680, %get3A_681] {strides = array<i32>} : memref<160x128xf32, #tpu.memory_space<vmem>>, vector<1x16xf32>,
        %get3A_683 = vector.shape_cast %get3A_682 : vector<1x16xf32> to vector<16xf32>
        %add3A_684 = arith.addf %get3A_679, %get3A_683 : vector<16xf32>
        %get3A_685 = arith.index_cast %scan3A_675 : i32 to index
        %get3A_686 = arith.constant 0 : index
        %get3A_687 = tpu.vector_load %arg14[%get3A_685, %get3A_686] {strides = array<i32>} : memref<160x128xf32, #tpu.memory_space<vmem>>, vector<1x16xf32>,
        %get3A_688 = vector.shape_cast %get3A_687 : vector<1x16xf32> to vector<16xf32>
        %add3A_689 = arith.addf %add3A_684, %get3A_688 : vector<16xf32>
        %swap3A_690 = arith.index_cast %scan3A_675 : i32 to index
        %swap3A_691 = arith.constant 0 : index
        %swap3A_692 = tpu.vector_load %arg12[%swap3A_690, %swap3A_691] {strides = array<i32>} : memref<160x128xf32, #tpu.memory_space<vmem>>, vector<1x16xf32>,
        %swap3A_693 = vector.shape_cast %swap3A_692 : vector<1x16xf32> to vector<16xf32>
        %swap3A_694 = vector.shape_cast %add3A_689 : vector<16xf32> to vector<1x16xf32>
        tpu.vector_store %arg12[%swap3A_690, %swap3A_691], %swap3A_694 {strides = array<i32>} : memref<160x128xf32, #tpu.memory_space<vmem>>, vector<1x16xf32>,
        %get3A_695 = arith.index_cast %scan3A_675 : i32 to index
        %get3A_696 = arith.constant 16 : index
        %get3A_697 = tpu.vector_load %arg12[%get3A_695, %get3A_696] {strides = array<i32>} : memref<160x128xf32, #tpu.memory_space<vmem>>, vector<1x16xf32>,
        %get3A_698 = vector.shape_cast %get3A_697 : vector<1x16xf32> to vector<16xf32>
        %get3A_699 = arith.index_cast %scan3A_675 : i32 to index
        %get3A_700 = arith.constant 16 : index
        %get3A_701 = tpu.vector_load %arg13[%get3A_699, %get3A_700] {strides = array<i32>} : memref<160x128xf32, #tpu.memory_space<vmem>>, vector<1x16xf32>,
        %get3A_702 = vector.shape_cast %get3A_701 : vector<1x16xf32> to vector<16xf32>
        %add3A_703 = arith.addf %get3A_698, %get3A_702 : vector<16xf32>
        %get3A_704 = arith.index_cast %scan3A_675 : i32 to index
        %get3A_705 = arith.constant 16 : index
        %get3A_706 = tpu.vector_load %arg14[%get3A_704, %get3A_705] {strides = array<i32>} : memref<160x128xf32, #tpu.memory_space<vmem>>, vector<1x16xf32>,
        %get3A_707 = vector.shape_cast %get3A_706 : vector<1x16xf32> to vector<16xf32>
        %add3A_708 = arith.addf %add3A_703, %get3A_707 : vector<16xf32>
        %swap3A_709 = arith.index_cast %scan3A_675 : i32 to index
        %swap3A_710 = arith.constant 16 : index
        %swap3A_711 = tpu.vector_load %arg12[%swap3A_709, %swap3A_710] {strides = array<i32>} : memref<160x128xf32, #tpu.memory_space<vmem>>, vector<1x16xf32>,
        %swap3A_712 = vector.shape_cast %swap3A_711 : vector<1x16xf32> to vector<16xf32>
        %swap3A_713 = vector.shape_cast %add3A_708 : vector<16xf32> to vector<1x16xf32>
        tpu.vector_store %arg12[%swap3A_709, %swap3A_710], %swap3A_713 {strides = array<i32>} : memref<160x128xf32, #tpu.memory_space<vmem>>, vector<1x16xf32>,
        %get3A_714 = arith.index_cast %scan3A_675 : i32 to index
        %get3A_715 = arith.constant 32 : index
        %get3A_716 = tpu.vector_load %arg12[%get3A_714, %get3A_715] {strides = array<i32>} : memref<160x128xf32, #tpu.memory_space<vmem>>, vector<1x16xf32>,
        %get3A_717 = vector.shape_cast %get3A_716 : vector<1x16xf32> to vector<16xf32>
        %get3A_718 = arith.index_cast %scan3A_675 : i32 to index
        %get3A_719 = arith.constant 32 : index
        %get3A_720 = tpu.vector_load %arg13[%get3A_718, %get3A_719] {strides = array<i32>} : memref<160x128xf32, #tpu.memory_space<vmem>>, vector<1x16xf32>,
        %get3A_721 = vector.shape_cast %get3A_720 : vector<1x16xf32> to vector<16xf32>
        %add3A_722 = arith.addf %get3A_717, %get3A_721 : vector<16xf32>
        %get3A_723 = arith.index_cast %scan3A_675 : i32 to index
        %get3A_724 = arith.constant 32 : index
        %get3A_725 = tpu.vector_load %arg14[%get3A_723, %get3A_724] {strides = array<i32>} : memref<160x128xf32, #tpu.memory_space<vmem>>, vector<1x16xf32>,
        %get3A_726 = vector.shape_cast %get3A_725 : vector<1x16xf32> to vector<16xf32>
        %add3A_727 = arith.addf %add3A_722, %get3A_726 : vector<16xf32>
        %swap3A_728 = arith.index_cast %scan3A_675 : i32 to index
        %swap3A_729 = arith.constant 32 : index
        %swap3A_730 = tpu.vector_load %arg12[%swap3A_728, %swap3A_729] {strides = array<i32>} : memref<160x128xf32, #tpu.memory_space<vmem>>, vector<1x16xf32>,
        %swap3A_731 = vector.shape_cast %swap3A_730 : vector<1x16xf32> to vector<16xf32>
        %swap3A_732 = vector.shape_cast %add3A_727 : vector<16xf32> to vector<1x16xf32>
        tpu.vector_store %arg12[%swap3A_728, %swap3A_729], %swap3A_732 {strides = array<i32>} : memref<160x128xf32, #tpu.memory_space<vmem>>, vector<1x16xf32>,
        %get3A_733 = arith.index_cast %scan3A_675 : i32 to index
        %get3A_734 = arith.constant 48 : index
        %get3A_735 = tpu.vector_load %arg12[%get3A_733, %get3A_734] {strides = array<i32>} : memref<160x128xf32, #tpu.memory_space<vmem>>, vector<1x16xf32>,
        %get3A_736 = vector.shape_cast %get3A_735 : vector<1x16xf32> to vector<16xf32>
        %get3A_737 = arith.index_cast %scan3A_675 : i32 to index
        %get3A_738 = arith.constant 48 : index
        %get3A_739 = tpu.vector_load %arg13[%get3A_737, %get3A_738] {strides = array<i32>} : memref<160x128xf32, #tpu.memory_space<vmem>>, vector<1x16xf32>,
        %get3A_740 = vector.shape_cast %get3A_739 : vector<1x16xf32> to vector<16xf32>
        %add3A_741 = arith.addf %get3A_736, %get3A_740 : vector<16xf32>
        %get3A_742 = arith.index_cast %scan3A_675 : i32 to index
        %get3A_743 = arith.constant 48 : index
        %get3A_744 = tpu.vector_load %arg14[%get3A_742, %get3A_743] {strides = array<i32>} : memref<160x128xf32, #tpu.memory_space<vmem>>, vector<1x16xf32>,
        %get3A_745 = vector.shape_cast %get3A_744 : vector<1x16xf32> to vector<16xf32>
        %add3A_746 = arith.addf %add3A_741, %get3A_745 : vector<16xf32>
        %swap3A_747 = arith.index_cast %scan3A_675 : i32 to index
        %swap3A_748 = arith.constant 48 : index
        %swap3A_749 = tpu.vector_load %arg12[%swap3A_747, %swap3A_748] {strides = array<i32>} : memref<160x128xf32, #tpu.memory_space<vmem>>, vector<1x16xf32>,
        %swap3A_750 = vector.shape_cast %swap3A_749 : vector<1x16xf32> to vector<16xf32>
        %swap3A_751 = vector.shape_cast %add3A_746 : vector<16xf32> to vector<1x16xf32>
        tpu.vector_store %arg12[%swap3A_747, %swap3A_748], %swap3A_751 {strides = array<i32>} : memref<160x128xf32, #tpu.memory_space<vmem>>, vector<1x16xf32>,
        %get3A_752 = arith.index_cast %scan3A_675 : i32 to index
        %get3A_753 = arith.constant 64 : index
        %get3A_754 = tpu.vector_load %arg12[%get3A_752, %get3A_753] {strides = array<i32>} : memref<160x128xf32, #tpu.memory_space<vmem>>, vector<1x16xf32>,
        %get3A_755 = vector.shape_cast %get3A_754 : vector<1x16xf32> to vector<16xf32>
        %get3A_756 = arith.index_cast %scan3A_675 : i32 to index
        %get3A_757 = arith.constant 64 : index
        %get3A_758 = tpu.vector_load %arg13[%get3A_756, %get3A_757] {strides = array<i32>} : memref<160x128xf32, #tpu.memory_space<vmem>>, vector<1x16xf32>,
        %get3A_759 = vector.shape_cast %get3A_758 : vector<1x16xf32> to vector<16xf32>
        %add3A_760 = arith.addf %get3A_755, %get3A_759 : vector<16xf32>
        %get3A_761 = arith.index_cast %scan3A_675 : i32 to index
        %get3A_762 = arith.constant 64 : index
        %get3A_763 = tpu.vector_load %arg14[%get3A_761, %get3A_762] {strides = array<i32>} : memref<160x128xf32, #tpu.memory_space<vmem>>, vector<1x16xf32>,
        %get3A_764 = vector.shape_cast %get3A_763 : vector<1x16xf32> to vector<16xf32>
        %add3A_765 = arith.addf %add3A_760, %get3A_764 : vector<16xf32>
        %swap3A_766 = arith.index_cast %scan3A_675 : i32 to index
        %swap3A_767 = arith.constant 64 : index
        %swap3A_768 = tpu.vector_load %arg12[%swap3A_766, %swap3A_767] {strides = array<i32>} : memref<160x128xf32, #tpu.memory_space<vmem>>, vector<1x16xf32>,
        %swap3A_769 = vector.shape_cast %swap3A_768 : vector<1x16xf32> to vector<16xf32>
        %swap3A_770 = vector.shape_cast %add3A_765 : vector<16xf32> to vector<1x16xf32>
        tpu.vector_store %arg12[%swap3A_766, %swap3A_767], %swap3A_770 {strides = array<i32>} : memref<160x128xf32, #tpu.memory_space<vmem>>, vector<1x16xf32>,
        %get3A_771 = arith.index_cast %scan3A_675 : i32 to index
        %get3A_772 = arith.constant 80 : index
        %get3A_773 = tpu.vector_load %arg12[%get3A_771, %get3A_772] {strides = array<i32>} : memref<160x128xf32, #tpu.memory_space<vmem>>, vector<1x16xf32>,
        %get3A_774 = vector.shape_cast %get3A_773 : vector<1x16xf32> to vector<16xf32>
        %get3A_775 = arith.index_cast %scan3A_675 : i32 to index
        %get3A_776 = arith.constant 80 : index
        %get3A_777 = tpu.vector_load %arg13[%get3A_775, %get3A_776] {strides = array<i32>} : memref<160x128xf32, #tpu.memory_space<vmem>>, vector<1x16xf32>,
        %get3A_778 = vector.shape_cast %get3A_777 : vector<1x16xf32> to vector<16xf32>
        %add3A_779 = arith.addf %get3A_774, %get3A_778 : vector<16xf32>
        %get3A_780 = arith.index_cast %scan3A_675 : i32 to index
        %get3A_781 = arith.constant 80 : index
        %get3A_782 = tpu.vector_load %arg14[%get3A_780, %get3A_781] {strides = array<i32>} : memref<160x128xf32, #tpu.memory_space<vmem>>, vector<1x16xf32>,
        %get3A_783 = vector.shape_cast %get3A_782 : vector<1x16xf32> to vector<16xf32>
        %add3A_784 = arith.addf %add3A_779, %get3A_783 : vector<16xf32>
        %swap3A_785 = arith.index_cast %scan3A_675 : i32 to index
        %swap3A_786 = arith.constant 80 : index
        %swap3A_787 = tpu.vector_load %arg12[%swap3A_785, %swap3A_786] {strides = array<i32>} : memref<160x128xf32, #tpu.memory_space<vmem>>, vector<1x16xf32>,
        %swap3A_788 = vector.shape_cast %swap3A_787 : vector<1x16xf32> to vector<16xf32>
        %swap3A_789 = vector.shape_cast %add3A_784 : vector<16xf32> to vector<1x16xf32>
        tpu.vector_store %arg12[%swap3A_785, %swap3A_786], %swap3A_789 {strides = array<i32>} : memref<160x128xf32, #tpu.memory_space<vmem>>, vector<1x16xf32>,
        %get3A_790 = arith.index_cast %scan3A_675 : i32 to index
        %get3A_791 = arith.constant 96 : index
        %get3A_792 = tpu.vector_load %arg12[%get3A_790, %get3A_791] {strides = array<i32>} : memref<160x128xf32, #tpu.memory_space<vmem>>, vector<1x16xf32>,
        %get3A_793 = vector.shape_cast %get3A_792 : vector<1x16xf32> to vector<16xf32>
        %get3A_794 = arith.index_cast %scan3A_675 : i32 to index
        %get3A_795 = arith.constant 96 : index
        %get3A_796 = tpu.vector_load %arg13[%get3A_794, %get3A_795] {strides = array<i32>} : memref<160x128xf32, #tpu.memory_space<vmem>>, vector<1x16xf32>,
        %get3A_797 = vector.shape_cast %get3A_796 : vector<1x16xf32> to vector<16xf32>
        %add3A_798 = arith.addf %get3A_793, %get3A_797 : vector<16xf32>
        %get3A_799 = arith.index_cast %scan3A_675 : i32 to index
        %get3A_800 = arith.constant 96 : index
        %get3A_801 = tpu.vector_load %arg14[%get3A_799, %get3A_800] {strides = array<i32>} : memref<160x128xf32, #tpu.memory_space<vmem>>, vector<1x16xf32>,
        %get3A_802 = vector.shape_cast %get3A_801 : vector<1x16xf32> to vector<16xf32>
        %add3A_803 = arith.addf %add3A_798, %get3A_802 : vector<16xf32>
        %swap3A_804 = arith.index_cast %scan3A_675 : i32 to index
        %swap3A_805 = arith.constant 96 : index
        %swap3A_806 = tpu.vector_load %arg12[%swap3A_804, %swap3A_805] {strides = array<i32>} : memref<160x128xf32, #tpu.memory_space<vmem>>, vector<1x16xf32>,
        %swap3A_807 = vector.shape_cast %swap3A_806 : vector<1x16xf32> to vector<16xf32>
        %swap3A_808 = vector.shape_cast %add3A_803 : vector<16xf32> to vector<1x16xf32>
        tpu.vector_store %arg12[%swap3A_804, %swap3A_805], %swap3A_808 {strides = array<i32>} : memref<160x128xf32, #tpu.memory_space<vmem>>, vector<1x16xf32>,
        %get3A_809 = arith.index_cast %scan3A_675 : i32 to index
        %get3A_810 = arith.constant 112 : index
        %get3A_811 = tpu.vector_load %arg12[%get3A_809, %get3A_810] {strides = array<i32>} : memref<160x128xf32, #tpu.memory_space<vmem>>, vector<1x16xf32>,
        %get3A_812 = vector.shape_cast %get3A_811 : vector<1x16xf32> to vector<16xf32>
        %get3A_813 = arith.index_cast %scan3A_675 : i32 to index
        %get3A_814 = arith.constant 112 : index
        %get3A_815 = tpu.vector_load %arg13[%get3A_813, %get3A_814] {strides = array<i32>} : memref<160x128xf32, #tpu.memory_space<vmem>>, vector<1x16xf32>,
        %get3A_816 = vector.shape_cast %get3A_815 : vector<1x16xf32> to vector<16xf32>
        %add3A_817 = arith.addf %get3A_812, %get3A_816 : vector<16xf32>
        %get3A_818 = arith.index_cast %scan3A_675 : i32 to index
        %get3A_819 = arith.constant 112 : index
        %get3A_820 = tpu.vector_load %arg14[%get3A_818, %get3A_819] {strides = array<i32>} : memref<160x128xf32, #tpu.memory_space<vmem>>, vector<1x16xf32>,
        %get3A_821 = vector.shape_cast %get3A_820 : vector<1x16xf32> to vector<16xf32>
        %add3A_822 = arith.addf %add3A_817, %get3A_821 : vector<16xf32>
        %swap3A_823 = arith.index_cast %scan3A_675 : i32 to index
        %swap3A_824 = arith.constant 112 : index
        %swap3A_825 = tpu.vector_load %arg12[%swap3A_823, %swap3A_824] {strides = array<i32>} : memref<160x128xf32, #tpu.memory_space<vmem>>, vector<1x16xf32>,
        %swap3A_826 = vector.shape_cast %swap3A_825 : vector<1x16xf32> to vector<16xf32>
        %swap3A_827 = vector.shape_cast %add3A_822 : vector<16xf32> to vector<1x16xf32>
        tpu.vector_store %arg12[%swap3A_823, %swap3A_824], %swap3A_827 {strides = array<i32>} : memref<160x128xf32, #tpu.memory_space<vmem>>, vector<1x16xf32>,
      }
      %scan3A_148 = arith.constant 160 : i32
      %mul3A_149 = arith.constant 160 : i32
      %mul3A_150 = arith.muli %mul3A_90, %mul3A_149 : i32
      %add3A_151 = arith.addi %mul3A_2, %mul3A_150 : i32
      "tpu.region"() ({
        %run_scoped3A = tpu.sem_alloc : memref<!tpu.dma_semaphore, #tpu.memory_space<semaphore_mem>>
        %dma_start3A_215 = arith.constant 0 : i32
        %dma_start3A_216 = tpu.memref_slice %arg8[%add3A_151, %dma_start3A_215] : memref<640000x128xf32, #tpu.memory_space<hbm>> -> memref<160x128xf32, #tpu.memory_space<hbm>>
        %dma_start3A_217 = arith.constant 0 : i32
        %dma_start3A_218 = tpu.memref_slice %arg8[%add3A_151, %dma_start3A_217] : memref<640000x128xf32, #tpu.memory_space<hbm>> -> memref<160x128xf32, #tpu.memory_space<hbm>>
        tpu.enqueue_dma source(%arg12 : memref<160x128xf32, #tpu.memory_space<vmem>>) target(%dma_start3A_218 : memref<160x128xf32, #tpu.memory_space<hbm>>) target_semaphore(%run_scoped3A : memref<!tpu.dma_semaphore, #tpu.memory_space<semaphore_mem>>)
        %dma_wait3A_219 = arith.constant 0 : i32
        %dma_wait3A_220 = tpu.memref_slice %arg8[%add3A_151, %dma_wait3A_219] : memref<640000x128xf32, #tpu.memory_space<hbm>> -> memref<160x128xf32, #tpu.memory_space<hbm>>
        %dma_wait3A_221 = arith.constant 0 : i32
        %dma_wait3A_222 = tpu.memref_slice %arg8[%add3A_151, %dma_wait3A_221] : memref<640000x128xf32, #tpu.memory_space<hbm>> -> memref<160x128xf32, #tpu.memory_space<hbm>>
        tpu.wait_dma2 semaphore(%run_scoped3A : memref<!tpu.dma_semaphore, #tpu.memory_space<semaphore_mem>>) src(%arg12 : memref<160x128xf32, #tpu.memory_space<vmem>>) dst(%dma_wait3A_222 : memref<160x128xf32, #tpu.memory_space<hbm>>)
        tpu.yield
      }) : () -> ()
      %dma_wait3A_152 = arith.constant 0 : i32
      %dma_wait3A_153 = tpu.memref_slice %arg5[%dma_wait3A_152] : memref<640000xi32, #tpu.memory_space<hbm>> -> memref<160xi32, #tpu.memory_space<hbm>>
      %dma_wait3A_154 = arith.constant 0 : i32
      %dma_wait3A_155 = tpu.memref_slice %arg5[%dma_wait3A_154] : memref<640000xi32, #tpu.memory_space<hbm>> -> memref<160xi32, #tpu.memory_space<hbm>>
      tpu.wait_dma2 semaphore(%arg16 : memref<!tpu.dma_semaphore, #tpu.memory_space<semaphore_mem>>) src(%dma_wait3A_155 : memref<160xi32, #tpu.memory_space<hbm>>) dst(%arg9 : memref<160xi32, #tpu.memory_space<vmem>>)
      %dma_wait3A_156 = arith.constant 0 : i32
      %dma_wait3A_157 = tpu.memref_slice %arg6[%dma_wait3A_156] : memref<640000xi32, #tpu.memory_space<hbm>> -> memref<160xi32, #tpu.memory_space<hbm>>
      %dma_wait3A_158 = arith.constant 0 : i32
      %dma_wait3A_159 = tpu.memref_slice %arg6[%dma_wait3A_158] : memref<640000xi32, #tpu.memory_space<hbm>> -> memref<160xi32, #tpu.memory_space<hbm>>
      tpu.wait_dma2 semaphore(%arg16 : memref<!tpu.dma_semaphore, #tpu.memory_space<semaphore_mem>>) src(%dma_wait3A_159 : memref<160xi32, #tpu.memory_space<hbm>>) dst(%arg10 : memref<160xi32, #tpu.memory_space<vmem>>)
      %dma_wait3A_160 = arith.constant 0 : i32
      %dma_wait3A_161 = tpu.memref_slice %arg7[%dma_wait3A_160] : memref<640000xi32, #tpu.memory_space<hbm>> -> memref<160xi32, #tpu.memory_space<hbm>>
      %dma_wait3A_162 = arith.constant 0 : i32
      %dma_wait3A_163 = tpu.memref_slice %arg7[%dma_wait3A_162] : memref<640000xi32, #tpu.memory_space<hbm>> -> memref<160xi32, #tpu.memory_space<hbm>>
      tpu.wait_dma2 semaphore(%arg16 : memref<!tpu.dma_semaphore, #tpu.memory_space<semaphore_mem>>) src(%dma_wait3A_163 : memref<160xi32, #tpu.memory_space<hbm>>) dst(%arg11 : memref<160xi32, #tpu.memory_space<vmem>>)
      %dma_start3A_164 = arith.constant 0 : i32
      %dma_start3A_165 = arith.constant 0 : i32
      %dma_start3A_166 = tpu.memref_slice %arg2[%dma_start3A_164, %dma_start3A_165] : memref<320000x128xf32, #tpu.memory_space<hbm>> -> memref<320000x128xf32, #tpu.memory_space<hbm>>
      tpu.enqueue_indirect_dma source(%dma_start3A_166 : memref<320000x128xf32, #tpu.memory_space<hbm>>) target(%arg12 : memref<160x128xf32, #tpu.memory_space<vmem>>) offsets(%arg9 : memref<160xi32, #tpu.memory_space<vmem>>) semaphore(%arg15 : memref<!tpu.dma_semaphore, #tpu.memory_space<semaphore_mem>>)
      %dma_start3A_167 = arith.constant 0 : i32
      %dma_start3A_168 = arith.constant 0 : i32
      %dma_start3A_169 = tpu.memref_slice %arg3[%dma_start3A_167, %dma_start3A_168] : memref<320000x128xf32, #tpu.memory_space<hbm>> -> memref<320000x128xf32, #tpu.memory_space<hbm>>
      tpu.enqueue_indirect_dma source(%dma_start3A_169 : memref<320000x128xf32, #tpu.memory_space<hbm>>) target(%arg13 : memref<160x128xf32, #tpu.memory_space<vmem>>) offsets(%arg10 : memref<160xi32, #tpu.memory_space<vmem>>) semaphore(%arg15 : memref<!tpu.dma_semaphore, #tpu.memory_space<semaphore_mem>>)
      %dma_start3A_170 = arith.constant 0 : i32
      %dma_start3A_171 = arith.constant 0 : i32
      %dma_start3A_172 = tpu.memref_slice %arg4[%dma_start3A_170, %dma_start3A_171] : memref<320000x128xf32, #tpu.memory_space<hbm>> -> memref<320000x128xf32, #tpu.memory_space<hbm>>
      tpu.enqueue_indirect_dma source(%dma_start3A_172 : memref<320000x128xf32, #tpu.memory_space<hbm>>) target(%arg14 : memref<160x128xf32, #tpu.memory_space<vmem>>) offsets(%arg11 : memref<160xi32, #tpu.memory_space<vmem>>) semaphore(%arg15 : memref<!tpu.dma_semaphore, #tpu.memory_space<semaphore_mem>>)
      %dma_wait3A_173 = arith.constant 0 : i32
      %dma_wait3A_174 = arith.constant 0 : i32
      %dma_wait3A_175 = tpu.memref_slice %arg2[%dma_wait3A_173, %dma_wait3A_174] : memref<320000x128xf32, #tpu.memory_space<hbm>> -> memref<160x128xf32, #tpu.memory_space<hbm>>
      %dma_wait3A_176 = arith.constant 0 : i32
      %dma_wait3A_177 = arith.constant 0 : i32
      %dma_wait3A_178 = tpu.memref_slice %arg2[%dma_wait3A_176, %dma_wait3A_177] : memref<320000x128xf32, #tpu.memory_space<hbm>> -> memref<160x128xf32, #tpu.memory_space<hbm>>
      tpu.wait_dma2 semaphore(%arg23 : memref<!tpu.dma_semaphore, #tpu.memory_space<semaphore_mem>>) src(%dma_wait3A_178 : memref<160x128xf32, #tpu.memory_space<hbm>>) dst(%arg20 : memref<160x128xf32, #tpu.memory_space<vmem>>)
      %dma_wait3A_179 = arith.constant 0 : i32
      %dma_wait3A_180 = arith.constant 0 : i32
      %dma_wait3A_181 = tpu.memref_slice %arg3[%dma_wait3A_179, %dma_wait3A_180] : memref<320000x128xf32, #tpu.memory_space<hbm>> -> memref<160x128xf32, #tpu.memory_space<hbm>>
      %dma_wait3A_182 = arith.constant 0 : i32
      %dma_wait3A_183 = arith.constant 0 : i32
      %dma_wait3A_184 = tpu.memref_slice %arg3[%dma_wait3A_182, %dma_wait3A_183] : memref<320000x128xf32, #tpu.memory_space<hbm>> -> memref<160x128xf32, #tpu.memory_space<hbm>>
      tpu.wait_dma2 semaphore(%arg23 : memref<!tpu.dma_semaphore, #tpu.memory_space<semaphore_mem>>) src(%dma_wait3A_184 : memref<160x128xf32, #tpu.memory_space<hbm>>) dst(%arg21 : memref<160x128xf32, #tpu.memory_space<vmem>>)
      %dma_wait3A_185 = arith.constant 0 : i32
      %dma_wait3A_186 = arith.constant 0 : i32
      %dma_wait3A_187 = tpu.memref_slice %arg4[%dma_wait3A_185, %dma_wait3A_186] : memref<320000x128xf32, #tpu.memory_space<hbm>> -> memref<160x128xf32, #tpu.memory_space<hbm>>
      %dma_wait3A_188 = arith.constant 0 : i32
      %dma_wait3A_189 = arith.constant 0 : i32
      %dma_wait3A_190 = tpu.memref_slice %arg4[%dma_wait3A_188, %dma_wait3A_189] : memref<320000x128xf32, #tpu.memory_space<hbm>> -> memref<160x128xf32, #tpu.memory_space<hbm>>
      tpu.wait_dma2 semaphore(%arg23 : memref<!tpu.dma_semaphore, #tpu.memory_space<semaphore_mem>>) src(%dma_wait3A_190 : memref<160x128xf32, #tpu.memory_space<hbm>>) dst(%arg22 : memref<160x128xf32, #tpu.memory_space<vmem>>)
      %add3A_191 = arith.constant 3 : i32
      %add3A_192 = arith.addi %mul3A_90, %add3A_191 : i32
      %min3A_193 = arith.constant 124 : i32
      %min3A_194 = arith.minsi %add3A_192, %min3A_193 : i32
      %mul3A_195 = arith.constant 160 : i32
      %mul3A_196 = arith.muli %min3A_194, %mul3A_195 : i32
      %add3A_197 = arith.addi %mul3A_2, %mul3A_196 : i32
      %dma_start3A_198 = tpu.memref_slice %arg5[%add3A_197] : memref<640000xi32, #tpu.memory_space<hbm>> -> memref<160xi32, #tpu.memory_space<hbm>>
      %dma_start3A_199 = tpu.memref_slice %arg5[%add3A_197] : memref<640000xi32, #tpu.memory_space<hbm>> -> memref<160xi32, #tpu.memory_space<hbm>>
      tpu.enqueue_dma source(%dma_start3A_199 : memref<160xi32, #tpu.memory_space<hbm>>) target(%arg17 : memref<160xi32, #tpu.memory_space<vmem>>) target_semaphore(%arg24 : memref<!tpu.dma_semaphore, #tpu.memory_space<semaphore_mem>>)
      %dma_start3A_200 = tpu.memref_slice %arg6[%add3A_197] : memref<640000xi32, #tpu.memory_space<hbm>> -> memref<160xi32, #tpu.memory_space<hbm>>
      %dma_start3A_201 = tpu.memref_slice %arg6[%add3A_197] : memref<640000xi32, #tpu.memory_space<hbm>> -> memref<160xi32, #tpu.memory_space<hbm>>
      tpu.enqueue_dma source(%dma_start3A_201 : memref<160xi32, #tpu.memory_space<hbm>>) target(%arg18 : memref<160xi32, #tpu.memory_space<vmem>>) target_semaphore(%arg24 : memref<!tpu.dma_semaphore, #tpu.memory_space<semaphore_mem>>)
      %dma_start3A_202 = tpu.memref_slice %arg7[%add3A_197] : memref<640000xi32, #tpu.memory_space<hbm>> -> memref<160xi32, #tpu.memory_space<hbm>>
      %dma_start3A_203 = tpu.memref_slice %arg7[%add3A_197] : memref<640000xi32, #tpu.memory_space<hbm>> -> memref<160xi32, #tpu.memory_space<hbm>>
      tpu.enqueue_dma source(%dma_start3A_203 : memref<160xi32, #tpu.memory_space<hbm>>) target(%arg19 : memref<160xi32, #tpu.memory_space<vmem>>) target_semaphore(%arg24 : memref<!tpu.dma_semaphore, #tpu.memory_space<semaphore_mem>>)
      %add3A_204 = arith.constant 1 : i32
      %add3A_205 = arith.addi %mul3A_90, %add3A_204 : i32
      %scan3A_206 = arith.constant 0 : i32
      %scan3A_207 = arith.constant 0 : i32
      %scan3A_208 = arith.constant 160 : i32
      %scan3A_209 = arith.addi %scan3A_207, %scan3A_208 : i32
      %scan3A_210 = arith.constant 4 : i32
      scf.for %scan3A_215 = %scan3A_207 to %scan3A_209 step %scan3A_210  : i32 {
        %get3A = arith.index_cast %scan3A_215 : i32 to index
        %get3A_216 = arith.constant 0 : index
        %get3A_217 = tpu.vector_load %arg20[%get3A, %get3A_216] {strides = array<i32>} : memref<160x128xf32, #tpu.memory_space<vmem>>, vector<1x16xf32>,
        %get3A_218 = vector.shape_cast %get3A_217 : vector<1x16xf32> to vector<16xf32>
        %get3A_219 = arith.index_cast %scan3A_215 : i32 to index
        %get3A_220 = arith.constant 0 : index
        %get3A_221 = tpu.vector_load %arg21[%get3A_219, %get3A_220] {strides = array<i32>} : memref<160x128xf32, #tpu.memory_space<vmem>>, vector<1x16xf32>,
        %get3A_222 = vector.shape_cast %get3A_221 : vector<1x16xf32> to vector<16xf32>
        %add3A_223 = arith.addf %get3A_218, %get3A_222 : vector<16xf32>
        %get3A_224 = arith.index_cast %scan3A_215 : i32 to index
        %get3A_225 = arith.constant 0 : index
        %get3A_226 = tpu.vector_load %arg22[%get3A_224, %get3A_225] {strides = array<i32>} : memref<160x128xf32, #tpu.memory_space<vmem>>, vector<1x16xf32>,
        %get3A_227 = vector.shape_cast %get3A_226 : vector<1x16xf32> to vector<16xf32>
        %add3A_228 = arith.addf %add3A_223, %get3A_227 : vector<16xf32>
        %swap3A = arith.index_cast %scan3A_215 : i32 to index
        %swap3A_229 = arith.constant 0 : index
        %swap3A_230 = tpu.vector_load %arg20[%swap3A, %swap3A_229] {strides = array<i32>} : memref<160x128xf32, #tpu.memory_space<vmem>>, vector<1x16xf32>,
        %swap3A_231 = vector.shape_cast %swap3A_230 : vector<1x16xf32> to vector<16xf32>
        %swap3A_232 = vector.shape_cast %add3A_228 : vector<16xf32> to vector<1x16xf32>
        tpu.vector_store %arg20[%swap3A, %swap3A_229], %swap3A_232 {strides = array<i32>} : memref<160x128xf32, #tpu.memory_space<vmem>>, vector<1x16xf32>,
        %get3A_233 = arith.index_cast %scan3A_215 : i32 to index
        %get3A_234 = arith.constant 16 : index
        %get3A_235 = tpu.vector_load %arg20[%get3A_233, %get3A_234] {strides = array<i32>} : memref<160x128xf32, #tpu.memory_space<vmem>>, vector<1x16xf32>,
        %get3A_236 = vector.shape_cast %get3A_235 : vector<1x16xf32> to vector<16xf32>
        %get3A_237 = arith.index_cast %scan3A_215 : i32 to index
        %get3A_238 = arith.constant 16 : index
        %get3A_239 = tpu.vector_load %arg21[%get3A_237, %get3A_238] {strides = array<i32>} : memref<160x128xf32, #tpu.memory_space<vmem>>, vector<1x16xf32>,
        %get3A_240 = vector.shape_cast %get3A_239 : vector<1x16xf32> to vector<16xf32>
        %add3A_241 = arith.addf %get3A_236, %get3A_240 : vector<16xf32>
        %get3A_242 = arith.index_cast %scan3A_215 : i32 to index
        %get3A_243 = arith.constant 16 : index
        %get3A_244 = tpu.vector_load %arg22[%get3A_242, %get3A_243] {strides = array<i32>} : memref<160x128xf32, #tpu.memory_space<vmem>>, vector<1x16xf32>,
        %get3A_245 = vector.shape_cast %get3A_244 : vector<1x16xf32> to vector<16xf32>
        %add3A_246 = arith.addf %add3A_241, %get3A_245 : vector<16xf32>
        %swap3A_247 = arith.index_cast %scan3A_215 : i32 to index
        %swap3A_248 = arith.constant 16 : index
        %swap3A_249 = tpu.vector_load %arg20[%swap3A_247, %swap3A_248] {strides = array<i32>} : memref<160x128xf32, #tpu.memory_space<vmem>>, vector<1x16xf32>,
        %swap3A_250 = vector.shape_cast %swap3A_249 : vector<1x16xf32> to vector<16xf32>
        %swap3A_251 = vector.shape_cast %add3A_246 : vector<16xf32> to vector<1x16xf32>
        tpu.vector_store %arg20[%swap3A_247, %swap3A_248], %swap3A_251 {strides = array<i32>} : memref<160x128xf32, #tpu.memory_space<vmem>>, vector<1x16xf32>,
        %get3A_252 = arith.index_cast %scan3A_215 : i32 to index
        %get3A_253 = arith.constant 32 : index
        %get3A_254 = tpu.vector_load %arg20[%get3A_252, %get3A_253] {strides = array<i32>} : memref<160x128xf32, #tpu.memory_space<vmem>>, vector<1x16xf32>,
        %get3A_255 = vector.shape_cast %get3A_254 : vector<1x16xf32> to vector<16xf32>
        %get3A_256 = arith.index_cast %scan3A_215 : i32 to index
        %get3A_257 = arith.constant 32 : index
        %get3A_258 = tpu.vector_load %arg21[%get3A_256, %get3A_257] {strides = array<i32>} : memref<160x128xf32, #tpu.memory_space<vmem>>, vector<1x16xf32>,
        %get3A_259 = vector.shape_cast %get3A_258 : vector<1x16xf32> to vector<16xf32>
        %add3A_260 = arith.addf %get3A_255, %get3A_259 : vector<16xf32>
        %get3A_261 = arith.index_cast %scan3A_215 : i32 to index
        %get3A_262 = arith.constant 32 : index
        %get3A_263 = tpu.vector_load %arg22[%get3A_261, %get3A_262] {strides = array<i32>} : memref<160x128xf32, #tpu.memory_space<vmem>>, vector<1x16xf32>,
        %get3A_264 = vector.shape_cast %get3A_263 : vector<1x16xf32> to vector<16xf32>
        %add3A_265 = arith.addf %add3A_260, %get3A_264 : vector<16xf32>
        %swap3A_266 = arith.index_cast %scan3A_215 : i32 to index
        %swap3A_267 = arith.constant 32 : index
        %swap3A_268 = tpu.vector_load %arg20[%swap3A_266, %swap3A_267] {strides = array<i32>} : memref<160x128xf32, #tpu.memory_space<vmem>>, vector<1x16xf32>,
        %swap3A_269 = vector.shape_cast %swap3A_268 : vector<1x16xf32> to vector<16xf32>
        %swap3A_270 = vector.shape_cast %add3A_265 : vector<16xf32> to vector<1x16xf32>
        tpu.vector_store %arg20[%swap3A_266, %swap3A_267], %swap3A_270 {strides = array<i32>} : memref<160x128xf32, #tpu.memory_space<vmem>>, vector<1x16xf32>,
        %get3A_271 = arith.index_cast %scan3A_215 : i32 to index
        %get3A_272 = arith.constant 48 : index
        %get3A_273 = tpu.vector_load %arg20[%get3A_271, %get3A_272] {strides = array<i32>} : memref<160x128xf32, #tpu.memory_space<vmem>>, vector<1x16xf32>,
        %get3A_274 = vector.shape_cast %get3A_273 : vector<1x16xf32> to vector<16xf32>
        %get3A_275 = arith.index_cast %scan3A_215 : i32 to index
        %get3A_276 = arith.constant 48 : index
        %get3A_277 = tpu.vector_load %arg21[%get3A_275, %get3A_276] {strides = array<i32>} : memref<160x128xf32, #tpu.memory_space<vmem>>, vector<1x16xf32>,
        %get3A_278 = vector.shape_cast %get3A_277 : vector<1x16xf32> to vector<16xf32>
        %add3A_279 = arith.addf %get3A_274, %get3A_278 : vector<16xf32>
        %get3A_280 = arith.index_cast %scan3A_215 : i32 to index
        %get3A_281 = arith.constant 48 : index
        %get3A_282 = tpu.vector_load %arg22[%get3A_280, %get3A_281] {strides = array<i32>} : memref<160x128xf32, #tpu.memory_space<vmem>>, vector<1x16xf32>,
        %get3A_283 = vector.shape_cast %get3A_282 : vector<1x16xf32> to vector<16xf32>
        %add3A_284 = arith.addf %add3A_279, %get3A_283 : vector<16xf32>
        %swap3A_285 = arith.index_cast %scan3A_215 : i32 to index
        %swap3A_286 = arith.constant 48 : index
        %swap3A_287 = tpu.vector_load %arg20[%swap3A_285, %swap3A_286] {strides = array<i32>} : memref<160x128xf32, #tpu.memory_space<vmem>>, vector<1x16xf32>,
        %swap3A_288 = vector.shape_cast %swap3A_287 : vector<1x16xf32> to vector<16xf32>
        %swap3A_289 = vector.shape_cast %add3A_284 : vector<16xf32> to vector<1x16xf32>
        tpu.vector_store %arg20[%swap3A_285, %swap3A_286], %swap3A_289 {strides = array<i32>} : memref<160x128xf32, #tpu.memory_space<vmem>>, vector<1x16xf32>,
        %get3A_290 = arith.index_cast %scan3A_215 : i32 to index
        %get3A_291 = arith.constant 64 : index
        %get3A_292 = tpu.vector_load %arg20[%get3A_290, %get3A_291] {strides = array<i32>} : memref<160x128xf32, #tpu.memory_space<vmem>>, vector<1x16xf32>,
        %get3A_293 = vector.shape_cast %get3A_292 : vector<1x16xf32> to vector<16xf32>
        %get3A_294 = arith.index_cast %scan3A_215 : i32 to index
        %get3A_295 = arith.constant 64 : index
        %get3A_296 = tpu.vector_load %arg21[%get3A_294, %get3A_295] {strides = array<i32>} : memref<160x128xf32, #tpu.memory_space<vmem>>, vector<1x16xf32>,
        %get3A_297 = vector.shape_cast %get3A_296 : vector<1x16xf32> to vector<16xf32>
        %add3A_298 = arith.addf %get3A_293, %get3A_297 : vector<16xf32>
        %get3A_299 = arith.index_cast %scan3A_215 : i32 to index
        %get3A_300 = arith.constant 64 : index
        %get3A_301 = tpu.vector_load %arg22[%get3A_299, %get3A_300] {strides = array<i32>} : memref<160x128xf32, #tpu.memory_space<vmem>>, vector<1x16xf32>,
        %get3A_302 = vector.shape_cast %get3A_301 : vector<1x16xf32> to vector<16xf32>
        %add3A_303 = arith.addf %add3A_298, %get3A_302 : vector<16xf32>
        %swap3A_304 = arith.index_cast %scan3A_215 : i32 to index
        %swap3A_305 = arith.constant 64 : index
        %swap3A_306 = tpu.vector_load %arg20[%swap3A_304, %swap3A_305] {strides = array<i32>} : memref<160x128xf32, #tpu.memory_space<vmem>>, vector<1x16xf32>,
        %swap3A_307 = vector.shape_cast %swap3A_306 : vector<1x16xf32> to vector<16xf32>
        %swap3A_308 = vector.shape_cast %add3A_303 : vector<16xf32> to vector<1x16xf32>
        tpu.vector_store %arg20[%swap3A_304, %swap3A_305], %swap3A_308 {strides = array<i32>} : memref<160x128xf32, #tpu.memory_space<vmem>>, vector<1x16xf32>,
        %get3A_309 = arith.index_cast %scan3A_215 : i32 to index
        %get3A_310 = arith.constant 80 : index
        %get3A_311 = tpu.vector_load %arg20[%get3A_309, %get3A_310] {strides = array<i32>} : memref<160x128xf32, #tpu.memory_space<vmem>>, vector<1x16xf32>,
        %get3A_312 = vector.shape_cast %get3A_311 : vector<1x16xf32> to vector<16xf32>
        %get3A_313 = arith.index_cast %scan3A_215 : i32 to index
        %get3A_314 = arith.constant 80 : index
        %get3A_315 = tpu.vector_load %arg21[%get3A_313, %get3A_314] {strides = array<i32>} : memref<160x128xf32, #tpu.memory_space<vmem>>, vector<1x16xf32>,
        %get3A_316 = vector.shape_cast %get3A_315 : vector<1x16xf32> to vector<16xf32>
        %add3A_317 = arith.addf %get3A_312, %get3A_316 : vector<16xf32>
        %get3A_318 = arith.index_cast %scan3A_215 : i32 to index
        %get3A_319 = arith.constant 80 : index
        %get3A_320 = tpu.vector_load %arg22[%get3A_318, %get3A_319] {strides = array<i32>} : memref<160x128xf32, #tpu.memory_space<vmem>>, vector<1x16xf32>,
        %get3A_321 = vector.shape_cast %get3A_320 : vector<1x16xf32> to vector<16xf32>
        %add3A_322 = arith.addf %add3A_317, %get3A_321 : vector<16xf32>
        %swap3A_323 = arith.index_cast %scan3A_215 : i32 to index
        %swap3A_324 = arith.constant 80 : index
        %swap3A_325 = tpu.vector_load %arg20[%swap3A_323, %swap3A_324] {strides = array<i32>} : memref<160x128xf32, #tpu.memory_space<vmem>>, vector<1x16xf32>,
        %swap3A_326 = vector.shape_cast %swap3A_325 : vector<1x16xf32> to vector<16xf32>
        %swap3A_327 = vector.shape_cast %add3A_322 : vector<16xf32> to vector<1x16xf32>
        tpu.vector_store %arg20[%swap3A_323, %swap3A_324], %swap3A_327 {strides = array<i32>} : memref<160x128xf32, #tpu.memory_space<vmem>>, vector<1x16xf32>,
        %get3A_328 = arith.index_cast %scan3A_215 : i32 to index
        %get3A_329 = arith.constant 96 : index
        %get3A_330 = tpu.vector_load %arg20[%get3A_328, %get3A_329] {strides = array<i32>} : memref<160x128xf32, #tpu.memory_space<vmem>>, vector<1x16xf32>,
        %get3A_331 = vector.shape_cast %get3A_330 : vector<1x16xf32> to vector<16xf32>
        %get3A_332 = arith.index_cast %scan3A_215 : i32 to index
        %get3A_333 = arith.constant 96 : index
        %get3A_334 = tpu.vector_load %arg21[%get3A_332, %get3A_333] {strides = array<i32>} : memref<160x128xf32, #tpu.memory_space<vmem>>, vector<1x16xf32>,
        %get3A_335 = vector.shape_cast %get3A_334 : vector<1x16xf32> to vector<16xf32>
        %add3A_336 = arith.addf %get3A_331, %get3A_335 : vector<16xf32>
        %get3A_337 = arith.index_cast %scan3A_215 : i32 to index
        %get3A_338 = arith.constant 96 : index
        %get3A_339 = tpu.vector_load %arg22[%get3A_337, %get3A_338] {strides = array<i32>} : memref<160x128xf32, #tpu.memory_space<vmem>>, vector<1x16xf32>,
        %get3A_340 = vector.shape_cast %get3A_339 : vector<1x16xf32> to vector<16xf32>
        %add3A_341 = arith.addf %add3A_336, %get3A_340 : vector<16xf32>
        %swap3A_342 = arith.index_cast %scan3A_215 : i32 to index
        %swap3A_343 = arith.constant 96 : index
        %swap3A_344 = tpu.vector_load %arg20[%swap3A_342, %swap3A_343] {strides = array<i32>} : memref<160x128xf32, #tpu.memory_space<vmem>>, vector<1x16xf32>,
        %swap3A_345 = vector.shape_cast %swap3A_344 : vector<1x16xf32> to vector<16xf32>
        %swap3A_346 = vector.shape_cast %add3A_341 : vector<16xf32> to vector<1x16xf32>
        tpu.vector_store %arg20[%swap3A_342, %swap3A_343], %swap3A_346 {strides = array<i32>} : memref<160x128xf32, #tpu.memory_space<vmem>>, vector<1x16xf32>,
        %get3A_347 = arith.index_cast %scan3A_215 : i32 to index
        %get3A_348 = arith.constant 112 : index
        %get3A_349 = tpu.vector_load %arg20[%get3A_347, %get3A_348] {strides = array<i32>} : memref<160x128xf32, #tpu.memory_space<vmem>>, vector<1x16xf32>,
        %get3A_350 = vector.shape_cast %get3A_349 : vector<1x16xf32> to vector<16xf32>
        %get3A_351 = arith.index_cast %scan3A_215 : i32 to index
        %get3A_352 = arith.constant 112 : index
        %get3A_353 = tpu.vector_load %arg21[%get3A_351, %get3A_352] {strides = array<i32>} : memref<160x128xf32, #tpu.memory_space<vmem>>, vector<1x16xf32>,
        %get3A_354 = vector.shape_cast %get3A_353 : vector<1x16xf32> to vector<16xf32>
        %add3A_355 = arith.addf %get3A_350, %get3A_354 : vector<16xf32>
        %get3A_356 = arith.index_cast %scan3A_215 : i32 to index
        %get3A_357 = arith.constant 112 : index
        %get3A_358 = tpu.vector_load %arg22[%get3A_356, %get3A_357] {strides = array<i32>} : memref<160x128xf32, #tpu.memory_space<vmem>>, vector<1x16xf32>,
        %get3A_359 = vector.shape_cast %get3A_358 : vector<1x16xf32> to vector<16xf32>
        %add3A_360 = arith.addf %add3A_355, %get3A_359 : vector<16xf32>
        %swap3A_361 = arith.index_cast %scan3A_215 : i32 to index
        %swap3A_362 = arith.constant 112 : index
        %swap3A_363 = tpu.vector_load %arg20[%swap3A_361, %swap3A_362] {strides = array<i32>} : memref<160x128xf32, #tpu.memory_space<vmem>>, vector<1x16xf32>,
        %swap3A_364 = vector.shape_cast %swap3A_363 : vector<1x16xf32> to vector<16xf32>
        %swap3A_365 = vector.shape_cast %add3A_360 : vector<16xf32> to vector<1x16xf32>
        tpu.vector_store %arg20[%swap3A_361, %swap3A_362], %swap3A_365 {strides = array<i32>} : memref<160x128xf32, #tpu.memory_space<vmem>>, vector<1x16xf32>,
        %scan3A_366 = arith.constant 1 : i32
        %scan3A_367 = arith.addi %scan3A_215, %scan3A_366 : i32
        %get3A_368 = arith.index_cast %scan3A_367 : i32 to index
        %get3A_369 = arith.constant 0 : index
        %get3A_370 = tpu.vector_load %arg20[%get3A_368, %get3A_369] {strides = array<i32>} : memref<160x128xf32, #tpu.memory_space<vmem>>, vector<1x16xf32>,
        %get3A_371 = vector.shape_cast %get3A_370 : vector<1x16xf32> to vector<16xf32>
        %get3A_372 = arith.index_cast %scan3A_367 : i32 to index
        %get3A_373 = arith.constant 0 : index
        %get3A_374 = tpu.vector_load %arg21[%get3A_372, %get3A_373] {strides = array<i32>} : memref<160x128xf32, #tpu.memory_space<vmem>>, vector<1x16xf32>,
        %get3A_375 = vector.shape_cast %get3A_374 : vector<1x16xf32> to vector<16xf32>
        %add3A_376 = arith.addf %get3A_371, %get3A_375 : vector<16xf32>
        %get3A_377 = arith.index_cast %scan3A_367 : i32 to index
        %get3A_378 = arith.constant 0 : index
        %get3A_379 = tpu.vector_load %arg22[%get3A_377, %get3A_378] {strides = array<i32>} : memref<160x128xf32, #tpu.memory_space<vmem>>, vector<1x16xf32>,
        %get3A_380 = vector.shape_cast %get3A_379 : vector<1x16xf32> to vector<16xf32>
        %add3A_381 = arith.addf %add3A_376, %get3A_380 : vector<16xf32>
        %swap3A_382 = arith.index_cast %scan3A_367 : i32 to index
        %swap3A_383 = arith.constant 0 : index
        %swap3A_384 = tpu.vector_load %arg20[%swap3A_382, %swap3A_383] {strides = array<i32>} : memref<160x128xf32, #tpu.memory_space<vmem>>, vector<1x16xf32>,
        %swap3A_385 = vector.shape_cast %swap3A_384 : vector<1x16xf32> to vector<16xf32>
        %swap3A_386 = vector.shape_cast %add3A_381 : vector<16xf32> to vector<1x16xf32>
        tpu.vector_store %arg20[%swap3A_382, %swap3A_383], %swap3A_386 {strides = array<i32>} : memref<160x128xf32, #tpu.memory_space<vmem>>, vector<1x16xf32>,
        %get3A_387 = arith.index_cast %scan3A_367 : i32 to index
        %get3A_388 = arith.constant 16 : index
        %get3A_389 = tpu.vector_load %arg20[%get3A_387, %get3A_388] {strides = array<i32>} : memref<160x128xf32, #tpu.memory_space<vmem>>, vector<1x16xf32>,
        %get3A_390 = vector.shape_cast %get3A_389 : vector<1x16xf32> to vector<16xf32>
        %get3A_391 = arith.index_cast %scan3A_367 : i32 to index
        %get3A_392 = arith.constant 16 : index
        %get3A_393 = tpu.vector_load %arg21[%get3A_391, %get3A_392] {strides = array<i32>} : memref<160x128xf32, #tpu.memory_space<vmem>>, vector<1x16xf32>,
        %get3A_394 = vector.shape_cast %get3A_393 : vector<1x16xf32> to vector<16xf32>
        %add3A_395 = arith.addf %get3A_390, %get3A_394 : vector<16xf32>
        %get3A_396 = arith.index_cast %scan3A_367 : i32 to index
        %get3A_397 = arith.constant 16 : index
        %get3A_398 = tpu.vector_load %arg22[%get3A_396, %get3A_397] {strides = array<i32>} : memref<160x128xf32, #tpu.memory_space<vmem>>, vector<1x16xf32>,
        %get3A_399 = vector.shape_cast %get3A_398 : vector<1x16xf32> to vector<16xf32>
        %add3A_400 = arith.addf %add3A_395, %get3A_399 : vector<16xf32>
        %swap3A_401 = arith.index_cast %scan3A_367 : i32 to index
        %swap3A_402 = arith.constant 16 : index
        %swap3A_403 = tpu.vector_load %arg20[%swap3A_401, %swap3A_402] {strides = array<i32>} : memref<160x128xf32, #tpu.memory_space<vmem>>, vector<1x16xf32>,
        %swap3A_404 = vector.shape_cast %swap3A_403 : vector<1x16xf32> to vector<16xf32>
        %swap3A_405 = vector.shape_cast %add3A_400 : vector<16xf32> to vector<1x16xf32>
        tpu.vector_store %arg20[%swap3A_401, %swap3A_402], %swap3A_405 {strides = array<i32>} : memref<160x128xf32, #tpu.memory_space<vmem>>, vector<1x16xf32>,
        %get3A_406 = arith.index_cast %scan3A_367 : i32 to index
        %get3A_407 = arith.constant 32 : index
        %get3A_408 = tpu.vector_load %arg20[%get3A_406, %get3A_407] {strides = array<i32>} : memref<160x128xf32, #tpu.memory_space<vmem>>, vector<1x16xf32>,
        %get3A_409 = vector.shape_cast %get3A_408 : vector<1x16xf32> to vector<16xf32>
        %get3A_410 = arith.index_cast %scan3A_367 : i32 to index
        %get3A_411 = arith.constant 32 : index
        %get3A_412 = tpu.vector_load %arg21[%get3A_410, %get3A_411] {strides = array<i32>} : memref<160x128xf32, #tpu.memory_space<vmem>>, vector<1x16xf32>,
        %get3A_413 = vector.shape_cast %get3A_412 : vector<1x16xf32> to vector<16xf32>
        %add3A_414 = arith.addf %get3A_409, %get3A_413 : vector<16xf32>
        %get3A_415 = arith.index_cast %scan3A_367 : i32 to index
        %get3A_416 = arith.constant 32 : index
        %get3A_417 = tpu.vector_load %arg22[%get3A_415, %get3A_416] {strides = array<i32>} : memref<160x128xf32, #tpu.memory_space<vmem>>, vector<1x16xf32>,
        %get3A_418 = vector.shape_cast %get3A_417 : vector<1x16xf32> to vector<16xf32>
        %add3A_419 = arith.addf %add3A_414, %get3A_418 : vector<16xf32>
        %swap3A_420 = arith.index_cast %scan3A_367 : i32 to index
        %swap3A_421 = arith.constant 32 : index
        %swap3A_422 = tpu.vector_load %arg20[%swap3A_420, %swap3A_421] {strides = array<i32>} : memref<160x128xf32, #tpu.memory_space<vmem>>, vector<1x16xf32>,
        %swap3A_423 = vector.shape_cast %swap3A_422 : vector<1x16xf32> to vector<16xf32>
        %swap3A_424 = vector.shape_cast %add3A_419 : vector<16xf32> to vector<1x16xf32>
        tpu.vector_store %arg20[%swap3A_420, %swap3A_421], %swap3A_424 {strides = array<i32>} : memref<160x128xf32, #tpu.memory_space<vmem>>, vector<1x16xf32>,
        %get3A_425 = arith.index_cast %scan3A_367 : i32 to index
        %get3A_426 = arith.constant 48 : index
        %get3A_427 = tpu.vector_load %arg20[%get3A_425, %get3A_426] {strides = array<i32>} : memref<160x128xf32, #tpu.memory_space<vmem>>, vector<1x16xf32>,
        %get3A_428 = vector.shape_cast %get3A_427 : vector<1x16xf32> to vector<16xf32>
        %get3A_429 = arith.index_cast %scan3A_367 : i32 to index
        %get3A_430 = arith.constant 48 : index
        %get3A_431 = tpu.vector_load %arg21[%get3A_429, %get3A_430] {strides = array<i32>} : memref<160x128xf32, #tpu.memory_space<vmem>>, vector<1x16xf32>,
        %get3A_432 = vector.shape_cast %get3A_431 : vector<1x16xf32> to vector<16xf32>
        %add3A_433 = arith.addf %get3A_428, %get3A_432 : vector<16xf32>
        %get3A_434 = arith.index_cast %scan3A_367 : i32 to index
        %get3A_435 = arith.constant 48 : index
        %get3A_436 = tpu.vector_load %arg22[%get3A_434, %get3A_435] {strides = array<i32>} : memref<160x128xf32, #tpu.memory_space<vmem>>, vector<1x16xf32>,
        %get3A_437 = vector.shape_cast %get3A_436 : vector<1x16xf32> to vector<16xf32>
        %add3A_438 = arith.addf %add3A_433, %get3A_437 : vector<16xf32>
        %swap3A_439 = arith.index_cast %scan3A_367 : i32 to index
        %swap3A_440 = arith.constant 48 : index
        %swap3A_441 = tpu.vector_load %arg20[%swap3A_439, %swap3A_440] {strides = array<i32>} : memref<160x128xf32, #tpu.memory_space<vmem>>, vector<1x16xf32>,
        %swap3A_442 = vector.shape_cast %swap3A_441 : vector<1x16xf32> to vector<16xf32>
        %swap3A_443 = vector.shape_cast %add3A_438 : vector<16xf32> to vector<1x16xf32>
        tpu.vector_store %arg20[%swap3A_439, %swap3A_440], %swap3A_443 {strides = array<i32>} : memref<160x128xf32, #tpu.memory_space<vmem>>, vector<1x16xf32>,
        %get3A_444 = arith.index_cast %scan3A_367 : i32 to index
        %get3A_445 = arith.constant 64 : index
        %get3A_446 = tpu.vector_load %arg20[%get3A_444, %get3A_445] {strides = array<i32>} : memref<160x128xf32, #tpu.memory_space<vmem>>, vector<1x16xf32>,
        %get3A_447 = vector.shape_cast %get3A_446 : vector<1x16xf32> to vector<16xf32>
        %get3A_448 = arith.index_cast %scan3A_367 : i32 to index
        %get3A_449 = arith.constant 64 : index
        %get3A_450 = tpu.vector_load %arg21[%get3A_448, %get3A_449] {strides = array<i32>} : memref<160x128xf32, #tpu.memory_space<vmem>>, vector<1x16xf32>,
        %get3A_451 = vector.shape_cast %get3A_450 : vector<1x16xf32> to vector<16xf32>
        %add3A_452 = arith.addf %get3A_447, %get3A_451 : vector<16xf32>
        %get3A_453 = arith.index_cast %scan3A_367 : i32 to index
        %get3A_454 = arith.constant 64 : index
        %get3A_455 = tpu.vector_load %arg22[%get3A_453, %get3A_454] {strides = array<i32>} : memref<160x128xf32, #tpu.memory_space<vmem>>, vector<1x16xf32>,
        %get3A_456 = vector.shape_cast %get3A_455 : vector<1x16xf32> to vector<16xf32>
        %add3A_457 = arith.addf %add3A_452, %get3A_456 : vector<16xf32>
        %swap3A_458 = arith.index_cast %scan3A_367 : i32 to index
        %swap3A_459 = arith.constant 64 : index
        %swap3A_460 = tpu.vector_load %arg20[%swap3A_458, %swap3A_459] {strides = array<i32>} : memref<160x128xf32, #tpu.memory_space<vmem>>, vector<1x16xf32>,
        %swap3A_461 = vector.shape_cast %swap3A_460 : vector<1x16xf32> to vector<16xf32>
        %swap3A_462 = vector.shape_cast %add3A_457 : vector<16xf32> to vector<1x16xf32>
        tpu.vector_store %arg20[%swap3A_458, %swap3A_459], %swap3A_462 {strides = array<i32>} : memref<160x128xf32, #tpu.memory_space<vmem>>, vector<1x16xf32>,
        %get3A_463 = arith.index_cast %scan3A_367 : i32 to index
        %get3A_464 = arith.constant 80 : index
        %get3A_465 = tpu.vector_load %arg20[%get3A_463, %get3A_464] {strides = array<i32>} : memref<160x128xf32, #tpu.memory_space<vmem>>, vector<1x16xf32>,
        %get3A_466 = vector.shape_cast %get3A_465 : vector<1x16xf32> to vector<16xf32>
        %get3A_467 = arith.index_cast %scan3A_367 : i32 to index
        %get3A_468 = arith.constant 80 : index
        %get3A_469 = tpu.vector_load %arg21[%get3A_467, %get3A_468] {strides = array<i32>} : memref<160x128xf32, #tpu.memory_space<vmem>>, vector<1x16xf32>,
        %get3A_470 = vector.shape_cast %get3A_469 : vector<1x16xf32> to vector<16xf32>
        %add3A_471 = arith.addf %get3A_466, %get3A_470 : vector<16xf32>
        %get3A_472 = arith.index_cast %scan3A_367 : i32 to index
        %get3A_473 = arith.constant 80 : index
        %get3A_474 = tpu.vector_load %arg22[%get3A_472, %get3A_473] {strides = array<i32>} : memref<160x128xf32, #tpu.memory_space<vmem>>, vector<1x16xf32>,
        %get3A_475 = vector.shape_cast %get3A_474 : vector<1x16xf32> to vector<16xf32>
        %add3A_476 = arith.addf %add3A_471, %get3A_475 : vector<16xf32>
        %swap3A_477 = arith.index_cast %scan3A_367 : i32 to index
        %swap3A_478 = arith.constant 80 : index
        %swap3A_479 = tpu.vector_load %arg20[%swap3A_477, %swap3A_478] {strides = array<i32>} : memref<160x128xf32, #tpu.memory_space<vmem>>, vector<1x16xf32>,
        %swap3A_480 = vector.shape_cast %swap3A_479 : vector<1x16xf32> to vector<16xf32>
        %swap3A_481 = vector.shape_cast %add3A_476 : vector<16xf32> to vector<1x16xf32>
        tpu.vector_store %arg20[%swap3A_477, %swap3A_478], %swap3A_481 {strides = array<i32>} : memref<160x128xf32, #tpu.memory_space<vmem>>, vector<1x16xf32>,
        %get3A_482 = arith.index_cast %scan3A_367 : i32 to index
        %get3A_483 = arith.constant 96 : index
        %get3A_484 = tpu.vector_load %arg20[%get3A_482, %get3A_483] {strides = array<i32>} : memref<160x128xf32, #tpu.memory_space<vmem>>, vector<1x16xf32>,
        %get3A_485 = vector.shape_cast %get3A_484 : vector<1x16xf32> to vector<16xf32>
        %get3A_486 = arith.index_cast %scan3A_367 : i32 to index
        %get3A_487 = arith.constant 96 : index
        %get3A_488 = tpu.vector_load %arg21[%get3A_486, %get3A_487] {strides = array<i32>} : memref<160x128xf32, #tpu.memory_space<vmem>>, vector<1x16xf32>,
        %get3A_489 = vector.shape_cast %get3A_488 : vector<1x16xf32> to vector<16xf32>
        %add3A_490 = arith.addf %get3A_485, %get3A_489 : vector<16xf32>
        %get3A_491 = arith.index_cast %scan3A_367 : i32 to index
        %get3A_492 = arith.constant 96 : index
        %get3A_493 = tpu.vector_load %arg22[%get3A_491, %get3A_492] {strides = array<i32>} : memref<160x128xf32, #tpu.memory_space<vmem>>, vector<1x16xf32>,
        %get3A_494 = vector.shape_cast %get3A_493 : vector<1x16xf32> to vector<16xf32>
        %add3A_495 = arith.addf %add3A_490, %get3A_494 : vector<16xf32>
        %swap3A_496 = arith.index_cast %scan3A_367 : i32 to index
        %swap3A_497 = arith.constant 96 : index
        %swap3A_498 = tpu.vector_load %arg20[%swap3A_496, %swap3A_497] {strides = array<i32>} : memref<160x128xf32, #tpu.memory_space<vmem>>, vector<1x16xf32>,
        %swap3A_499 = vector.shape_cast %swap3A_498 : vector<1x16xf32> to vector<16xf32>
        %swap3A_500 = vector.shape_cast %add3A_495 : vector<16xf32> to vector<1x16xf32>
        tpu.vector_store %arg20[%swap3A_496, %swap3A_497], %swap3A_500 {strides = array<i32>} : memref<160x128xf32, #tpu.memory_space<vmem>>, vector<1x16xf32>,
        %get3A_501 = arith.index_cast %scan3A_367 : i32 to index
        %get3A_502 = arith.constant 112 : index
        %get3A_503 = tpu.vector_load %arg20[%get3A_501, %get3A_502] {strides = array<i32>} : memref<160x128xf32, #tpu.memory_space<vmem>>, vector<1x16xf32>,
        %get3A_504 = vector.shape_cast %get3A_503 : vector<1x16xf32> to vector<16xf32>
        %get3A_505 = arith.index_cast %scan3A_367 : i32 to index
        %get3A_506 = arith.constant 112 : index
        %get3A_507 = tpu.vector_load %arg21[%get3A_505, %get3A_506] {strides = array<i32>} : memref<160x128xf32, #tpu.memory_space<vmem>>, vector<1x16xf32>,
        %get3A_508 = vector.shape_cast %get3A_507 : vector<1x16xf32> to vector<16xf32>
        %add3A_509 = arith.addf %get3A_504, %get3A_508 : vector<16xf32>
        %get3A_510 = arith.index_cast %scan3A_367 : i32 to index
        %get3A_511 = arith.constant 112 : index
        %get3A_512 = tpu.vector_load %arg22[%get3A_510, %get3A_511] {strides = array<i32>} : memref<160x128xf32, #tpu.memory_space<vmem>>, vector<1x16xf32>,
        %get3A_513 = vector.shape_cast %get3A_512 : vector<1x16xf32> to vector<16xf32>
        %add3A_514 = arith.addf %add3A_509, %get3A_513 : vector<16xf32>
        %swap3A_515 = arith.index_cast %scan3A_367 : i32 to index
        %swap3A_516 = arith.constant 112 : index
        %swap3A_517 = tpu.vector_load %arg20[%swap3A_515, %swap3A_516] {strides = array<i32>} : memref<160x128xf32, #tpu.memory_space<vmem>>, vector<1x16xf32>,
        %swap3A_518 = vector.shape_cast %swap3A_517 : vector<1x16xf32> to vector<16xf32>
        %swap3A_519 = vector.shape_cast %add3A_514 : vector<16xf32> to vector<1x16xf32>
        tpu.vector_store %arg20[%swap3A_515, %swap3A_516], %swap3A_519 {strides = array<i32>} : memref<160x128xf32, #tpu.memory_space<vmem>>, vector<1x16xf32>,
        %scan3A_520 = arith.constant 2 : i32
        %scan3A_521 = arith.addi %scan3A_215, %scan3A_520 : i32
        %get3A_522 = arith.index_cast %scan3A_521 : i32 to index
        %get3A_523 = arith.constant 0 : index
        %get3A_524 = tpu.vector_load %arg20[%get3A_522, %get3A_523] {strides = array<i32>} : memref<160x128xf32, #tpu.memory_space<vmem>>, vector<1x16xf32>,
        %get3A_525 = vector.shape_cast %get3A_524 : vector<1x16xf32> to vector<16xf32>
        %get3A_526 = arith.index_cast %scan3A_521 : i32 to index
        %get3A_527 = arith.constant 0 : index
        %get3A_528 = tpu.vector_load %arg21[%get3A_526, %get3A_527] {strides = array<i32>} : memref<160x128xf32, #tpu.memory_space<vmem>>, vector<1x16xf32>,
        %get3A_529 = vector.shape_cast %get3A_528 : vector<1x16xf32> to vector<16xf32>
        %add3A_530 = arith.addf %get3A_525, %get3A_529 : vector<16xf32>
        %get3A_531 = arith.index_cast %scan3A_521 : i32 to index
        %get3A_532 = arith.constant 0 : index
        %get3A_533 = tpu.vector_load %arg22[%get3A_531, %get3A_532] {strides = array<i32>} : memref<160x128xf32, #tpu.memory_space<vmem>>, vector<1x16xf32>,
        %get3A_534 = vector.shape_cast %get3A_533 : vector<1x16xf32> to vector<16xf32>
        %add3A_535 = arith.addf %add3A_530, %get3A_534 : vector<16xf32>
        %swap3A_536 = arith.index_cast %scan3A_521 : i32 to index
        %swap3A_537 = arith.constant 0 : index
        %swap3A_538 = tpu.vector_load %arg20[%swap3A_536, %swap3A_537] {strides = array<i32>} : memref<160x128xf32, #tpu.memory_space<vmem>>, vector<1x16xf32>,
        %swap3A_539 = vector.shape_cast %swap3A_538 : vector<1x16xf32> to vector<16xf32>
        %swap3A_540 = vector.shape_cast %add3A_535 : vector<16xf32> to vector<1x16xf32>
        tpu.vector_store %arg20[%swap3A_536, %swap3A_537], %swap3A_540 {strides = array<i32>} : memref<160x128xf32, #tpu.memory_space<vmem>>, vector<1x16xf32>,
        %get3A_541 = arith.index_cast %scan3A_521 : i32 to index
        %get3A_542 = arith.constant 16 : index
        %get3A_543 = tpu.vector_load %arg20[%get3A_541, %get3A_542] {strides = array<i32>} : memref<160x128xf32, #tpu.memory_space<vmem>>, vector<1x16xf32>,
        %get3A_544 = vector.shape_cast %get3A_543 : vector<1x16xf32> to vector<16xf32>
        %get3A_545 = arith.index_cast %scan3A_521 : i32 to index
        %get3A_546 = arith.constant 16 : index
        %get3A_547 = tpu.vector_load %arg21[%get3A_545, %get3A_546] {strides = array<i32>} : memref<160x128xf32, #tpu.memory_space<vmem>>, vector<1x16xf32>,
        %get3A_548 = vector.shape_cast %get3A_547 : vector<1x16xf32> to vector<16xf32>
        %add3A_549 = arith.addf %get3A_544, %get3A_548 : vector<16xf32>
        %get3A_550 = arith.index_cast %scan3A_521 : i32 to index
        %get3A_551 = arith.constant 16 : index
        %get3A_552 = tpu.vector_load %arg22[%get3A_550, %get3A_551] {strides = array<i32>} : memref<160x128xf32, #tpu.memory_space<vmem>>, vector<1x16xf32>,
        %get3A_553 = vector.shape_cast %get3A_552 : vector<1x16xf32> to vector<16xf32>
        %add3A_554 = arith.addf %add3A_549, %get3A_553 : vector<16xf32>
        %swap3A_555 = arith.index_cast %scan3A_521 : i32 to index
        %swap3A_556 = arith.constant 16 : index
        %swap3A_557 = tpu.vector_load %arg20[%swap3A_555, %swap3A_556] {strides = array<i32>} : memref<160x128xf32, #tpu.memory_space<vmem>>, vector<1x16xf32>,
        %swap3A_558 = vector.shape_cast %swap3A_557 : vector<1x16xf32> to vector<16xf32>
        %swap3A_559 = vector.shape_cast %add3A_554 : vector<16xf32> to vector<1x16xf32>
        tpu.vector_store %arg20[%swap3A_555, %swap3A_556], %swap3A_559 {strides = array<i32>} : memref<160x128xf32, #tpu.memory_space<vmem>>, vector<1x16xf32>,
        %get3A_560 = arith.index_cast %scan3A_521 : i32 to index
        %get3A_561 = arith.constant 32 : index
        %get3A_562 = tpu.vector_load %arg20[%get3A_560, %get3A_561] {strides = array<i32>} : memref<160x128xf32, #tpu.memory_space<vmem>>, vector<1x16xf32>,
        %get3A_563 = vector.shape_cast %get3A_562 : vector<1x16xf32> to vector<16xf32>
        %get3A_564 = arith.index_cast %scan3A_521 : i32 to index
        %get3A_565 = arith.constant 32 : index
        %get3A_566 = tpu.vector_load %arg21[%get3A_564, %get3A_565] {strides = array<i32>} : memref<160x128xf32, #tpu.memory_space<vmem>>, vector<1x16xf32>,
        %get3A_567 = vector.shape_cast %get3A_566 : vector<1x16xf32> to vector<16xf32>
        %add3A_568 = arith.addf %get3A_563, %get3A_567 : vector<16xf32>
        %get3A_569 = arith.index_cast %scan3A_521 : i32 to index
        %get3A_570 = arith.constant 32 : index
        %get3A_571 = tpu.vector_load %arg22[%get3A_569, %get3A_570] {strides = array<i32>} : memref<160x128xf32, #tpu.memory_space<vmem>>, vector<1x16xf32>,
        %get3A_572 = vector.shape_cast %get3A_571 : vector<1x16xf32> to vector<16xf32>
        %add3A_573 = arith.addf %add3A_568, %get3A_572 : vector<16xf32>
        %swap3A_574 = arith.index_cast %scan3A_521 : i32 to index
        %swap3A_575 = arith.constant 32 : index
        %swap3A_576 = tpu.vector_load %arg20[%swap3A_574, %swap3A_575] {strides = array<i32>} : memref<160x128xf32, #tpu.memory_space<vmem>>, vector<1x16xf32>,
        %swap3A_577 = vector.shape_cast %swap3A_576 : vector<1x16xf32> to vector<16xf32>
        %swap3A_578 = vector.shape_cast %add3A_573 : vector<16xf32> to vector<1x16xf32>
        tpu.vector_store %arg20[%swap3A_574, %swap3A_575], %swap3A_578 {strides = array<i32>} : memref<160x128xf32, #tpu.memory_space<vmem>>, vector<1x16xf32>,
        %get3A_579 = arith.index_cast %scan3A_521 : i32 to index
        %get3A_580 = arith.constant 48 : index
        %get3A_581 = tpu.vector_load %arg20[%get3A_579, %get3A_580] {strides = array<i32>} : memref<160x128xf32, #tpu.memory_space<vmem>>, vector<1x16xf32>,
        %get3A_582 = vector.shape_cast %get3A_581 : vector<1x16xf32> to vector<16xf32>
        %get3A_583 = arith.index_cast %scan3A_521 : i32 to index
        %get3A_584 = arith.constant 48 : index
        %get3A_585 = tpu.vector_load %arg21[%get3A_583, %get3A_584] {strides = array<i32>} : memref<160x128xf32, #tpu.memory_space<vmem>>, vector<1x16xf32>,
        %get3A_586 = vector.shape_cast %get3A_585 : vector<1x16xf32> to vector<16xf32>
        %add3A_587 = arith.addf %get3A_582, %get3A_586 : vector<16xf32>
        %get3A_588 = arith.index_cast %scan3A_521 : i32 to index
        %get3A_589 = arith.constant 48 : index
        %get3A_590 = tpu.vector_load %arg22[%get3A_588, %get3A_589] {strides = array<i32>} : memref<160x128xf32, #tpu.memory_space<vmem>>, vector<1x16xf32>,
        %get3A_591 = vector.shape_cast %get3A_590 : vector<1x16xf32> to vector<16xf32>
        %add3A_592 = arith.addf %add3A_587, %get3A_591 : vector<16xf32>
        %swap3A_593 = arith.index_cast %scan3A_521 : i32 to index
        %swap3A_594 = arith.constant 48 : index
        %swap3A_595 = tpu.vector_load %arg20[%swap3A_593, %swap3A_594] {strides = array<i32>} : memref<160x128xf32, #tpu.memory_space<vmem>>, vector<1x16xf32>,
        %swap3A_596 = vector.shape_cast %swap3A_595 : vector<1x16xf32> to vector<16xf32>
        %swap3A_597 = vector.shape_cast %add3A_592 : vector<16xf32> to vector<1x16xf32>
        tpu.vector_store %arg20[%swap3A_593, %swap3A_594], %swap3A_597 {strides = array<i32>} : memref<160x128xf32, #tpu.memory_space<vmem>>, vector<1x16xf32>,
        %get3A_598 = arith.index_cast %scan3A_521 : i32 to index
        %get3A_599 = arith.constant 64 : index
        %get3A_600 = tpu.vector_load %arg20[%get3A_598, %get3A_599] {strides = array<i32>} : memref<160x128xf32, #tpu.memory_space<vmem>>, vector<1x16xf32>,
        %get3A_601 = vector.shape_cast %get3A_600 : vector<1x16xf32> to vector<16xf32>
        %get3A_602 = arith.index_cast %scan3A_521 : i32 to index
        %get3A_603 = arith.constant 64 : index
        %get3A_604 = tpu.vector_load %arg21[%get3A_602, %get3A_603] {strides = array<i32>} : memref<160x128xf32, #tpu.memory_space<vmem>>, vector<1x16xf32>,
        %get3A_605 = vector.shape_cast %get3A_604 : vector<1x16xf32> to vector<16xf32>
        %add3A_606 = arith.addf %get3A_601, %get3A_605 : vector<16xf32>
        %get3A_607 = arith.index_cast %scan3A_521 : i32 to index
        %get3A_608 = arith.constant 64 : index
        %get3A_609 = tpu.vector_load %arg22[%get3A_607, %get3A_608] {strides = array<i32>} : memref<160x128xf32, #tpu.memory_space<vmem>>, vector<1x16xf32>,
        %get3A_610 = vector.shape_cast %get3A_609 : vector<1x16xf32> to vector<16xf32>
        %add3A_611 = arith.addf %add3A_606, %get3A_610 : vector<16xf32>
        %swap3A_612 = arith.index_cast %scan3A_521 : i32 to index
        %swap3A_613 = arith.constant 64 : index
        %swap3A_614 = tpu.vector_load %arg20[%swap3A_612, %swap3A_613] {strides = array<i32>} : memref<160x128xf32, #tpu.memory_space<vmem>>, vector<1x16xf32>,
        %swap3A_615 = vector.shape_cast %swap3A_614 : vector<1x16xf32> to vector<16xf32>
        %swap3A_616 = vector.shape_cast %add3A_611 : vector<16xf32> to vector<1x16xf32>
        tpu.vector_store %arg20[%swap3A_612, %swap3A_613], %swap3A_616 {strides = array<i32>} : memref<160x128xf32, #tpu.memory_space<vmem>>, vector<1x16xf32>,
        %get3A_617 = arith.index_cast %scan3A_521 : i32 to index
        %get3A_618 = arith.constant 80 : index
        %get3A_619 = tpu.vector_load %arg20[%get3A_617, %get3A_618] {strides = array<i32>} : memref<160x128xf32, #tpu.memory_space<vmem>>, vector<1x16xf32>,
        %get3A_620 = vector.shape_cast %get3A_619 : vector<1x16xf32> to vector<16xf32>
        %get3A_621 = arith.index_cast %scan3A_521 : i32 to index
        %get3A_622 = arith.constant 80 : index
        %get3A_623 = tpu.vector_load %arg21[%get3A_621, %get3A_622] {strides = array<i32>} : memref<160x128xf32, #tpu.memory_space<vmem>>, vector<1x16xf32>,
        %get3A_624 = vector.shape_cast %get3A_623 : vector<1x16xf32> to vector<16xf32>
        %add3A_625 = arith.addf %get3A_620, %get3A_624 : vector<16xf32>
        %get3A_626 = arith.index_cast %scan3A_521 : i32 to index
        %get3A_627 = arith.constant 80 : index
        %get3A_628 = tpu.vector_load %arg22[%get3A_626, %get3A_627] {strides = array<i32>} : memref<160x128xf32, #tpu.memory_space<vmem>>, vector<1x16xf32>,
        %get3A_629 = vector.shape_cast %get3A_628 : vector<1x16xf32> to vector<16xf32>
        %add3A_630 = arith.addf %add3A_625, %get3A_629 : vector<16xf32>
        %swap3A_631 = arith.index_cast %scan3A_521 : i32 to index
        %swap3A_632 = arith.constant 80 : index
        %swap3A_633 = tpu.vector_load %arg20[%swap3A_631, %swap3A_632] {strides = array<i32>} : memref<160x128xf32, #tpu.memory_space<vmem>>, vector<1x16xf32>,
        %swap3A_634 = vector.shape_cast %swap3A_633 : vector<1x16xf32> to vector<16xf32>
        %swap3A_635 = vector.shape_cast %add3A_630 : vector<16xf32> to vector<1x16xf32>
        tpu.vector_store %arg20[%swap3A_631, %swap3A_632], %swap3A_635 {strides = array<i32>} : memref<160x128xf32, #tpu.memory_space<vmem>>, vector<1x16xf32>,
        %get3A_636 = arith.index_cast %scan3A_521 : i32 to index
        %get3A_637 = arith.constant 96 : index
        %get3A_638 = tpu.vector_load %arg20[%get3A_636, %get3A_637] {strides = array<i32>} : memref<160x128xf32, #tpu.memory_space<vmem>>, vector<1x16xf32>,
        %get3A_639 = vector.shape_cast %get3A_638 : vector<1x16xf32> to vector<16xf32>
        %get3A_640 = arith.index_cast %scan3A_521 : i32 to index
        %get3A_641 = arith.constant 96 : index
        %get3A_642 = tpu.vector_load %arg21[%get3A_640, %get3A_641] {strides = array<i32>} : memref<160x128xf32, #tpu.memory_space<vmem>>, vector<1x16xf32>,
        %get3A_643 = vector.shape_cast %get3A_642 : vector<1x16xf32> to vector<16xf32>
        %add3A_644 = arith.addf %get3A_639, %get3A_643 : vector<16xf32>
        %get3A_645 = arith.index_cast %scan3A_521 : i32 to index
        %get3A_646 = arith.constant 96 : index
        %get3A_647 = tpu.vector_load %arg22[%get3A_645, %get3A_646] {strides = array<i32>} : memref<160x128xf32, #tpu.memory_space<vmem>>, vector<1x16xf32>,
        %get3A_648 = vector.shape_cast %get3A_647 : vector<1x16xf32> to vector<16xf32>
        %add3A_649 = arith.addf %add3A_644, %get3A_648 : vector<16xf32>
        %swap3A_650 = arith.index_cast %scan3A_521 : i32 to index
        %swap3A_651 = arith.constant 96 : index
        %swap3A_652 = tpu.vector_load %arg20[%swap3A_650, %swap3A_651] {strides = array<i32>} : memref<160x128xf32, #tpu.memory_space<vmem>>, vector<1x16xf32>,
        %swap3A_653 = vector.shape_cast %swap3A_652 : vector<1x16xf32> to vector<16xf32>
        %swap3A_654 = vector.shape_cast %add3A_649 : vector<16xf32> to vector<1x16xf32>
        tpu.vector_store %arg20[%swap3A_650, %swap3A_651], %swap3A_654 {strides = array<i32>} : memref<160x128xf32, #tpu.memory_space<vmem>>, vector<1x16xf32>,
        %get3A_655 = arith.index_cast %scan3A_521 : i32 to index
        %get3A_656 = arith.constant 112 : index
        %get3A_657 = tpu.vector_load %arg20[%get3A_655, %get3A_656] {strides = array<i32>} : memref<160x128xf32, #tpu.memory_space<vmem>>, vector<1x16xf32>,
        %get3A_658 = vector.shape_cast %get3A_657 : vector<1x16xf32> to vector<16xf32>
        %get3A_659 = arith.index_cast %scan3A_521 : i32 to index
        %get3A_660 = arith.constant 112 : index
        %get3A_661 = tpu.vector_load %arg21[%get3A_659, %get3A_660] {strides = array<i32>} : memref<160x128xf32, #tpu.memory_space<vmem>>, vector<1x16xf32>,
        %get3A_662 = vector.shape_cast %get3A_661 : vector<1x16xf32> to vector<16xf32>
        %add3A_663 = arith.addf %get3A_658, %get3A_662 : vector<16xf32>
        %get3A_664 = arith.index_cast %scan3A_521 : i32 to index
        %get3A_665 = arith.constant 112 : index
        %get3A_666 = tpu.vector_load %arg22[%get3A_664, %get3A_665] {strides = array<i32>} : memref<160x128xf32, #tpu.memory_space<vmem>>, vector<1x16xf32>,
        %get3A_667 = vector.shape_cast %get3A_666 : vector<1x16xf32> to vector<16xf32>
        %add3A_668 = arith.addf %add3A_663, %get3A_667 : vector<16xf32>
        %swap3A_669 = arith.index_cast %scan3A_521 : i32 to index
        %swap3A_670 = arith.constant 112 : index
        %swap3A_671 = tpu.vector_load %arg20[%swap3A_669, %swap3A_670] {strides = array<i32>} : memref<160x128xf32, #tpu.memory_space<vmem>>, vector<1x16xf32>,
        %swap3A_672 = vector.shape_cast %swap3A_671 : vector<1x16xf32> to vector<16xf32>
        %swap3A_673 = vector.shape_cast %add3A_668 : vector<16xf32> to vector<1x16xf32>
        tpu.vector_store %arg20[%swap3A_669, %swap3A_670], %swap3A_673 {strides = array<i32>} : memref<160x128xf32, #tpu.memory_space<vmem>>, vector<1x16xf32>,
        %scan3A_674 = arith.constant 3 : i32
        %scan3A_675 = arith.addi %scan3A_215, %scan3A_674 : i32
        %get3A_676 = arith.index_cast %scan3A_675 : i32 to index
        %get3A_677 = arith.constant 0 : index
        %get3A_678 = tpu.vector_load %arg20[%get3A_676, %get3A_677] {strides = array<i32>} : memref<160x128xf32, #tpu.memory_space<vmem>>, vector<1x16xf32>,
        %get3A_679 = vector.shape_cast %get3A_678 : vector<1x16xf32> to vector<16xf32>
        %get3A_680 = arith.index_cast %scan3A_675 : i32 to index
        %get3A_681 = arith.constant 0 : index
        %get3A_682 = tpu.vector_load %arg21[%get3A_680, %get3A_681] {strides = array<i32>} : memref<160x128xf32, #tpu.memory_space<vmem>>, vector<1x16xf32>,
        %get3A_683 = vector.shape_cast %get3A_682 : vector<1x16xf32> to vector<16xf32>
        %add3A_684 = arith.addf %get3A_679, %get3A_683 : vector<16xf32>
        %get3A_685 = arith.index_cast %scan3A_675 : i32 to index
        %get3A_686 = arith.constant 0 : index
        %get3A_687 = tpu.vector_load %arg22[%get3A_685, %get3A_686] {strides = array<i32>} : memref<160x128xf32, #tpu.memory_space<vmem>>, vector<1x16xf32>,
        %get3A_688 = vector.shape_cast %get3A_687 : vector<1x16xf32> to vector<16xf32>
        %add3A_689 = arith.addf %add3A_684, %get3A_688 : vector<16xf32>
        %swap3A_690 = arith.index_cast %scan3A_675 : i32 to index
        %swap3A_691 = arith.constant 0 : index
        %swap3A_692 = tpu.vector_load %arg20[%swap3A_690, %swap3A_691] {strides = array<i32>} : memref<160x128xf32, #tpu.memory_space<vmem>>, vector<1x16xf32>,
        %swap3A_693 = vector.shape_cast %swap3A_692 : vector<1x16xf32> to vector<16xf32>
        %swap3A_694 = vector.shape_cast %add3A_689 : vector<16xf32> to vector<1x16xf32>
        tpu.vector_store %arg20[%swap3A_690, %swap3A_691], %swap3A_694 {strides = array<i32>} : memref<160x128xf32, #tpu.memory_space<vmem>>, vector<1x16xf32>,
        %get3A_695 = arith.index_cast %scan3A_675 : i32 to index
        %get3A_696 = arith.constant 16 : index
        %get3A_697 = tpu.vector_load %arg20[%get3A_695, %get3A_696] {strides = array<i32>} : memref<160x128xf32, #tpu.memory_space<vmem>>, vector<1x16xf32>,
        %get3A_698 = vector.shape_cast %get3A_697 : vector<1x16xf32> to vector<16xf32>
        %get3A_699 = arith.index_cast %scan3A_675 : i32 to index
        %get3A_700 = arith.constant 16 : index
        %get3A_701 = tpu.vector_load %arg21[%get3A_699, %get3A_700] {strides = array<i32>} : memref<160x128xf32, #tpu.memory_space<vmem>>, vector<1x16xf32>,
        %get3A_702 = vector.shape_cast %get3A_701 : vector<1x16xf32> to vector<16xf32>
        %add3A_703 = arith.addf %get3A_698, %get3A_702 : vector<16xf32>
        %get3A_704 = arith.index_cast %scan3A_675 : i32 to index
        %get3A_705 = arith.constant 16 : index
        %get3A_706 = tpu.vector_load %arg22[%get3A_704, %get3A_705] {strides = array<i32>} : memref<160x128xf32, #tpu.memory_space<vmem>>, vector<1x16xf32>,
        %get3A_707 = vector.shape_cast %get3A_706 : vector<1x16xf32> to vector<16xf32>
        %add3A_708 = arith.addf %add3A_703, %get3A_707 : vector<16xf32>
        %swap3A_709 = arith.index_cast %scan3A_675 : i32 to index
        %swap3A_710 = arith.constant 16 : index
        %swap3A_711 = tpu.vector_load %arg20[%swap3A_709, %swap3A_710] {strides = array<i32>} : memref<160x128xf32, #tpu.memory_space<vmem>>, vector<1x16xf32>,
        %swap3A_712 = vector.shape_cast %swap3A_711 : vector<1x16xf32> to vector<16xf32>
        %swap3A_713 = vector.shape_cast %add3A_708 : vector<16xf32> to vector<1x16xf32>
        tpu.vector_store %arg20[%swap3A_709, %swap3A_710], %swap3A_713 {strides = array<i32>} : memref<160x128xf32, #tpu.memory_space<vmem>>, vector<1x16xf32>,
        %get3A_714 = arith.index_cast %scan3A_675 : i32 to index
        %get3A_715 = arith.constant 32 : index
        %get3A_716 = tpu.vector_load %arg20[%get3A_714, %get3A_715] {strides = array<i32>} : memref<160x128xf32, #tpu.memory_space<vmem>>, vector<1x16xf32>,
        %get3A_717 = vector.shape_cast %get3A_716 : vector<1x16xf32> to vector<16xf32>
        %get3A_718 = arith.index_cast %scan3A_675 : i32 to index
        %get3A_719 = arith.constant 32 : index
        %get3A_720 = tpu.vector_load %arg21[%get3A_718, %get3A_719] {strides = array<i32>} : memref<160x128xf32, #tpu.memory_space<vmem>>, vector<1x16xf32>,
        %get3A_721 = vector.shape_cast %get3A_720 : vector<1x16xf32> to vector<16xf32>
        %add3A_722 = arith.addf %get3A_717, %get3A_721 : vector<16xf32>
        %get3A_723 = arith.index_cast %scan3A_675 : i32 to index
        %get3A_724 = arith.constant 32 : index
        %get3A_725 = tpu.vector_load %arg22[%get3A_723, %get3A_724] {strides = array<i32>} : memref<160x128xf32, #tpu.memory_space<vmem>>, vector<1x16xf32>,
        %get3A_726 = vector.shape_cast %get3A_725 : vector<1x16xf32> to vector<16xf32>
        %add3A_727 = arith.addf %add3A_722, %get3A_726 : vector<16xf32>
        %swap3A_728 = arith.index_cast %scan3A_675 : i32 to index
        %swap3A_729 = arith.constant 32 : index
        %swap3A_730 = tpu.vector_load %arg20[%swap3A_728, %swap3A_729] {strides = array<i32>} : memref<160x128xf32, #tpu.memory_space<vmem>>, vector<1x16xf32>,
        %swap3A_731 = vector.shape_cast %swap3A_730 : vector<1x16xf32> to vector<16xf32>
        %swap3A_732 = vector.shape_cast %add3A_727 : vector<16xf32> to vector<1x16xf32>
        tpu.vector_store %arg20[%swap3A_728, %swap3A_729], %swap3A_732 {strides = array<i32>} : memref<160x128xf32, #tpu.memory_space<vmem>>, vector<1x16xf32>,
        %get3A_733 = arith.index_cast %scan3A_675 : i32 to index
        %get3A_734 = arith.constant 48 : index
        %get3A_735 = tpu.vector_load %arg20[%get3A_733, %get3A_734] {strides = array<i32>} : memref<160x128xf32, #tpu.memory_space<vmem>>, vector<1x16xf32>,
        %get3A_736 = vector.shape_cast %get3A_735 : vector<1x16xf32> to vector<16xf32>
        %get3A_737 = arith.index_cast %scan3A_675 : i32 to index
        %get3A_738 = arith.constant 48 : index
        %get3A_739 = tpu.vector_load %arg21[%get3A_737, %get3A_738] {strides = array<i32>} : memref<160x128xf32, #tpu.memory_space<vmem>>, vector<1x16xf32>,
        %get3A_740 = vector.shape_cast %get3A_739 : vector<1x16xf32> to vector<16xf32>
        %add3A_741 = arith.addf %get3A_736, %get3A_740 : vector<16xf32>
        %get3A_742 = arith.index_cast %scan3A_675 : i32 to index
        %get3A_743 = arith.constant 48 : index
        %get3A_744 = tpu.vector_load %arg22[%get3A_742, %get3A_743] {strides = array<i32>} : memref<160x128xf32, #tpu.memory_space<vmem>>, vector<1x16xf32>,
        %get3A_745 = vector.shape_cast %get3A_744 : vector<1x16xf32> to vector<16xf32>
        %add3A_746 = arith.addf %add3A_741, %get3A_745 : vector<16xf32>
        %swap3A_747 = arith.index_cast %scan3A_675 : i32 to index
        %swap3A_748 = arith.constant 48 : index
        %swap3A_749 = tpu.vector_load %arg20[%swap3A_747, %swap3A_748] {strides = array<i32>} : memref<160x128xf32, #tpu.memory_space<vmem>>, vector<1x16xf32>,
        %swap3A_750 = vector.shape_cast %swap3A_749 : vector<1x16xf32> to vector<16xf32>
        %swap3A_751 = vector.shape_cast %add3A_746 : vector<16xf32> to vector<1x16xf32>
        tpu.vector_store %arg20[%swap3A_747, %swap3A_748], %swap3A_751 {strides = array<i32>} : memref<160x128xf32, #tpu.memory_space<vmem>>, vector<1x16xf32>,
        %get3A_752 = arith.index_cast %scan3A_675 : i32 to index
        %get3A_753 = arith.constant 64 : index
        %get3A_754 = tpu.vector_load %arg20[%get3A_752, %get3A_753] {strides = array<i32>} : memref<160x128xf32, #tpu.memory_space<vmem>>, vector<1x16xf32>,
        %get3A_755 = vector.shape_cast %get3A_754 : vector<1x16xf32> to vector<16xf32>
        %get3A_756 = arith.index_cast %scan3A_675 : i32 to index
        %get3A_757 = arith.constant 64 : index
        %get3A_758 = tpu.vector_load %arg21[%get3A_756, %get3A_757] {strides = array<i32>} : memref<160x128xf32, #tpu.memory_space<vmem>>, vector<1x16xf32>,
        %get3A_759 = vector.shape_cast %get3A_758 : vector<1x16xf32> to vector<16xf32>
        %add3A_760 = arith.addf %get3A_755, %get3A_759 : vector<16xf32>
        %get3A_761 = arith.index_cast %scan3A_675 : i32 to index
        %get3A_762 = arith.constant 64 : index
        %get3A_763 = tpu.vector_load %arg22[%get3A_761, %get3A_762] {strides = array<i32>} : memref<160x128xf32, #tpu.memory_space<vmem>>, vector<1x16xf32>,
        %get3A_764 = vector.shape_cast %get3A_763 : vector<1x16xf32> to vector<16xf32>
        %add3A_765 = arith.addf %add3A_760, %get3A_764 : vector<16xf32>
        %swap3A_766 = arith.index_cast %scan3A_675 : i32 to index
        %swap3A_767 = arith.constant 64 : index
        %swap3A_768 = tpu.vector_load %arg20[%swap3A_766, %swap3A_767] {strides = array<i32>} : memref<160x128xf32, #tpu.memory_space<vmem>>, vector<1x16xf32>,
        %swap3A_769 = vector.shape_cast %swap3A_768 : vector<1x16xf32> to vector<16xf32>
        %swap3A_770 = vector.shape_cast %add3A_765 : vector<16xf32> to vector<1x16xf32>
        tpu.vector_store %arg20[%swap3A_766, %swap3A_767], %swap3A_770 {strides = array<i32>} : memref<160x128xf32, #tpu.memory_space<vmem>>, vector<1x16xf32>,
        %get3A_771 = arith.index_cast %scan3A_675 : i32 to index
        %get3A_772 = arith.constant 80 : index
        %get3A_773 = tpu.vector_load %arg20[%get3A_771, %get3A_772] {strides = array<i32>} : memref<160x128xf32, #tpu.memory_space<vmem>>, vector<1x16xf32>,
        %get3A_774 = vector.shape_cast %get3A_773 : vector<1x16xf32> to vector<16xf32>
        %get3A_775 = arith.index_cast %scan3A_675 : i32 to index
        %get3A_776 = arith.constant 80 : index
        %get3A_777 = tpu.vector_load %arg21[%get3A_775, %get3A_776] {strides = array<i32>} : memref<160x128xf32, #tpu.memory_space<vmem>>, vector<1x16xf32>,
        %get3A_778 = vector.shape_cast %get3A_777 : vector<1x16xf32> to vector<16xf32>
        %add3A_779 = arith.addf %get3A_774, %get3A_778 : vector<16xf32>
        %get3A_780 = arith.index_cast %scan3A_675 : i32 to index
        %get3A_781 = arith.constant 80 : index
        %get3A_782 = tpu.vector_load %arg22[%get3A_780, %get3A_781] {strides = array<i32>} : memref<160x128xf32, #tpu.memory_space<vmem>>, vector<1x16xf32>,
        %get3A_783 = vector.shape_cast %get3A_782 : vector<1x16xf32> to vector<16xf32>
        %add3A_784 = arith.addf %add3A_779, %get3A_783 : vector<16xf32>
        %swap3A_785 = arith.index_cast %scan3A_675 : i32 to index
        %swap3A_786 = arith.constant 80 : index
        %swap3A_787 = tpu.vector_load %arg20[%swap3A_785, %swap3A_786] {strides = array<i32>} : memref<160x128xf32, #tpu.memory_space<vmem>>, vector<1x16xf32>,
        %swap3A_788 = vector.shape_cast %swap3A_787 : vector<1x16xf32> to vector<16xf32>
        %swap3A_789 = vector.shape_cast %add3A_784 : vector<16xf32> to vector<1x16xf32>
        tpu.vector_store %arg20[%swap3A_785, %swap3A_786], %swap3A_789 {strides = array<i32>} : memref<160x128xf32, #tpu.memory_space<vmem>>, vector<1x16xf32>,
        %get3A_790 = arith.index_cast %scan3A_675 : i32 to index
        %get3A_791 = arith.constant 96 : index
        %get3A_792 = tpu.vector_load %arg20[%get3A_790, %get3A_791] {strides = array<i32>} : memref<160x128xf32, #tpu.memory_space<vmem>>, vector<1x16xf32>,
        %get3A_793 = vector.shape_cast %get3A_792 : vector<1x16xf32> to vector<16xf32>
        %get3A_794 = arith.index_cast %scan3A_675 : i32 to index
        %get3A_795 = arith.constant 96 : index
        %get3A_796 = tpu.vector_load %arg21[%get3A_794, %get3A_795] {strides = array<i32>} : memref<160x128xf32, #tpu.memory_space<vmem>>, vector<1x16xf32>,
        %get3A_797 = vector.shape_cast %get3A_796 : vector<1x16xf32> to vector<16xf32>
        %add3A_798 = arith.addf %get3A_793, %get3A_797 : vector<16xf32>
        %get3A_799 = arith.index_cast %scan3A_675 : i32 to index
        %get3A_800 = arith.constant 96 : index
        %get3A_801 = tpu.vector_load %arg22[%get3A_799, %get3A_800] {strides = array<i32>} : memref<160x128xf32, #tpu.memory_space<vmem>>, vector<1x16xf32>,
        %get3A_802 = vector.shape_cast %get3A_801 : vector<1x16xf32> to vector<16xf32>
        %add3A_803 = arith.addf %add3A_798, %get3A_802 : vector<16xf32>
        %swap3A_804 = arith.index_cast %scan3A_675 : i32 to index
        %swap3A_805 = arith.constant 96 : index
        %swap3A_806 = tpu.vector_load %arg20[%swap3A_804, %swap3A_805] {strides = array<i32>} : memref<160x128xf32, #tpu.memory_space<vmem>>, vector<1x16xf32>,
        %swap3A_807 = vector.shape_cast %swap3A_806 : vector<1x16xf32> to vector<16xf32>
        %swap3A_808 = vector.shape_cast %add3A_803 : vector<16xf32> to vector<1x16xf32>
        tpu.vector_store %arg20[%swap3A_804, %swap3A_805], %swap3A_808 {strides = array<i32>} : memref<160x128xf32, #tpu.memory_space<vmem>>, vector<1x16xf32>,
        %get3A_809 = arith.index_cast %scan3A_675 : i32 to index
        %get3A_810 = arith.constant 112 : index
        %get3A_811 = tpu.vector_load %arg20[%get3A_809, %get3A_810] {strides = array<i32>} : memref<160x128xf32, #tpu.memory_space<vmem>>, vector<1x16xf32>,
        %get3A_812 = vector.shape_cast %get3A_811 : vector<1x16xf32> to vector<16xf32>
        %get3A_813 = arith.index_cast %scan3A_675 : i32 to index
        %get3A_814 = arith.constant 112 : index
        %get3A_815 = tpu.vector_load %arg21[%get3A_813, %get3A_814] {strides = array<i32>} : memref<160x128xf32, #tpu.memory_space<vmem>>, vector<1x16xf32>,
        %get3A_816 = vector.shape_cast %get3A_815 : vector<1x16xf32> to vector<16xf32>
        %add3A_817 = arith.addf %get3A_812, %get3A_816 : vector<16xf32>
        %get3A_818 = arith.index_cast %scan3A_675 : i32 to index
        %get3A_819 = arith.constant 112 : index
        %get3A_820 = tpu.vector_load %arg22[%get3A_818, %get3A_819] {strides = array<i32>} : memref<160x128xf32, #tpu.memory_space<vmem>>, vector<1x16xf32>,
        %get3A_821 = vector.shape_cast %get3A_820 : vector<1x16xf32> to vector<16xf32>
        %add3A_822 = arith.addf %add3A_817, %get3A_821 : vector<16xf32>
        %swap3A_823 = arith.index_cast %scan3A_675 : i32 to index
        %swap3A_824 = arith.constant 112 : index
        %swap3A_825 = tpu.vector_load %arg20[%swap3A_823, %swap3A_824] {strides = array<i32>} : memref<160x128xf32, #tpu.memory_space<vmem>>, vector<1x16xf32>,
        %swap3A_826 = vector.shape_cast %swap3A_825 : vector<1x16xf32> to vector<16xf32>
        %swap3A_827 = vector.shape_cast %add3A_822 : vector<16xf32> to vector<1x16xf32>
        tpu.vector_store %arg20[%swap3A_823, %swap3A_824], %swap3A_827 {strides = array<i32>} : memref<160x128xf32, #tpu.memory_space<vmem>>, vector<1x16xf32>,
      }
      %scan3A_211 = arith.constant 160 : i32
      %mul3A_212 = arith.constant 160 : i32
      %mul3A_213 = arith.muli %add3A_205, %mul3A_212 : i32
      %add3A_214 = arith.addi %mul3A_2, %mul3A_213 : i32
      "tpu.region"() ({
        %run_scoped3A = tpu.sem_alloc : memref<!tpu.dma_semaphore, #tpu.memory_space<semaphore_mem>>
        %dma_start3A_215 = arith.constant 0 : i32
        %dma_start3A_216 = tpu.memref_slice %arg8[%add3A_214, %dma_start3A_215] : memref<640000x128xf32, #tpu.memory_space<hbm>> -> memref<160x128xf32, #tpu.memory_space<hbm>>
        %dma_start3A_217 = arith.constant 0 : i32
        %dma_start3A_218 = tpu.memref_slice %arg8[%add3A_214, %dma_start3A_217] : memref<640000x128xf32, #tpu.memory_space<hbm>> -> memref<160x128xf32, #tpu.memory_space<hbm>>
        tpu.enqueue_dma source(%arg20 : memref<160x128xf32, #tpu.memory_space<vmem>>) target(%dma_start3A_218 : memref<160x128xf32, #tpu.memory_space<hbm>>) target_semaphore(%run_scoped3A : memref<!tpu.dma_semaphore, #tpu.memory_space<semaphore_mem>>)
        %dma_wait3A_219 = arith.constant 0 : i32
        %dma_wait3A_220 = tpu.memref_slice %arg8[%add3A_214, %dma_wait3A_219] : memref<640000x128xf32, #tpu.memory_space<hbm>> -> memref<160x128xf32, #tpu.memory_space<hbm>>
        %dma_wait3A_221 = arith.constant 0 : i32
        %dma_wait3A_222 = tpu.memref_slice %arg8[%add3A_214, %dma_wait3A_221] : memref<640000x128xf32, #tpu.memory_space<hbm>> -> memref<160x128xf32, #tpu.memory_space<hbm>>
        tpu.wait_dma2 semaphore(%run_scoped3A : memref<!tpu.dma_semaphore, #tpu.memory_space<semaphore_mem>>) src(%arg20 : memref<160x128xf32, #tpu.memory_space<vmem>>) dst(%dma_wait3A_222 : memref<160x128xf32, #tpu.memory_space<hbm>>)
        tpu.yield
      }) : () -> ()
    }
    %scan3A_49 = arith.constant 62 : i32
    %dma_wait3A_50 = arith.constant 0 : i32
    %dma_wait3A_51 = tpu.memref_slice %arg5[%dma_wait3A_50] : memref<640000xi32, #tpu.memory_space<hbm>> -> memref<160xi32, #tpu.memory_space<hbm>>
    %dma_wait3A_52 = arith.constant 0 : i32
    %dma_wait3A_53 = tpu.memref_slice %arg5[%dma_wait3A_52] : memref<640000xi32, #tpu.memory_space<hbm>> -> memref<160xi32, #tpu.memory_space<hbm>>
    tpu.wait_dma2 semaphore(%arg24 : memref<!tpu.dma_semaphore, #tpu.memory_space<semaphore_mem>>) src(%dma_wait3A_53 : memref<160xi32, #tpu.memory_space<hbm>>) dst(%arg17 : memref<160xi32, #tpu.memory_space<vmem>>)
    %dma_wait3A_54 = arith.constant 0 : i32
    %dma_wait3A_55 = tpu.memref_slice %arg6[%dma_wait3A_54] : memref<640000xi32, #tpu.memory_space<hbm>> -> memref<160xi32, #tpu.memory_space<hbm>>
    %dma_wait3A_56 = arith.constant 0 : i32
    %dma_wait3A_57 = tpu.memref_slice %arg6[%dma_wait3A_56] : memref<640000xi32, #tpu.memory_space<hbm>> -> memref<160xi32, #tpu.memory_space<hbm>>
    tpu.wait_dma2 semaphore(%arg24 : memref<!tpu.dma_semaphore, #tpu.memory_space<semaphore_mem>>) src(%dma_wait3A_57 : memref<160xi32, #tpu.memory_space<hbm>>) dst(%arg18 : memref<160xi32, #tpu.memory_space<vmem>>)
    %dma_wait3A_58 = arith.constant 0 : i32
    %dma_wait3A_59 = tpu.memref_slice %arg7[%dma_wait3A_58] : memref<640000xi32, #tpu.memory_space<hbm>> -> memref<160xi32, #tpu.memory_space<hbm>>
    %dma_wait3A_60 = arith.constant 0 : i32
    %dma_wait3A_61 = tpu.memref_slice %arg7[%dma_wait3A_60] : memref<640000xi32, #tpu.memory_space<hbm>> -> memref<160xi32, #tpu.memory_space<hbm>>
    tpu.wait_dma2 semaphore(%arg24 : memref<!tpu.dma_semaphore, #tpu.memory_space<semaphore_mem>>) src(%dma_wait3A_61 : memref<160xi32, #tpu.memory_space<hbm>>) dst(%arg19 : memref<160xi32, #tpu.memory_space<vmem>>)
    %dma_wait3A_62 = arith.constant 0 : i32
    %dma_wait3A_63 = arith.constant 0 : i32
    %dma_wait3A_64 = tpu.memref_slice %arg2[%dma_wait3A_62, %dma_wait3A_63] : memref<320000x128xf32, #tpu.memory_space<hbm>> -> memref<160x128xf32, #tpu.memory_space<hbm>>
    %dma_wait3A_65 = arith.constant 0 : i32
    %dma_wait3A_66 = arith.constant 0 : i32
    %dma_wait3A_67 = tpu.memref_slice %arg2[%dma_wait3A_65, %dma_wait3A_66] : memref<320000x128xf32, #tpu.memory_space<hbm>> -> memref<160x128xf32, #tpu.memory_space<hbm>>
    tpu.wait_dma2 semaphore(%arg15 : memref<!tpu.dma_semaphore, #tpu.memory_space<semaphore_mem>>) src(%dma_wait3A_67 : memref<160x128xf32, #tpu.memory_space<hbm>>) dst(%arg12 : memref<160x128xf32, #tpu.memory_space<vmem>>)
    %dma_wait3A_68 = arith.constant 0 : i32
    %dma_wait3A_69 = arith.constant 0 : i32
    %dma_wait3A_70 = tpu.memref_slice %arg3[%dma_wait3A_68, %dma_wait3A_69] : memref<320000x128xf32, #tpu.memory_space<hbm>> -> memref<160x128xf32, #tpu.memory_space<hbm>>
    %dma_wait3A_71 = arith.constant 0 : i32
    %dma_wait3A_72 = arith.constant 0 : i32
    %dma_wait3A_73 = tpu.memref_slice %arg3[%dma_wait3A_71, %dma_wait3A_72] : memref<320000x128xf32, #tpu.memory_space<hbm>> -> memref<160x128xf32, #tpu.memory_space<hbm>>
    tpu.wait_dma2 semaphore(%arg15 : memref<!tpu.dma_semaphore, #tpu.memory_space<semaphore_mem>>) src(%dma_wait3A_73 : memref<160x128xf32, #tpu.memory_space<hbm>>) dst(%arg13 : memref<160x128xf32, #tpu.memory_space<vmem>>)
    %dma_wait3A_74 = arith.constant 0 : i32
    %dma_wait3A_75 = arith.constant 0 : i32
    %dma_wait3A_76 = tpu.memref_slice %arg4[%dma_wait3A_74, %dma_wait3A_75] : memref<320000x128xf32, #tpu.memory_space<hbm>> -> memref<160x128xf32, #tpu.memory_space<hbm>>
    %dma_wait3A_77 = arith.constant 0 : i32
    %dma_wait3A_78 = arith.constant 0 : i32
    %dma_wait3A_79 = tpu.memref_slice %arg4[%dma_wait3A_77, %dma_wait3A_78] : memref<320000x128xf32, #tpu.memory_space<hbm>> -> memref<160x128xf32, #tpu.memory_space<hbm>>
    tpu.wait_dma2 semaphore(%arg15 : memref<!tpu.dma_semaphore, #tpu.memory_space<semaphore_mem>>) src(%dma_wait3A_79 : memref<160x128xf32, #tpu.memory_space<hbm>>) dst(%arg14 : memref<160x128xf32, #tpu.memory_space<vmem>>)
    %scan3A_80 = arith.constant 0 : i32
    %scan3A_81 = arith.constant 0 : i32
    %scan3A_82 = arith.constant 160 : i32
    %scan3A_83 = arith.addi %scan3A_81, %scan3A_82 : i32
    %scan3A_84 = arith.constant 4 : i32
    scf.for %scan3A_88 = %scan3A_81 to %scan3A_83 step %scan3A_84  : i32 {
      %get3A = arith.index_cast %scan3A_88 : i32 to index
      %get3A_89 = arith.constant 0 : index
      %get3A_90 = tpu.vector_load %arg12[%get3A, %get3A_89] {strides = array<i32>} : memref<160x128xf32, #tpu.memory_space<vmem>>, vector<1x16xf32>,
      %get3A_91 = vector.shape_cast %get3A_90 : vector<1x16xf32> to vector<16xf32>
      %get3A_92 = arith.index_cast %scan3A_88 : i32 to index
      %get3A_93 = arith.constant 0 : index
      %get3A_94 = tpu.vector_load %arg13[%get3A_92, %get3A_93] {strides = array<i32>} : memref<160x128xf32, #tpu.memory_space<vmem>>, vector<1x16xf32>,
      %get3A_95 = vector.shape_cast %get3A_94 : vector<1x16xf32> to vector<16xf32>
      %add3A_96 = arith.addf %get3A_91, %get3A_95 : vector<16xf32>
      %get3A_97 = arith.index_cast %scan3A_88 : i32 to index
      %get3A_98 = arith.constant 0 : index
      %get3A_99 = tpu.vector_load %arg14[%get3A_97, %get3A_98] {strides = array<i32>} : memref<160x128xf32, #tpu.memory_space<vmem>>, vector<1x16xf32>,
      %get3A_100 = vector.shape_cast %get3A_99 : vector<1x16xf32> to vector<16xf32>
      %add3A_101 = arith.addf %add3A_96, %get3A_100 : vector<16xf32>
      %swap3A = arith.index_cast %scan3A_88 : i32 to index
      %swap3A_102 = arith.constant 0 : index
      %swap3A_103 = tpu.vector_load %arg12[%swap3A, %swap3A_102] {strides = array<i32>} : memref<160x128xf32, #tpu.memory_space<vmem>>, vector<1x16xf32>,
      %swap3A_104 = vector.shape_cast %swap3A_103 : vector<1x16xf32> to vector<16xf32>
      %swap3A_105 = vector.shape_cast %add3A_101 : vector<16xf32> to vector<1x16xf32>
      tpu.vector_store %arg12[%swap3A, %swap3A_102], %swap3A_105 {strides = array<i32>} : memref<160x128xf32, #tpu.memory_space<vmem>>, vector<1x16xf32>,
      %get3A_106 = arith.index_cast %scan3A_88 : i32 to index
      %get3A_107 = arith.constant 16 : index
      %get3A_108 = tpu.vector_load %arg12[%get3A_106, %get3A_107] {strides = array<i32>} : memref<160x128xf32, #tpu.memory_space<vmem>>, vector<1x16xf32>,
      %get3A_109 = vector.shape_cast %get3A_108 : vector<1x16xf32> to vector<16xf32>
      %get3A_110 = arith.index_cast %scan3A_88 : i32 to index
      %get3A_111 = arith.constant 16 : index
      %get3A_112 = tpu.vector_load %arg13[%get3A_110, %get3A_111] {strides = array<i32>} : memref<160x128xf32, #tpu.memory_space<vmem>>, vector<1x16xf32>,
      %get3A_113 = vector.shape_cast %get3A_112 : vector<1x16xf32> to vector<16xf32>
      %add3A_114 = arith.addf %get3A_109, %get3A_113 : vector<16xf32>
      %get3A_115 = arith.index_cast %scan3A_88 : i32 to index
      %get3A_116 = arith.constant 16 : index
      %get3A_117 = tpu.vector_load %arg14[%get3A_115, %get3A_116] {strides = array<i32>} : memref<160x128xf32, #tpu.memory_space<vmem>>, vector<1x16xf32>,
      %get3A_118 = vector.shape_cast %get3A_117 : vector<1x16xf32> to vector<16xf32>
      %add3A_119 = arith.addf %add3A_114, %get3A_118 : vector<16xf32>
      %swap3A_120 = arith.index_cast %scan3A_88 : i32 to index
      %swap3A_121 = arith.constant 16 : index
      %swap3A_122 = tpu.vector_load %arg12[%swap3A_120, %swap3A_121] {strides = array<i32>} : memref<160x128xf32, #tpu.memory_space<vmem>>, vector<1x16xf32>,
      %swap3A_123 = vector.shape_cast %swap3A_122 : vector<1x16xf32> to vector<16xf32>
      %swap3A_124 = vector.shape_cast %add3A_119 : vector<16xf32> to vector<1x16xf32>
      tpu.vector_store %arg12[%swap3A_120, %swap3A_121], %swap3A_124 {strides = array<i32>} : memref<160x128xf32, #tpu.memory_space<vmem>>, vector<1x16xf32>,
      %get3A_125 = arith.index_cast %scan3A_88 : i32 to index
      %get3A_126 = arith.constant 32 : index
      %get3A_127 = tpu.vector_load %arg12[%get3A_125, %get3A_126] {strides = array<i32>} : memref<160x128xf32, #tpu.memory_space<vmem>>, vector<1x16xf32>,
      %get3A_128 = vector.shape_cast %get3A_127 : vector<1x16xf32> to vector<16xf32>
      %get3A_129 = arith.index_cast %scan3A_88 : i32 to index
      %get3A_130 = arith.constant 32 : index
      %get3A_131 = tpu.vector_load %arg13[%get3A_129, %get3A_130] {strides = array<i32>} : memref<160x128xf32, #tpu.memory_space<vmem>>, vector<1x16xf32>,
      %get3A_132 = vector.shape_cast %get3A_131 : vector<1x16xf32> to vector<16xf32>
      %add3A_133 = arith.addf %get3A_128, %get3A_132 : vector<16xf32>
      %get3A_134 = arith.index_cast %scan3A_88 : i32 to index
      %get3A_135 = arith.constant 32 : index
      %get3A_136 = tpu.vector_load %arg14[%get3A_134, %get3A_135] {strides = array<i32>} : memref<160x128xf32, #tpu.memory_space<vmem>>, vector<1x16xf32>,
      %get3A_137 = vector.shape_cast %get3A_136 : vector<1x16xf32> to vector<16xf32>
      %add3A_138 = arith.addf %add3A_133, %get3A_137 : vector<16xf32>
      %swap3A_139 = arith.index_cast %scan3A_88 : i32 to index
      %swap3A_140 = arith.constant 32 : index
      %swap3A_141 = tpu.vector_load %arg12[%swap3A_139, %swap3A_140] {strides = array<i32>} : memref<160x128xf32, #tpu.memory_space<vmem>>, vector<1x16xf32>,
      %swap3A_142 = vector.shape_cast %swap3A_141 : vector<1x16xf32> to vector<16xf32>
      %swap3A_143 = vector.shape_cast %add3A_138 : vector<16xf32> to vector<1x16xf32>
      tpu.vector_store %arg12[%swap3A_139, %swap3A_140], %swap3A_143 {strides = array<i32>} : memref<160x128xf32, #tpu.memory_space<vmem>>, vector<1x16xf32>,
      %get3A_144 = arith.index_cast %scan3A_88 : i32 to index
      %get3A_145 = arith.constant 48 : index
      %get3A_146 = tpu.vector_load %arg12[%get3A_144, %get3A_145] {strides = array<i32>} : memref<160x128xf32, #tpu.memory_space<vmem>>, vector<1x16xf32>,
      %get3A_147 = vector.shape_cast %get3A_146 : vector<1x16xf32> to vector<16xf32>
      %get3A_148 = arith.index_cast %scan3A_88 : i32 to index
      %get3A_149 = arith.constant 48 : index
      %get3A_150 = tpu.vector_load %arg13[%get3A_148, %get3A_149] {strides = array<i32>} : memref<160x128xf32, #tpu.memory_space<vmem>>, vector<1x16xf32>,
      %get3A_151 = vector.shape_cast %get3A_150 : vector<1x16xf32> to vector<16xf32>
      %add3A_152 = arith.addf %get3A_147, %get3A_151 : vector<16xf32>
      %get3A_153 = arith.index_cast %scan3A_88 : i32 to index
      %get3A_154 = arith.constant 48 : index
      %get3A_155 = tpu.vector_load %arg14[%get3A_153, %get3A_154] {strides = array<i32>} : memref<160x128xf32, #tpu.memory_space<vmem>>, vector<1x16xf32>,
      %get3A_156 = vector.shape_cast %get3A_155 : vector<1x16xf32> to vector<16xf32>
      %add3A_157 = arith.addf %add3A_152, %get3A_156 : vector<16xf32>
      %swap3A_158 = arith.index_cast %scan3A_88 : i32 to index
      %swap3A_159 = arith.constant 48 : index
      %swap3A_160 = tpu.vector_load %arg12[%swap3A_158, %swap3A_159] {strides = array<i32>} : memref<160x128xf32, #tpu.memory_space<vmem>>, vector<1x16xf32>,
      %swap3A_161 = vector.shape_cast %swap3A_160 : vector<1x16xf32> to vector<16xf32>
      %swap3A_162 = vector.shape_cast %add3A_157 : vector<16xf32> to vector<1x16xf32>
      tpu.vector_store %arg12[%swap3A_158, %swap3A_159], %swap3A_162 {strides = array<i32>} : memref<160x128xf32, #tpu.memory_space<vmem>>, vector<1x16xf32>,
      %get3A_163 = arith.index_cast %scan3A_88 : i32 to index
      %get3A_164 = arith.constant 64 : index
      %get3A_165 = tpu.vector_load %arg12[%get3A_163, %get3A_164] {strides = array<i32>} : memref<160x128xf32, #tpu.memory_space<vmem>>, vector<1x16xf32>,
      %get3A_166 = vector.shape_cast %get3A_165 : vector<1x16xf32> to vector<16xf32>
      %get3A_167 = arith.index_cast %scan3A_88 : i32 to index
      %get3A_168 = arith.constant 64 : index
      %get3A_169 = tpu.vector_load %arg13[%get3A_167, %get3A_168] {strides = array<i32>} : memref<160x128xf32, #tpu.memory_space<vmem>>, vector<1x16xf32>,
      %get3A_170 = vector.shape_cast %get3A_169 : vector<1x16xf32> to vector<16xf32>
      %add3A_171 = arith.addf %get3A_166, %get3A_170 : vector<16xf32>
      %get3A_172 = arith.index_cast %scan3A_88 : i32 to index
      %get3A_173 = arith.constant 64 : index
      %get3A_174 = tpu.vector_load %arg14[%get3A_172, %get3A_173] {strides = array<i32>} : memref<160x128xf32, #tpu.memory_space<vmem>>, vector<1x16xf32>,
      %get3A_175 = vector.shape_cast %get3A_174 : vector<1x16xf32> to vector<16xf32>
      %add3A_176 = arith.addf %add3A_171, %get3A_175 : vector<16xf32>
      %swap3A_177 = arith.index_cast %scan3A_88 : i32 to index
      %swap3A_178 = arith.constant 64 : index
      %swap3A_179 = tpu.vector_load %arg12[%swap3A_177, %swap3A_178] {strides = array<i32>} : memref<160x128xf32, #tpu.memory_space<vmem>>, vector<1x16xf32>,
      %swap3A_180 = vector.shape_cast %swap3A_179 : vector<1x16xf32> to vector<16xf32>
      %swap3A_181 = vector.shape_cast %add3A_176 : vector<16xf32> to vector<1x16xf32>
      tpu.vector_store %arg12[%swap3A_177, %swap3A_178], %swap3A_181 {strides = array<i32>} : memref<160x128xf32, #tpu.memory_space<vmem>>, vector<1x16xf32>,
      %get3A_182 = arith.index_cast %scan3A_88 : i32 to index
      %get3A_183 = arith.constant 80 : index
      %get3A_184 = tpu.vector_load %arg12[%get3A_182, %get3A_183] {strides = array<i32>} : memref<160x128xf32, #tpu.memory_space<vmem>>, vector<1x16xf32>,
      %get3A_185 = vector.shape_cast %get3A_184 : vector<1x16xf32> to vector<16xf32>
      %get3A_186 = arith.index_cast %scan3A_88 : i32 to index
      %get3A_187 = arith.constant 80 : index
      %get3A_188 = tpu.vector_load %arg13[%get3A_186, %get3A_187] {strides = array<i32>} : memref<160x128xf32, #tpu.memory_space<vmem>>, vector<1x16xf32>,
      %get3A_189 = vector.shape_cast %get3A_188 : vector<1x16xf32> to vector<16xf32>
      %add3A_190 = arith.addf %get3A_185, %get3A_189 : vector<16xf32>
      %get3A_191 = arith.index_cast %scan3A_88 : i32 to index
      %get3A_192 = arith.constant 80 : index
      %get3A_193 = tpu.vector_load %arg14[%get3A_191, %get3A_192] {strides = array<i32>} : memref<160x128xf32, #tpu.memory_space<vmem>>, vector<1x16xf32>,
      %get3A_194 = vector.shape_cast %get3A_193 : vector<1x16xf32> to vector<16xf32>
      %add3A_195 = arith.addf %add3A_190, %get3A_194 : vector<16xf32>
      %swap3A_196 = arith.index_cast %scan3A_88 : i32 to index
      %swap3A_197 = arith.constant 80 : index
      %swap3A_198 = tpu.vector_load %arg12[%swap3A_196, %swap3A_197] {strides = array<i32>} : memref<160x128xf32, #tpu.memory_space<vmem>>, vector<1x16xf32>,
      %swap3A_199 = vector.shape_cast %swap3A_198 : vector<1x16xf32> to vector<16xf32>
      %swap3A_200 = vector.shape_cast %add3A_195 : vector<16xf32> to vector<1x16xf32>
      tpu.vector_store %arg12[%swap3A_196, %swap3A_197], %swap3A_200 {strides = array<i32>} : memref<160x128xf32, #tpu.memory_space<vmem>>, vector<1x16xf32>,
      %get3A_201 = arith.index_cast %scan3A_88 : i32 to index
      %get3A_202 = arith.constant 96 : index
      %get3A_203 = tpu.vector_load %arg12[%get3A_201, %get3A_202] {strides = array<i32>} : memref<160x128xf32, #tpu.memory_space<vmem>>, vector<1x16xf32>,
      %get3A_204 = vector.shape_cast %get3A_203 : vector<1x16xf32> to vector<16xf32>
      %get3A_205 = arith.index_cast %scan3A_88 : i32 to index
      %get3A_206 = arith.constant 96 : index
      %get3A_207 = tpu.vector_load %arg13[%get3A_205, %get3A_206] {strides = array<i32>} : memref<160x128xf32, #tpu.memory_space<vmem>>, vector<1x16xf32>,
      %get3A_208 = vector.shape_cast %get3A_207 : vector<1x16xf32> to vector<16xf32>
      %add3A_209 = arith.addf %get3A_204, %get3A_208 : vector<16xf32>
      %get3A_210 = arith.index_cast %scan3A_88 : i32 to index
      %get3A_211 = arith.constant 96 : index
      %get3A_212 = tpu.vector_load %arg14[%get3A_210, %get3A_211] {strides = array<i32>} : memref<160x128xf32, #tpu.memory_space<vmem>>, vector<1x16xf32>,
      %get3A_213 = vector.shape_cast %get3A_212 : vector<1x16xf32> to vector<16xf32>
      %add3A_214 = arith.addf %add3A_209, %get3A_213 : vector<16xf32>
      %swap3A_215 = arith.index_cast %scan3A_88 : i32 to index
      %swap3A_216 = arith.constant 96 : index
      %swap3A_217 = tpu.vector_load %arg12[%swap3A_215, %swap3A_216] {strides = array<i32>} : memref<160x128xf32, #tpu.memory_space<vmem>>, vector<1x16xf32>,
      %swap3A_218 = vector.shape_cast %swap3A_217 : vector<1x16xf32> to vector<16xf32>
      %swap3A_219 = vector.shape_cast %add3A_214 : vector<16xf32> to vector<1x16xf32>
      tpu.vector_store %arg12[%swap3A_215, %swap3A_216], %swap3A_219 {strides = array<i32>} : memref<160x128xf32, #tpu.memory_space<vmem>>, vector<1x16xf32>,
      %get3A_220 = arith.index_cast %scan3A_88 : i32 to index
      %get3A_221 = arith.constant 112 : index
      %get3A_222 = tpu.vector_load %arg12[%get3A_220, %get3A_221] {strides = array<i32>} : memref<160x128xf32, #tpu.memory_space<vmem>>, vector<1x16xf32>,
      %get3A_223 = vector.shape_cast %get3A_222 : vector<1x16xf32> to vector<16xf32>
      %get3A_224 = arith.index_cast %scan3A_88 : i32 to index
      %get3A_225 = arith.constant 112 : index
      %get3A_226 = tpu.vector_load %arg13[%get3A_224, %get3A_225] {strides = array<i32>} : memref<160x128xf32, #tpu.memory_space<vmem>>, vector<1x16xf32>,
      %get3A_227 = vector.shape_cast %get3A_226 : vector<1x16xf32> to vector<16xf32>
      %add3A_228 = arith.addf %get3A_223, %get3A_227 : vector<16xf32>
      %get3A_229 = arith.index_cast %scan3A_88 : i32 to index
      %get3A_230 = arith.constant 112 : index
      %get3A_231 = tpu.vector_load %arg14[%get3A_229, %get3A_230] {strides = array<i32>} : memref<160x128xf32, #tpu.memory_space<vmem>>, vector<1x16xf32>,
      %get3A_232 = vector.shape_cast %get3A_231 : vector<1x16xf32> to vector<16xf32>
      %add3A_233 = arith.addf %add3A_228, %get3A_232 : vector<16xf32>
      %swap3A_234 = arith.index_cast %scan3A_88 : i32 to index
      %swap3A_235 = arith.constant 112 : index
      %swap3A_236 = tpu.vector_load %arg12[%swap3A_234, %swap3A_235] {strides = array<i32>} : memref<160x128xf32, #tpu.memory_space<vmem>>, vector<1x16xf32>,
      %swap3A_237 = vector.shape_cast %swap3A_236 : vector<1x16xf32> to vector<16xf32>
      %swap3A_238 = vector.shape_cast %add3A_233 : vector<16xf32> to vector<1x16xf32>
      tpu.vector_store %arg12[%swap3A_234, %swap3A_235], %swap3A_238 {strides = array<i32>} : memref<160x128xf32, #tpu.memory_space<vmem>>, vector<1x16xf32>,
      %scan3A_239 = arith.constant 1 : i32
      %scan3A_240 = arith.addi %scan3A_88, %scan3A_239 : i32
      %get3A_241 = arith.index_cast %scan3A_240 : i32 to index
      %get3A_242 = arith.constant 0 : index
      %get3A_243 = tpu.vector_load %arg12[%get3A_241, %get3A_242] {strides = array<i32>} : memref<160x128xf32, #tpu.memory_space<vmem>>, vector<1x16xf32>,
      %get3A_244 = vector.shape_cast %get3A_243 : vector<1x16xf32> to vector<16xf32>
      %get3A_245 = arith.index_cast %scan3A_240 : i32 to index
      %get3A_246 = arith.constant 0 : index
      %get3A_247 = tpu.vector_load %arg13[%get3A_245, %get3A_246] {strides = array<i32>} : memref<160x128xf32, #tpu.memory_space<vmem>>, vector<1x16xf32>,
      %get3A_248 = vector.shape_cast %get3A_247 : vector<1x16xf32> to vector<16xf32>
      %add3A_249 = arith.addf %get3A_244, %get3A_248 : vector<16xf32>
      %get3A_250 = arith.index_cast %scan3A_240 : i32 to index
      %get3A_251 = arith.constant 0 : index
      %get3A_252 = tpu.vector_load %arg14[%get3A_250, %get3A_251] {strides = array<i32>} : memref<160x128xf32, #tpu.memory_space<vmem>>, vector<1x16xf32>,
      %get3A_253 = vector.shape_cast %get3A_252 : vector<1x16xf32> to vector<16xf32>
      %add3A_254 = arith.addf %add3A_249, %get3A_253 : vector<16xf32>
      %swap3A_255 = arith.index_cast %scan3A_240 : i32 to index
      %swap3A_256 = arith.constant 0 : index
      %swap3A_257 = tpu.vector_load %arg12[%swap3A_255, %swap3A_256] {strides = array<i32>} : memref<160x128xf32, #tpu.memory_space<vmem>>, vector<1x16xf32>,
      %swap3A_258 = vector.shape_cast %swap3A_257 : vector<1x16xf32> to vector<16xf32>
      %swap3A_259 = vector.shape_cast %add3A_254 : vector<16xf32> to vector<1x16xf32>
      tpu.vector_store %arg12[%swap3A_255, %swap3A_256], %swap3A_259 {strides = array<i32>} : memref<160x128xf32, #tpu.memory_space<vmem>>, vector<1x16xf32>,
      %get3A_260 = arith.index_cast %scan3A_240 : i32 to index
      %get3A_261 = arith.constant 16 : index
      %get3A_262 = tpu.vector_load %arg12[%get3A_260, %get3A_261] {strides = array<i32>} : memref<160x128xf32, #tpu.memory_space<vmem>>, vector<1x16xf32>,
      %get3A_263 = vector.shape_cast %get3A_262 : vector<1x16xf32> to vector<16xf32>
      %get3A_264 = arith.index_cast %scan3A_240 : i32 to index
      %get3A_265 = arith.constant 16 : index
      %get3A_266 = tpu.vector_load %arg13[%get3A_264, %get3A_265] {strides = array<i32>} : memref<160x128xf32, #tpu.memory_space<vmem>>, vector<1x16xf32>,
      %get3A_267 = vector.shape_cast %get3A_266 : vector<1x16xf32> to vector<16xf32>
      %add3A_268 = arith.addf %get3A_263, %get3A_267 : vector<16xf32>
      %get3A_269 = arith.index_cast %scan3A_240 : i32 to index
      %get3A_270 = arith.constant 16 : index
      %get3A_271 = tpu.vector_load %arg14[%get3A_269, %get3A_270] {strides = array<i32>} : memref<160x128xf32, #tpu.memory_space<vmem>>, vector<1x16xf32>,
      %get3A_272 = vector.shape_cast %get3A_271 : vector<1x16xf32> to vector<16xf32>
      %add3A_273 = arith.addf %add3A_268, %get3A_272 : vector<16xf32>
      %swap3A_274 = arith.index_cast %scan3A_240 : i32 to index
      %swap3A_275 = arith.constant 16 : index
      %swap3A_276 = tpu.vector_load %arg12[%swap3A_274, %swap3A_275] {strides = array<i32>} : memref<160x128xf32, #tpu.memory_space<vmem>>, vector<1x16xf32>,
      %swap3A_277 = vector.shape_cast %swap3A_276 : vector<1x16xf32> to vector<16xf32>
      %swap3A_278 = vector.shape_cast %add3A_273 : vector<16xf32> to vector<1x16xf32>
      tpu.vector_store %arg12[%swap3A_274, %swap3A_275], %swap3A_278 {strides = array<i32>} : memref<160x128xf32, #tpu.memory_space<vmem>>, vector<1x16xf32>,
      %get3A_279 = arith.index_cast %scan3A_240 : i32 to index
      %get3A_280 = arith.constant 32 : index
      %get3A_281 = tpu.vector_load %arg12[%get3A_279, %get3A_280] {strides = array<i32>} : memref<160x128xf32, #tpu.memory_space<vmem>>, vector<1x16xf32>,
      %get3A_282 = vector.shape_cast %get3A_281 : vector<1x16xf32> to vector<16xf32>
      %get3A_283 = arith.index_cast %scan3A_240 : i32 to index
      %get3A_284 = arith.constant 32 : index
      %get3A_285 = tpu.vector_load %arg13[%get3A_283, %get3A_284] {strides = array<i32>} : memref<160x128xf32, #tpu.memory_space<vmem>>, vector<1x16xf32>,
      %get3A_286 = vector.shape_cast %get3A_285 : vector<1x16xf32> to vector<16xf32>
      %add3A_287 = arith.addf %get3A_282, %get3A_286 : vector<16xf32>
      %get3A_288 = arith.index_cast %scan3A_240 : i32 to index
      %get3A_289 = arith.constant 32 : index
      %get3A_290 = tpu.vector_load %arg14[%get3A_288, %get3A_289] {strides = array<i32>} : memref<160x128xf32, #tpu.memory_space<vmem>>, vector<1x16xf32>,
      %get3A_291 = vector.shape_cast %get3A_290 : vector<1x16xf32> to vector<16xf32>
      %add3A_292 = arith.addf %add3A_287, %get3A_291 : vector<16xf32>
      %swap3A_293 = arith.index_cast %scan3A_240 : i32 to index
      %swap3A_294 = arith.constant 32 : index
      %swap3A_295 = tpu.vector_load %arg12[%swap3A_293, %swap3A_294] {strides = array<i32>} : memref<160x128xf32, #tpu.memory_space<vmem>>, vector<1x16xf32>,
      %swap3A_296 = vector.shape_cast %swap3A_295 : vector<1x16xf32> to vector<16xf32>
      %swap3A_297 = vector.shape_cast %add3A_292 : vector<16xf32> to vector<1x16xf32>
      tpu.vector_store %arg12[%swap3A_293, %swap3A_294], %swap3A_297 {strides = array<i32>} : memref<160x128xf32, #tpu.memory_space<vmem>>, vector<1x16xf32>,
      %get3A_298 = arith.index_cast %scan3A_240 : i32 to index
      %get3A_299 = arith.constant 48 : index
      %get3A_300 = tpu.vector_load %arg12[%get3A_298, %get3A_299] {strides = array<i32>} : memref<160x128xf32, #tpu.memory_space<vmem>>, vector<1x16xf32>,
      %get3A_301 = vector.shape_cast %get3A_300 : vector<1x16xf32> to vector<16xf32>
      %get3A_302 = arith.index_cast %scan3A_240 : i32 to index
      %get3A_303 = arith.constant 48 : index
      %get3A_304 = tpu.vector_load %arg13[%get3A_302, %get3A_303] {strides = array<i32>} : memref<160x128xf32, #tpu.memory_space<vmem>>, vector<1x16xf32>,
      %get3A_305 = vector.shape_cast %get3A_304 : vector<1x16xf32> to vector<16xf32>
      %add3A_306 = arith.addf %get3A_301, %get3A_305 : vector<16xf32>
      %get3A_307 = arith.index_cast %scan3A_240 : i32 to index
      %get3A_308 = arith.constant 48 : index
      %get3A_309 = tpu.vector_load %arg14[%get3A_307, %get3A_308] {strides = array<i32>} : memref<160x128xf32, #tpu.memory_space<vmem>>, vector<1x16xf32>,
      %get3A_310 = vector.shape_cast %get3A_309 : vector<1x16xf32> to vector<16xf32>
      %add3A_311 = arith.addf %add3A_306, %get3A_310 : vector<16xf32>
      %swap3A_312 = arith.index_cast %scan3A_240 : i32 to index
      %swap3A_313 = arith.constant 48 : index
      %swap3A_314 = tpu.vector_load %arg12[%swap3A_312, %swap3A_313] {strides = array<i32>} : memref<160x128xf32, #tpu.memory_space<vmem>>, vector<1x16xf32>,
      %swap3A_315 = vector.shape_cast %swap3A_314 : vector<1x16xf32> to vector<16xf32>
      %swap3A_316 = vector.shape_cast %add3A_311 : vector<16xf32> to vector<1x16xf32>
      tpu.vector_store %arg12[%swap3A_312, %swap3A_313], %swap3A_316 {strides = array<i32>} : memref<160x128xf32, #tpu.memory_space<vmem>>, vector<1x16xf32>,
      %get3A_317 = arith.index_cast %scan3A_240 : i32 to index
      %get3A_318 = arith.constant 64 : index
      %get3A_319 = tpu.vector_load %arg12[%get3A_317, %get3A_318] {strides = array<i32>} : memref<160x128xf32, #tpu.memory_space<vmem>>, vector<1x16xf32>,
      %get3A_320 = vector.shape_cast %get3A_319 : vector<1x16xf32> to vector<16xf32>
      %get3A_321 = arith.index_cast %scan3A_240 : i32 to index
      %get3A_322 = arith.constant 64 : index
      %get3A_323 = tpu.vector_load %arg13[%get3A_321, %get3A_322] {strides = array<i32>} : memref<160x128xf32, #tpu.memory_space<vmem>>, vector<1x16xf32>,
      %get3A_324 = vector.shape_cast %get3A_323 : vector<1x16xf32> to vector<16xf32>
      %add3A_325 = arith.addf %get3A_320, %get3A_324 : vector<16xf32>
      %get3A_326 = arith.index_cast %scan3A_240 : i32 to index
      %get3A_327 = arith.constant 64 : index
      %get3A_328 = tpu.vector_load %arg14[%get3A_326, %get3A_327] {strides = array<i32>} : memref<160x128xf32, #tpu.memory_space<vmem>>, vector<1x16xf32>,
      %get3A_329 = vector.shape_cast %get3A_328 : vector<1x16xf32> to vector<16xf32>
      %add3A_330 = arith.addf %add3A_325, %get3A_329 : vector<16xf32>
      %swap3A_331 = arith.index_cast %scan3A_240 : i32 to index
      %swap3A_332 = arith.constant 64 : index
      %swap3A_333 = tpu.vector_load %arg12[%swap3A_331, %swap3A_332] {strides = array<i32>} : memref<160x128xf32, #tpu.memory_space<vmem>>, vector<1x16xf32>,
      %swap3A_334 = vector.shape_cast %swap3A_333 : vector<1x16xf32> to vector<16xf32>
      %swap3A_335 = vector.shape_cast %add3A_330 : vector<16xf32> to vector<1x16xf32>
      tpu.vector_store %arg12[%swap3A_331, %swap3A_332], %swap3A_335 {strides = array<i32>} : memref<160x128xf32, #tpu.memory_space<vmem>>, vector<1x16xf32>,
      %get3A_336 = arith.index_cast %scan3A_240 : i32 to index
      %get3A_337 = arith.constant 80 : index
      %get3A_338 = tpu.vector_load %arg12[%get3A_336, %get3A_337] {strides = array<i32>} : memref<160x128xf32, #tpu.memory_space<vmem>>, vector<1x16xf32>,
      %get3A_339 = vector.shape_cast %get3A_338 : vector<1x16xf32> to vector<16xf32>
      %get3A_340 = arith.index_cast %scan3A_240 : i32 to index
      %get3A_341 = arith.constant 80 : index
      %get3A_342 = tpu.vector_load %arg13[%get3A_340, %get3A_341] {strides = array<i32>} : memref<160x128xf32, #tpu.memory_space<vmem>>, vector<1x16xf32>,
      %get3A_343 = vector.shape_cast %get3A_342 : vector<1x16xf32> to vector<16xf32>
      %add3A_344 = arith.addf %get3A_339, %get3A_343 : vector<16xf32>
      %get3A_345 = arith.index_cast %scan3A_240 : i32 to index
      %get3A_346 = arith.constant 80 : index
      %get3A_347 = tpu.vector_load %arg14[%get3A_345, %get3A_346] {strides = array<i32>} : memref<160x128xf32, #tpu.memory_space<vmem>>, vector<1x16xf32>,
      %get3A_348 = vector.shape_cast %get3A_347 : vector<1x16xf32> to vector<16xf32>
      %add3A_349 = arith.addf %add3A_344, %get3A_348 : vector<16xf32>
      %swap3A_350 = arith.index_cast %scan3A_240 : i32 to index
      %swap3A_351 = arith.constant 80 : index
      %swap3A_352 = tpu.vector_load %arg12[%swap3A_350, %swap3A_351] {strides = array<i32>} : memref<160x128xf32, #tpu.memory_space<vmem>>, vector<1x16xf32>,
      %swap3A_353 = vector.shape_cast %swap3A_352 : vector<1x16xf32> to vector<16xf32>
      %swap3A_354 = vector.shape_cast %add3A_349 : vector<16xf32> to vector<1x16xf32>
      tpu.vector_store %arg12[%swap3A_350, %swap3A_351], %swap3A_354 {strides = array<i32>} : memref<160x128xf32, #tpu.memory_space<vmem>>, vector<1x16xf32>,
      %get3A_355 = arith.index_cast %scan3A_240 : i32 to index
      %get3A_356 = arith.constant 96 : index
      %get3A_357 = tpu.vector_load %arg12[%get3A_355, %get3A_356] {strides = array<i32>} : memref<160x128xf32, #tpu.memory_space<vmem>>, vector<1x16xf32>,
      %get3A_358 = vector.shape_cast %get3A_357 : vector<1x16xf32> to vector<16xf32>
      %get3A_359 = arith.index_cast %scan3A_240 : i32 to index
      %get3A_360 = arith.constant 96 : index
      %get3A_361 = tpu.vector_load %arg13[%get3A_359, %get3A_360] {strides = array<i32>} : memref<160x128xf32, #tpu.memory_space<vmem>>, vector<1x16xf32>,
      %get3A_362 = vector.shape_cast %get3A_361 : vector<1x16xf32> to vector<16xf32>
      %add3A_363 = arith.addf %get3A_358, %get3A_362 : vector<16xf32>
      %get3A_364 = arith.index_cast %scan3A_240 : i32 to index
      %get3A_365 = arith.constant 96 : index
      %get3A_366 = tpu.vector_load %arg14[%get3A_364, %get3A_365] {strides = array<i32>} : memref<160x128xf32, #tpu.memory_space<vmem>>, vector<1x16xf32>,
      %get3A_367 = vector.shape_cast %get3A_366 : vector<1x16xf32> to vector<16xf32>
      %add3A_368 = arith.addf %add3A_363, %get3A_367 : vector<16xf32>
      %swap3A_369 = arith.index_cast %scan3A_240 : i32 to index
      %swap3A_370 = arith.constant 96 : index
      %swap3A_371 = tpu.vector_load %arg12[%swap3A_369, %swap3A_370] {strides = array<i32>} : memref<160x128xf32, #tpu.memory_space<vmem>>, vector<1x16xf32>,
      %swap3A_372 = vector.shape_cast %swap3A_371 : vector<1x16xf32> to vector<16xf32>
      %swap3A_373 = vector.shape_cast %add3A_368 : vector<16xf32> to vector<1x16xf32>
      tpu.vector_store %arg12[%swap3A_369, %swap3A_370], %swap3A_373 {strides = array<i32>} : memref<160x128xf32, #tpu.memory_space<vmem>>, vector<1x16xf32>,
      %get3A_374 = arith.index_cast %scan3A_240 : i32 to index
      %get3A_375 = arith.constant 112 : index
      %get3A_376 = tpu.vector_load %arg12[%get3A_374, %get3A_375] {strides = array<i32>} : memref<160x128xf32, #tpu.memory_space<vmem>>, vector<1x16xf32>,
      %get3A_377 = vector.shape_cast %get3A_376 : vector<1x16xf32> to vector<16xf32>
      %get3A_378 = arith.index_cast %scan3A_240 : i32 to index
      %get3A_379 = arith.constant 112 : index
      %get3A_380 = tpu.vector_load %arg13[%get3A_378, %get3A_379] {strides = array<i32>} : memref<160x128xf32, #tpu.memory_space<vmem>>, vector<1x16xf32>,
      %get3A_381 = vector.shape_cast %get3A_380 : vector<1x16xf32> to vector<16xf32>
      %add3A_382 = arith.addf %get3A_377, %get3A_381 : vector<16xf32>
      %get3A_383 = arith.index_cast %scan3A_240 : i32 to index
      %get3A_384 = arith.constant 112 : index
      %get3A_385 = tpu.vector_load %arg14[%get3A_383, %get3A_384] {strides = array<i32>} : memref<160x128xf32, #tpu.memory_space<vmem>>, vector<1x16xf32>,
      %get3A_386 = vector.shape_cast %get3A_385 : vector<1x16xf32> to vector<16xf32>
      %add3A_387 = arith.addf %add3A_382, %get3A_386 : vector<16xf32>
      %swap3A_388 = arith.index_cast %scan3A_240 : i32 to index
      %swap3A_389 = arith.constant 112 : index
      %swap3A_390 = tpu.vector_load %arg12[%swap3A_388, %swap3A_389] {strides = array<i32>} : memref<160x128xf32, #tpu.memory_space<vmem>>, vector<1x16xf32>,
      %swap3A_391 = vector.shape_cast %swap3A_390 : vector<1x16xf32> to vector<16xf32>
      %swap3A_392 = vector.shape_cast %add3A_387 : vector<16xf32> to vector<1x16xf32>
      tpu.vector_store %arg12[%swap3A_388, %swap3A_389], %swap3A_392 {strides = array<i32>} : memref<160x128xf32, #tpu.memory_space<vmem>>, vector<1x16xf32>,
      %scan3A_393 = arith.constant 2 : i32
      %scan3A_394 = arith.addi %scan3A_88, %scan3A_393 : i32
      %get3A_395 = arith.index_cast %scan3A_394 : i32 to index
      %get3A_396 = arith.constant 0 : index
      %get3A_397 = tpu.vector_load %arg12[%get3A_395, %get3A_396] {strides = array<i32>} : memref<160x128xf32, #tpu.memory_space<vmem>>, vector<1x16xf32>,
      %get3A_398 = vector.shape_cast %get3A_397 : vector<1x16xf32> to vector<16xf32>
      %get3A_399 = arith.index_cast %scan3A_394 : i32 to index
      %get3A_400 = arith.constant 0 : index
      %get3A_401 = tpu.vector_load %arg13[%get3A_399, %get3A_400] {strides = array<i32>} : memref<160x128xf32, #tpu.memory_space<vmem>>, vector<1x16xf32>,
      %get3A_402 = vector.shape_cast %get3A_401 : vector<1x16xf32> to vector<16xf32>
      %add3A_403 = arith.addf %get3A_398, %get3A_402 : vector<16xf32>
      %get3A_404 = arith.index_cast %scan3A_394 : i32 to index
      %get3A_405 = arith.constant 0 : index
      %get3A_406 = tpu.vector_load %arg14[%get3A_404, %get3A_405] {strides = array<i32>} : memref<160x128xf32, #tpu.memory_space<vmem>>, vector<1x16xf32>,
      %get3A_407 = vector.shape_cast %get3A_406 : vector<1x16xf32> to vector<16xf32>
      %add3A_408 = arith.addf %add3A_403, %get3A_407 : vector<16xf32>
      %swap3A_409 = arith.index_cast %scan3A_394 : i32 to index
      %swap3A_410 = arith.constant 0 : index
      %swap3A_411 = tpu.vector_load %arg12[%swap3A_409, %swap3A_410] {strides = array<i32>} : memref<160x128xf32, #tpu.memory_space<vmem>>, vector<1x16xf32>,
      %swap3A_412 = vector.shape_cast %swap3A_411 : vector<1x16xf32> to vector<16xf32>
      %swap3A_413 = vector.shape_cast %add3A_408 : vector<16xf32> to vector<1x16xf32>
      tpu.vector_store %arg12[%swap3A_409, %swap3A_410], %swap3A_413 {strides = array<i32>} : memref<160x128xf32, #tpu.memory_space<vmem>>, vector<1x16xf32>,
      %get3A_414 = arith.index_cast %scan3A_394 : i32 to index
      %get3A_415 = arith.constant 16 : index
      %get3A_416 = tpu.vector_load %arg12[%get3A_414, %get3A_415] {strides = array<i32>} : memref<160x128xf32, #tpu.memory_space<vmem>>, vector<1x16xf32>,
      %get3A_417 = vector.shape_cast %get3A_416 : vector<1x16xf32> to vector<16xf32>
      %get3A_418 = arith.index_cast %scan3A_394 : i32 to index
      %get3A_419 = arith.constant 16 : index
      %get3A_420 = tpu.vector_load %arg13[%get3A_418, %get3A_419] {strides = array<i32>} : memref<160x128xf32, #tpu.memory_space<vmem>>, vector<1x16xf32>,
      %get3A_421 = vector.shape_cast %get3A_420 : vector<1x16xf32> to vector<16xf32>
      %add3A_422 = arith.addf %get3A_417, %get3A_421 : vector<16xf32>
      %get3A_423 = arith.index_cast %scan3A_394 : i32 to index
      %get3A_424 = arith.constant 16 : index
      %get3A_425 = tpu.vector_load %arg14[%get3A_423, %get3A_424] {strides = array<i32>} : memref<160x128xf32, #tpu.memory_space<vmem>>, vector<1x16xf32>,
      %get3A_426 = vector.shape_cast %get3A_425 : vector<1x16xf32> to vector<16xf32>
      %add3A_427 = arith.addf %add3A_422, %get3A_426 : vector<16xf32>
      %swap3A_428 = arith.index_cast %scan3A_394 : i32 to index
      %swap3A_429 = arith.constant 16 : index
      %swap3A_430 = tpu.vector_load %arg12[%swap3A_428, %swap3A_429] {strides = array<i32>} : memref<160x128xf32, #tpu.memory_space<vmem>>, vector<1x16xf32>,
      %swap3A_431 = vector.shape_cast %swap3A_430 : vector<1x16xf32> to vector<16xf32>
      %swap3A_432 = vector.shape_cast %add3A_427 : vector<16xf32> to vector<1x16xf32>
      tpu.vector_store %arg12[%swap3A_428, %swap3A_429], %swap3A_432 {strides = array<i32>} : memref<160x128xf32, #tpu.memory_space<vmem>>, vector<1x16xf32>,
      %get3A_433 = arith.index_cast %scan3A_394 : i32 to index
      %get3A_434 = arith.constant 32 : index
      %get3A_435 = tpu.vector_load %arg12[%get3A_433, %get3A_434] {strides = array<i32>} : memref<160x128xf32, #tpu.memory_space<vmem>>, vector<1x16xf32>,
      %get3A_436 = vector.shape_cast %get3A_435 : vector<1x16xf32> to vector<16xf32>
      %get3A_437 = arith.index_cast %scan3A_394 : i32 to index
      %get3A_438 = arith.constant 32 : index
      %get3A_439 = tpu.vector_load %arg13[%get3A_437, %get3A_438] {strides = array<i32>} : memref<160x128xf32, #tpu.memory_space<vmem>>, vector<1x16xf32>,
      %get3A_440 = vector.shape_cast %get3A_439 : vector<1x16xf32> to vector<16xf32>
      %add3A_441 = arith.addf %get3A_436, %get3A_440 : vector<16xf32>
      %get3A_442 = arith.index_cast %scan3A_394 : i32 to index
      %get3A_443 = arith.constant 32 : index
      %get3A_444 = tpu.vector_load %arg14[%get3A_442, %get3A_443] {strides = array<i32>} : memref<160x128xf32, #tpu.memory_space<vmem>>, vector<1x16xf32>,
      %get3A_445 = vector.shape_cast %get3A_444 : vector<1x16xf32> to vector<16xf32>
      %add3A_446 = arith.addf %add3A_441, %get3A_445 : vector<16xf32>
      %swap3A_447 = arith.index_cast %scan3A_394 : i32 to index
      %swap3A_448 = arith.constant 32 : index
      %swap3A_449 = tpu.vector_load %arg12[%swap3A_447, %swap3A_448] {strides = array<i32>} : memref<160x128xf32, #tpu.memory_space<vmem>>, vector<1x16xf32>,
      %swap3A_450 = vector.shape_cast %swap3A_449 : vector<1x16xf32> to vector<16xf32>
      %swap3A_451 = vector.shape_cast %add3A_446 : vector<16xf32> to vector<1x16xf32>
      tpu.vector_store %arg12[%swap3A_447, %swap3A_448], %swap3A_451 {strides = array<i32>} : memref<160x128xf32, #tpu.memory_space<vmem>>, vector<1x16xf32>,
      %get3A_452 = arith.index_cast %scan3A_394 : i32 to index
      %get3A_453 = arith.constant 48 : index
      %get3A_454 = tpu.vector_load %arg12[%get3A_452, %get3A_453] {strides = array<i32>} : memref<160x128xf32, #tpu.memory_space<vmem>>, vector<1x16xf32>,
      %get3A_455 = vector.shape_cast %get3A_454 : vector<1x16xf32> to vector<16xf32>
      %get3A_456 = arith.index_cast %scan3A_394 : i32 to index
      %get3A_457 = arith.constant 48 : index
      %get3A_458 = tpu.vector_load %arg13[%get3A_456, %get3A_457] {strides = array<i32>} : memref<160x128xf32, #tpu.memory_space<vmem>>, vector<1x16xf32>,
      %get3A_459 = vector.shape_cast %get3A_458 : vector<1x16xf32> to vector<16xf32>
      %add3A_460 = arith.addf %get3A_455, %get3A_459 : vector<16xf32>
      %get3A_461 = arith.index_cast %scan3A_394 : i32 to index
      %get3A_462 = arith.constant 48 : index
      %get3A_463 = tpu.vector_load %arg14[%get3A_461, %get3A_462] {strides = array<i32>} : memref<160x128xf32, #tpu.memory_space<vmem>>, vector<1x16xf32>,
      %get3A_464 = vector.shape_cast %get3A_463 : vector<1x16xf32> to vector<16xf32>
      %add3A_465 = arith.addf %add3A_460, %get3A_464 : vector<16xf32>
      %swap3A_466 = arith.index_cast %scan3A_394 : i32 to index
      %swap3A_467 = arith.constant 48 : index
      %swap3A_468 = tpu.vector_load %arg12[%swap3A_466, %swap3A_467] {strides = array<i32>} : memref<160x128xf32, #tpu.memory_space<vmem>>, vector<1x16xf32>,
      %swap3A_469 = vector.shape_cast %swap3A_468 : vector<1x16xf32> to vector<16xf32>
      %swap3A_470 = vector.shape_cast %add3A_465 : vector<16xf32> to vector<1x16xf32>
      tpu.vector_store %arg12[%swap3A_466, %swap3A_467], %swap3A_470 {strides = array<i32>} : memref<160x128xf32, #tpu.memory_space<vmem>>, vector<1x16xf32>,
      %get3A_471 = arith.index_cast %scan3A_394 : i32 to index
      %get3A_472 = arith.constant 64 : index
      %get3A_473 = tpu.vector_load %arg12[%get3A_471, %get3A_472] {strides = array<i32>} : memref<160x128xf32, #tpu.memory_space<vmem>>, vector<1x16xf32>,
      %get3A_474 = vector.shape_cast %get3A_473 : vector<1x16xf32> to vector<16xf32>
      %get3A_475 = arith.index_cast %scan3A_394 : i32 to index
      %get3A_476 = arith.constant 64 : index
      %get3A_477 = tpu.vector_load %arg13[%get3A_475, %get3A_476] {strides = array<i32>} : memref<160x128xf32, #tpu.memory_space<vmem>>, vector<1x16xf32>,
      %get3A_478 = vector.shape_cast %get3A_477 : vector<1x16xf32> to vector<16xf32>
      %add3A_479 = arith.addf %get3A_474, %get3A_478 : vector<16xf32>
      %get3A_480 = arith.index_cast %scan3A_394 : i32 to index
      %get3A_481 = arith.constant 64 : index
      %get3A_482 = tpu.vector_load %arg14[%get3A_480, %get3A_481] {strides = array<i32>} : memref<160x128xf32, #tpu.memory_space<vmem>>, vector<1x16xf32>,
      %get3A_483 = vector.shape_cast %get3A_482 : vector<1x16xf32> to vector<16xf32>
      %add3A_484 = arith.addf %add3A_479, %get3A_483 : vector<16xf32>
      %swap3A_485 = arith.index_cast %scan3A_394 : i32 to index
      %swap3A_486 = arith.constant 64 : index
      %swap3A_487 = tpu.vector_load %arg12[%swap3A_485, %swap3A_486] {strides = array<i32>} : memref<160x128xf32, #tpu.memory_space<vmem>>, vector<1x16xf32>,
      %swap3A_488 = vector.shape_cast %swap3A_487 : vector<1x16xf32> to vector<16xf32>
      %swap3A_489 = vector.shape_cast %add3A_484 : vector<16xf32> to vector<1x16xf32>
      tpu.vector_store %arg12[%swap3A_485, %swap3A_486], %swap3A_489 {strides = array<i32>} : memref<160x128xf32, #tpu.memory_space<vmem>>, vector<1x16xf32>,
      %get3A_490 = arith.index_cast %scan3A_394 : i32 to index
      %get3A_491 = arith.constant 80 : index
      %get3A_492 = tpu.vector_load %arg12[%get3A_490, %get3A_491] {strides = array<i32>} : memref<160x128xf32, #tpu.memory_space<vmem>>, vector<1x16xf32>,
      %get3A_493 = vector.shape_cast %get3A_492 : vector<1x16xf32> to vector<16xf32>
      %get3A_494 = arith.index_cast %scan3A_394 : i32 to index
      %get3A_495 = arith.constant 80 : index
      %get3A_496 = tpu.vector_load %arg13[%get3A_494, %get3A_495] {strides = array<i32>} : memref<160x128xf32, #tpu.memory_space<vmem>>, vector<1x16xf32>,
      %get3A_497 = vector.shape_cast %get3A_496 : vector<1x16xf32> to vector<16xf32>
      %add3A_498 = arith.addf %get3A_493, %get3A_497 : vector<16xf32>
      %get3A_499 = arith.index_cast %scan3A_394 : i32 to index
      %get3A_500 = arith.constant 80 : index
      %get3A_501 = tpu.vector_load %arg14[%get3A_499, %get3A_500] {strides = array<i32>} : memref<160x128xf32, #tpu.memory_space<vmem>>, vector<1x16xf32>,
      %get3A_502 = vector.shape_cast %get3A_501 : vector<1x16xf32> to vector<16xf32>
      %add3A_503 = arith.addf %add3A_498, %get3A_502 : vector<16xf32>
      %swap3A_504 = arith.index_cast %scan3A_394 : i32 to index
      %swap3A_505 = arith.constant 80 : index
      %swap3A_506 = tpu.vector_load %arg12[%swap3A_504, %swap3A_505] {strides = array<i32>} : memref<160x128xf32, #tpu.memory_space<vmem>>, vector<1x16xf32>,
      %swap3A_507 = vector.shape_cast %swap3A_506 : vector<1x16xf32> to vector<16xf32>
      %swap3A_508 = vector.shape_cast %add3A_503 : vector<16xf32> to vector<1x16xf32>
      tpu.vector_store %arg12[%swap3A_504, %swap3A_505], %swap3A_508 {strides = array<i32>} : memref<160x128xf32, #tpu.memory_space<vmem>>, vector<1x16xf32>,
      %get3A_509 = arith.index_cast %scan3A_394 : i32 to index
      %get3A_510 = arith.constant 96 : index
      %get3A_511 = tpu.vector_load %arg12[%get3A_509, %get3A_510] {strides = array<i32>} : memref<160x128xf32, #tpu.memory_space<vmem>>, vector<1x16xf32>,
      %get3A_512 = vector.shape_cast %get3A_511 : vector<1x16xf32> to vector<16xf32>
      %get3A_513 = arith.index_cast %scan3A_394 : i32 to index
      %get3A_514 = arith.constant 96 : index
      %get3A_515 = tpu.vector_load %arg13[%get3A_513, %get3A_514] {strides = array<i32>} : memref<160x128xf32, #tpu.memory_space<vmem>>, vector<1x16xf32>,
      %get3A_516 = vector.shape_cast %get3A_515 : vector<1x16xf32> to vector<16xf32>
      %add3A_517 = arith.addf %get3A_512, %get3A_516 : vector<16xf32>
      %get3A_518 = arith.index_cast %scan3A_394 : i32 to index
      %get3A_519 = arith.constant 96 : index
      %get3A_520 = tpu.vector_load %arg14[%get3A_518, %get3A_519] {strides = array<i32>} : memref<160x128xf32, #tpu.memory_space<vmem>>, vector<1x16xf32>,
      %get3A_521 = vector.shape_cast %get3A_520 : vector<1x16xf32> to vector<16xf32>
      %add3A_522 = arith.addf %add3A_517, %get3A_521 : vector<16xf32>
      %swap3A_523 = arith.index_cast %scan3A_394 : i32 to index
      %swap3A_524 = arith.constant 96 : index
      %swap3A_525 = tpu.vector_load %arg12[%swap3A_523, %swap3A_524] {strides = array<i32>} : memref<160x128xf32, #tpu.memory_space<vmem>>, vector<1x16xf32>,
      %swap3A_526 = vector.shape_cast %swap3A_525 : vector<1x16xf32> to vector<16xf32>
      %swap3A_527 = vector.shape_cast %add3A_522 : vector<16xf32> to vector<1x16xf32>
      tpu.vector_store %arg12[%swap3A_523, %swap3A_524], %swap3A_527 {strides = array<i32>} : memref<160x128xf32, #tpu.memory_space<vmem>>, vector<1x16xf32>,
      %get3A_528 = arith.index_cast %scan3A_394 : i32 to index
      %get3A_529 = arith.constant 112 : index
      %get3A_530 = tpu.vector_load %arg12[%get3A_528, %get3A_529] {strides = array<i32>} : memref<160x128xf32, #tpu.memory_space<vmem>>, vector<1x16xf32>,
      %get3A_531 = vector.shape_cast %get3A_530 : vector<1x16xf32> to vector<16xf32>
      %get3A_532 = arith.index_cast %scan3A_394 : i32 to index
      %get3A_533 = arith.constant 112 : index
      %get3A_534 = tpu.vector_load %arg13[%get3A_532, %get3A_533] {strides = array<i32>} : memref<160x128xf32, #tpu.memory_space<vmem>>, vector<1x16xf32>,
      %get3A_535 = vector.shape_cast %get3A_534 : vector<1x16xf32> to vector<16xf32>
      %add3A_536 = arith.addf %get3A_531, %get3A_535 : vector<16xf32>
      %get3A_537 = arith.index_cast %scan3A_394 : i32 to index
      %get3A_538 = arith.constant 112 : index
      %get3A_539 = tpu.vector_load %arg14[%get3A_537, %get3A_538] {strides = array<i32>} : memref<160x128xf32, #tpu.memory_space<vmem>>, vector<1x16xf32>,
      %get3A_540 = vector.shape_cast %get3A_539 : vector<1x16xf32> to vector<16xf32>
      %add3A_541 = arith.addf %add3A_536, %get3A_540 : vector<16xf32>
      %swap3A_542 = arith.index_cast %scan3A_394 : i32 to index
      %swap3A_543 = arith.constant 112 : index
      %swap3A_544 = tpu.vector_load %arg12[%swap3A_542, %swap3A_543] {strides = array<i32>} : memref<160x128xf32, #tpu.memory_space<vmem>>, vector<1x16xf32>,
      %swap3A_545 = vector.shape_cast %swap3A_544 : vector<1x16xf32> to vector<16xf32>
      %swap3A_546 = vector.shape_cast %add3A_541 : vector<16xf32> to vector<1x16xf32>
      tpu.vector_store %arg12[%swap3A_542, %swap3A_543], %swap3A_546 {strides = array<i32>} : memref<160x128xf32, #tpu.memory_space<vmem>>, vector<1x16xf32>,
      %scan3A_547 = arith.constant 3 : i32
      %scan3A_548 = arith.addi %scan3A_88, %scan3A_547 : i32
      %get3A_549 = arith.index_cast %scan3A_548 : i32 to index
      %get3A_550 = arith.constant 0 : index
      %get3A_551 = tpu.vector_load %arg12[%get3A_549, %get3A_550] {strides = array<i32>} : memref<160x128xf32, #tpu.memory_space<vmem>>, vector<1x16xf32>,
      %get3A_552 = vector.shape_cast %get3A_551 : vector<1x16xf32> to vector<16xf32>
      %get3A_553 = arith.index_cast %scan3A_548 : i32 to index
      %get3A_554 = arith.constant 0 : index
      %get3A_555 = tpu.vector_load %arg13[%get3A_553, %get3A_554] {strides = array<i32>} : memref<160x128xf32, #tpu.memory_space<vmem>>, vector<1x16xf32>,
      %get3A_556 = vector.shape_cast %get3A_555 : vector<1x16xf32> to vector<16xf32>
      %add3A_557 = arith.addf %get3A_552, %get3A_556 : vector<16xf32>
      %get3A_558 = arith.index_cast %scan3A_548 : i32 to index
      %get3A_559 = arith.constant 0 : index
      %get3A_560 = tpu.vector_load %arg14[%get3A_558, %get3A_559] {strides = array<i32>} : memref<160x128xf32, #tpu.memory_space<vmem>>, vector<1x16xf32>,
      %get3A_561 = vector.shape_cast %get3A_560 : vector<1x16xf32> to vector<16xf32>
      %add3A_562 = arith.addf %add3A_557, %get3A_561 : vector<16xf32>
      %swap3A_563 = arith.index_cast %scan3A_548 : i32 to index
      %swap3A_564 = arith.constant 0 : index
      %swap3A_565 = tpu.vector_load %arg12[%swap3A_563, %swap3A_564] {strides = array<i32>} : memref<160x128xf32, #tpu.memory_space<vmem>>, vector<1x16xf32>,
      %swap3A_566 = vector.shape_cast %swap3A_565 : vector<1x16xf32> to vector<16xf32>
      %swap3A_567 = vector.shape_cast %add3A_562 : vector<16xf32> to vector<1x16xf32>
      tpu.vector_store %arg12[%swap3A_563, %swap3A_564], %swap3A_567 {strides = array<i32>} : memref<160x128xf32, #tpu.memory_space<vmem>>, vector<1x16xf32>,
      %get3A_568 = arith.index_cast %scan3A_548 : i32 to index
      %get3A_569 = arith.constant 16 : index
      %get3A_570 = tpu.vector_load %arg12[%get3A_568, %get3A_569] {strides = array<i32>} : memref<160x128xf32, #tpu.memory_space<vmem>>, vector<1x16xf32>,
      %get3A_571 = vector.shape_cast %get3A_570 : vector<1x16xf32> to vector<16xf32>
      %get3A_572 = arith.index_cast %scan3A_548 : i32 to index
      %get3A_573 = arith.constant 16 : index
      %get3A_574 = tpu.vector_load %arg13[%get3A_572, %get3A_573] {strides = array<i32>} : memref<160x128xf32, #tpu.memory_space<vmem>>, vector<1x16xf32>,
      %get3A_575 = vector.shape_cast %get3A_574 : vector<1x16xf32> to vector<16xf32>
      %add3A_576 = arith.addf %get3A_571, %get3A_575 : vector<16xf32>
      %get3A_577 = arith.index_cast %scan3A_548 : i32 to index
      %get3A_578 = arith.constant 16 : index
      %get3A_579 = tpu.vector_load %arg14[%get3A_577, %get3A_578] {strides = array<i32>} : memref<160x128xf32, #tpu.memory_space<vmem>>, vector<1x16xf32>,
      %get3A_580 = vector.shape_cast %get3A_579 : vector<1x16xf32> to vector<16xf32>
      %add3A_581 = arith.addf %add3A_576, %get3A_580 : vector<16xf32>
      %swap3A_582 = arith.index_cast %scan3A_548 : i32 to index
      %swap3A_583 = arith.constant 16 : index
      %swap3A_584 = tpu.vector_load %arg12[%swap3A_582, %swap3A_583] {strides = array<i32>} : memref<160x128xf32, #tpu.memory_space<vmem>>, vector<1x16xf32>,
      %swap3A_585 = vector.shape_cast %swap3A_584 : vector<1x16xf32> to vector<16xf32>
      %swap3A_586 = vector.shape_cast %add3A_581 : vector<16xf32> to vector<1x16xf32>
      tpu.vector_store %arg12[%swap3A_582, %swap3A_583], %swap3A_586 {strides = array<i32>} : memref<160x128xf32, #tpu.memory_space<vmem>>, vector<1x16xf32>,
      %get3A_587 = arith.index_cast %scan3A_548 : i32 to index
      %get3A_588 = arith.constant 32 : index
      %get3A_589 = tpu.vector_load %arg12[%get3A_587, %get3A_588] {strides = array<i32>} : memref<160x128xf32, #tpu.memory_space<vmem>>, vector<1x16xf32>,
      %get3A_590 = vector.shape_cast %get3A_589 : vector<1x16xf32> to vector<16xf32>
      %get3A_591 = arith.index_cast %scan3A_548 : i32 to index
      %get3A_592 = arith.constant 32 : index
      %get3A_593 = tpu.vector_load %arg13[%get3A_591, %get3A_592] {strides = array<i32>} : memref<160x128xf32, #tpu.memory_space<vmem>>, vector<1x16xf32>,
      %get3A_594 = vector.shape_cast %get3A_593 : vector<1x16xf32> to vector<16xf32>
      %add3A_595 = arith.addf %get3A_590, %get3A_594 : vector<16xf32>
      %get3A_596 = arith.index_cast %scan3A_548 : i32 to index
      %get3A_597 = arith.constant 32 : index
      %get3A_598 = tpu.vector_load %arg14[%get3A_596, %get3A_597] {strides = array<i32>} : memref<160x128xf32, #tpu.memory_space<vmem>>, vector<1x16xf32>,
      %get3A_599 = vector.shape_cast %get3A_598 : vector<1x16xf32> to vector<16xf32>
      %add3A_600 = arith.addf %add3A_595, %get3A_599 : vector<16xf32>
      %swap3A_601 = arith.index_cast %scan3A_548 : i32 to index
      %swap3A_602 = arith.constant 32 : index
      %swap3A_603 = tpu.vector_load %arg12[%swap3A_601, %swap3A_602] {strides = array<i32>} : memref<160x128xf32, #tpu.memory_space<vmem>>, vector<1x16xf32>,
      %swap3A_604 = vector.shape_cast %swap3A_603 : vector<1x16xf32> to vector<16xf32>
      %swap3A_605 = vector.shape_cast %add3A_600 : vector<16xf32> to vector<1x16xf32>
      tpu.vector_store %arg12[%swap3A_601, %swap3A_602], %swap3A_605 {strides = array<i32>} : memref<160x128xf32, #tpu.memory_space<vmem>>, vector<1x16xf32>,
      %get3A_606 = arith.index_cast %scan3A_548 : i32 to index
      %get3A_607 = arith.constant 48 : index
      %get3A_608 = tpu.vector_load %arg12[%get3A_606, %get3A_607] {strides = array<i32>} : memref<160x128xf32, #tpu.memory_space<vmem>>, vector<1x16xf32>,
      %get3A_609 = vector.shape_cast %get3A_608 : vector<1x16xf32> to vector<16xf32>
      %get3A_610 = arith.index_cast %scan3A_548 : i32 to index
      %get3A_611 = arith.constant 48 : index
      %get3A_612 = tpu.vector_load %arg13[%get3A_610, %get3A_611] {strides = array<i32>} : memref<160x128xf32, #tpu.memory_space<vmem>>, vector<1x16xf32>,
      %get3A_613 = vector.shape_cast %get3A_612 : vector<1x16xf32> to vector<16xf32>
      %add3A_614 = arith.addf %get3A_609, %get3A_613 : vector<16xf32>
      %get3A_615 = arith.index_cast %scan3A_548 : i32 to index
      %get3A_616 = arith.constant 48 : index
      %get3A_617 = tpu.vector_load %arg14[%get3A_615, %get3A_616] {strides = array<i32>} : memref<160x128xf32, #tpu.memory_space<vmem>>, vector<1x16xf32>,
      %get3A_618 = vector.shape_cast %get3A_617 : vector<1x16xf32> to vector<16xf32>
      %add3A_619 = arith.addf %add3A_614, %get3A_618 : vector<16xf32>
      %swap3A_620 = arith.index_cast %scan3A_548 : i32 to index
      %swap3A_621 = arith.constant 48 : index
      %swap3A_622 = tpu.vector_load %arg12[%swap3A_620, %swap3A_621] {strides = array<i32>} : memref<160x128xf32, #tpu.memory_space<vmem>>, vector<1x16xf32>,
      %swap3A_623 = vector.shape_cast %swap3A_622 : vector<1x16xf32> to vector<16xf32>
      %swap3A_624 = vector.shape_cast %add3A_619 : vector<16xf32> to vector<1x16xf32>
      tpu.vector_store %arg12[%swap3A_620, %swap3A_621], %swap3A_624 {strides = array<i32>} : memref<160x128xf32, #tpu.memory_space<vmem>>, vector<1x16xf32>,
      %get3A_625 = arith.index_cast %scan3A_548 : i32 to index
      %get3A_626 = arith.constant 64 : index
      %get3A_627 = tpu.vector_load %arg12[%get3A_625, %get3A_626] {strides = array<i32>} : memref<160x128xf32, #tpu.memory_space<vmem>>, vector<1x16xf32>,
      %get3A_628 = vector.shape_cast %get3A_627 : vector<1x16xf32> to vector<16xf32>
      %get3A_629 = arith.index_cast %scan3A_548 : i32 to index
      %get3A_630 = arith.constant 64 : index
      %get3A_631 = tpu.vector_load %arg13[%get3A_629, %get3A_630] {strides = array<i32>} : memref<160x128xf32, #tpu.memory_space<vmem>>, vector<1x16xf32>,
      %get3A_632 = vector.shape_cast %get3A_631 : vector<1x16xf32> to vector<16xf32>
      %add3A_633 = arith.addf %get3A_628, %get3A_632 : vector<16xf32>
      %get3A_634 = arith.index_cast %scan3A_548 : i32 to index
      %get3A_635 = arith.constant 64 : index
      %get3A_636 = tpu.vector_load %arg14[%get3A_634, %get3A_635] {strides = array<i32>} : memref<160x128xf32, #tpu.memory_space<vmem>>, vector<1x16xf32>,
      %get3A_637 = vector.shape_cast %get3A_636 : vector<1x16xf32> to vector<16xf32>
      %add3A_638 = arith.addf %add3A_633, %get3A_637 : vector<16xf32>
      %swap3A_639 = arith.index_cast %scan3A_548 : i32 to index
      %swap3A_640 = arith.constant 64 : index
      %swap3A_641 = tpu.vector_load %arg12[%swap3A_639, %swap3A_640] {strides = array<i32>} : memref<160x128xf32, #tpu.memory_space<vmem>>, vector<1x16xf32>,
      %swap3A_642 = vector.shape_cast %swap3A_641 : vector<1x16xf32> to vector<16xf32>
      %swap3A_643 = vector.shape_cast %add3A_638 : vector<16xf32> to vector<1x16xf32>
      tpu.vector_store %arg12[%swap3A_639, %swap3A_640], %swap3A_643 {strides = array<i32>} : memref<160x128xf32, #tpu.memory_space<vmem>>, vector<1x16xf32>,
      %get3A_644 = arith.index_cast %scan3A_548 : i32 to index
      %get3A_645 = arith.constant 80 : index
      %get3A_646 = tpu.vector_load %arg12[%get3A_644, %get3A_645] {strides = array<i32>} : memref<160x128xf32, #tpu.memory_space<vmem>>, vector<1x16xf32>,
      %get3A_647 = vector.shape_cast %get3A_646 : vector<1x16xf32> to vector<16xf32>
      %get3A_648 = arith.index_cast %scan3A_548 : i32 to index
      %get3A_649 = arith.constant 80 : index
      %get3A_650 = tpu.vector_load %arg13[%get3A_648, %get3A_649] {strides = array<i32>} : memref<160x128xf32, #tpu.memory_space<vmem>>, vector<1x16xf32>,
      %get3A_651 = vector.shape_cast %get3A_650 : vector<1x16xf32> to vector<16xf32>
      %add3A_652 = arith.addf %get3A_647, %get3A_651 : vector<16xf32>
      %get3A_653 = arith.index_cast %scan3A_548 : i32 to index
      %get3A_654 = arith.constant 80 : index
      %get3A_655 = tpu.vector_load %arg14[%get3A_653, %get3A_654] {strides = array<i32>} : memref<160x128xf32, #tpu.memory_space<vmem>>, vector<1x16xf32>,
      %get3A_656 = vector.shape_cast %get3A_655 : vector<1x16xf32> to vector<16xf32>
      %add3A_657 = arith.addf %add3A_652, %get3A_656 : vector<16xf32>
      %swap3A_658 = arith.index_cast %scan3A_548 : i32 to index
      %swap3A_659 = arith.constant 80 : index
      %swap3A_660 = tpu.vector_load %arg12[%swap3A_658, %swap3A_659] {strides = array<i32>} : memref<160x128xf32, #tpu.memory_space<vmem>>, vector<1x16xf32>,
      %swap3A_661 = vector.shape_cast %swap3A_660 : vector<1x16xf32> to vector<16xf32>
      %swap3A_662 = vector.shape_cast %add3A_657 : vector<16xf32> to vector<1x16xf32>
      tpu.vector_store %arg12[%swap3A_658, %swap3A_659], %swap3A_662 {strides = array<i32>} : memref<160x128xf32, #tpu.memory_space<vmem>>, vector<1x16xf32>,
      %get3A_663 = arith.index_cast %scan3A_548 : i32 to index
      %get3A_664 = arith.constant 96 : index
      %get3A_665 = tpu.vector_load %arg12[%get3A_663, %get3A_664] {strides = array<i32>} : memref<160x128xf32, #tpu.memory_space<vmem>>, vector<1x16xf32>,
      %get3A_666 = vector.shape_cast %get3A_665 : vector<1x16xf32> to vector<16xf32>
      %get3A_667 = arith.index_cast %scan3A_548 : i32 to index
      %get3A_668 = arith.constant 96 : index
      %get3A_669 = tpu.vector_load %arg13[%get3A_667, %get3A_668] {strides = array<i32>} : memref<160x128xf32, #tpu.memory_space<vmem>>, vector<1x16xf32>,
      %get3A_670 = vector.shape_cast %get3A_669 : vector<1x16xf32> to vector<16xf32>
      %add3A_671 = arith.addf %get3A_666, %get3A_670 : vector<16xf32>
      %get3A_672 = arith.index_cast %scan3A_548 : i32 to index
      %get3A_673 = arith.constant 96 : index
      %get3A_674 = tpu.vector_load %arg14[%get3A_672, %get3A_673] {strides = array<i32>} : memref<160x128xf32, #tpu.memory_space<vmem>>, vector<1x16xf32>,
      %get3A_675 = vector.shape_cast %get3A_674 : vector<1x16xf32> to vector<16xf32>
      %add3A_676 = arith.addf %add3A_671, %get3A_675 : vector<16xf32>
      %swap3A_677 = arith.index_cast %scan3A_548 : i32 to index
      %swap3A_678 = arith.constant 96 : index
      %swap3A_679 = tpu.vector_load %arg12[%swap3A_677, %swap3A_678] {strides = array<i32>} : memref<160x128xf32, #tpu.memory_space<vmem>>, vector<1x16xf32>,
      %swap3A_680 = vector.shape_cast %swap3A_679 : vector<1x16xf32> to vector<16xf32>
      %swap3A_681 = vector.shape_cast %add3A_676 : vector<16xf32> to vector<1x16xf32>
      tpu.vector_store %arg12[%swap3A_677, %swap3A_678], %swap3A_681 {strides = array<i32>} : memref<160x128xf32, #tpu.memory_space<vmem>>, vector<1x16xf32>,
      %get3A_682 = arith.index_cast %scan3A_548 : i32 to index
      %get3A_683 = arith.constant 112 : index
      %get3A_684 = tpu.vector_load %arg12[%get3A_682, %get3A_683] {strides = array<i32>} : memref<160x128xf32, #tpu.memory_space<vmem>>, vector<1x16xf32>,
      %get3A_685 = vector.shape_cast %get3A_684 : vector<1x16xf32> to vector<16xf32>
      %get3A_686 = arith.index_cast %scan3A_548 : i32 to index
      %get3A_687 = arith.constant 112 : index
      %get3A_688 = tpu.vector_load %arg13[%get3A_686, %get3A_687] {strides = array<i32>} : memref<160x128xf32, #tpu.memory_space<vmem>>, vector<1x16xf32>,
      %get3A_689 = vector.shape_cast %get3A_688 : vector<1x16xf32> to vector<16xf32>
      %add3A_690 = arith.addf %get3A_685, %get3A_689 : vector<16xf32>
      %get3A_691 = arith.index_cast %scan3A_548 : i32 to index
      %get3A_692 = arith.constant 112 : index
      %get3A_693 = tpu.vector_load %arg14[%get3A_691, %get3A_692] {strides = array<i32>} : memref<160x128xf32, #tpu.memory_space<vmem>>, vector<1x16xf32>,
      %get3A_694 = vector.shape_cast %get3A_693 : vector<1x16xf32> to vector<16xf32>
      %add3A_695 = arith.addf %add3A_690, %get3A_694 : vector<16xf32>
      %swap3A_696 = arith.index_cast %scan3A_548 : i32 to index
      %swap3A_697 = arith.constant 112 : index
      %swap3A_698 = tpu.vector_load %arg12[%swap3A_696, %swap3A_697] {strides = array<i32>} : memref<160x128xf32, #tpu.memory_space<vmem>>, vector<1x16xf32>,
      %swap3A_699 = vector.shape_cast %swap3A_698 : vector<1x16xf32> to vector<16xf32>
      %swap3A_700 = vector.shape_cast %add3A_695 : vector<16xf32> to vector<1x16xf32>
      tpu.vector_store %arg12[%swap3A_696, %swap3A_697], %swap3A_700 {strides = array<i32>} : memref<160x128xf32, #tpu.memory_space<vmem>>, vector<1x16xf32>,
    }
    %scan3A_85 = arith.constant 160 : i32
    %add3A_86 = arith.constant 19840 : i32
    %add3A_87 = arith.addi %mul3A_2, %add3A_86 : i32
    "tpu.region"() ({
      %run_scoped3A = tpu.sem_alloc : memref<!tpu.dma_semaphore, #tpu.memory_space<semaphore_mem>>
      %dma_start3A_88 = arith.constant 0 : i32
      %dma_start3A_89 = tpu.memref_slice %arg8[%add3A_87, %dma_start3A_88] : memref<640000x128xf32, #tpu.memory_space<hbm>> -> memref<160x128xf32, #tpu.memory_space<hbm>>
      %dma_start3A_90 = arith.constant 0 : i32
      %dma_start3A_91 = tpu.memref_slice %arg8[%add3A_87, %dma_start3A_90] : memref<640000x128xf32, #tpu.memory_space<hbm>> -> memref<160x128xf32, #tpu.memory_space<hbm>>
      tpu.enqueue_dma source(%arg12 : memref<160x128xf32, #tpu.memory_space<vmem>>) target(%dma_start3A_91 : memref<160x128xf32, #tpu.memory_space<hbm>>) target_semaphore(%run_scoped3A : memref<!tpu.dma_semaphore, #tpu.memory_space<semaphore_mem>>)
      %dma_wait3A_92 = arith.constant 0 : i32
      %dma_wait3A_93 = tpu.memref_slice %arg8[%add3A_87, %dma_wait3A_92] : memref<640000x128xf32, #tpu.memory_space<hbm>> -> memref<160x128xf32, #tpu.memory_space<hbm>>
      %dma_wait3A_94 = arith.constant 0 : i32
      %dma_wait3A_95 = tpu.memref_slice %arg8[%add3A_87, %dma_wait3A_94] : memref<640000x128xf32, #tpu.memory_space<hbm>> -> memref<160x128xf32, #tpu.memory_space<hbm>>
      tpu.wait_dma2 semaphore(%run_scoped3A : memref<!tpu.dma_semaphore, #tpu.memory_space<semaphore_mem>>) src(%arg12 : memref<160x128xf32, #tpu.memory_space<vmem>>) dst(%dma_wait3A_95 : memref<160x128xf32, #tpu.memory_space<hbm>>)
      tpu.yield
    }) : () -> ()
    return
  }
}

#map = affine_map<(d0, d1) -> (0, 0)>
#map1 = affine_map<(d0, d1) -> (0)>
module attributes {stable_mosaic.version = 14 : i64} {
  func.func @_scatter_body(%arg0: i32, %arg1: i32, %arg2: memref<640000x128xf32, #tpu.memory_space<hbm>>, %arg3: memref<640000xi32, #tpu.memory_space<hbm>>, %arg4: memref<326400x128xf32, #tpu.memory_space<hbm>>, %arg5: memref<8000xi32, #tpu.memory_space<vmem>>, %arg6: memref<4160xi32, #tpu.memory_space<vmem>>, %arg7: memref<4160xi32, #tpu.memory_space<vmem>>, %arg8: memref<192xi32, #tpu.memory_space<vmem>>, %arg9: memref<192x128xf32, #tpu.memory_space<vmem>>, %arg10: memref<10881x128xf32, #tpu.memory_space<vmem_shared>>, %arg11: memref<!tpu.dma_semaphore, #tpu.memory_space<semaphore_mem>>) attributes {dimension_semantics = [#tpu.dimension_semantics<core_parallel>, #tpu.dimension_semantics<subcore_parallel>], iteration_bounds = array<i64: 2, 16>, scalar_prefetch = 0 : i64, scratch_operands = 7 : i64, tpu.core_type = #tpu.core_type<sc_vector_subcore>, window_params = [{transform_indices = #map}, {transform_indices = #map1}, {transform_indices = #map}]} {
    %mul3A = arith.constant 40000 : i32
    %mul3A_0 = arith.muli %arg1, %mul3A : i32
    %mul3A_1 = arith.constant 680 : i32
    %mul3A_2 = arith.muli %arg1, %mul3A_1 : i32
    %scan3A = arith.constant 0 : i32
    %scan3A_3 = arith.constant 0 : i32
    %scan3A_4 = arith.constant 136 : i32
    %scan3A_5 = arith.addi %scan3A_3, %scan3A_4 : i32
    %scan3A_6 = arith.constant 1 : i32
    scf.for %scan3A_23 = %scan3A_3 to %scan3A_5 step %scan3A_6  : i32 {
      %broadcast_in_dim3A = arith.constant 0.000000e+00 : f32
      %broadcast_in_dim3A_24 = vector.broadcast %broadcast_in_dim3A : f32 to vector<16xf32>
      %swap3A = arith.index_cast %scan3A_23 : i32 to index
      %swap3A_25 = arith.constant 0 : index
      %swap3A_26 = tpu.vector_load %arg9[%swap3A, %swap3A_25] {strides = array<i32>} : memref<192x128xf32, #tpu.memory_space<vmem>>, vector<16xf32>,
      tpu.vector_store %arg9[%swap3A, %swap3A_25], %broadcast_in_dim3A_24 {strides = array<i32>} : memref<192x128xf32, #tpu.memory_space<vmem>>, vector<16xf32>,
      %broadcast_in_dim3A_27 = arith.constant 0.000000e+00 : f32
      %broadcast_in_dim3A_28 = vector.broadcast %broadcast_in_dim3A_27 : f32 to vector<16xf32>
      %swap3A_29 = arith.index_cast %scan3A_23 : i32 to index
      %swap3A_30 = arith.constant 16 : index
      %swap3A_31 = tpu.vector_load %arg9[%swap3A_29, %swap3A_30] {strides = array<i32>} : memref<192x128xf32, #tpu.memory_space<vmem>>, vector<16xf32>,
      tpu.vector_store %arg9[%swap3A_29, %swap3A_30], %broadcast_in_dim3A_28 {strides = array<i32>} : memref<192x128xf32, #tpu.memory_space<vmem>>, vector<16xf32>,
      %broadcast_in_dim3A_32 = arith.constant 0.000000e+00 : f32
      %broadcast_in_dim3A_33 = vector.broadcast %broadcast_in_dim3A_32 : f32 to vector<16xf32>
      %swap3A_34 = arith.index_cast %scan3A_23 : i32 to index
      %swap3A_35 = arith.constant 32 : index
      %swap3A_36 = tpu.vector_load %arg9[%swap3A_34, %swap3A_35] {strides = array<i32>} : memref<192x128xf32, #tpu.memory_space<vmem>>, vector<16xf32>,
      tpu.vector_store %arg9[%swap3A_34, %swap3A_35], %broadcast_in_dim3A_33 {strides = array<i32>} : memref<192x128xf32, #tpu.memory_space<vmem>>, vector<16xf32>,
      %broadcast_in_dim3A_37 = arith.constant 0.000000e+00 : f32
      %broadcast_in_dim3A_38 = vector.broadcast %broadcast_in_dim3A_37 : f32 to vector<16xf32>
      %swap3A_39 = arith.index_cast %scan3A_23 : i32 to index
      %swap3A_40 = arith.constant 48 : index
      %swap3A_41 = tpu.vector_load %arg9[%swap3A_39, %swap3A_40] {strides = array<i32>} : memref<192x128xf32, #tpu.memory_space<vmem>>, vector<16xf32>,
      tpu.vector_store %arg9[%swap3A_39, %swap3A_40], %broadcast_in_dim3A_38 {strides = array<i32>} : memref<192x128xf32, #tpu.memory_space<vmem>>, vector<16xf32>,
      %broadcast_in_dim3A_42 = arith.constant 0.000000e+00 : f32
      %broadcast_in_dim3A_43 = vector.broadcast %broadcast_in_dim3A_42 : f32 to vector<16xf32>
      %swap3A_44 = arith.index_cast %scan3A_23 : i32 to index
      %swap3A_45 = arith.constant 64 : index
      %swap3A_46 = tpu.vector_load %arg9[%swap3A_44, %swap3A_45] {strides = array<i32>} : memref<192x128xf32, #tpu.memory_space<vmem>>, vector<16xf32>,
      tpu.vector_store %arg9[%swap3A_44, %swap3A_45], %broadcast_in_dim3A_43 {strides = array<i32>} : memref<192x128xf32, #tpu.memory_space<vmem>>, vector<16xf32>,
      %broadcast_in_dim3A_47 = arith.constant 0.000000e+00 : f32
      %broadcast_in_dim3A_48 = vector.broadcast %broadcast_in_dim3A_47 : f32 to vector<16xf32>
      %swap3A_49 = arith.index_cast %scan3A_23 : i32 to index
      %swap3A_50 = arith.constant 80 : index
      %swap3A_51 = tpu.vector_load %arg9[%swap3A_49, %swap3A_50] {strides = array<i32>} : memref<192x128xf32, #tpu.memory_space<vmem>>, vector<16xf32>,
      tpu.vector_store %arg9[%swap3A_49, %swap3A_50], %broadcast_in_dim3A_48 {strides = array<i32>} : memref<192x128xf32, #tpu.memory_space<vmem>>, vector<16xf32>,
      %broadcast_in_dim3A_52 = arith.constant 0.000000e+00 : f32
      %broadcast_in_dim3A_53 = vector.broadcast %broadcast_in_dim3A_52 : f32 to vector<16xf32>
      %swap3A_54 = arith.index_cast %scan3A_23 : i32 to index
      %swap3A_55 = arith.constant 96 : index
      %swap3A_56 = tpu.vector_load %arg9[%swap3A_54, %swap3A_55] {strides = array<i32>} : memref<192x128xf32, #tpu.memory_space<vmem>>, vector<16xf32>,
      tpu.vector_store %arg9[%swap3A_54, %swap3A_55], %broadcast_in_dim3A_53 {strides = array<i32>} : memref<192x128xf32, #tpu.memory_space<vmem>>, vector<16xf32>,
      %broadcast_in_dim3A_57 = arith.constant 0.000000e+00 : f32
      %broadcast_in_dim3A_58 = vector.broadcast %broadcast_in_dim3A_57 : f32 to vector<16xf32>
      %swap3A_59 = arith.index_cast %scan3A_23 : i32 to index
      %swap3A_60 = arith.constant 112 : index
      %swap3A_61 = tpu.vector_load %arg9[%swap3A_59, %swap3A_60] {strides = array<i32>} : memref<192x128xf32, #tpu.memory_space<vmem>>, vector<16xf32>,
      tpu.vector_store %arg9[%swap3A_59, %swap3A_60], %broadcast_in_dim3A_58 {strides = array<i32>} : memref<192x128xf32, #tpu.memory_space<vmem>>, vector<16xf32>,
    }
    %scan3A_7 = arith.constant 136 : i32
    %add3A = arith.constant 0 : i32
    %add3A_8 = arith.addi %mul3A_2, %add3A : i32
    "tpu.region"() ({
      %run_scoped3A = tpu.sem_alloc : memref<!tpu.dma_semaphore, #tpu.memory_space<semaphore_mem>>
      %dma_start3A = arith.constant 0 : i32
      %dma_start3A_23 = arith.constant 0 : i32
      %dma_start3A_24 = tpu.memref_slice %arg9[%dma_start3A, %dma_start3A_23] : memref<192x128xf32, #tpu.memory_space<vmem>> -> memref<136x128xf32, #tpu.memory_space<vmem>>
      %dma_start3A_25 = arith.constant 0 : i32
      %dma_start3A_26 = tpu.memref_slice %arg10[%add3A_8, %dma_start3A_25] : memref<10881x128xf32, #tpu.memory_space<vmem_shared>> -> memref<136x128xf32, #tpu.memory_space<vmem_shared>>
      %dma_start3A_27 = arith.constant 0 : i32
      %dma_start3A_28 = tpu.memref_slice %arg10[%add3A_8, %dma_start3A_27] : memref<10881x128xf32, #tpu.memory_space<vmem_shared>> -> memref<136x128xf32, #tpu.memory_space<vmem_shared>>
      %dma_start3A_29 = arith.constant 0 : i32
      %dma_start3A_30 = arith.constant 0 : i32
      %dma_start3A_31 = tpu.memref_slice %arg9[%dma_start3A_29, %dma_start3A_30] : memref<192x128xf32, #tpu.memory_space<vmem>> -> memref<136x128xf32, #tpu.memory_space<vmem>>
      tpu.enqueue_dma source(%dma_start3A_31 : memref<136x128xf32, #tpu.memory_space<vmem>>) target(%dma_start3A_28 : memref<136x128xf32, #tpu.memory_space<vmem_shared>>) target_semaphore(%run_scoped3A : memref<!tpu.dma_semaphore, #tpu.memory_space<semaphore_mem>>)
      %dma_wait3A = arith.constant 0 : i32
      %dma_wait3A_32 = arith.constant 0 : i32
      %dma_wait3A_33 = tpu.memref_slice %arg9[%dma_wait3A, %dma_wait3A_32] : memref<192x128xf32, #tpu.memory_space<vmem>> -> memref<136x128xf32, #tpu.memory_space<vmem>>
      %dma_wait3A_34 = arith.constant 0 : i32
      %dma_wait3A_35 = tpu.memref_slice %arg10[%add3A_8, %dma_wait3A_34] : memref<10881x128xf32, #tpu.memory_space<vmem_shared>> -> memref<136x128xf32, #tpu.memory_space<vmem_shared>>
      %dma_wait3A_36 = arith.constant 0 : i32
      %dma_wait3A_37 = tpu.memref_slice %arg10[%add3A_8, %dma_wait3A_36] : memref<10881x128xf32, #tpu.memory_space<vmem_shared>> -> memref<136x128xf32, #tpu.memory_space<vmem_shared>>
      %dma_wait3A_38 = arith.constant 0 : i32
      %dma_wait3A_39 = arith.constant 0 : i32
      %dma_wait3A_40 = tpu.memref_slice %arg9[%dma_wait3A_38, %dma_wait3A_39] : memref<192x128xf32, #tpu.memory_space<vmem>> -> memref<136x128xf32, #tpu.memory_space<vmem>>
      tpu.wait_dma2 semaphore(%run_scoped3A : memref<!tpu.dma_semaphore, #tpu.memory_space<semaphore_mem>>) src(%dma_wait3A_40 : memref<136x128xf32, #tpu.memory_space<vmem>>) dst(%dma_wait3A_37 : memref<136x128xf32, #tpu.memory_space<vmem_shared>>)
      tpu.yield
    }) : () -> ()
    %add3A_9 = arith.constant 136 : i32
    %add3A_10 = arith.addi %mul3A_2, %add3A_9 : i32
    "tpu.region"() ({
      %run_scoped3A = tpu.sem_alloc : memref<!tpu.dma_semaphore, #tpu.memory_space<semaphore_mem>>
      %dma_start3A = arith.constant 0 : i32
      %dma_start3A_23 = arith.constant 0 : i32
      %dma_start3A_24 = tpu.memref_slice %arg9[%dma_start3A, %dma_start3A_23] : memref<192x128xf32, #tpu.memory_space<vmem>> -> memref<136x128xf32, #tpu.memory_space<vmem>>
      %dma_start3A_25 = arith.constant 0 : i32
      %dma_start3A_26 = tpu.memref_slice %arg10[%add3A_10, %dma_start3A_25] : memref<10881x128xf32, #tpu.memory_space<vmem_shared>> -> memref<136x128xf32, #tpu.memory_space<vmem_shared>>
      %dma_start3A_27 = arith.constant 0 : i32
      %dma_start3A_28 = tpu.memref_slice %arg10[%add3A_10, %dma_start3A_27] : memref<10881x128xf32, #tpu.memory_space<vmem_shared>> -> memref<136x128xf32, #tpu.memory_space<vmem_shared>>
      %dma_start3A_29 = arith.constant 0 : i32
      %dma_start3A_30 = arith.constant 0 : i32
      %dma_start3A_31 = tpu.memref_slice %arg9[%dma_start3A_29, %dma_start3A_30] : memref<192x128xf32, #tpu.memory_space<vmem>> -> memref<136x128xf32, #tpu.memory_space<vmem>>
      tpu.enqueue_dma source(%dma_start3A_31 : memref<136x128xf32, #tpu.memory_space<vmem>>) target(%dma_start3A_28 : memref<136x128xf32, #tpu.memory_space<vmem_shared>>) target_semaphore(%run_scoped3A : memref<!tpu.dma_semaphore, #tpu.memory_space<semaphore_mem>>)
      %dma_wait3A = arith.constant 0 : i32
      %dma_wait3A_32 = arith.constant 0 : i32
      %dma_wait3A_33 = tpu.memref_slice %arg9[%dma_wait3A, %dma_wait3A_32] : memref<192x128xf32, #tpu.memory_space<vmem>> -> memref<136x128xf32, #tpu.memory_space<vmem>>
      %dma_wait3A_34 = arith.constant 0 : i32
      %dma_wait3A_35 = tpu.memref_slice %arg10[%add3A_10, %dma_wait3A_34] : memref<10881x128xf32, #tpu.memory_space<vmem_shared>> -> memref<136x128xf32, #tpu.memory_space<vmem_shared>>
      %dma_wait3A_36 = arith.constant 0 : i32
      %dma_wait3A_37 = tpu.memref_slice %arg10[%add3A_10, %dma_wait3A_36] : memref<10881x128xf32, #tpu.memory_space<vmem_shared>> -> memref<136x128xf32, #tpu.memory_space<vmem_shared>>
      %dma_wait3A_38 = arith.constant 0 : i32
      %dma_wait3A_39 = arith.constant 0 : i32
      %dma_wait3A_40 = tpu.memref_slice %arg9[%dma_wait3A_38, %dma_wait3A_39] : memref<192x128xf32, #tpu.memory_space<vmem>> -> memref<136x128xf32, #tpu.memory_space<vmem>>
      tpu.wait_dma2 semaphore(%run_scoped3A : memref<!tpu.dma_semaphore, #tpu.memory_space<semaphore_mem>>) src(%dma_wait3A_40 : memref<136x128xf32, #tpu.memory_space<vmem>>) dst(%dma_wait3A_37 : memref<136x128xf32, #tpu.memory_space<vmem_shared>>)
      tpu.yield
    }) : () -> ()
    %add3A_11 = arith.constant 272 : i32
    %add3A_12 = arith.addi %mul3A_2, %add3A_11 : i32
    "tpu.region"() ({
      %run_scoped3A = tpu.sem_alloc : memref<!tpu.dma_semaphore, #tpu.memory_space<semaphore_mem>>
      %dma_start3A = arith.constant 0 : i32
      %dma_start3A_23 = arith.constant 0 : i32
      %dma_start3A_24 = tpu.memref_slice %arg9[%dma_start3A, %dma_start3A_23] : memref<192x128xf32, #tpu.memory_space<vmem>> -> memref<136x128xf32, #tpu.memory_space<vmem>>
      %dma_start3A_25 = arith.constant 0 : i32
      %dma_start3A_26 = tpu.memref_slice %arg10[%add3A_12, %dma_start3A_25] : memref<10881x128xf32, #tpu.memory_space<vmem_shared>> -> memref<136x128xf32, #tpu.memory_space<vmem_shared>>
      %dma_start3A_27 = arith.constant 0 : i32
      %dma_start3A_28 = tpu.memref_slice %arg10[%add3A_12, %dma_start3A_27] : memref<10881x128xf32, #tpu.memory_space<vmem_shared>> -> memref<136x128xf32, #tpu.memory_space<vmem_shared>>
      %dma_start3A_29 = arith.constant 0 : i32
      %dma_start3A_30 = arith.constant 0 : i32
      %dma_start3A_31 = tpu.memref_slice %arg9[%dma_start3A_29, %dma_start3A_30] : memref<192x128xf32, #tpu.memory_space<vmem>> -> memref<136x128xf32, #tpu.memory_space<vmem>>
      tpu.enqueue_dma source(%dma_start3A_31 : memref<136x128xf32, #tpu.memory_space<vmem>>) target(%dma_start3A_28 : memref<136x128xf32, #tpu.memory_space<vmem_shared>>) target_semaphore(%run_scoped3A : memref<!tpu.dma_semaphore, #tpu.memory_space<semaphore_mem>>)
      %dma_wait3A = arith.constant 0 : i32
      %dma_wait3A_32 = arith.constant 0 : i32
      %dma_wait3A_33 = tpu.memref_slice %arg9[%dma_wait3A, %dma_wait3A_32] : memref<192x128xf32, #tpu.memory_space<vmem>> -> memref<136x128xf32, #tpu.memory_space<vmem>>
      %dma_wait3A_34 = arith.constant 0 : i32
      %dma_wait3A_35 = tpu.memref_slice %arg10[%add3A_12, %dma_wait3A_34] : memref<10881x128xf32, #tpu.memory_space<vmem_shared>> -> memref<136x128xf32, #tpu.memory_space<vmem_shared>>
      %dma_wait3A_36 = arith.constant 0 : i32
      %dma_wait3A_37 = tpu.memref_slice %arg10[%add3A_12, %dma_wait3A_36] : memref<10881x128xf32, #tpu.memory_space<vmem_shared>> -> memref<136x128xf32, #tpu.memory_space<vmem_shared>>
      %dma_wait3A_38 = arith.constant 0 : i32
      %dma_wait3A_39 = arith.constant 0 : i32
      %dma_wait3A_40 = tpu.memref_slice %arg9[%dma_wait3A_38, %dma_wait3A_39] : memref<192x128xf32, #tpu.memory_space<vmem>> -> memref<136x128xf32, #tpu.memory_space<vmem>>
      tpu.wait_dma2 semaphore(%run_scoped3A : memref<!tpu.dma_semaphore, #tpu.memory_space<semaphore_mem>>) src(%dma_wait3A_40 : memref<136x128xf32, #tpu.memory_space<vmem>>) dst(%dma_wait3A_37 : memref<136x128xf32, #tpu.memory_space<vmem_shared>>)
      tpu.yield
    }) : () -> ()
    %add3A_13 = arith.constant 408 : i32
    %add3A_14 = arith.addi %mul3A_2, %add3A_13 : i32
    "tpu.region"() ({
      %run_scoped3A = tpu.sem_alloc : memref<!tpu.dma_semaphore, #tpu.memory_space<semaphore_mem>>
      %dma_start3A = arith.constant 0 : i32
      %dma_start3A_23 = arith.constant 0 : i32
      %dma_start3A_24 = tpu.memref_slice %arg9[%dma_start3A, %dma_start3A_23] : memref<192x128xf32, #tpu.memory_space<vmem>> -> memref<136x128xf32, #tpu.memory_space<vmem>>
      %dma_start3A_25 = arith.constant 0 : i32
      %dma_start3A_26 = tpu.memref_slice %arg10[%add3A_14, %dma_start3A_25] : memref<10881x128xf32, #tpu.memory_space<vmem_shared>> -> memref<136x128xf32, #tpu.memory_space<vmem_shared>>
      %dma_start3A_27 = arith.constant 0 : i32
      %dma_start3A_28 = tpu.memref_slice %arg10[%add3A_14, %dma_start3A_27] : memref<10881x128xf32, #tpu.memory_space<vmem_shared>> -> memref<136x128xf32, #tpu.memory_space<vmem_shared>>
      %dma_start3A_29 = arith.constant 0 : i32
      %dma_start3A_30 = arith.constant 0 : i32
      %dma_start3A_31 = tpu.memref_slice %arg9[%dma_start3A_29, %dma_start3A_30] : memref<192x128xf32, #tpu.memory_space<vmem>> -> memref<136x128xf32, #tpu.memory_space<vmem>>
      tpu.enqueue_dma source(%dma_start3A_31 : memref<136x128xf32, #tpu.memory_space<vmem>>) target(%dma_start3A_28 : memref<136x128xf32, #tpu.memory_space<vmem_shared>>) target_semaphore(%run_scoped3A : memref<!tpu.dma_semaphore, #tpu.memory_space<semaphore_mem>>)
      %dma_wait3A = arith.constant 0 : i32
      %dma_wait3A_32 = arith.constant 0 : i32
      %dma_wait3A_33 = tpu.memref_slice %arg9[%dma_wait3A, %dma_wait3A_32] : memref<192x128xf32, #tpu.memory_space<vmem>> -> memref<136x128xf32, #tpu.memory_space<vmem>>
      %dma_wait3A_34 = arith.constant 0 : i32
      %dma_wait3A_35 = tpu.memref_slice %arg10[%add3A_14, %dma_wait3A_34] : memref<10881x128xf32, #tpu.memory_space<vmem_shared>> -> memref<136x128xf32, #tpu.memory_space<vmem_shared>>
      %dma_wait3A_36 = arith.constant 0 : i32
      %dma_wait3A_37 = tpu.memref_slice %arg10[%add3A_14, %dma_wait3A_36] : memref<10881x128xf32, #tpu.memory_space<vmem_shared>> -> memref<136x128xf32, #tpu.memory_space<vmem_shared>>
      %dma_wait3A_38 = arith.constant 0 : i32
      %dma_wait3A_39 = arith.constant 0 : i32
      %dma_wait3A_40 = tpu.memref_slice %arg9[%dma_wait3A_38, %dma_wait3A_39] : memref<192x128xf32, #tpu.memory_space<vmem>> -> memref<136x128xf32, #tpu.memory_space<vmem>>
      tpu.wait_dma2 semaphore(%run_scoped3A : memref<!tpu.dma_semaphore, #tpu.memory_space<semaphore_mem>>) src(%dma_wait3A_40 : memref<136x128xf32, #tpu.memory_space<vmem>>) dst(%dma_wait3A_37 : memref<136x128xf32, #tpu.memory_space<vmem_shared>>)
      tpu.yield
    }) : () -> ()
    %add3A_15 = arith.constant 544 : i32
    %add3A_16 = arith.addi %mul3A_2, %add3A_15 : i32
    "tpu.region"() ({
      %run_scoped3A = tpu.sem_alloc : memref<!tpu.dma_semaphore, #tpu.memory_space<semaphore_mem>>
      %dma_start3A = arith.constant 0 : i32
      %dma_start3A_23 = arith.constant 0 : i32
      %dma_start3A_24 = tpu.memref_slice %arg9[%dma_start3A, %dma_start3A_23] : memref<192x128xf32, #tpu.memory_space<vmem>> -> memref<136x128xf32, #tpu.memory_space<vmem>>
      %dma_start3A_25 = arith.constant 0 : i32
      %dma_start3A_26 = tpu.memref_slice %arg10[%add3A_16, %dma_start3A_25] : memref<10881x128xf32, #tpu.memory_space<vmem_shared>> -> memref<136x128xf32, #tpu.memory_space<vmem_shared>>
      %dma_start3A_27 = arith.constant 0 : i32
      %dma_start3A_28 = tpu.memref_slice %arg10[%add3A_16, %dma_start3A_27] : memref<10881x128xf32, #tpu.memory_space<vmem_shared>> -> memref<136x128xf32, #tpu.memory_space<vmem_shared>>
      %dma_start3A_29 = arith.constant 0 : i32
      %dma_start3A_30 = arith.constant 0 : i32
      %dma_start3A_31 = tpu.memref_slice %arg9[%dma_start3A_29, %dma_start3A_30] : memref<192x128xf32, #tpu.memory_space<vmem>> -> memref<136x128xf32, #tpu.memory_space<vmem>>
      tpu.enqueue_dma source(%dma_start3A_31 : memref<136x128xf32, #tpu.memory_space<vmem>>) target(%dma_start3A_28 : memref<136x128xf32, #tpu.memory_space<vmem_shared>>) target_semaphore(%run_scoped3A : memref<!tpu.dma_semaphore, #tpu.memory_space<semaphore_mem>>)
      %dma_wait3A = arith.constant 0 : i32
      %dma_wait3A_32 = arith.constant 0 : i32
      %dma_wait3A_33 = tpu.memref_slice %arg9[%dma_wait3A, %dma_wait3A_32] : memref<192x128xf32, #tpu.memory_space<vmem>> -> memref<136x128xf32, #tpu.memory_space<vmem>>
      %dma_wait3A_34 = arith.constant 0 : i32
      %dma_wait3A_35 = tpu.memref_slice %arg10[%add3A_16, %dma_wait3A_34] : memref<10881x128xf32, #tpu.memory_space<vmem_shared>> -> memref<136x128xf32, #tpu.memory_space<vmem_shared>>
      %dma_wait3A_36 = arith.constant 0 : i32
      %dma_wait3A_37 = tpu.memref_slice %arg10[%add3A_16, %dma_wait3A_36] : memref<10881x128xf32, #tpu.memory_space<vmem_shared>> -> memref<136x128xf32, #tpu.memory_space<vmem_shared>>
      %dma_wait3A_38 = arith.constant 0 : i32
      %dma_wait3A_39 = arith.constant 0 : i32
      %dma_wait3A_40 = tpu.memref_slice %arg9[%dma_wait3A_38, %dma_wait3A_39] : memref<192x128xf32, #tpu.memory_space<vmem>> -> memref<136x128xf32, #tpu.memory_space<vmem>>
      tpu.wait_dma2 semaphore(%run_scoped3A : memref<!tpu.dma_semaphore, #tpu.memory_space<semaphore_mem>>) src(%dma_wait3A_40 : memref<136x128xf32, #tpu.memory_space<vmem>>) dst(%dma_wait3A_37 : memref<136x128xf32, #tpu.memory_space<vmem_shared>>)
      tpu.yield
    }) : () -> ()
    %barrier3A = arith.constant 0 : index
    tpu.barrier barrier_id(%barrier3A)
    %scan3A_17 = arith.constant 0 : i32
    %scan3A_18 = arith.constant 0 : i32
    %scan3A_19 = arith.constant 15 : i32
    %scan3A_20 = arith.addi %scan3A_18, %scan3A_19 : i32
    %scan3A_21 = arith.constant 1 : i32
    scf.for %scan3A_23 = %scan3A_18 to %scan3A_20 step %scan3A_21  : i32 {
      %mul3A_24 = arith.constant 2 : i32
      %mul3A_25 = arith.muli %scan3A_23, %mul3A_24 : i32
      %add3A_26 = arith.addi %mul3A_25, %arg0 : i32
      %mul3A_27 = arith.constant 10880 : i32
      %mul3A_28 = arith.muli %add3A_26, %mul3A_27 : i32
      %scan3A_29 = arith.constant 0 : i32
      %scan3A_30 = arith.constant 0 : i32
      %scan3A_31 = arith.constant 5 : i32
      %scan3A_32 = arith.addi %scan3A_30, %scan3A_31 : i32
      %scan3A_33 = arith.constant 1 : i32
      %scan3A_34 = scf.for %scan3A_206 = %scan3A_30 to %scan3A_32 step %scan3A_33 iter_args(%scan3A_207 = %scan3A_29) -> (i32)  : i32 {
        %mul3A_208 = arith.constant 8000 : i32
        %mul3A_209 = arith.muli %scan3A_206, %mul3A_208 : i32
        %add3A_210 = arith.addi %mul3A_0, %mul3A_209 : i32
        "tpu.region"() ({
          %run_scoped3A = tpu.sem_alloc : memref<!tpu.dma_semaphore, #tpu.memory_space<semaphore_mem>>
          %dma_start3A = tpu.memref_slice %arg3[%add3A_210] : memref<640000xi32, #tpu.memory_space<hbm>> -> memref<8000xi32, #tpu.memory_space<hbm>>
          %dma_start3A_217 = tpu.memref_slice %arg3[%add3A_210] : memref<640000xi32, #tpu.memory_space<hbm>> -> memref<8000xi32, #tpu.memory_space<hbm>>
          tpu.enqueue_dma source(%dma_start3A_217 : memref<8000xi32, #tpu.memory_space<hbm>>) target(%arg5 : memref<8000xi32, #tpu.memory_space<vmem>>) target_semaphore(%run_scoped3A : memref<!tpu.dma_semaphore, #tpu.memory_space<semaphore_mem>>)
          %dma_wait3A = tpu.memref_slice %arg3[%add3A_210] : memref<640000xi32, #tpu.memory_space<hbm>> -> memref<8000xi32, #tpu.memory_space<hbm>>
          %dma_wait3A_218 = tpu.memref_slice %arg3[%add3A_210] : memref<640000xi32, #tpu.memory_space<hbm>> -> memref<8000xi32, #tpu.memory_space<hbm>>
          tpu.wait_dma2 semaphore(%run_scoped3A : memref<!tpu.dma_semaphore, #tpu.memory_space<semaphore_mem>>) src(%dma_wait3A_218 : memref<8000xi32, #tpu.memory_space<hbm>>) dst(%arg5 : memref<8000xi32, #tpu.memory_space<vmem>>)
          tpu.yield
        }) : () -> ()
        %scan3A_211 = arith.constant 0 : i32
        %scan3A_212 = arith.constant 500 : i32
        %scan3A_213 = arith.addi %scan3A_211, %scan3A_212 : i32
        %scan3A_214 = arith.constant 1 : i32
        %scan3A_215 = scf.for %scan3A_217 = %scan3A_211 to %scan3A_213 step %scan3A_214 iter_args(%scan3A_218 = %scan3A_207) -> (i32)  : i32 {
          %mul3A_219 = arith.constant 16 : i32
          %mul3A_220 = arith.muli %scan3A_217, %mul3A_219 : i32
          %get3A = arith.index_cast %mul3A_220 : i32 to index
          %get3A_221 = tpu.vector_load %arg5[%get3A] {strides = array<i32>} : memref<8000xi32, #tpu.memory_space<vmem>>, vector<16xi32>,
          %mul3A_222 = arith.constant 16 : i32
          %mul3A_223 = arith.muli %scan3A_217, %mul3A_222 : i32
          %add3A_224 = arith.addi %add3A_210, %mul3A_223 : i32
          %iota3A_225 = tpu.iota {dimensions = array<i32: 0>} : vector<16xi32>
          %add3A_226 = vector.broadcast %add3A_224 : i32 to vector<16xi32>
          %add3A_227 = arith.addi %add3A_226, %iota3A_225 : vector<16xi32>
          %ge3A = vector.broadcast %mul3A_28 : i32 to vector<16xi32>
          %ge3A_228 = arith.cmpi sge, %get3A_221, %ge3A : vector<16xi32>
          %add3A_229 = arith.constant 10880 : i32
          %add3A_230 = arith.addi %mul3A_28, %add3A_229 : i32
          %lt3A = vector.broadcast %add3A_230 : i32 to vector<16xi32>
          %lt3A_231 = arith.cmpi slt, %get3A_221, %lt3A : vector<16xi32>
          %and3A_232 = arith.andi %ge3A_228, %lt3A_231 : vector<16xi1>
          %swap3A_233 = arith.index_cast %scan3A_218 : i32 to index
          %swap3A_234 = tpu.vector_load %arg6[%swap3A_233] masked %and3A_232 {strides = array<i32>} : memref<4160xi32, #tpu.memory_space<vmem>>, vector<16xi32>, vector<16xi1>
          tpu.vector_store %arg6[%swap3A_233], %add3A_227 masked %and3A_232 {strides = array<i32>} : memref<4160xi32, #tpu.memory_space<vmem>>, vector<16xi32>, vector<16xi1>
          %sub3A_235 = vector.broadcast %mul3A_28 : i32 to vector<16xi32>
          %sub3A_236 = arith.subi %get3A_221, %sub3A_235 : vector<16xi32>
          %swap3A_237 = arith.index_cast %scan3A_218 : i32 to index
          %swap3A_238 = tpu.vector_load %arg7[%swap3A_237] masked %and3A_232 {strides = array<i32>} : memref<4160xi32, #tpu.memory_space<vmem>>, vector<16xi32>, vector<16xi1>
          tpu.vector_store %arg7[%swap3A_237], %sub3A_236 masked %and3A_232 {strides = array<i32>} : memref<4160xi32, #tpu.memory_space<vmem>>, vector<16xi32>, vector<16xi1>
          %convert_element_type3A = arith.extui %and3A_232 : vector<16xi1> to vector<16xi32>
          %reduce_sum3A = arith.constant true
          %reduce_sum3A_239 = vector.broadcast %reduce_sum3A : i1 to vector<16xi1>
          %reduce_sum3A_240 = tpu.scan <sum>, %convert_element_type3A masked %reduce_sum3A_239 : vector<16xi32>, vector<16xi1> -> vector<16xi32>
          %reduce_sum3A_241 = vector.extract %reduce_sum3A_240[15] : i32 from vector<16xi32>
          %add3A_242 = arith.addi %scan3A_218, %reduce_sum3A_241 : i32
          %ge3A_243 = arith.constant 3840 : i32
          %ge3A_244 = arith.cmpi sge, %add3A_242, %ge3A_243 : i32
          %convert_element_type3A_245 = arith.extui %ge3A_244 : i1 to i32
          %cond3A = arith.constant 0 : i32
          %cond3A_246 = arith.cmpi ne, %convert_element_type3A_245, %cond3A : i32
          scf.if %cond3A_246 {
            %scan3A_252 = arith.constant 0 : i32
            %scan3A_253 = arith.constant 0 : i32
            %scan3A_254 = arith.constant 20 : i32
            %scan3A_255 = arith.addi %scan3A_253, %scan3A_254 : i32
            %scan3A_256 = arith.constant 1 : i32
            scf.for %scan3A_266 = %scan3A_253 to %scan3A_255 step %scan3A_256  : i32 {
              %mul3A_267 = arith.constant 192 : i32
              %mul3A_268 = arith.muli %scan3A_266, %mul3A_267 : i32
              %add3A_269 = arith.constant 0 : i32
              %add3A_270 = arith.addi %mul3A_268, %add3A_269 : i32
              %get3A_271 = arith.index_cast %add3A_270 : i32 to index
              %get3A_272 = tpu.vector_load %arg7[%get3A_271] {strides = array<i32>} : memref<4160xi32, #tpu.memory_space<vmem>>, vector<16xi32>,
              %swap3A_273 = arith.constant 0 : index
              %swap3A_274 = tpu.vector_load %arg8[%swap3A_273] {strides = array<i32>} : memref<192xi32, #tpu.memory_space<vmem>>, vector<16xi32>,
              tpu.vector_store %arg8[%swap3A_273], %get3A_272 {strides = array<i32>} : memref<192xi32, #tpu.memory_space<vmem>>, vector<16xi32>,
              %mul3A_275 = arith.constant 192 : i32
              %mul3A_276 = arith.muli %scan3A_266, %mul3A_275 : i32
              %add3A_277 = arith.constant 16 : i32
              %add3A_278 = arith.addi %mul3A_276, %add3A_277 : i32
              %get3A_279 = arith.index_cast %add3A_278 : i32 to index
              %get3A_280 = tpu.vector_load %arg7[%get3A_279] {strides = array<i32>} : memref<4160xi32, #tpu.memory_space<vmem>>, vector<16xi32>,
              %swap3A_281 = arith.constant 16 : index
              %swap3A_282 = tpu.vector_load %arg8[%swap3A_281] {strides = array<i32>} : memref<192xi32, #tpu.memory_space<vmem>>, vector<16xi32>,
              tpu.vector_store %arg8[%swap3A_281], %get3A_280 {strides = array<i32>} : memref<192xi32, #tpu.memory_space<vmem>>, vector<16xi32>,
              %mul3A_283 = arith.constant 192 : i32
              %mul3A_284 = arith.muli %scan3A_266, %mul3A_283 : i32
              %add3A_285 = arith.constant 32 : i32
              %add3A_286 = arith.addi %mul3A_284, %add3A_285 : i32
              %get3A_287 = arith.index_cast %add3A_286 : i32 to index
              %get3A_288 = tpu.vector_load %arg7[%get3A_287] {strides = array<i32>} : memref<4160xi32, #tpu.memory_space<vmem>>, vector<16xi32>,
              %swap3A_289 = arith.constant 32 : index
              %swap3A_290 = tpu.vector_load %arg8[%swap3A_289] {strides = array<i32>} : memref<192xi32, #tpu.memory_space<vmem>>, vector<16xi32>,
              tpu.vector_store %arg8[%swap3A_289], %get3A_288 {strides = array<i32>} : memref<192xi32, #tpu.memory_space<vmem>>, vector<16xi32>,
              %mul3A_291 = arith.constant 192 : i32
              %mul3A_292 = arith.muli %scan3A_266, %mul3A_291 : i32
              %add3A_293 = arith.constant 48 : i32
              %add3A_294 = arith.addi %mul3A_292, %add3A_293 : i32
              %get3A_295 = arith.index_cast %add3A_294 : i32 to index
              %get3A_296 = tpu.vector_load %arg7[%get3A_295] {strides = array<i32>} : memref<4160xi32, #tpu.memory_space<vmem>>, vector<16xi32>,
              %swap3A_297 = arith.constant 48 : index
              %swap3A_298 = tpu.vector_load %arg8[%swap3A_297] {strides = array<i32>} : memref<192xi32, #tpu.memory_space<vmem>>, vector<16xi32>,
              tpu.vector_store %arg8[%swap3A_297], %get3A_296 {strides = array<i32>} : memref<192xi32, #tpu.memory_space<vmem>>, vector<16xi32>,
              %mul3A_299 = arith.constant 192 : i32
              %mul3A_300 = arith.muli %scan3A_266, %mul3A_299 : i32
              %add3A_301 = arith.constant 64 : i32
              %add3A_302 = arith.addi %mul3A_300, %add3A_301 : i32
              %get3A_303 = arith.index_cast %add3A_302 : i32 to index
              %get3A_304 = tpu.vector_load %arg7[%get3A_303] {strides = array<i32>} : memref<4160xi32, #tpu.memory_space<vmem>>, vector<16xi32>,
              %swap3A_305 = arith.constant 64 : index
              %swap3A_306 = tpu.vector_load %arg8[%swap3A_305] {strides = array<i32>} : memref<192xi32, #tpu.memory_space<vmem>>, vector<16xi32>,
              tpu.vector_store %arg8[%swap3A_305], %get3A_304 {strides = array<i32>} : memref<192xi32, #tpu.memory_space<vmem>>, vector<16xi32>,
              %mul3A_307 = arith.constant 192 : i32
              %mul3A_308 = arith.muli %scan3A_266, %mul3A_307 : i32
              %add3A_309 = arith.constant 80 : i32
              %add3A_310 = arith.addi %mul3A_308, %add3A_309 : i32
              %get3A_311 = arith.index_cast %add3A_310 : i32 to index
              %get3A_312 = tpu.vector_load %arg7[%get3A_311] {strides = array<i32>} : memref<4160xi32, #tpu.memory_space<vmem>>, vector<16xi32>,
              %swap3A_313 = arith.constant 80 : index
              %swap3A_314 = tpu.vector_load %arg8[%swap3A_313] {strides = array<i32>} : memref<192xi32, #tpu.memory_space<vmem>>, vector<16xi32>,
              tpu.vector_store %arg8[%swap3A_313], %get3A_312 {strides = array<i32>} : memref<192xi32, #tpu.memory_space<vmem>>, vector<16xi32>,
              %mul3A_315 = arith.constant 192 : i32
              %mul3A_316 = arith.muli %scan3A_266, %mul3A_315 : i32
              %add3A_317 = arith.constant 96 : i32
              %add3A_318 = arith.addi %mul3A_316, %add3A_317 : i32
              %get3A_319 = arith.index_cast %add3A_318 : i32 to index
              %get3A_320 = tpu.vector_load %arg7[%get3A_319] {strides = array<i32>} : memref<4160xi32, #tpu.memory_space<vmem>>, vector<16xi32>,
              %swap3A_321 = arith.constant 96 : index
              %swap3A_322 = tpu.vector_load %arg8[%swap3A_321] {strides = array<i32>} : memref<192xi32, #tpu.memory_space<vmem>>, vector<16xi32>,
              tpu.vector_store %arg8[%swap3A_321], %get3A_320 {strides = array<i32>} : memref<192xi32, #tpu.memory_space<vmem>>, vector<16xi32>,
              %mul3A_323 = arith.constant 192 : i32
              %mul3A_324 = arith.muli %scan3A_266, %mul3A_323 : i32
              %add3A_325 = arith.constant 112 : i32
              %add3A_326 = arith.addi %mul3A_324, %add3A_325 : i32
              %get3A_327 = arith.index_cast %add3A_326 : i32 to index
              %get3A_328 = tpu.vector_load %arg7[%get3A_327] {strides = array<i32>} : memref<4160xi32, #tpu.memory_space<vmem>>, vector<16xi32>,
              %swap3A_329 = arith.constant 112 : index
              %swap3A_330 = tpu.vector_load %arg8[%swap3A_329] {strides = array<i32>} : memref<192xi32, #tpu.memory_space<vmem>>, vector<16xi32>,
              tpu.vector_store %arg8[%swap3A_329], %get3A_328 {strides = array<i32>} : memref<192xi32, #tpu.memory_space<vmem>>, vector<16xi32>,
              %mul3A_331 = arith.constant 192 : i32
              %mul3A_332 = arith.muli %scan3A_266, %mul3A_331 : i32
              %add3A_333 = arith.constant 128 : i32
              %add3A_334 = arith.addi %mul3A_332, %add3A_333 : i32
              %get3A_335 = arith.index_cast %add3A_334 : i32 to index
              %get3A_336 = tpu.vector_load %arg7[%get3A_335] {strides = array<i32>} : memref<4160xi32, #tpu.memory_space<vmem>>, vector<16xi32>,
              %swap3A_337 = arith.constant 128 : index
              %swap3A_338 = tpu.vector_load %arg8[%swap3A_337] {strides = array<i32>} : memref<192xi32, #tpu.memory_space<vmem>>, vector<16xi32>,
              tpu.vector_store %arg8[%swap3A_337], %get3A_336 {strides = array<i32>} : memref<192xi32, #tpu.memory_space<vmem>>, vector<16xi32>,
              %mul3A_339 = arith.constant 192 : i32
              %mul3A_340 = arith.muli %scan3A_266, %mul3A_339 : i32
              %add3A_341 = arith.constant 144 : i32
              %add3A_342 = arith.addi %mul3A_340, %add3A_341 : i32
              %get3A_343 = arith.index_cast %add3A_342 : i32 to index
              %get3A_344 = tpu.vector_load %arg7[%get3A_343] {strides = array<i32>} : memref<4160xi32, #tpu.memory_space<vmem>>, vector<16xi32>,
              %swap3A_345 = arith.constant 144 : index
              %swap3A_346 = tpu.vector_load %arg8[%swap3A_345] {strides = array<i32>} : memref<192xi32, #tpu.memory_space<vmem>>, vector<16xi32>,
              tpu.vector_store %arg8[%swap3A_345], %get3A_344 {strides = array<i32>} : memref<192xi32, #tpu.memory_space<vmem>>, vector<16xi32>,
              %mul3A_347 = arith.constant 192 : i32
              %mul3A_348 = arith.muli %scan3A_266, %mul3A_347 : i32
              %add3A_349 = arith.constant 160 : i32
              %add3A_350 = arith.addi %mul3A_348, %add3A_349 : i32
              %get3A_351 = arith.index_cast %add3A_350 : i32 to index
              %get3A_352 = tpu.vector_load %arg7[%get3A_351] {strides = array<i32>} : memref<4160xi32, #tpu.memory_space<vmem>>, vector<16xi32>,
              %swap3A_353 = arith.constant 160 : index
              %swap3A_354 = tpu.vector_load %arg8[%swap3A_353] {strides = array<i32>} : memref<192xi32, #tpu.memory_space<vmem>>, vector<16xi32>,
              tpu.vector_store %arg8[%swap3A_353], %get3A_352 {strides = array<i32>} : memref<192xi32, #tpu.memory_space<vmem>>, vector<16xi32>,
              %mul3A_355 = arith.constant 192 : i32
              %mul3A_356 = arith.muli %scan3A_266, %mul3A_355 : i32
              %add3A_357 = arith.constant 176 : i32
              %add3A_358 = arith.addi %mul3A_356, %add3A_357 : i32
              %get3A_359 = arith.index_cast %add3A_358 : i32 to index
              %get3A_360 = tpu.vector_load %arg7[%get3A_359] {strides = array<i32>} : memref<4160xi32, #tpu.memory_space<vmem>>, vector<16xi32>,
              %swap3A_361 = arith.constant 176 : index
              %swap3A_362 = tpu.vector_load %arg8[%swap3A_361] {strides = array<i32>} : memref<192xi32, #tpu.memory_space<vmem>>, vector<16xi32>,
              tpu.vector_store %arg8[%swap3A_361], %get3A_360 {strides = array<i32>} : memref<192xi32, #tpu.memory_space<vmem>>, vector<16xi32>,
              %mul3A_363 = arith.constant 192 : i32
              %mul3A_364 = arith.muli %scan3A_266, %mul3A_363 : i32
              %dma_start3A = tpu.memref_slice %arg6[%mul3A_364] : memref<4160xi32, #tpu.memory_space<vmem>> -> memref<192xi32, #tpu.memory_space<vmem>>
              %dma_start3A_365 = arith.constant 0 : i32
              %dma_start3A_366 = arith.constant 0 : i32
              %dma_start3A_367 = tpu.memref_slice %arg2[%dma_start3A_365, %dma_start3A_366] : memref<640000x128xf32, #tpu.memory_space<hbm>> -> memref<640000x128xf32, #tpu.memory_space<hbm>>
              tpu.enqueue_indirect_dma source(%dma_start3A_367 : memref<640000x128xf32, #tpu.memory_space<hbm>>) target(%arg9 : memref<192x128xf32, #tpu.memory_space<vmem>>) offsets(%dma_start3A : memref<192xi32, #tpu.memory_space<vmem>>) semaphore(%arg11 : memref<!tpu.dma_semaphore, #tpu.memory_space<semaphore_mem>>)
              %dma_wait3A = tpu.memref_slice %arg6[%mul3A_364] : memref<4160xi32, #tpu.memory_space<vmem>> -> memref<192xi32, #tpu.memory_space<vmem>>
              %dma_wait3A_368 = arith.constant 0 : i32
              %dma_wait3A_369 = arith.constant 0 : i32
              %dma_wait3A_370 = tpu.memref_slice %arg2[%dma_wait3A_368, %dma_wait3A_369] : memref<640000x128xf32, #tpu.memory_space<hbm>> -> memref<640000x128xf32, #tpu.memory_space<hbm>>
              tpu.wait_indirect_dma semaphore(%arg11 : memref<!tpu.dma_semaphore, #tpu.memory_space<semaphore_mem>>) src(%dma_wait3A_370 : memref<640000x128xf32, #tpu.memory_space<hbm>>) dst(%arg9 : memref<192x128xf32, #tpu.memory_space<vmem>>)
              "tpu.region"() ({
                %run_scoped3A = tpu.sem_alloc : memref<!tpu.dma_semaphore, #tpu.memory_space<semaphore_mem>>
                %dma_start3A_371 = arith.constant 0 : i32
                %dma_start3A_372 = arith.constant 0 : i32
                %dma_start3A_373 = tpu.memref_slice %arg10[%dma_start3A_371, %dma_start3A_372] : memref<10881x128xf32, #tpu.memory_space<vmem_shared>> -> memref<10881x128xf32, #tpu.memory_space<vmem_shared>>
                tpu.enqueue_indirect_dma source(%arg9 : memref<192x128xf32, #tpu.memory_space<vmem>>) target(%dma_start3A_373 : memref<10881x128xf32, #tpu.memory_space<vmem_shared>>) offsets(%arg8 : memref<192xi32, #tpu.memory_space<vmem>>) semaphore(%run_scoped3A : memref<!tpu.dma_semaphore, #tpu.memory_space<semaphore_mem>>) {add = true}
                %dma_wait3A_374 = arith.constant 0 : i32
                %dma_wait3A_375 = arith.constant 0 : i32
                %dma_wait3A_376 = tpu.memref_slice %arg10[%dma_wait3A_374, %dma_wait3A_375] : memref<10881x128xf32, #tpu.memory_space<vmem_shared>> -> memref<10881x128xf32, #tpu.memory_space<vmem_shared>>
                tpu.wait_indirect_dma semaphore(%run_scoped3A : memref<!tpu.dma_semaphore, #tpu.memory_space<semaphore_mem>>) src(%arg9 : memref<192x128xf32, #tpu.memory_space<vmem>>) dst(%dma_wait3A_376 : memref<10881x128xf32, #tpu.memory_space<vmem_shared>>)
                tpu.yield
              }) : () -> ()
            }
            %scan3A_257 = arith.constant 20 : i32
            %get3A_258 = arith.constant 3840 : index
            %get3A_259 = tpu.vector_load %arg6[%get3A_258] {strides = array<i32>} : memref<4160xi32, #tpu.memory_space<vmem>>, vector<16xi32>,
            %swap3A_260 = arith.constant 0 : index
            %swap3A_261 = tpu.vector_load %arg6[%swap3A_260] {strides = array<i32>} : memref<4160xi32, #tpu.memory_space<vmem>>, vector<16xi32>,
            tpu.vector_store %arg6[%swap3A_260], %get3A_259 {strides = array<i32>} : memref<4160xi32, #tpu.memory_space<vmem>>, vector<16xi32>,
            %get3A_262 = arith.constant 3840 : index
            %get3A_263 = tpu.vector_load %arg7[%get3A_262] {strides = array<i32>} : memref<4160xi32, #tpu.memory_space<vmem>>, vector<16xi32>,
            %swap3A_264 = arith.constant 0 : index
            %swap3A_265 = tpu.vector_load %arg7[%swap3A_264] {strides = array<i32>} : memref<4160xi32, #tpu.memory_space<vmem>>, vector<16xi32>,
            tpu.vector_store %arg7[%swap3A_264], %get3A_263 {strides = array<i32>} : memref<4160xi32, #tpu.memory_space<vmem>>, vector<16xi32>,
          } else {
          }
          %ge3A_247 = arith.constant 3840 : i32
          %ge3A_248 = arith.cmpi sge, %add3A_242, %ge3A_247 : i32
          %sub3A_249 = arith.constant 3840 : i32
          %sub3A_250 = arith.subi %add3A_242, %sub3A_249 : i32
          %select_n3A_251 = arith.select %ge3A_248, %sub3A_250, %add3A_242 : i32
          scf.yield %select_n3A_251 : i32
        }
        %scan3A_216 = arith.constant 500 : i32
        scf.yield %scan3A_215 : i32
      }
      %scan3A_35 = arith.constant 5 : i32
      %mul3A_36 = arith.constant 16 : i32
      %mul3A_37 = arith.muli %arg1, %mul3A_36 : i32
      %iota3A = tpu.iota {dimensions = array<i32: 0>} : vector<16xi32>
      %add3A_38 = vector.broadcast %mul3A_37 : i32 to vector<16xi32>
      %add3A_39 = arith.addi %add3A_38, %iota3A : vector<16xi32>
      %add3A_40 = arith.constant 0 : i32
      %add3A_41 = arith.addi %scan3A_34, %add3A_40 : i32
      %swap3A = arith.index_cast %add3A_41 : i32 to index
      %swap3A_42 = tpu.vector_load %arg6[%swap3A] {strides = array<i32>} : memref<4160xi32, #tpu.memory_space<vmem>>, vector<16xi32>,
      tpu.vector_store %arg6[%swap3A], %add3A_39 {strides = array<i32>} : memref<4160xi32, #tpu.memory_space<vmem>>, vector<16xi32>,
      %broadcast_in_dim3A = arith.constant 10880 : i32
      %broadcast_in_dim3A_43 = vector.broadcast %broadcast_in_dim3A : i32 to vector<16xi32>
      %add3A_44 = arith.constant 0 : i32
      %add3A_45 = arith.addi %scan3A_34, %add3A_44 : i32
      %swap3A_46 = arith.index_cast %add3A_45 : i32 to index
      %swap3A_47 = tpu.vector_load %arg7[%swap3A_46] {strides = array<i32>} : memref<4160xi32, #tpu.memory_space<vmem>>, vector<16xi32>,
      tpu.vector_store %arg7[%swap3A_46], %broadcast_in_dim3A_43 {strides = array<i32>} : memref<4160xi32, #tpu.memory_space<vmem>>, vector<16xi32>,
      %add3A_48 = arith.constant 16 : i32
      %add3A_49 = arith.addi %scan3A_34, %add3A_48 : i32
      %swap3A_50 = arith.index_cast %add3A_49 : i32 to index
      %swap3A_51 = tpu.vector_load %arg6[%swap3A_50] {strides = array<i32>} : memref<4160xi32, #tpu.memory_space<vmem>>, vector<16xi32>,
      tpu.vector_store %arg6[%swap3A_50], %add3A_39 {strides = array<i32>} : memref<4160xi32, #tpu.memory_space<vmem>>, vector<16xi32>,
      %broadcast_in_dim3A_52 = arith.constant 10880 : i32
      %broadcast_in_dim3A_53 = vector.broadcast %broadcast_in_dim3A_52 : i32 to vector<16xi32>
      %add3A_54 = arith.constant 16 : i32
      %add3A_55 = arith.addi %scan3A_34, %add3A_54 : i32
      %swap3A_56 = arith.index_cast %add3A_55 : i32 to index
      %swap3A_57 = tpu.vector_load %arg7[%swap3A_56] {strides = array<i32>} : memref<4160xi32, #tpu.memory_space<vmem>>, vector<16xi32>,
      tpu.vector_store %arg7[%swap3A_56], %broadcast_in_dim3A_53 {strides = array<i32>} : memref<4160xi32, #tpu.memory_space<vmem>>, vector<16xi32>,
      %add3A_58 = arith.constant 32 : i32
      %add3A_59 = arith.addi %scan3A_34, %add3A_58 : i32
      %swap3A_60 = arith.index_cast %add3A_59 : i32 to index
      %swap3A_61 = tpu.vector_load %arg6[%swap3A_60] {strides = array<i32>} : memref<4160xi32, #tpu.memory_space<vmem>>, vector<16xi32>,
      tpu.vector_store %arg6[%swap3A_60], %add3A_39 {strides = array<i32>} : memref<4160xi32, #tpu.memory_space<vmem>>, vector<16xi32>,
      %broadcast_in_dim3A_62 = arith.constant 10880 : i32
      %broadcast_in_dim3A_63 = vector.broadcast %broadcast_in_dim3A_62 : i32 to vector<16xi32>
      %add3A_64 = arith.constant 32 : i32
      %add3A_65 = arith.addi %scan3A_34, %add3A_64 : i32
      %swap3A_66 = arith.index_cast %add3A_65 : i32 to index
      %swap3A_67 = tpu.vector_load %arg7[%swap3A_66] {strides = array<i32>} : memref<4160xi32, #tpu.memory_space<vmem>>, vector<16xi32>,
      tpu.vector_store %arg7[%swap3A_66], %broadcast_in_dim3A_63 {strides = array<i32>} : memref<4160xi32, #tpu.memory_space<vmem>>, vector<16xi32>,
      %add3A_68 = arith.constant 48 : i32
      %add3A_69 = arith.addi %scan3A_34, %add3A_68 : i32
      %swap3A_70 = arith.index_cast %add3A_69 : i32 to index
      %swap3A_71 = tpu.vector_load %arg6[%swap3A_70] {strides = array<i32>} : memref<4160xi32, #tpu.memory_space<vmem>>, vector<16xi32>,
      tpu.vector_store %arg6[%swap3A_70], %add3A_39 {strides = array<i32>} : memref<4160xi32, #tpu.memory_space<vmem>>, vector<16xi32>,
      %broadcast_in_dim3A_72 = arith.constant 10880 : i32
      %broadcast_in_dim3A_73 = vector.broadcast %broadcast_in_dim3A_72 : i32 to vector<16xi32>
      %add3A_74 = arith.constant 48 : i32
      %add3A_75 = arith.addi %scan3A_34, %add3A_74 : i32
      %swap3A_76 = arith.index_cast %add3A_75 : i32 to index
      %swap3A_77 = tpu.vector_load %arg7[%swap3A_76] {strides = array<i32>} : memref<4160xi32, #tpu.memory_space<vmem>>, vector<16xi32>,
      tpu.vector_store %arg7[%swap3A_76], %broadcast_in_dim3A_73 {strides = array<i32>} : memref<4160xi32, #tpu.memory_space<vmem>>, vector<16xi32>,
      %add3A_78 = arith.constant 64 : i32
      %add3A_79 = arith.addi %scan3A_34, %add3A_78 : i32
      %swap3A_80 = arith.index_cast %add3A_79 : i32 to index
      %swap3A_81 = tpu.vector_load %arg6[%swap3A_80] {strides = array<i32>} : memref<4160xi32, #tpu.memory_space<vmem>>, vector<16xi32>,
      tpu.vector_store %arg6[%swap3A_80], %add3A_39 {strides = array<i32>} : memref<4160xi32, #tpu.memory_space<vmem>>, vector<16xi32>,
      %broadcast_in_dim3A_82 = arith.constant 10880 : i32
      %broadcast_in_dim3A_83 = vector.broadcast %broadcast_in_dim3A_82 : i32 to vector<16xi32>
      %add3A_84 = arith.constant 64 : i32
      %add3A_85 = arith.addi %scan3A_34, %add3A_84 : i32
      %swap3A_86 = arith.index_cast %add3A_85 : i32 to index
      %swap3A_87 = tpu.vector_load %arg7[%swap3A_86] {strides = array<i32>} : memref<4160xi32, #tpu.memory_space<vmem>>, vector<16xi32>,
      tpu.vector_store %arg7[%swap3A_86], %broadcast_in_dim3A_83 {strides = array<i32>} : memref<4160xi32, #tpu.memory_space<vmem>>, vector<16xi32>,
      %add3A_88 = arith.constant 80 : i32
      %add3A_89 = arith.addi %scan3A_34, %add3A_88 : i32
      %swap3A_90 = arith.index_cast %add3A_89 : i32 to index
      %swap3A_91 = tpu.vector_load %arg6[%swap3A_90] {strides = array<i32>} : memref<4160xi32, #tpu.memory_space<vmem>>, vector<16xi32>,
      tpu.vector_store %arg6[%swap3A_90], %add3A_39 {strides = array<i32>} : memref<4160xi32, #tpu.memory_space<vmem>>, vector<16xi32>,
      %broadcast_in_dim3A_92 = arith.constant 10880 : i32
      %broadcast_in_dim3A_93 = vector.broadcast %broadcast_in_dim3A_92 : i32 to vector<16xi32>
      %add3A_94 = arith.constant 80 : i32
      %add3A_95 = arith.addi %scan3A_34, %add3A_94 : i32
      %swap3A_96 = arith.index_cast %add3A_95 : i32 to index
      %swap3A_97 = tpu.vector_load %arg7[%swap3A_96] {strides = array<i32>} : memref<4160xi32, #tpu.memory_space<vmem>>, vector<16xi32>,
      tpu.vector_store %arg7[%swap3A_96], %broadcast_in_dim3A_93 {strides = array<i32>} : memref<4160xi32, #tpu.memory_space<vmem>>, vector<16xi32>,
      %add3A_98 = arith.constant 96 : i32
      %add3A_99 = arith.addi %scan3A_34, %add3A_98 : i32
      %swap3A_100 = arith.index_cast %add3A_99 : i32 to index
      %swap3A_101 = tpu.vector_load %arg6[%swap3A_100] {strides = array<i32>} : memref<4160xi32, #tpu.memory_space<vmem>>, vector<16xi32>,
      tpu.vector_store %arg6[%swap3A_100], %add3A_39 {strides = array<i32>} : memref<4160xi32, #tpu.memory_space<vmem>>, vector<16xi32>,
      %broadcast_in_dim3A_102 = arith.constant 10880 : i32
      %broadcast_in_dim3A_103 = vector.broadcast %broadcast_in_dim3A_102 : i32 to vector<16xi32>
      %add3A_104 = arith.constant 96 : i32
      %add3A_105 = arith.addi %scan3A_34, %add3A_104 : i32
      %swap3A_106 = arith.index_cast %add3A_105 : i32 to index
      %swap3A_107 = tpu.vector_load %arg7[%swap3A_106] {strides = array<i32>} : memref<4160xi32, #tpu.memory_space<vmem>>, vector<16xi32>,
      tpu.vector_store %arg7[%swap3A_106], %broadcast_in_dim3A_103 {strides = array<i32>} : memref<4160xi32, #tpu.memory_space<vmem>>, vector<16xi32>,
      %add3A_108 = arith.constant 112 : i32
      %add3A_109 = arith.addi %scan3A_34, %add3A_108 : i32
      %swap3A_110 = arith.index_cast %add3A_109 : i32 to index
      %swap3A_111 = tpu.vector_load %arg6[%swap3A_110] {strides = array<i32>} : memref<4160xi32, #tpu.memory_space<vmem>>, vector<16xi32>,
      tpu.vector_store %arg6[%swap3A_110], %add3A_39 {strides = array<i32>} : memref<4160xi32, #tpu.memory_space<vmem>>, vector<16xi32>,
      %broadcast_in_dim3A_112 = arith.constant 10880 : i32
      %broadcast_in_dim3A_113 = vector.broadcast %broadcast_in_dim3A_112 : i32 to vector<16xi32>
      %add3A_114 = arith.constant 112 : i32
      %add3A_115 = arith.addi %scan3A_34, %add3A_114 : i32
      %swap3A_116 = arith.index_cast %add3A_115 : i32 to index
      %swap3A_117 = tpu.vector_load %arg7[%swap3A_116] {strides = array<i32>} : memref<4160xi32, #tpu.memory_space<vmem>>, vector<16xi32>,
      tpu.vector_store %arg7[%swap3A_116], %broadcast_in_dim3A_113 {strides = array<i32>} : memref<4160xi32, #tpu.memory_space<vmem>>, vector<16xi32>,
      %add3A_118 = arith.constant 128 : i32
      %add3A_119 = arith.addi %scan3A_34, %add3A_118 : i32
      %swap3A_120 = arith.index_cast %add3A_119 : i32 to index
      %swap3A_121 = tpu.vector_load %arg6[%swap3A_120] {strides = array<i32>} : memref<4160xi32, #tpu.memory_space<vmem>>, vector<16xi32>,
      tpu.vector_store %arg6[%swap3A_120], %add3A_39 {strides = array<i32>} : memref<4160xi32, #tpu.memory_space<vmem>>, vector<16xi32>,
      %broadcast_in_dim3A_122 = arith.constant 10880 : i32
      %broadcast_in_dim3A_123 = vector.broadcast %broadcast_in_dim3A_122 : i32 to vector<16xi32>
      %add3A_124 = arith.constant 128 : i32
      %add3A_125 = arith.addi %scan3A_34, %add3A_124 : i32
      %swap3A_126 = arith.index_cast %add3A_125 : i32 to index
      %swap3A_127 = tpu.vector_load %arg7[%swap3A_126] {strides = array<i32>} : memref<4160xi32, #tpu.memory_space<vmem>>, vector<16xi32>,
      tpu.vector_store %arg7[%swap3A_126], %broadcast_in_dim3A_123 {strides = array<i32>} : memref<4160xi32, #tpu.memory_space<vmem>>, vector<16xi32>,
      %add3A_128 = arith.constant 144 : i32
      %add3A_129 = arith.addi %scan3A_34, %add3A_128 : i32
      %swap3A_130 = arith.index_cast %add3A_129 : i32 to index
      %swap3A_131 = tpu.vector_load %arg6[%swap3A_130] {strides = array<i32>} : memref<4160xi32, #tpu.memory_space<vmem>>, vector<16xi32>,
      tpu.vector_store %arg6[%swap3A_130], %add3A_39 {strides = array<i32>} : memref<4160xi32, #tpu.memory_space<vmem>>, vector<16xi32>,
      %broadcast_in_dim3A_132 = arith.constant 10880 : i32
      %broadcast_in_dim3A_133 = vector.broadcast %broadcast_in_dim3A_132 : i32 to vector<16xi32>
      %add3A_134 = arith.constant 144 : i32
      %add3A_135 = arith.addi %scan3A_34, %add3A_134 : i32
      %swap3A_136 = arith.index_cast %add3A_135 : i32 to index
      %swap3A_137 = tpu.vector_load %arg7[%swap3A_136] {strides = array<i32>} : memref<4160xi32, #tpu.memory_space<vmem>>, vector<16xi32>,
      tpu.vector_store %arg7[%swap3A_136], %broadcast_in_dim3A_133 {strides = array<i32>} : memref<4160xi32, #tpu.memory_space<vmem>>, vector<16xi32>,
      %add3A_138 = arith.constant 160 : i32
      %add3A_139 = arith.addi %scan3A_34, %add3A_138 : i32
      %swap3A_140 = arith.index_cast %add3A_139 : i32 to index
      %swap3A_141 = tpu.vector_load %arg6[%swap3A_140] {strides = array<i32>} : memref<4160xi32, #tpu.memory_space<vmem>>, vector<16xi32>,
      tpu.vector_store %arg6[%swap3A_140], %add3A_39 {strides = array<i32>} : memref<4160xi32, #tpu.memory_space<vmem>>, vector<16xi32>,
      %broadcast_in_dim3A_142 = arith.constant 10880 : i32
      %broadcast_in_dim3A_143 = vector.broadcast %broadcast_in_dim3A_142 : i32 to vector<16xi32>
      %add3A_144 = arith.constant 160 : i32
      %add3A_145 = arith.addi %scan3A_34, %add3A_144 : i32
      %swap3A_146 = arith.index_cast %add3A_145 : i32 to index
      %swap3A_147 = tpu.vector_load %arg7[%swap3A_146] {strides = array<i32>} : memref<4160xi32, #tpu.memory_space<vmem>>, vector<16xi32>,
      tpu.vector_store %arg7[%swap3A_146], %broadcast_in_dim3A_143 {strides = array<i32>} : memref<4160xi32, #tpu.memory_space<vmem>>, vector<16xi32>,
      %add3A_148 = arith.constant 176 : i32
      %add3A_149 = arith.addi %scan3A_34, %add3A_148 : i32
      %swap3A_150 = arith.index_cast %add3A_149 : i32 to index
      %swap3A_151 = tpu.vector_load %arg6[%swap3A_150] {strides = array<i32>} : memref<4160xi32, #tpu.memory_space<vmem>>, vector<16xi32>,
      tpu.vector_store %arg6[%swap3A_150], %add3A_39 {strides = array<i32>} : memref<4160xi32, #tpu.memory_space<vmem>>, vector<16xi32>,
      %broadcast_in_dim3A_152 = arith.constant 10880 : i32
      %broadcast_in_dim3A_153 = vector.broadcast %broadcast_in_dim3A_152 : i32 to vector<16xi32>
      %add3A_154 = arith.constant 176 : i32
      %add3A_155 = arith.addi %scan3A_34, %add3A_154 : i32
      %swap3A_156 = arith.index_cast %add3A_155 : i32 to index
      %swap3A_157 = tpu.vector_load %arg7[%swap3A_156] {strides = array<i32>} : memref<4160xi32, #tpu.memory_space<vmem>>, vector<16xi32>,
      tpu.vector_store %arg7[%swap3A_156], %broadcast_in_dim3A_153 {strides = array<i32>} : memref<4160xi32, #tpu.memory_space<vmem>>, vector<16xi32>,
      %add3A_158 = arith.constant 192 : i32
      %add3A_159 = arith.addi %scan3A_34, %add3A_158 : i32
      %sub3A = arith.constant 1 : i32
      %sub3A_160 = arith.subi %add3A_159, %sub3A : i32
      %jit3A = arith.constant 192 : i32
      %div3A = arith.divsi %sub3A_160, %jit3A : i32
      %sign3A = arith.constant 0 : i32
      %sign3A_161 = arith.cmpi sgt, %sub3A_160, %sign3A : i32
      %sign3A_162 = arith.extui %sign3A_161 : i1 to i32
      %sign3A_163 = arith.constant 0 : i32
      %sign3A_164 = arith.cmpi slt, %sub3A_160, %sign3A_163 : i32
      %sign3A_165 = arith.extui %sign3A_164 : i1 to i32
      %sign3A_166 = arith.subi %sign3A_162, %sign3A_165 : i32
      %sign3A_167 = arith.constant 0 : i32
      %sign3A_168 = arith.cmpi sgt, %jit3A, %sign3A_167 : i32
      %sign3A_169 = arith.extui %sign3A_168 : i1 to i32
      %sign3A_170 = arith.constant 0 : i32
      %sign3A_171 = arith.cmpi slt, %jit3A, %sign3A_170 : i32
      %sign3A_172 = arith.extui %sign3A_171 : i1 to i32
      %sign3A_173 = arith.subi %sign3A_169, %sign3A_172 : i32
      %ne3A = arith.cmpi ne, %sign3A_166, %sign3A_173 : i32
      %rem3A = arith.remsi %sub3A_160, %jit3A : i32
      %ne3A_174 = arith.constant 0 : i32
      %ne3A_175 = arith.cmpi ne, %rem3A, %ne3A_174 : i32
      %and3A = arith.andi %ne3A, %ne3A_175 : i1
      %sub3A_176 = arith.constant 1 : i32
      %sub3A_177 = arith.subi %div3A, %sub3A_176 : i32
      %select_n3A = arith.select %and3A, %sub3A_177, %div3A : i32
      %while3A = arith.constant 0 : i32
      %while3A_178 = arith.constant 0 : i32
      %while3A_179 = arith.subi %select_n3A, %while3A_178 : i32
      %while3A_180 = arith.addi %while3A_178, %while3A_179 : i32
      %while3A_181 = arith.constant 1 : i32
      %while3A_182 = arith.divsi %while3A_179, %while3A_181 : i32
      %while3A_183 = arith.muli %while3A_182, %while3A_181 : i32
      %while3A_184 = arith.addi %while3A_178, %while3A_183 : i32
      %while3A_185 = arith.constant 1 : i32
      scf.for %while3A_206 = %while3A_178 to %while3A_184 step %while3A_185  : i32 {
        %mul3A_207 = arith.constant 192 : i32
        %mul3A_208 = arith.muli %while3A_206, %mul3A_207 : i32
        %add3A_209 = arith.constant 0 : i32
        %add3A_210 = arith.addi %mul3A_208, %add3A_209 : i32
        %get3A = arith.index_cast %add3A_210 : i32 to index
        %get3A_211 = tpu.vector_load %arg7[%get3A] {strides = array<i32>} : memref<4160xi32, #tpu.memory_space<vmem>>, vector<16xi32>,
        %swap3A_212 = arith.constant 0 : index
        %swap3A_213 = tpu.vector_load %arg8[%swap3A_212] {strides = array<i32>} : memref<192xi32, #tpu.memory_space<vmem>>, vector<16xi32>,
        tpu.vector_store %arg8[%swap3A_212], %get3A_211 {strides = array<i32>} : memref<192xi32, #tpu.memory_space<vmem>>, vector<16xi32>,
        %mul3A_214 = arith.constant 192 : i32
        %mul3A_215 = arith.muli %while3A_206, %mul3A_214 : i32
        %add3A_216 = arith.constant 16 : i32
        %add3A_217 = arith.addi %mul3A_215, %add3A_216 : i32
        %get3A_218 = arith.index_cast %add3A_217 : i32 to index
        %get3A_219 = tpu.vector_load %arg7[%get3A_218] {strides = array<i32>} : memref<4160xi32, #tpu.memory_space<vmem>>, vector<16xi32>,
        %swap3A_220 = arith.constant 16 : index
        %swap3A_221 = tpu.vector_load %arg8[%swap3A_220] {strides = array<i32>} : memref<192xi32, #tpu.memory_space<vmem>>, vector<16xi32>,
        tpu.vector_store %arg8[%swap3A_220], %get3A_219 {strides = array<i32>} : memref<192xi32, #tpu.memory_space<vmem>>, vector<16xi32>,
        %mul3A_222 = arith.constant 192 : i32
        %mul3A_223 = arith.muli %while3A_206, %mul3A_222 : i32
        %add3A_224 = arith.constant 32 : i32
        %add3A_225 = arith.addi %mul3A_223, %add3A_224 : i32
        %get3A_226 = arith.index_cast %add3A_225 : i32 to index
        %get3A_227 = tpu.vector_load %arg7[%get3A_226] {strides = array<i32>} : memref<4160xi32, #tpu.memory_space<vmem>>, vector<16xi32>,
        %swap3A_228 = arith.constant 32 : index
        %swap3A_229 = tpu.vector_load %arg8[%swap3A_228] {strides = array<i32>} : memref<192xi32, #tpu.memory_space<vmem>>, vector<16xi32>,
        tpu.vector_store %arg8[%swap3A_228], %get3A_227 {strides = array<i32>} : memref<192xi32, #tpu.memory_space<vmem>>, vector<16xi32>,
        %mul3A_230 = arith.constant 192 : i32
        %mul3A_231 = arith.muli %while3A_206, %mul3A_230 : i32
        %add3A_232 = arith.constant 48 : i32
        %add3A_233 = arith.addi %mul3A_231, %add3A_232 : i32
        %get3A_234 = arith.index_cast %add3A_233 : i32 to index
        %get3A_235 = tpu.vector_load %arg7[%get3A_234] {strides = array<i32>} : memref<4160xi32, #tpu.memory_space<vmem>>, vector<16xi32>,
        %swap3A_236 = arith.constant 48 : index
        %swap3A_237 = tpu.vector_load %arg8[%swap3A_236] {strides = array<i32>} : memref<192xi32, #tpu.memory_space<vmem>>, vector<16xi32>,
        tpu.vector_store %arg8[%swap3A_236], %get3A_235 {strides = array<i32>} : memref<192xi32, #tpu.memory_space<vmem>>, vector<16xi32>,
        %mul3A_238 = arith.constant 192 : i32
        %mul3A_239 = arith.muli %while3A_206, %mul3A_238 : i32
        %add3A_240 = arith.constant 64 : i32
        %add3A_241 = arith.addi %mul3A_239, %add3A_240 : i32
        %get3A_242 = arith.index_cast %add3A_241 : i32 to index
        %get3A_243 = tpu.vector_load %arg7[%get3A_242] {strides = array<i32>} : memref<4160xi32, #tpu.memory_space<vmem>>, vector<16xi32>,
        %swap3A_244 = arith.constant 64 : index
        %swap3A_245 = tpu.vector_load %arg8[%swap3A_244] {strides = array<i32>} : memref<192xi32, #tpu.memory_space<vmem>>, vector<16xi32>,
        tpu.vector_store %arg8[%swap3A_244], %get3A_243 {strides = array<i32>} : memref<192xi32, #tpu.memory_space<vmem>>, vector<16xi32>,
        %mul3A_246 = arith.constant 192 : i32
        %mul3A_247 = arith.muli %while3A_206, %mul3A_246 : i32
        %add3A_248 = arith.constant 80 : i32
        %add3A_249 = arith.addi %mul3A_247, %add3A_248 : i32
        %get3A_250 = arith.index_cast %add3A_249 : i32 to index
        %get3A_251 = tpu.vector_load %arg7[%get3A_250] {strides = array<i32>} : memref<4160xi32, #tpu.memory_space<vmem>>, vector<16xi32>,
        %swap3A_252 = arith.constant 80 : index
        %swap3A_253 = tpu.vector_load %arg8[%swap3A_252] {strides = array<i32>} : memref<192xi32, #tpu.memory_space<vmem>>, vector<16xi32>,
        tpu.vector_store %arg8[%swap3A_252], %get3A_251 {strides = array<i32>} : memref<192xi32, #tpu.memory_space<vmem>>, vector<16xi32>,
        %mul3A_254 = arith.constant 192 : i32
        %mul3A_255 = arith.muli %while3A_206, %mul3A_254 : i32
        %add3A_256 = arith.constant 96 : i32
        %add3A_257 = arith.addi %mul3A_255, %add3A_256 : i32
        %get3A_258 = arith.index_cast %add3A_257 : i32 to index
        %get3A_259 = tpu.vector_load %arg7[%get3A_258] {strides = array<i32>} : memref<4160xi32, #tpu.memory_space<vmem>>, vector<16xi32>,
        %swap3A_260 = arith.constant 96 : index
        %swap3A_261 = tpu.vector_load %arg8[%swap3A_260] {strides = array<i32>} : memref<192xi32, #tpu.memory_space<vmem>>, vector<16xi32>,
        tpu.vector_store %arg8[%swap3A_260], %get3A_259 {strides = array<i32>} : memref<192xi32, #tpu.memory_space<vmem>>, vector<16xi32>,
        %mul3A_262 = arith.constant 192 : i32
        %mul3A_263 = arith.muli %while3A_206, %mul3A_262 : i32
        %add3A_264 = arith.constant 112 : i32
        %add3A_265 = arith.addi %mul3A_263, %add3A_264 : i32
        %get3A_266 = arith.index_cast %add3A_265 : i32 to index
        %get3A_267 = tpu.vector_load %arg7[%get3A_266] {strides = array<i32>} : memref<4160xi32, #tpu.memory_space<vmem>>, vector<16xi32>,
        %swap3A_268 = arith.constant 112 : index
        %swap3A_269 = tpu.vector_load %arg8[%swap3A_268] {strides = array<i32>} : memref<192xi32, #tpu.memory_space<vmem>>, vector<16xi32>,
        tpu.vector_store %arg8[%swap3A_268], %get3A_267 {strides = array<i32>} : memref<192xi32, #tpu.memory_space<vmem>>, vector<16xi32>,
        %mul3A_270 = arith.constant 192 : i32
        %mul3A_271 = arith.muli %while3A_206, %mul3A_270 : i32
        %add3A_272 = arith.constant 128 : i32
        %add3A_273 = arith.addi %mul3A_271, %add3A_272 : i32
        %get3A_274 = arith.index_cast %add3A_273 : i32 to index
        %get3A_275 = tpu.vector_load %arg7[%get3A_274] {strides = array<i32>} : memref<4160xi32, #tpu.memory_space<vmem>>, vector<16xi32>,
        %swap3A_276 = arith.constant 128 : index
        %swap3A_277 = tpu.vector_load %arg8[%swap3A_276] {strides = array<i32>} : memref<192xi32, #tpu.memory_space<vmem>>, vector<16xi32>,
        tpu.vector_store %arg8[%swap3A_276], %get3A_275 {strides = array<i32>} : memref<192xi32, #tpu.memory_space<vmem>>, vector<16xi32>,
        %mul3A_278 = arith.constant 192 : i32
        %mul3A_279 = arith.muli %while3A_206, %mul3A_278 : i32
        %add3A_280 = arith.constant 144 : i32
        %add3A_281 = arith.addi %mul3A_279, %add3A_280 : i32
        %get3A_282 = arith.index_cast %add3A_281 : i32 to index
        %get3A_283 = tpu.vector_load %arg7[%get3A_282] {strides = array<i32>} : memref<4160xi32, #tpu.memory_space<vmem>>, vector<16xi32>,
        %swap3A_284 = arith.constant 144 : index
        %swap3A_285 = tpu.vector_load %arg8[%swap3A_284] {strides = array<i32>} : memref<192xi32, #tpu.memory_space<vmem>>, vector<16xi32>,
        tpu.vector_store %arg8[%swap3A_284], %get3A_283 {strides = array<i32>} : memref<192xi32, #tpu.memory_space<vmem>>, vector<16xi32>,
        %mul3A_286 = arith.constant 192 : i32
        %mul3A_287 = arith.muli %while3A_206, %mul3A_286 : i32
        %add3A_288 = arith.constant 160 : i32
        %add3A_289 = arith.addi %mul3A_287, %add3A_288 : i32
        %get3A_290 = arith.index_cast %add3A_289 : i32 to index
        %get3A_291 = tpu.vector_load %arg7[%get3A_290] {strides = array<i32>} : memref<4160xi32, #tpu.memory_space<vmem>>, vector<16xi32>,
        %swap3A_292 = arith.constant 160 : index
        %swap3A_293 = tpu.vector_load %arg8[%swap3A_292] {strides = array<i32>} : memref<192xi32, #tpu.memory_space<vmem>>, vector<16xi32>,
        tpu.vector_store %arg8[%swap3A_292], %get3A_291 {strides = array<i32>} : memref<192xi32, #tpu.memory_space<vmem>>, vector<16xi32>,
        %mul3A_294 = arith.constant 192 : i32
        %mul3A_295 = arith.muli %while3A_206, %mul3A_294 : i32
        %add3A_296 = arith.constant 176 : i32
        %add3A_297 = arith.addi %mul3A_295, %add3A_296 : i32
        %get3A_298 = arith.index_cast %add3A_297 : i32 to index
        %get3A_299 = tpu.vector_load %arg7[%get3A_298] {strides = array<i32>} : memref<4160xi32, #tpu.memory_space<vmem>>, vector<16xi32>,
        %swap3A_300 = arith.constant 176 : index
        %swap3A_301 = tpu.vector_load %arg8[%swap3A_300] {strides = array<i32>} : memref<192xi32, #tpu.memory_space<vmem>>, vector<16xi32>,
        tpu.vector_store %arg8[%swap3A_300], %get3A_299 {strides = array<i32>} : memref<192xi32, #tpu.memory_space<vmem>>, vector<16xi32>,
        %mul3A_302 = arith.constant 192 : i32
        %mul3A_303 = arith.muli %while3A_206, %mul3A_302 : i32
        %dma_start3A = tpu.memref_slice %arg6[%mul3A_303] : memref<4160xi32, #tpu.memory_space<vmem>> -> memref<192xi32, #tpu.memory_space<vmem>>
        %dma_start3A_304 = arith.constant 0 : i32
        %dma_start3A_305 = arith.constant 0 : i32
        %dma_start3A_306 = tpu.memref_slice %arg2[%dma_start3A_304, %dma_start3A_305] : memref<640000x128xf32, #tpu.memory_space<hbm>> -> memref<640000x128xf32, #tpu.memory_space<hbm>>
        tpu.enqueue_indirect_dma source(%dma_start3A_306 : memref<640000x128xf32, #tpu.memory_space<hbm>>) target(%arg9 : memref<192x128xf32, #tpu.memory_space<vmem>>) offsets(%dma_start3A : memref<192xi32, #tpu.memory_space<vmem>>) semaphore(%arg11 : memref<!tpu.dma_semaphore, #tpu.memory_space<semaphore_mem>>)
        %dma_wait3A = tpu.memref_slice %arg6[%mul3A_303] : memref<4160xi32, #tpu.memory_space<vmem>> -> memref<192xi32, #tpu.memory_space<vmem>>
        %dma_wait3A_307 = arith.constant 0 : i32
        %dma_wait3A_308 = arith.constant 0 : i32
        %dma_wait3A_309 = tpu.memref_slice %arg2[%dma_wait3A_307, %dma_wait3A_308] : memref<640000x128xf32, #tpu.memory_space<hbm>> -> memref<640000x128xf32, #tpu.memory_space<hbm>>
        tpu.wait_indirect_dma semaphore(%arg11 : memref<!tpu.dma_semaphore, #tpu.memory_space<semaphore_mem>>) src(%dma_wait3A_309 : memref<640000x128xf32, #tpu.memory_space<hbm>>) dst(%arg9 : memref<192x128xf32, #tpu.memory_space<vmem>>)
        "tpu.region"() ({
          %run_scoped3A = tpu.sem_alloc : memref<!tpu.dma_semaphore, #tpu.memory_space<semaphore_mem>>
          %dma_start3A_310 = arith.constant 0 : i32
          %dma_start3A_311 = arith.constant 0 : i32
          %dma_start3A_312 = tpu.memref_slice %arg10[%dma_start3A_310, %dma_start3A_311] : memref<10881x128xf32, #tpu.memory_space<vmem_shared>> -> memref<10881x128xf32, #tpu.memory_space<vmem_shared>>
          tpu.enqueue_indirect_dma source(%arg9 : memref<192x128xf32, #tpu.memory_space<vmem>>) target(%dma_start3A_312 : memref<10881x128xf32, #tpu.memory_space<vmem_shared>>) offsets(%arg8 : memref<192xi32, #tpu.memory_space<vmem>>) semaphore(%run_scoped3A : memref<!tpu.dma_semaphore, #tpu.memory_space<semaphore_mem>>) {add = true}
          %dma_wait3A_313 = arith.constant 0 : i32
          %dma_wait3A_314 = arith.constant 0 : i32
          %dma_wait3A_315 = tpu.memref_slice %arg10[%dma_wait3A_313, %dma_wait3A_314] : memref<10881x128xf32, #tpu.memory_space<vmem_shared>> -> memref<10881x128xf32, #tpu.memory_space<vmem_shared>>
          tpu.wait_indirect_dma semaphore(%run_scoped3A : memref<!tpu.dma_semaphore, #tpu.memory_space<semaphore_mem>>) src(%arg9 : memref<192x128xf32, #tpu.memory_space<vmem>>) dst(%dma_wait3A_315 : memref<10881x128xf32, #tpu.memory_space<vmem_shared>>)
          tpu.yield
        }) : () -> ()
      }
      %while3A_186 = arith.constant 1 : i32
      scf.for %while3A_206 = %while3A_184 to %while3A_180 step %while3A_186  : i32 {
        %mul3A_207 = arith.constant 192 : i32
        %mul3A_208 = arith.muli %while3A_206, %mul3A_207 : i32
        %add3A_209 = arith.constant 0 : i32
        %add3A_210 = arith.addi %mul3A_208, %add3A_209 : i32
        %get3A = arith.index_cast %add3A_210 : i32 to index
        %get3A_211 = tpu.vector_load %arg7[%get3A] {strides = array<i32>} : memref<4160xi32, #tpu.memory_space<vmem>>, vector<16xi32>,
        %swap3A_212 = arith.constant 0 : index
        %swap3A_213 = tpu.vector_load %arg8[%swap3A_212] {strides = array<i32>} : memref<192xi32, #tpu.memory_space<vmem>>, vector<16xi32>,
        tpu.vector_store %arg8[%swap3A_212], %get3A_211 {strides = array<i32>} : memref<192xi32, #tpu.memory_space<vmem>>, vector<16xi32>,
        %mul3A_214 = arith.constant 192 : i32
        %mul3A_215 = arith.muli %while3A_206, %mul3A_214 : i32
        %add3A_216 = arith.constant 16 : i32
        %add3A_217 = arith.addi %mul3A_215, %add3A_216 : i32
        %get3A_218 = arith.index_cast %add3A_217 : i32 to index
        %get3A_219 = tpu.vector_load %arg7[%get3A_218] {strides = array<i32>} : memref<4160xi32, #tpu.memory_space<vmem>>, vector<16xi32>,
        %swap3A_220 = arith.constant 16 : index
        %swap3A_221 = tpu.vector_load %arg8[%swap3A_220] {strides = array<i32>} : memref<192xi32, #tpu.memory_space<vmem>>, vector<16xi32>,
        tpu.vector_store %arg8[%swap3A_220], %get3A_219 {strides = array<i32>} : memref<192xi32, #tpu.memory_space<vmem>>, vector<16xi32>,
        %mul3A_222 = arith.constant 192 : i32
        %mul3A_223 = arith.muli %while3A_206, %mul3A_222 : i32
        %add3A_224 = arith.constant 32 : i32
        %add3A_225 = arith.addi %mul3A_223, %add3A_224 : i32
        %get3A_226 = arith.index_cast %add3A_225 : i32 to index
        %get3A_227 = tpu.vector_load %arg7[%get3A_226] {strides = array<i32>} : memref<4160xi32, #tpu.memory_space<vmem>>, vector<16xi32>,
        %swap3A_228 = arith.constant 32 : index
        %swap3A_229 = tpu.vector_load %arg8[%swap3A_228] {strides = array<i32>} : memref<192xi32, #tpu.memory_space<vmem>>, vector<16xi32>,
        tpu.vector_store %arg8[%swap3A_228], %get3A_227 {strides = array<i32>} : memref<192xi32, #tpu.memory_space<vmem>>, vector<16xi32>,
        %mul3A_230 = arith.constant 192 : i32
        %mul3A_231 = arith.muli %while3A_206, %mul3A_230 : i32
        %add3A_232 = arith.constant 48 : i32
        %add3A_233 = arith.addi %mul3A_231, %add3A_232 : i32
        %get3A_234 = arith.index_cast %add3A_233 : i32 to index
        %get3A_235 = tpu.vector_load %arg7[%get3A_234] {strides = array<i32>} : memref<4160xi32, #tpu.memory_space<vmem>>, vector<16xi32>,
        %swap3A_236 = arith.constant 48 : index
        %swap3A_237 = tpu.vector_load %arg8[%swap3A_236] {strides = array<i32>} : memref<192xi32, #tpu.memory_space<vmem>>, vector<16xi32>,
        tpu.vector_store %arg8[%swap3A_236], %get3A_235 {strides = array<i32>} : memref<192xi32, #tpu.memory_space<vmem>>, vector<16xi32>,
        %mul3A_238 = arith.constant 192 : i32
        %mul3A_239 = arith.muli %while3A_206, %mul3A_238 : i32
        %add3A_240 = arith.constant 64 : i32
        %add3A_241 = arith.addi %mul3A_239, %add3A_240 : i32
        %get3A_242 = arith.index_cast %add3A_241 : i32 to index
        %get3A_243 = tpu.vector_load %arg7[%get3A_242] {strides = array<i32>} : memref<4160xi32, #tpu.memory_space<vmem>>, vector<16xi32>,
        %swap3A_244 = arith.constant 64 : index
        %swap3A_245 = tpu.vector_load %arg8[%swap3A_244] {strides = array<i32>} : memref<192xi32, #tpu.memory_space<vmem>>, vector<16xi32>,
        tpu.vector_store %arg8[%swap3A_244], %get3A_243 {strides = array<i32>} : memref<192xi32, #tpu.memory_space<vmem>>, vector<16xi32>,
        %mul3A_246 = arith.constant 192 : i32
        %mul3A_247 = arith.muli %while3A_206, %mul3A_246 : i32
        %add3A_248 = arith.constant 80 : i32
        %add3A_249 = arith.addi %mul3A_247, %add3A_248 : i32
        %get3A_250 = arith.index_cast %add3A_249 : i32 to index
        %get3A_251 = tpu.vector_load %arg7[%get3A_250] {strides = array<i32>} : memref<4160xi32, #tpu.memory_space<vmem>>, vector<16xi32>,
        %swap3A_252 = arith.constant 80 : index
        %swap3A_253 = tpu.vector_load %arg8[%swap3A_252] {strides = array<i32>} : memref<192xi32, #tpu.memory_space<vmem>>, vector<16xi32>,
        tpu.vector_store %arg8[%swap3A_252], %get3A_251 {strides = array<i32>} : memref<192xi32, #tpu.memory_space<vmem>>, vector<16xi32>,
        %mul3A_254 = arith.constant 192 : i32
        %mul3A_255 = arith.muli %while3A_206, %mul3A_254 : i32
        %add3A_256 = arith.constant 96 : i32
        %add3A_257 = arith.addi %mul3A_255, %add3A_256 : i32
        %get3A_258 = arith.index_cast %add3A_257 : i32 to index
        %get3A_259 = tpu.vector_load %arg7[%get3A_258] {strides = array<i32>} : memref<4160xi32, #tpu.memory_space<vmem>>, vector<16xi32>,
        %swap3A_260 = arith.constant 96 : index
        %swap3A_261 = tpu.vector_load %arg8[%swap3A_260] {strides = array<i32>} : memref<192xi32, #tpu.memory_space<vmem>>, vector<16xi32>,
        tpu.vector_store %arg8[%swap3A_260], %get3A_259 {strides = array<i32>} : memref<192xi32, #tpu.memory_space<vmem>>, vector<16xi32>,
        %mul3A_262 = arith.constant 192 : i32
        %mul3A_263 = arith.muli %while3A_206, %mul3A_262 : i32
        %add3A_264 = arith.constant 112 : i32
        %add3A_265 = arith.addi %mul3A_263, %add3A_264 : i32
        %get3A_266 = arith.index_cast %add3A_265 : i32 to index
        %get3A_267 = tpu.vector_load %arg7[%get3A_266] {strides = array<i32>} : memref<4160xi32, #tpu.memory_space<vmem>>, vector<16xi32>,
        %swap3A_268 = arith.constant 112 : index
        %swap3A_269 = tpu.vector_load %arg8[%swap3A_268] {strides = array<i32>} : memref<192xi32, #tpu.memory_space<vmem>>, vector<16xi32>,
        tpu.vector_store %arg8[%swap3A_268], %get3A_267 {strides = array<i32>} : memref<192xi32, #tpu.memory_space<vmem>>, vector<16xi32>,
        %mul3A_270 = arith.constant 192 : i32
        %mul3A_271 = arith.muli %while3A_206, %mul3A_270 : i32
        %add3A_272 = arith.constant 128 : i32
        %add3A_273 = arith.addi %mul3A_271, %add3A_272 : i32
        %get3A_274 = arith.index_cast %add3A_273 : i32 to index
        %get3A_275 = tpu.vector_load %arg7[%get3A_274] {strides = array<i32>} : memref<4160xi32, #tpu.memory_space<vmem>>, vector<16xi32>,
        %swap3A_276 = arith.constant 128 : index
        %swap3A_277 = tpu.vector_load %arg8[%swap3A_276] {strides = array<i32>} : memref<192xi32, #tpu.memory_space<vmem>>, vector<16xi32>,
        tpu.vector_store %arg8[%swap3A_276], %get3A_275 {strides = array<i32>} : memref<192xi32, #tpu.memory_space<vmem>>, vector<16xi32>,
        %mul3A_278 = arith.constant 192 : i32
        %mul3A_279 = arith.muli %while3A_206, %mul3A_278 : i32
        %add3A_280 = arith.constant 144 : i32
        %add3A_281 = arith.addi %mul3A_279, %add3A_280 : i32
        %get3A_282 = arith.index_cast %add3A_281 : i32 to index
        %get3A_283 = tpu.vector_load %arg7[%get3A_282] {strides = array<i32>} : memref<4160xi32, #tpu.memory_space<vmem>>, vector<16xi32>,
        %swap3A_284 = arith.constant 144 : index
        %swap3A_285 = tpu.vector_load %arg8[%swap3A_284] {strides = array<i32>} : memref<192xi32, #tpu.memory_space<vmem>>, vector<16xi32>,
        tpu.vector_store %arg8[%swap3A_284], %get3A_283 {strides = array<i32>} : memref<192xi32, #tpu.memory_space<vmem>>, vector<16xi32>,
        %mul3A_286 = arith.constant 192 : i32
        %mul3A_287 = arith.muli %while3A_206, %mul3A_286 : i32
        %add3A_288 = arith.constant 160 : i32
        %add3A_289 = arith.addi %mul3A_287, %add3A_288 : i32
        %get3A_290 = arith.index_cast %add3A_289 : i32 to index
        %get3A_291 = tpu.vector_load %arg7[%get3A_290] {strides = array<i32>} : memref<4160xi32, #tpu.memory_space<vmem>>, vector<16xi32>,
        %swap3A_292 = arith.constant 160 : index
        %swap3A_293 = tpu.vector_load %arg8[%swap3A_292] {strides = array<i32>} : memref<192xi32, #tpu.memory_space<vmem>>, vector<16xi32>,
        tpu.vector_store %arg8[%swap3A_292], %get3A_291 {strides = array<i32>} : memref<192xi32, #tpu.memory_space<vmem>>, vector<16xi32>,
        %mul3A_294 = arith.constant 192 : i32
        %mul3A_295 = arith.muli %while3A_206, %mul3A_294 : i32
        %add3A_296 = arith.constant 176 : i32
        %add3A_297 = arith.addi %mul3A_295, %add3A_296 : i32
        %get3A_298 = arith.index_cast %add3A_297 : i32 to index
        %get3A_299 = tpu.vector_load %arg7[%get3A_298] {strides = array<i32>} : memref<4160xi32, #tpu.memory_space<vmem>>, vector<16xi32>,
        %swap3A_300 = arith.constant 176 : index
        %swap3A_301 = tpu.vector_load %arg8[%swap3A_300] {strides = array<i32>} : memref<192xi32, #tpu.memory_space<vmem>>, vector<16xi32>,
        tpu.vector_store %arg8[%swap3A_300], %get3A_299 {strides = array<i32>} : memref<192xi32, #tpu.memory_space<vmem>>, vector<16xi32>,
        %mul3A_302 = arith.constant 192 : i32
        %mul3A_303 = arith.muli %while3A_206, %mul3A_302 : i32
        %dma_start3A = tpu.memref_slice %arg6[%mul3A_303] : memref<4160xi32, #tpu.memory_space<vmem>> -> memref<192xi32, #tpu.memory_space<vmem>>
        %dma_start3A_304 = arith.constant 0 : i32
        %dma_start3A_305 = arith.constant 0 : i32
        %dma_start3A_306 = tpu.memref_slice %arg2[%dma_start3A_304, %dma_start3A_305] : memref<640000x128xf32, #tpu.memory_space<hbm>> -> memref<640000x128xf32, #tpu.memory_space<hbm>>
        tpu.enqueue_indirect_dma source(%dma_start3A_306 : memref<640000x128xf32, #tpu.memory_space<hbm>>) target(%arg9 : memref<192x128xf32, #tpu.memory_space<vmem>>) offsets(%dma_start3A : memref<192xi32, #tpu.memory_space<vmem>>) semaphore(%arg11 : memref<!tpu.dma_semaphore, #tpu.memory_space<semaphore_mem>>)
        %dma_wait3A = tpu.memref_slice %arg6[%mul3A_303] : memref<4160xi32, #tpu.memory_space<vmem>> -> memref<192xi32, #tpu.memory_space<vmem>>
        %dma_wait3A_307 = arith.constant 0 : i32
        %dma_wait3A_308 = arith.constant 0 : i32
        %dma_wait3A_309 = tpu.memref_slice %arg2[%dma_wait3A_307, %dma_wait3A_308] : memref<640000x128xf32, #tpu.memory_space<hbm>> -> memref<640000x128xf32, #tpu.memory_space<hbm>>
        tpu.wait_indirect_dma semaphore(%arg11 : memref<!tpu.dma_semaphore, #tpu.memory_space<semaphore_mem>>) src(%dma_wait3A_309 : memref<640000x128xf32, #tpu.memory_space<hbm>>) dst(%arg9 : memref<192x128xf32, #tpu.memory_space<vmem>>)
        "tpu.region"() ({
          %run_scoped3A = tpu.sem_alloc : memref<!tpu.dma_semaphore, #tpu.memory_space<semaphore_mem>>
          %dma_start3A_310 = arith.constant 0 : i32
          %dma_start3A_311 = arith.constant 0 : i32
          %dma_start3A_312 = tpu.memref_slice %arg10[%dma_start3A_310, %dma_start3A_311] : memref<10881x128xf32, #tpu.memory_space<vmem_shared>> -> memref<10881x128xf32, #tpu.memory_space<vmem_shared>>
          tpu.enqueue_indirect_dma source(%arg9 : memref<192x128xf32, #tpu.memory_space<vmem>>) target(%dma_start3A_312 : memref<10881x128xf32, #tpu.memory_space<vmem_shared>>) offsets(%arg8 : memref<192xi32, #tpu.memory_space<vmem>>) semaphore(%run_scoped3A : memref<!tpu.dma_semaphore, #tpu.memory_space<semaphore_mem>>) {add = true}
          %dma_wait3A_313 = arith.constant 0 : i32
          %dma_wait3A_314 = arith.constant 0 : i32
          %dma_wait3A_315 = tpu.memref_slice %arg10[%dma_wait3A_313, %dma_wait3A_314] : memref<10881x128xf32, #tpu.memory_space<vmem_shared>> -> memref<10881x128xf32, #tpu.memory_space<vmem_shared>>
          tpu.wait_indirect_dma semaphore(%run_scoped3A : memref<!tpu.dma_semaphore, #tpu.memory_space<semaphore_mem>>) src(%arg9 : memref<192x128xf32, #tpu.memory_space<vmem>>) dst(%dma_wait3A_315 : memref<10881x128xf32, #tpu.memory_space<vmem_shared>>)
          tpu.yield
        }) : () -> ()
      }
      %barrier3A_187 = arith.constant 0 : index
      tpu.barrier barrier_id(%barrier3A_187)
      %add3A_188 = arith.addi %mul3A_28, %mul3A_2 : i32
      "tpu.region"() ({
        %run_scoped3A = tpu.sem_alloc : memref<!tpu.dma_semaphore, #tpu.memory_space<semaphore_mem>>
        %dma_start3A = arith.constant 0 : i32
        %dma_start3A_206 = tpu.memref_slice %arg4[%add3A_188, %dma_start3A] : memref<326400x128xf32, #tpu.memory_space<hbm>> -> memref<680x128xf32, #tpu.memory_space<hbm>>
        %dma_start3A_207 = arith.constant 0 : i32
        %dma_start3A_208 = tpu.memref_slice %arg10[%mul3A_2, %dma_start3A_207] : memref<10881x128xf32, #tpu.memory_space<vmem_shared>> -> memref<680x128xf32, #tpu.memory_space<vmem_shared>>
        tpu.enqueue_dma source(%dma_start3A_208 : memref<680x128xf32, #tpu.memory_space<vmem_shared>>) target(%dma_start3A_206 : memref<680x128xf32, #tpu.memory_space<hbm>>) target_semaphore(%run_scoped3A : memref<!tpu.dma_semaphore, #tpu.memory_space<semaphore_mem>>)
        %dma_wait3A = arith.constant 0 : i32
        %dma_wait3A_209 = tpu.memref_slice %arg4[%add3A_188, %dma_wait3A] : memref<326400x128xf32, #tpu.memory_space<hbm>> -> memref<680x128xf32, #tpu.memory_space<hbm>>
        %dma_wait3A_210 = arith.constant 0 : i32
        %dma_wait3A_211 = tpu.memref_slice %arg10[%mul3A_2, %dma_wait3A_210] : memref<10881x128xf32, #tpu.memory_space<vmem_shared>> -> memref<680x128xf32, #tpu.memory_space<vmem_shared>>
        tpu.wait_dma2 semaphore(%run_scoped3A : memref<!tpu.dma_semaphore, #tpu.memory_space<semaphore_mem>>) src(%dma_wait3A_211 : memref<680x128xf32, #tpu.memory_space<vmem_shared>>) dst(%dma_wait3A_209 : memref<680x128xf32, #tpu.memory_space<hbm>>)
        tpu.yield
      }) : () -> ()
      %scan3A_189 = arith.constant 0 : i32
      %scan3A_190 = arith.constant 0 : i32
      %scan3A_191 = arith.constant 136 : i32
      %scan3A_192 = arith.addi %scan3A_190, %scan3A_191 : i32
      %scan3A_193 = arith.constant 1 : i32
      scf.for %scan3A_206 = %scan3A_190 to %scan3A_192 step %scan3A_193  : i32 {
        %broadcast_in_dim3A_207 = arith.constant 0.000000e+00 : f32
        %broadcast_in_dim3A_208 = vector.broadcast %broadcast_in_dim3A_207 : f32 to vector<16xf32>
        %swap3A_209 = arith.index_cast %scan3A_206 : i32 to index
        %swap3A_210 = arith.constant 0 : index
        %swap3A_211 = tpu.vector_load %arg9[%swap3A_209, %swap3A_210] {strides = array<i32>} : memref<192x128xf32, #tpu.memory_space<vmem>>, vector<16xf32>,
        tpu.vector_store %arg9[%swap3A_209, %swap3A_210], %broadcast_in_dim3A_208 {strides = array<i32>} : memref<192x128xf32, #tpu.memory_space<vmem>>, vector<16xf32>,
        %broadcast_in_dim3A_212 = arith.constant 0.000000e+00 : f32
        %broadcast_in_dim3A_213 = vector.broadcast %broadcast_in_dim3A_212 : f32 to vector<16xf32>
        %swap3A_214 = arith.index_cast %scan3A_206 : i32 to index
        %swap3A_215 = arith.constant 16 : index
        %swap3A_216 = tpu.vector_load %arg9[%swap3A_214, %swap3A_215] {strides = array<i32>} : memref<192x128xf32, #tpu.memory_space<vmem>>, vector<16xf32>,
        tpu.vector_store %arg9[%swap3A_214, %swap3A_215], %broadcast_in_dim3A_213 {strides = array<i32>} : memref<192x128xf32, #tpu.memory_space<vmem>>, vector<16xf32>,
        %broadcast_in_dim3A_217 = arith.constant 0.000000e+00 : f32
        %broadcast_in_dim3A_218 = vector.broadcast %broadcast_in_dim3A_217 : f32 to vector<16xf32>
        %swap3A_219 = arith.index_cast %scan3A_206 : i32 to index
        %swap3A_220 = arith.constant 32 : index
        %swap3A_221 = tpu.vector_load %arg9[%swap3A_219, %swap3A_220] {strides = array<i32>} : memref<192x128xf32, #tpu.memory_space<vmem>>, vector<16xf32>,
        tpu.vector_store %arg9[%swap3A_219, %swap3A_220], %broadcast_in_dim3A_218 {strides = array<i32>} : memref<192x128xf32, #tpu.memory_space<vmem>>, vector<16xf32>,
        %broadcast_in_dim3A_222 = arith.constant 0.000000e+00 : f32
        %broadcast_in_dim3A_223 = vector.broadcast %broadcast_in_dim3A_222 : f32 to vector<16xf32>
        %swap3A_224 = arith.index_cast %scan3A_206 : i32 to index
        %swap3A_225 = arith.constant 48 : index
        %swap3A_226 = tpu.vector_load %arg9[%swap3A_224, %swap3A_225] {strides = array<i32>} : memref<192x128xf32, #tpu.memory_space<vmem>>, vector<16xf32>,
        tpu.vector_store %arg9[%swap3A_224, %swap3A_225], %broadcast_in_dim3A_223 {strides = array<i32>} : memref<192x128xf32, #tpu.memory_space<vmem>>, vector<16xf32>,
        %broadcast_in_dim3A_227 = arith.constant 0.000000e+00 : f32
        %broadcast_in_dim3A_228 = vector.broadcast %broadcast_in_dim3A_227 : f32 to vector<16xf32>
        %swap3A_229 = arith.index_cast %scan3A_206 : i32 to index
        %swap3A_230 = arith.constant 64 : index
        %swap3A_231 = tpu.vector_load %arg9[%swap3A_229, %swap3A_230] {strides = array<i32>} : memref<192x128xf32, #tpu.memory_space<vmem>>, vector<16xf32>,
        tpu.vector_store %arg9[%swap3A_229, %swap3A_230], %broadcast_in_dim3A_228 {strides = array<i32>} : memref<192x128xf32, #tpu.memory_space<vmem>>, vector<16xf32>,
        %broadcast_in_dim3A_232 = arith.constant 0.000000e+00 : f32
        %broadcast_in_dim3A_233 = vector.broadcast %broadcast_in_dim3A_232 : f32 to vector<16xf32>
        %swap3A_234 = arith.index_cast %scan3A_206 : i32 to index
        %swap3A_235 = arith.constant 80 : index
        %swap3A_236 = tpu.vector_load %arg9[%swap3A_234, %swap3A_235] {strides = array<i32>} : memref<192x128xf32, #tpu.memory_space<vmem>>, vector<16xf32>,
        tpu.vector_store %arg9[%swap3A_234, %swap3A_235], %broadcast_in_dim3A_233 {strides = array<i32>} : memref<192x128xf32, #tpu.memory_space<vmem>>, vector<16xf32>,
        %broadcast_in_dim3A_237 = arith.constant 0.000000e+00 : f32
        %broadcast_in_dim3A_238 = vector.broadcast %broadcast_in_dim3A_237 : f32 to vector<16xf32>
        %swap3A_239 = arith.index_cast %scan3A_206 : i32 to index
        %swap3A_240 = arith.constant 96 : index
        %swap3A_241 = tpu.vector_load %arg9[%swap3A_239, %swap3A_240] {strides = array<i32>} : memref<192x128xf32, #tpu.memory_space<vmem>>, vector<16xf32>,
        tpu.vector_store %arg9[%swap3A_239, %swap3A_240], %broadcast_in_dim3A_238 {strides = array<i32>} : memref<192x128xf32, #tpu.memory_space<vmem>>, vector<16xf32>,
        %broadcast_in_dim3A_242 = arith.constant 0.000000e+00 : f32
        %broadcast_in_dim3A_243 = vector.broadcast %broadcast_in_dim3A_242 : f32 to vector<16xf32>
        %swap3A_244 = arith.index_cast %scan3A_206 : i32 to index
        %swap3A_245 = arith.constant 112 : index
        %swap3A_246 = tpu.vector_load %arg9[%swap3A_244, %swap3A_245] {strides = array<i32>} : memref<192x128xf32, #tpu.memory_space<vmem>>, vector<16xf32>,
        tpu.vector_store %arg9[%swap3A_244, %swap3A_245], %broadcast_in_dim3A_243 {strides = array<i32>} : memref<192x128xf32, #tpu.memory_space<vmem>>, vector<16xf32>,
      }
      %scan3A_194 = arith.constant 136 : i32
      %add3A_195 = arith.constant 0 : i32
      %add3A_196 = arith.addi %mul3A_2, %add3A_195 : i32
      "tpu.region"() ({
        %run_scoped3A = tpu.sem_alloc : memref<!tpu.dma_semaphore, #tpu.memory_space<semaphore_mem>>
        %dma_start3A = arith.constant 0 : i32
        %dma_start3A_206 = arith.constant 0 : i32
        %dma_start3A_207 = tpu.memref_slice %arg9[%dma_start3A, %dma_start3A_206] : memref<192x128xf32, #tpu.memory_space<vmem>> -> memref<136x128xf32, #tpu.memory_space<vmem>>
        %dma_start3A_208 = arith.constant 0 : i32
        %dma_start3A_209 = tpu.memref_slice %arg10[%add3A_196, %dma_start3A_208] : memref<10881x128xf32, #tpu.memory_space<vmem_shared>> -> memref<136x128xf32, #tpu.memory_space<vmem_shared>>
        %dma_start3A_210 = arith.constant 0 : i32
        %dma_start3A_211 = tpu.memref_slice %arg10[%add3A_196, %dma_start3A_210] : memref<10881x128xf32, #tpu.memory_space<vmem_shared>> -> memref<136x128xf32, #tpu.memory_space<vmem_shared>>
        %dma_start3A_212 = arith.constant 0 : i32
        %dma_start3A_213 = arith.constant 0 : i32
        %dma_start3A_214 = tpu.memref_slice %arg9[%dma_start3A_212, %dma_start3A_213] : memref<192x128xf32, #tpu.memory_space<vmem>> -> memref<136x128xf32, #tpu.memory_space<vmem>>
        tpu.enqueue_dma source(%dma_start3A_214 : memref<136x128xf32, #tpu.memory_space<vmem>>) target(%dma_start3A_211 : memref<136x128xf32, #tpu.memory_space<vmem_shared>>) target_semaphore(%run_scoped3A : memref<!tpu.dma_semaphore, #tpu.memory_space<semaphore_mem>>)
        %dma_wait3A = arith.constant 0 : i32
        %dma_wait3A_215 = arith.constant 0 : i32
        %dma_wait3A_216 = tpu.memref_slice %arg9[%dma_wait3A, %dma_wait3A_215] : memref<192x128xf32, #tpu.memory_space<vmem>> -> memref<136x128xf32, #tpu.memory_space<vmem>>
        %dma_wait3A_217 = arith.constant 0 : i32
        %dma_wait3A_218 = tpu.memref_slice %arg10[%add3A_196, %dma_wait3A_217] : memref<10881x128xf32, #tpu.memory_space<vmem_shared>> -> memref<136x128xf32, #tpu.memory_space<vmem_shared>>
        %dma_wait3A_219 = arith.constant 0 : i32
        %dma_wait3A_220 = tpu.memref_slice %arg10[%add3A_196, %dma_wait3A_219] : memref<10881x128xf32, #tpu.memory_space<vmem_shared>> -> memref<136x128xf32, #tpu.memory_space<vmem_shared>>
        %dma_wait3A_221 = arith.constant 0 : i32
        %dma_wait3A_222 = arith.constant 0 : i32
        %dma_wait3A_223 = tpu.memref_slice %arg9[%dma_wait3A_221, %dma_wait3A_222] : memref<192x128xf32, #tpu.memory_space<vmem>> -> memref<136x128xf32, #tpu.memory_space<vmem>>
        tpu.wait_dma2 semaphore(%run_scoped3A : memref<!tpu.dma_semaphore, #tpu.memory_space<semaphore_mem>>) src(%dma_wait3A_223 : memref<136x128xf32, #tpu.memory_space<vmem>>) dst(%dma_wait3A_220 : memref<136x128xf32, #tpu.memory_space<vmem_shared>>)
        tpu.yield
      }) : () -> ()
      %add3A_197 = arith.constant 136 : i32
      %add3A_198 = arith.addi %mul3A_2, %add3A_197 : i32
      "tpu.region"() ({
        %run_scoped3A = tpu.sem_alloc : memref<!tpu.dma_semaphore, #tpu.memory_space<semaphore_mem>>
        %dma_start3A = arith.constant 0 : i32
        %dma_start3A_206 = arith.constant 0 : i32
        %dma_start3A_207 = tpu.memref_slice %arg9[%dma_start3A, %dma_start3A_206] : memref<192x128xf32, #tpu.memory_space<vmem>> -> memref<136x128xf32, #tpu.memory_space<vmem>>
        %dma_start3A_208 = arith.constant 0 : i32
        %dma_start3A_209 = tpu.memref_slice %arg10[%add3A_198, %dma_start3A_208] : memref<10881x128xf32, #tpu.memory_space<vmem_shared>> -> memref<136x128xf32, #tpu.memory_space<vmem_shared>>
        %dma_start3A_210 = arith.constant 0 : i32
        %dma_start3A_211 = tpu.memref_slice %arg10[%add3A_198, %dma_start3A_210] : memref<10881x128xf32, #tpu.memory_space<vmem_shared>> -> memref<136x128xf32, #tpu.memory_space<vmem_shared>>
        %dma_start3A_212 = arith.constant 0 : i32
        %dma_start3A_213 = arith.constant 0 : i32
        %dma_start3A_214 = tpu.memref_slice %arg9[%dma_start3A_212, %dma_start3A_213] : memref<192x128xf32, #tpu.memory_space<vmem>> -> memref<136x128xf32, #tpu.memory_space<vmem>>
        tpu.enqueue_dma source(%dma_start3A_214 : memref<136x128xf32, #tpu.memory_space<vmem>>) target(%dma_start3A_211 : memref<136x128xf32, #tpu.memory_space<vmem_shared>>) target_semaphore(%run_scoped3A : memref<!tpu.dma_semaphore, #tpu.memory_space<semaphore_mem>>)
        %dma_wait3A = arith.constant 0 : i32
        %dma_wait3A_215 = arith.constant 0 : i32
        %dma_wait3A_216 = tpu.memref_slice %arg9[%dma_wait3A, %dma_wait3A_215] : memref<192x128xf32, #tpu.memory_space<vmem>> -> memref<136x128xf32, #tpu.memory_space<vmem>>
        %dma_wait3A_217 = arith.constant 0 : i32
        %dma_wait3A_218 = tpu.memref_slice %arg10[%add3A_198, %dma_wait3A_217] : memref<10881x128xf32, #tpu.memory_space<vmem_shared>> -> memref<136x128xf32, #tpu.memory_space<vmem_shared>>
        %dma_wait3A_219 = arith.constant 0 : i32
        %dma_wait3A_220 = tpu.memref_slice %arg10[%add3A_198, %dma_wait3A_219] : memref<10881x128xf32, #tpu.memory_space<vmem_shared>> -> memref<136x128xf32, #tpu.memory_space<vmem_shared>>
        %dma_wait3A_221 = arith.constant 0 : i32
        %dma_wait3A_222 = arith.constant 0 : i32
        %dma_wait3A_223 = tpu.memref_slice %arg9[%dma_wait3A_221, %dma_wait3A_222] : memref<192x128xf32, #tpu.memory_space<vmem>> -> memref<136x128xf32, #tpu.memory_space<vmem>>
        tpu.wait_dma2 semaphore(%run_scoped3A : memref<!tpu.dma_semaphore, #tpu.memory_space<semaphore_mem>>) src(%dma_wait3A_223 : memref<136x128xf32, #tpu.memory_space<vmem>>) dst(%dma_wait3A_220 : memref<136x128xf32, #tpu.memory_space<vmem_shared>>)
        tpu.yield
      }) : () -> ()
      %add3A_199 = arith.constant 272 : i32
      %add3A_200 = arith.addi %mul3A_2, %add3A_199 : i32
      "tpu.region"() ({
        %run_scoped3A = tpu.sem_alloc : memref<!tpu.dma_semaphore, #tpu.memory_space<semaphore_mem>>
        %dma_start3A = arith.constant 0 : i32
        %dma_start3A_206 = arith.constant 0 : i32
        %dma_start3A_207 = tpu.memref_slice %arg9[%dma_start3A, %dma_start3A_206] : memref<192x128xf32, #tpu.memory_space<vmem>> -> memref<136x128xf32, #tpu.memory_space<vmem>>
        %dma_start3A_208 = arith.constant 0 : i32
        %dma_start3A_209 = tpu.memref_slice %arg10[%add3A_200, %dma_start3A_208] : memref<10881x128xf32, #tpu.memory_space<vmem_shared>> -> memref<136x128xf32, #tpu.memory_space<vmem_shared>>
        %dma_start3A_210 = arith.constant 0 : i32
        %dma_start3A_211 = tpu.memref_slice %arg10[%add3A_200, %dma_start3A_210] : memref<10881x128xf32, #tpu.memory_space<vmem_shared>> -> memref<136x128xf32, #tpu.memory_space<vmem_shared>>
        %dma_start3A_212 = arith.constant 0 : i32
        %dma_start3A_213 = arith.constant 0 : i32
        %dma_start3A_214 = tpu.memref_slice %arg9[%dma_start3A_212, %dma_start3A_213] : memref<192x128xf32, #tpu.memory_space<vmem>> -> memref<136x128xf32, #tpu.memory_space<vmem>>
        tpu.enqueue_dma source(%dma_start3A_214 : memref<136x128xf32, #tpu.memory_space<vmem>>) target(%dma_start3A_211 : memref<136x128xf32, #tpu.memory_space<vmem_shared>>) target_semaphore(%run_scoped3A : memref<!tpu.dma_semaphore, #tpu.memory_space<semaphore_mem>>)
        %dma_wait3A = arith.constant 0 : i32
        %dma_wait3A_215 = arith.constant 0 : i32
        %dma_wait3A_216 = tpu.memref_slice %arg9[%dma_wait3A, %dma_wait3A_215] : memref<192x128xf32, #tpu.memory_space<vmem>> -> memref<136x128xf32, #tpu.memory_space<vmem>>
        %dma_wait3A_217 = arith.constant 0 : i32
        %dma_wait3A_218 = tpu.memref_slice %arg10[%add3A_200, %dma_wait3A_217] : memref<10881x128xf32, #tpu.memory_space<vmem_shared>> -> memref<136x128xf32, #tpu.memory_space<vmem_shared>>
        %dma_wait3A_219 = arith.constant 0 : i32
        %dma_wait3A_220 = tpu.memref_slice %arg10[%add3A_200, %dma_wait3A_219] : memref<10881x128xf32, #tpu.memory_space<vmem_shared>> -> memref<136x128xf32, #tpu.memory_space<vmem_shared>>
        %dma_wait3A_221 = arith.constant 0 : i32
        %dma_wait3A_222 = arith.constant 0 : i32
        %dma_wait3A_223 = tpu.memref_slice %arg9[%dma_wait3A_221, %dma_wait3A_222] : memref<192x128xf32, #tpu.memory_space<vmem>> -> memref<136x128xf32, #tpu.memory_space<vmem>>
        tpu.wait_dma2 semaphore(%run_scoped3A : memref<!tpu.dma_semaphore, #tpu.memory_space<semaphore_mem>>) src(%dma_wait3A_223 : memref<136x128xf32, #tpu.memory_space<vmem>>) dst(%dma_wait3A_220 : memref<136x128xf32, #tpu.memory_space<vmem_shared>>)
        tpu.yield
      }) : () -> ()
      %add3A_201 = arith.constant 408 : i32
      %add3A_202 = arith.addi %mul3A_2, %add3A_201 : i32
      "tpu.region"() ({
        %run_scoped3A = tpu.sem_alloc : memref<!tpu.dma_semaphore, #tpu.memory_space<semaphore_mem>>
        %dma_start3A = arith.constant 0 : i32
        %dma_start3A_206 = arith.constant 0 : i32
        %dma_start3A_207 = tpu.memref_slice %arg9[%dma_start3A, %dma_start3A_206] : memref<192x128xf32, #tpu.memory_space<vmem>> -> memref<136x128xf32, #tpu.memory_space<vmem>>
        %dma_start3A_208 = arith.constant 0 : i32
        %dma_start3A_209 = tpu.memref_slice %arg10[%add3A_202, %dma_start3A_208] : memref<10881x128xf32, #tpu.memory_space<vmem_shared>> -> memref<136x128xf32, #tpu.memory_space<vmem_shared>>
        %dma_start3A_210 = arith.constant 0 : i32
        %dma_start3A_211 = tpu.memref_slice %arg10[%add3A_202, %dma_start3A_210] : memref<10881x128xf32, #tpu.memory_space<vmem_shared>> -> memref<136x128xf32, #tpu.memory_space<vmem_shared>>
        %dma_start3A_212 = arith.constant 0 : i32
        %dma_start3A_213 = arith.constant 0 : i32
        %dma_start3A_214 = tpu.memref_slice %arg9[%dma_start3A_212, %dma_start3A_213] : memref<192x128xf32, #tpu.memory_space<vmem>> -> memref<136x128xf32, #tpu.memory_space<vmem>>
        tpu.enqueue_dma source(%dma_start3A_214 : memref<136x128xf32, #tpu.memory_space<vmem>>) target(%dma_start3A_211 : memref<136x128xf32, #tpu.memory_space<vmem_shared>>) target_semaphore(%run_scoped3A : memref<!tpu.dma_semaphore, #tpu.memory_space<semaphore_mem>>)
        %dma_wait3A = arith.constant 0 : i32
        %dma_wait3A_215 = arith.constant 0 : i32
        %dma_wait3A_216 = tpu.memref_slice %arg9[%dma_wait3A, %dma_wait3A_215] : memref<192x128xf32, #tpu.memory_space<vmem>> -> memref<136x128xf32, #tpu.memory_space<vmem>>
        %dma_wait3A_217 = arith.constant 0 : i32
        %dma_wait3A_218 = tpu.memref_slice %arg10[%add3A_202, %dma_wait3A_217] : memref<10881x128xf32, #tpu.memory_space<vmem_shared>> -> memref<136x128xf32, #tpu.memory_space<vmem_shared>>
        %dma_wait3A_219 = arith.constant 0 : i32
        %dma_wait3A_220 = tpu.memref_slice %arg10[%add3A_202, %dma_wait3A_219] : memref<10881x128xf32, #tpu.memory_space<vmem_shared>> -> memref<136x128xf32, #tpu.memory_space<vmem_shared>>
        %dma_wait3A_221 = arith.constant 0 : i32
        %dma_wait3A_222 = arith.constant 0 : i32
        %dma_wait3A_223 = tpu.memref_slice %arg9[%dma_wait3A_221, %dma_wait3A_222] : memref<192x128xf32, #tpu.memory_space<vmem>> -> memref<136x128xf32, #tpu.memory_space<vmem>>
        tpu.wait_dma2 semaphore(%run_scoped3A : memref<!tpu.dma_semaphore, #tpu.memory_space<semaphore_mem>>) src(%dma_wait3A_223 : memref<136x128xf32, #tpu.memory_space<vmem>>) dst(%dma_wait3A_220 : memref<136x128xf32, #tpu.memory_space<vmem_shared>>)
        tpu.yield
      }) : () -> ()
      %add3A_203 = arith.constant 544 : i32
      %add3A_204 = arith.addi %mul3A_2, %add3A_203 : i32
      "tpu.region"() ({
        %run_scoped3A = tpu.sem_alloc : memref<!tpu.dma_semaphore, #tpu.memory_space<semaphore_mem>>
        %dma_start3A = arith.constant 0 : i32
        %dma_start3A_206 = arith.constant 0 : i32
        %dma_start3A_207 = tpu.memref_slice %arg9[%dma_start3A, %dma_start3A_206] : memref<192x128xf32, #tpu.memory_space<vmem>> -> memref<136x128xf32, #tpu.memory_space<vmem>>
        %dma_start3A_208 = arith.constant 0 : i32
        %dma_start3A_209 = tpu.memref_slice %arg10[%add3A_204, %dma_start3A_208] : memref<10881x128xf32, #tpu.memory_space<vmem_shared>> -> memref<136x128xf32, #tpu.memory_space<vmem_shared>>
        %dma_start3A_210 = arith.constant 0 : i32
        %dma_start3A_211 = tpu.memref_slice %arg10[%add3A_204, %dma_start3A_210] : memref<10881x128xf32, #tpu.memory_space<vmem_shared>> -> memref<136x128xf32, #tpu.memory_space<vmem_shared>>
        %dma_start3A_212 = arith.constant 0 : i32
        %dma_start3A_213 = arith.constant 0 : i32
        %dma_start3A_214 = tpu.memref_slice %arg9[%dma_start3A_212, %dma_start3A_213] : memref<192x128xf32, #tpu.memory_space<vmem>> -> memref<136x128xf32, #tpu.memory_space<vmem>>
        tpu.enqueue_dma source(%dma_start3A_214 : memref<136x128xf32, #tpu.memory_space<vmem>>) target(%dma_start3A_211 : memref<136x128xf32, #tpu.memory_space<vmem_shared>>) target_semaphore(%run_scoped3A : memref<!tpu.dma_semaphore, #tpu.memory_space<semaphore_mem>>)
        %dma_wait3A = arith.constant 0 : i32
        %dma_wait3A_215 = arith.constant 0 : i32
        %dma_wait3A_216 = tpu.memref_slice %arg9[%dma_wait3A, %dma_wait3A_215] : memref<192x128xf32, #tpu.memory_space<vmem>> -> memref<136x128xf32, #tpu.memory_space<vmem>>
        %dma_wait3A_217 = arith.constant 0 : i32
        %dma_wait3A_218 = tpu.memref_slice %arg10[%add3A_204, %dma_wait3A_217] : memref<10881x128xf32, #tpu.memory_space<vmem_shared>> -> memref<136x128xf32, #tpu.memory_space<vmem_shared>>
        %dma_wait3A_219 = arith.constant 0 : i32
        %dma_wait3A_220 = tpu.memref_slice %arg10[%add3A_204, %dma_wait3A_219] : memref<10881x128xf32, #tpu.memory_space<vmem_shared>> -> memref<136x128xf32, #tpu.memory_space<vmem_shared>>
        %dma_wait3A_221 = arith.constant 0 : i32
        %dma_wait3A_222 = arith.constant 0 : i32
        %dma_wait3A_223 = tpu.memref_slice %arg9[%dma_wait3A_221, %dma_wait3A_222] : memref<192x128xf32, #tpu.memory_space<vmem>> -> memref<136x128xf32, #tpu.memory_space<vmem>>
        tpu.wait_dma2 semaphore(%run_scoped3A : memref<!tpu.dma_semaphore, #tpu.memory_space<semaphore_mem>>) src(%dma_wait3A_223 : memref<136x128xf32, #tpu.memory_space<vmem>>) dst(%dma_wait3A_220 : memref<136x128xf32, #tpu.memory_space<vmem_shared>>)
        tpu.yield
      }) : () -> ()
      %barrier3A_205 = arith.constant 0 : index
      tpu.barrier barrier_id(%barrier3A_205)
    }
    %scan3A_22 = arith.constant 15 : i32
    return
  }
}

module attributes {stable_mosaic.version = 14 : i64} {
  func.func @_gelu_body(%arg0: i32, %arg1: memref<4000x128xf32, #tpu.memory_space<vmem>>, %arg2: memref<4000x128xf32, #tpu.memory_space<vmem>>) attributes {dimension_semantics = [#tpu.dimension_semantics<arbitrary>], iteration_bounds = array<i64: 160>, scalar_prefetch = 0 : i64, scratch_operands = 0 : i64, tpu.core_type = #tpu.core_type<tc>, window_params = [{transform_indices = @transform_0, window_bounds = array<i64: 4000, 128>}, {transform_indices = @transform_1, window_bounds = array<i64: 4000, 128>}]} {
    %get3A = arith.constant 0 : index
    %get3A_0 = arith.constant 0 : index
    %get3A_1 = vector.load %arg1[%get3A, %get3A_0] : memref<4000x128xf32, #tpu.memory_space<vmem>>, vector<4000x128xf32>
    %mul3A = arith.constant 5.000000e-01 : f32
    %mul3A_2 = vector.broadcast %mul3A : f32 to vector<4000x128xf32>
    %mul3A_3 = arith.mulf %mul3A_2, %get3A_1 : vector<4000x128xf32>
    %mul3A_4 = arith.constant 0.707106769 : f32
    %mul3A_5 = vector.broadcast %mul3A_4 : f32 to vector<4000x128xf32>
    %mul3A_6 = arith.mulf %get3A_1, %mul3A_5 : vector<4000x128xf32>
    %erf3A = math.erf %mul3A_6 : vector<4000x128xf32>
    %add3A = arith.constant 1.000000e+00 : f32
    %add3A_7 = vector.broadcast %add3A : f32 to vector<4000x128xf32>
    %add3A_8 = arith.addf %add3A_7, %erf3A : vector<4000x128xf32>
    %mul3A_9 = arith.mulf %mul3A_3, %add3A_8 : vector<4000x128xf32>
    %swap3A = arith.constant 0 : index
    %swap3A_10 = arith.constant 0 : index
    %swap3A_11 = vector.load %arg2[%swap3A, %swap3A_10] : memref<4000x128xf32, #tpu.memory_space<vmem>>, vector<4000x128xf32>
    tpu.vector_store %arg2[%swap3A, %swap3A_10], %mul3A_9 {strides = array<i32>} : memref<4000x128xf32, #tpu.memory_space<vmem>>, vector<4000x128xf32>,
    return
  }
  func.func @transform_0(%arg0: i32) -> (i32, i32) {
    %c0_i32 = arith.constant 0 : i32
    %c0_i32_0 = arith.constant 0 : i32
    return %arg0, %c0_i32 : i32, i32
  }
  func.func @transform_1(%arg0: i32) -> (i32, i32) {
    %c0_i32 = arith.constant 0 : i32
    %c0_i32_0 = arith.constant 0 : i32
    return %arg0, %c0_i32 : i32, i32
  }
}

module attributes {stable_mosaic.version = 14 : i64} {
  func.func @_matmul3_body(%arg0: i32, %arg1: memref<4000x128xf32, #tpu.memory_space<vmem>>, %arg2: memref<384x128xf32, #tpu.memory_space<vmem>>, %arg3: memref<1x128xf32, #tpu.memory_space<vmem>>, %arg4: memref<4000x128xf32, #tpu.memory_space<vmem>>, %arg5: memref<4000x128xf32, #tpu.memory_space<vmem>>, %arg6: memref<4000x128xf32, #tpu.memory_space<vmem>>) attributes {dimension_semantics = [#tpu.dimension_semantics<arbitrary>], iteration_bounds = array<i64: 80>, scalar_prefetch = 0 : i64, scratch_operands = 0 : i64, tpu.core_type = #tpu.core_type<tc>, window_params = [{transform_indices = @transform_0, window_bounds = array<i64: 4000, 128>}, {pipeline_mode = #tpu.pipeline_mode<synchronous>, transform_indices = @transform_1, window_bounds = array<i64: 384, 128>}, {pipeline_mode = #tpu.pipeline_mode<synchronous>, transform_indices = @transform_2, window_bounds = array<i64: 1, 128>}, {transform_indices = @transform_3, window_bounds = array<i64: 4000, 128>}, {transform_indices = @transform_4, window_bounds = array<i64: 4000, 128>}, {transform_indices = @transform_5, window_bounds = array<i64: 4000, 128>}]} {
    %get3A = arith.constant 0 : index
    %get3A_0 = arith.constant 0 : index
    %get3A_1 = vector.load %arg1[%get3A, %get3A_0] : memref<4000x128xf32, #tpu.memory_space<vmem>>, vector<4000x128xf32>
    %get3A_2 = arith.constant 0 : index
    %get3A_3 = arith.constant 0 : index
    %get3A_4 = vector.load %arg2[%get3A_2, %get3A_3] : memref<384x128xf32, #tpu.memory_space<vmem>>, vector<128x128xf32>
    %dot_general3A = arith.constant dense<0.000000e+00> : vector<4000x128xf32>
    %dot_general3A_5 = tpu.matmul %get3A_1, %get3A_4, %dot_general3A {dimension_numbers = #tpu.dot_dimension_numbers<[1], [0], [0], [1], [0, 0, 1, 1], [], []>, transpose_lhs_hint = false} : vector<4000x128xf32>, vector<128x128xf32>, vector<4000x128xf32> -> vector<4000x128xf32>
    %swap3A = arith.constant 0 : index
    %swap3A_6 = arith.constant 0 : index
    %swap3A_7 = vector.load %arg4[%swap3A, %swap3A_6] : memref<4000x128xf32, #tpu.memory_space<vmem>>, vector<4000x128xf32>
    tpu.vector_store %arg4[%swap3A, %swap3A_6], %dot_general3A_5 {strides = array<i32>} : memref<4000x128xf32, #tpu.memory_space<vmem>>, vector<4000x128xf32>,
    %get3A_8 = arith.constant 128 : index
    %get3A_9 = arith.constant 0 : index
    %get3A_10 = vector.load %arg2[%get3A_8, %get3A_9] : memref<384x128xf32, #tpu.memory_space<vmem>>, vector<128x128xf32>
    %dot_general3A_11 = arith.constant dense<0.000000e+00> : vector<4000x128xf32>
    %dot_general3A_12 = tpu.matmul %get3A_1, %get3A_10, %dot_general3A_11 {dimension_numbers = #tpu.dot_dimension_numbers<[1], [0], [0], [1], [0, 0, 1, 1], [], []>, transpose_lhs_hint = false} : vector<4000x128xf32>, vector<128x128xf32>, vector<4000x128xf32> -> vector<4000x128xf32>
    %swap3A_13 = arith.constant 0 : index
    %swap3A_14 = arith.constant 0 : index
    %swap3A_15 = vector.load %arg5[%swap3A_13, %swap3A_14] : memref<4000x128xf32, #tpu.memory_space<vmem>>, vector<4000x128xf32>
    tpu.vector_store %arg5[%swap3A_13, %swap3A_14], %dot_general3A_12 {strides = array<i32>} : memref<4000x128xf32, #tpu.memory_space<vmem>>, vector<4000x128xf32>,
    %get3A_16 = arith.constant 256 : index
    %get3A_17 = arith.constant 0 : index
    %get3A_18 = vector.load %arg2[%get3A_16, %get3A_17] : memref<384x128xf32, #tpu.memory_space<vmem>>, vector<128x128xf32>
    %dot_general3A_19 = arith.constant dense<0.000000e+00> : vector<4000x128xf32>
    %dot_general3A_20 = tpu.matmul %get3A_1, %get3A_18, %dot_general3A_19 {dimension_numbers = #tpu.dot_dimension_numbers<[1], [0], [0], [1], [0, 0, 1, 1], [], []>, transpose_lhs_hint = false} : vector<4000x128xf32>, vector<128x128xf32>, vector<4000x128xf32> -> vector<4000x128xf32>
    %get3A_21 = arith.constant 0 : index
    %get3A_22 = arith.constant 0 : index
    %get3A_23 = vector.load %arg3[%get3A_21, %get3A_22] : memref<1x128xf32, #tpu.memory_space<vmem>>, vector<1x128xf32>
    %add3A = vector.broadcast %get3A_23 : vector<1x128xf32> to vector<4000x128xf32>
    %add3A_24 = arith.addf %dot_general3A_20, %add3A : vector<4000x128xf32>
    %swap3A_25 = arith.constant 0 : index
    %swap3A_26 = arith.constant 0 : index
    %swap3A_27 = vector.load %arg6[%swap3A_25, %swap3A_26] : memref<4000x128xf32, #tpu.memory_space<vmem>>, vector<4000x128xf32>
    tpu.vector_store %arg6[%swap3A_25, %swap3A_26], %add3A_24 {strides = array<i32>} : memref<4000x128xf32, #tpu.memory_space<vmem>>, vector<4000x128xf32>,
    return
  }
  func.func @transform_0(%arg0: i32) -> (i32, i32) {
    %c0_i32 = arith.constant 0 : i32
    %c0_i32_0 = arith.constant 0 : i32
    return %arg0, %c0_i32 : i32, i32
  }
  func.func @transform_1(%arg0: i32) -> (i32, i32) {
    %c0_i32 = arith.constant 0 : i32
    %c0_i32_0 = arith.constant 0 : i32
    %c0_i32_1 = arith.constant 0 : i32
    return %c0_i32, %c0_i32_0 : i32, i32
  }
  func.func @transform_2(%arg0: i32) -> (i32, i32) {
    %c0_i32 = arith.constant 0 : i32
    %c0_i32_0 = arith.constant 0 : i32
    %c0_i32_1 = arith.constant 0 : i32
    return %c0_i32, %c0_i32_0 : i32, i32
  }
  func.func @transform_3(%arg0: i32) -> (i32, i32) {
    %c0_i32 = arith.constant 0 : i32
    %c0_i32_0 = arith.constant 0 : i32
    return %arg0, %c0_i32 : i32, i32
  }
  func.func @transform_4(%arg0: i32) -> (i32, i32) {
    %c0_i32 = arith.constant 0 : i32
    %c0_i32_0 = arith.constant 0 : i32
    return %arg0, %c0_i32 : i32, i32
  }
  func.func @transform_5(%arg0: i32) -> (i32, i32) {
    %c0_i32 = arith.constant 0 : i32
    %c0_i32_0 = arith.constant 0 : i32
    return %arg0, %c0_i32 : i32, i32
  }
}

module attributes {stable_mosaic.version = 14 : i64} {
  func.func @_finalize_body(%arg0: i32, %arg1: memref<4000x128xf32, #tpu.memory_space<vmem>>, %arg2: memref<1x128xf32, #tpu.memory_space<vmem>>, %arg3: memref<1x128xf32, #tpu.memory_space<vmem>>, %arg4: memref<4000x128xf32, #tpu.memory_space<vmem>>) attributes {dimension_semantics = [#tpu.dimension_semantics<arbitrary>], iteration_bounds = array<i64: 80>, scalar_prefetch = 0 : i64, scratch_operands = 0 : i64, tpu.core_type = #tpu.core_type<tc>, window_params = [{transform_indices = @transform_0, window_bounds = array<i64: 4000, 128>}, {pipeline_mode = #tpu.pipeline_mode<synchronous>, transform_indices = @transform_1, window_bounds = array<i64: 1, 128>}, {pipeline_mode = #tpu.pipeline_mode<synchronous>, transform_indices = @transform_2, window_bounds = array<i64: 1, 128>}, {transform_indices = @transform_3, window_bounds = array<i64: 4000, 128>}]} {
    %get3A = arith.constant 0 : index
    %get3A_0 = arith.constant 0 : index
    %get3A_1 = vector.load %arg1[%get3A, %get3A_0] : memref<4000x128xf32, #tpu.memory_space<vmem>>, vector<4000x128xf32>
    %reduce_sum3A = arith.constant dense<0.000000e+00> : vector<4000xf32>
    %reduce_sum3A_2 = vector.multi_reduction <add>, %get3A_1, %reduce_sum3A [1] : vector<4000x128xf32> to vector<4000xf32>
    %broadcast_in_dim3A = vector.shape_cast %reduce_sum3A_2 : vector<4000xf32> to vector<4000x1xf32>
    %div3A = arith.constant 1.280000e+02 : f32
    %div3A_3 = vector.broadcast %div3A : f32 to vector<4000x1xf32>
    %div3A_4 = arith.divf %broadcast_in_dim3A, %div3A_3 : vector<4000x1xf32>
    %sub3A = vector.broadcast %div3A_4 : vector<4000x1xf32> to vector<4000x128xf32>
    %sub3A_5 = arith.subf %get3A_1, %sub3A : vector<4000x128xf32>
    %integer_pow3A = arith.mulf %sub3A_5, %sub3A_5 : vector<4000x128xf32>
    %reduce_sum3A_6 = arith.constant dense<0.000000e+00> : vector<4000xf32>
    %reduce_sum3A_7 = vector.multi_reduction <add>, %integer_pow3A, %reduce_sum3A_6 [1] : vector<4000x128xf32> to vector<4000xf32>
    %broadcast_in_dim3A_8 = vector.shape_cast %reduce_sum3A_7 : vector<4000xf32> to vector<4000x1xf32>
    %div3A_9 = arith.constant 1.280000e+02 : f32
    %div3A_10 = vector.broadcast %div3A_9 : f32 to vector<4000x1xf32>
    %div3A_11 = arith.divf %broadcast_in_dim3A_8, %div3A_10 : vector<4000x1xf32>
    %sub3A_12 = vector.broadcast %div3A_4 : vector<4000x1xf32> to vector<4000x128xf32>
    %sub3A_13 = arith.subf %get3A_1, %sub3A_12 : vector<4000x128xf32>
    %add3A = arith.constant 9.99999974E-6 : f32
    %add3A_14 = vector.broadcast %add3A : f32 to vector<4000x1xf32>
    %add3A_15 = arith.addf %div3A_11, %add3A_14 : vector<4000x1xf32>
    %rsqrt3A = math.rsqrt %add3A_15 : vector<4000x1xf32>
    %mul3A = vector.broadcast %rsqrt3A : vector<4000x1xf32> to vector<4000x128xf32>
    %mul3A_16 = arith.mulf %sub3A_13, %mul3A : vector<4000x128xf32>
    %get3A_17 = arith.constant 0 : index
    %get3A_18 = arith.constant 0 : index
    %get3A_19 = vector.load %arg2[%get3A_17, %get3A_18] : memref<1x128xf32, #tpu.memory_space<vmem>>, vector<1x128xf32>
    %mul3A_20 = vector.broadcast %get3A_19 : vector<1x128xf32> to vector<4000x128xf32>
    %mul3A_21 = arith.mulf %mul3A_16, %mul3A_20 : vector<4000x128xf32>
    %get3A_22 = arith.constant 0 : index
    %get3A_23 = arith.constant 0 : index
    %get3A_24 = vector.load %arg3[%get3A_22, %get3A_23] : memref<1x128xf32, #tpu.memory_space<vmem>>, vector<1x128xf32>
    %add3A_25 = vector.broadcast %get3A_24 : vector<1x128xf32> to vector<4000x128xf32>
    %add3A_26 = arith.addf %mul3A_21, %add3A_25 : vector<4000x128xf32>
    %swap3A = arith.constant 0 : index
    %swap3A_27 = arith.constant 0 : index
    %swap3A_28 = vector.load %arg4[%swap3A, %swap3A_27] : memref<4000x128xf32, #tpu.memory_space<vmem>>, vector<4000x128xf32>
    tpu.vector_store %arg4[%swap3A, %swap3A_27], %add3A_26 {strides = array<i32>} : memref<4000x128xf32, #tpu.memory_space<vmem>>, vector<4000x128xf32>,
    return
  }
  func.func @transform_0(%arg0: i32) -> (i32, i32) {
    %c0_i32 = arith.constant 0 : i32
    %c0_i32_0 = arith.constant 0 : i32
    return %arg0, %c0_i32 : i32, i32
  }
  func.func @transform_1(%arg0: i32) -> (i32, i32) {
    %c0_i32 = arith.constant 0 : i32
    %c0_i32_0 = arith.constant 0 : i32
    %c0_i32_1 = arith.constant 0 : i32
    return %c0_i32, %c0_i32_0 : i32, i32
  }
  func.func @transform_2(%arg0: i32) -> (i32, i32) {
    %c0_i32 = arith.constant 0 : i32
    %c0_i32_0 = arith.constant 0 : i32
    %c0_i32_1 = arith.constant 0 : i32
    return %c0_i32, %c0_i32_0 : i32, i32
  }
  func.func @transform_3(%arg0: i32) -> (i32, i32) {
    %c0_i32 = arith.constant 0 : i32
    %c0_i32_0 = arith.constant 0 : i32
    return %arg0, %c0_i32 : i32, i32
  }
}

</mosaic_0001>

<sc_bundles>
// kernel: kernel.10.cloned.1.call-start
scs
__scs_entry_jumppad:
0x0: {  	(pc) =	sbr.rel $0x88, $3  }
0x1: {  	(tag) =	ssettag $0x0;
	lr =	simm.s32 $0x1  }
0x2: {  	[smem:$0x3F9B] =	sst lr;
	_ =	strace $0xD0000000  }
0x3: {  	_ = 	snop  }
0x4: {  	_ = 	snop  }
0x5: {  	_ = 	snop  }
0x6: {  	_ = 	snop  }
0x7: {  	_ = 	snop  }
__scs_overlays_trampoline_lowered:
0x8: {  	[smem:$0x3FAA] =	sst s0  }
0x9: {  	[smem:$0x3FAB] =	sst s1  }
0xa: {  	[smem:$0x3FAC] =	sst s2  }
0xb: {  	[smem:$0x3FAD] =	sst s3  }
0xc: {  	[smem:$0x3FAE] =	sst s4  }
0xd: {  	[smem:$0x3FAF] =	sst s5  }
0xe: {  	[smem:$0x3FB0] =	sst s6  }
0xf: {  	[smem:$0x3FB1] =	sst s7  }
0x10: {  	[smem:$0x3FB2] =	sst s8  }
0x11: {  	[smem:$0x3FB3] =	sst s9;
	s0 =	simm.s32 @!p0 $0x0  }
0x12: {  	s1 =	sld [smem:$0x3F99];
	s0 =	simm.s32 @p0 $0x1  }
0x13: {  	[smem:$0x3FB4] =	sst s0;
	s0 =	simm.s32 @!p1 $0x0  }
0x14: {  	s2 =	sld [smem:$0x3F98];
	s0 =	simm.s32 @p1 $0x1  }
0x15: {  	[smem:$0x3FB5] =	sst s0;
	s0 =	simm.s32 @!p2 $0x0  }
0x16: {  	s3 =	sld [smem:$0x3FDB];
	s0 =	simm.s32 @p2 $0x1  }
0x17: {  	s4 =	simm.s32 $0x1BF5;
	[smem:$0x3FB7] =	sst s0  }
0x18: {  	s0 =	sld [smem:$0x3F9A];
	_ =	swait.ge [sflag:s4], $0x0  }
0x19: {  	s7 =	sld [smem:$0x3F9B]  }
0x1a: {  	s8 =	sadd.s32 $0xFFFFE003, lr  }
0x1b: {  	s9 =	sadd.s32 $0xFFFFFEF7, lr;
	s5 =	simm.s32 $0xFFFFFFFF;
	p2 =	slt.u32 s8, $0xFFFFF086  }
0x1c: {  	p1 =	slt.u32 s9, $0xF7A;
	s5 =	simm.s32 @!p2 $0x0  }
0x1d: {  	s5 =	simm.s32 @p1 $0x1;
	p0 =	seq.s32 s7, s2  }
0x1e: {  	s7 =	smul.u32 @!p0 $0xF7A, s2;
	p2 =	seq.s32 @!p0 s5, $0x0  }
0x1f: {  	s9 =	smul.u32 $0xF7A, s1;
	s8 =	simm.s32 @!p0 $0x1BF5;
	p2 =	por !p2, p0  }
0x20: {  	[sflag:s8] =	ssyncset.s32 @!p0 $0xFFFFF086;
	s6 =	sadd.s32 @!p0 s3, s7;
	s7 =	simm.s32 @!p0 $0x108  }
0x21: {  	s3 =	sadd.s32 s3, s9;
	s6 =	sadd.s32 @!p0 $0x88, s6;
	s7 =	simm.s32 @p2 $0x1082  }
0x22: {  	[simem:s7], [sflag:s8] =	dma.local @!p0 [hbm:s6], $0xF7A  }
0x23: {  	s9 =	sor.u32 $0xD0000000, s2;
	s6 =	simm.s32 $0x108;
	_ =	swait.ge @!p0 [sflag:s8], $0x0  }
0x24: {  	s3 =	sadd.s32 $0x88, s3;
	s6 =	simm.s32 @!p1 $0x1082;
	[sflag:s4] =	ssyncset.s32 $0xFFFFF086  }
0x25: {  	[simem:s6], [sflag:s4] =	dma.local [hbm:s3], $0xF7A  }
0x26: {  	[smem:$0x3F9B] =	sst s1;
	(tag) =	ssettag s2;
	_ =	strace s9  }
0x27: {  	s1 =	sld [smem:$0x3FAB]  }
0x28: {  	s2 =	sld [smem:$0x3FAC]  }
0x29: {  	s4 =	sld [smem:$0x3FAE]  }
0x2a: {  	p0 =	seq.s32 s5, $0x0;
	s5 =	sld [smem:$0x3FAF]  }
0x2b: {  	s6 =	sld [smem:$0x3FB0]  }
0x2c: {  	s7 =	sld [smem:$0x3FB1]  }
0x2d: {  	s3 =	simm.s32 $0x108;
	s8 =	sld [smem:$0x3FB2]  }
0x2e: {  	s3 =	simm.s32 @!p0 $0x1082;
	s9 =	sld [smem:$0x3FB3]  }
0x2f: {  	lr =	sadd.s32 s0, s3;
	s0 =	sld [smem:$0x3FAA]  }
0x30: {  	s3 =	sld [smem:$0x3FAD]  }
0x31: {  	[smem:$0x3FB6] =	sst s10  }
0x32: {  	s10 =	sld [smem:$0x3FB4];
	_ =	sdelay $0x3  }
0x33: {  	p0 =	seq.s32 s10, $0x1;
	s10 =	sld [smem:$0x3FB6];
	_ =	sdelay $0x3  }
0x34: {  	[smem:$0x3FB6] =	sst s10  }
0x35: {  	s10 =	sld [smem:$0x3FB5];
	_ =	sdelay $0x3  }
0x36: {  	p1 =	seq.s32 s10, $0x1;
	s10 =	sld [smem:$0x3FB6];
	_ =	sdelay $0x3  }
0x37: {  	[smem:$0x3FB6] =	sst s10  }
0x38: {  	s10 =	sld [smem:$0x3FB7]  }
0x39: {  	_ = 	snop;
	(pc) =	sbr.ind lr, $3  }
0x3a: {  	_ = 	snop  }
0x3b: {  	_ = 	snop  }
0x3c: {  	p2 =	seq.s32 s10, $0x1;
	s10 =	sld [smem:$0x3FB6]  }
0x3d: {  	_ =	shalt  }
0x3e: {  	_ =	shalt  }
0x3f: {  	_ =	shalt  }
0x40: {  	_ =	shalt  }
0x41: {  	_ =	shalt  }
0x42: {  	_ =	shalt  }
0x43: {  	_ =	shalt  }
0x44: {  	_ =	shalt  }
0x45: {  	_ =	shalt  }
0x46: {  	_ =	shalt  }
0x47: {  	_ =	shalt  }
0x48: {  	_ =	shalt  }
0x49: {  	_ =	shalt  }
0x4a: {  	_ =	shalt  }
0x4b: {  	_ =	shalt  }
0x4c: {  	_ =	shalt  }
0x4d: {  	_ =	shalt  }
0x4e: {  	_ =	shalt  }
0x4f: {  	_ =	shalt  }
0x50: {  	_ =	shalt  }
0x51: {  	_ =	shalt  }
0x52: {  	_ =	shalt  }
0x53: {  	_ =	shalt  }
0x54: {  	_ =	shalt  }
0x55: {  	_ =	shalt  }
0x56: {  	_ =	shalt  }
0x57: {  	_ =	shalt  }
0x58: {  	_ =	shalt  }
0x59: {  	_ =	shalt  }
0x5a: {  	_ =	shalt  }
0x5b: {  	_ =	shalt  }
0x5c: {  	_ =	shalt  }
0x5d: {  	_ =	shalt  }
0x5e: {  	_ =	shalt  }
0x5f: {  	_ =	shalt  }
0x60: {  	_ =	shalt  }
0x61: {  	_ =	shalt  }
0x62: {  	_ =	shalt  }
0x63: {  	_ =	shalt  }
0x64: {  	_ =	shalt  }
0x65: {  	_ =	shalt  }
0x66: {  	_ =	shalt  }
0x67: {  	_ =	shalt  }
0x68: {  	_ =	shalt  }
0x69: {  	_ =	shalt  }
0x6a: {  	_ =	shalt  }
0x6b: {  	_ =	shalt  }
0x6c: {  	_ =	shalt  }
0x6d: {  	_ =	shalt  }
0x6e: {  	_ =	shalt  }
0x6f: {  	_ =	shalt  }
0x70: {  	_ =	shalt  }
0x71: {  	_ =	shalt  }
0x72: {  	_ =	shalt  }
0x73: {  	_ =	shalt  }
0x74: {  	_ =	shalt  }
0x75: {  	_ =	shalt  }
0x76: {  	_ =	shalt  }
0x77: {  	_ =	shalt  }
0x78: {  	_ =	shalt  }
0x79: {  	_ =	shalt  }
0x7a: {  	_ =	shalt  }
0x7b: {  	_ =	shalt  }
0x7c: {  	_ =	shalt  }
0x7d: {  	_ =	shalt  }
0x7e: {  	_ =	shalt  }
0x7f: {  	_ =	shalt  }
0x80: {  	_ =	shalt  }
0x81: {  	_ =	shalt  }
0x82: {  	_ =	shalt  }
0x83: {  	_ =	shalt  }
0x84: {  	_ =	shalt  }
0x85: {  	_ =	shalt  }
0x86: {  	_ =	shalt  }
0x87: {  	_ =	shalt  }
.Lfunc_end0:
.L_simem_size_0:
called_computation.1_lowered:
.L_overlay_start_0:
0x88: {  	s2 =	sld [smem:$0x3FD9]  }
0x89: {  	s3 =	sld [smem:$0x3FFE];
	_ =	sdelay $0x1  }
0x8a: {  	s1 =	srdreg.scid  }
0x8b: {  	s0 =	sand.u32 $0x1, s1  }
0x8c: {  	s16 =	sshll.u32 s0, $0xA;
	s2 =	sadd.s32 s3, s2  }
0x8d: {  	s2 =	sadd.s32 s2, s16  }
0x8e: {  	[smem:$0x3FC2] =	sst s2  }
0x8f: {  	_ = 	snop  }
0x90: {  	(tm) =	ssettm $0x1  }
0x91: {  	s17 =	sld [smem:$0x3FFB];
	_ =	sdelay $0x3  }
0x92: {  	_ =	strace s17  }
0x93: {  	s2 =	sld [smem:$0x3FFC];
	_ =	sdelay $0x3  }
0x94: {  	_ =	strace s2  }
0x95: {  	s2 =	sld [smem:$0x3FFD];
	_ =	sdelay $0x3  }
0x96: {  	_ =	strace s2  }
0x97: {  	_ =	strace $0x8FFFFFFF  }
0x98: {  	s18 =	sld [smem:$0x3FDB];
	_ =	sdelay $0x1  }
0x99: {  	s19 =	simm.s32 $_scs_section_size  }
0x9a: {  	s4 =	simm.s32 $_size__tile_overlayer_lowered;
	s5 =	simm.s32 $_tile_overlayer_lowered  }
0x9b: {  	s22 =	simm.s32 $0x1BFF;
	s21 =	sshll.u32 s5, $0x1;
	s2 =	sadd.s32 s19, s18  }
0x9c: {  	s6 =	simm.s32 $0x0;
	s20 =	sshll.u32 s4, $0x1;
	s4 =	sadd.s32 s21, s2  }
0x9d: {  	[timem:s6], [sflag:s22] =	dma.local [hbm:s4], s20  }
0x9e: {  	_ =	swait.ge [sflag:s22], s20  }
0x9f: {  	s3 =	ssub.s32 $0x0, s20;
	[sflag:s22] =	ssyncset.done $0x0  }
0xa0: {  	[sflag:s22] =	ssyncadd.s32 s3;
	_ =	sdelay $0x1  }
0xa1: {  	s23 =	simm.s32 $0x1B8B  }
0xa2: {  	_ =	swait.ge [sflag:s23], $0x1  }
0xa3: {  	[sflag:s23] =	ssyncset.done $0x0  }
0xa4: {  	s25 =	simm.s32 $0x1B8E;
	s24 =	sld [smem:$0x3FFE];
	[sflag:s23] =	ssyncadd.s32 $0xFFFFFFFF  }
0xa5: {  	s26 =	simm.s32 $execute0_lowered;
	[smem:$0x3FD2] =	sst s25  }
0xa6: {  	s4 =	sshll.u32 s26, $0x1;
	_ =	strace $0x80000049;
	[dreg:$0x1] =	wrdreg $0xFFFFFFFF  }
0xa7: {  	s28 =	simm.s32 $_size_execute0_lowered;
	s2 =	sadd.s32 s2, s4;
	[dreg:$0x0] =	wrdreg $0x0  }
0xa8: {  	s4 =	sshll.u32 s28, $0x1;
	[dreg:$0x2] =	wrdreg s2  }
0xa9: {  	[dreg:$0x3] =	wrdreg s4  }
0xaa: {  	[dreg:$0x4] =	wrdreg $0xC0  }
0xab: {  	_ =	task [dreg:s6], $0x5FFFF  }
0xac: {  	[dreg:$0x1] =	wrdreg $0xFFFFFFFF  }
0xad: {  	[dreg:$0x0] =	wrdreg $0x60  }
0xae: {  	[dreg:$0x2] =	wrdreg s24  }
0xaf: {  	[dreg:$0x3] =	wrdreg $0xA1800  }
0xb0: {  	[dreg:$0x4] =	wrdreg $0x9  }
0xb1: {  	_ =	task.clear_ibuf [dreg:s6], $0x5FFFF;
	_ =	strace $0x90000049  }
0xb2: {  	s29 =	simm.s32 $0x9;
	_ =	strace $0x8000004B  }
0xb3: {  	_ =	swait.ge [sflag:s29], $0x1  }
0xb4: {  	[sflag:s29] =	ssyncadd.s32 $0xFFFFFFFF  }
0xb5: {  	_ =	strace $0x9000004B  }
0xb6: {  	_ =	sfence  }
0xb7: {  	s30 =	sld [smem:$0x0];
	_ =	sdelay $0x2  }
0xb8: {  	s31 =	sshll.u32 s1, $0xD;
	s1 =	sshrl.u32 s1, $0x2  }
0xb9: {  	s3 =	sand.u32 $0x4000, s31;
	s1 =	sadd.s32 s1, s30  }
0xba: {  	s0 =	sor.u32 s3, s0;
	s1 =	sshll.u32 s1, $0x11  }
0xbb: {  	s0 =	sor.u32 s1, s0  }
0xbc: {  	s0 =	sadd.s32 $0x8F2B, s0  }
0xbd: {  	[sflag:s0] =	ssyncadd.remote.s32 $0x1  }
0xbe: {  	_ =	sfence.sel $0xFFFF  }
0xbf: {  	[dreg:$0x0] =	wrdreg $0xFFFFFFFF;
	(pc) =	sbr.abs _section_cstart, $3  }
0xc0: {  	[dreg:$0x1] =	wrdreg $0xFFFFFFFF  }
0xc1: {  	_ =	task.clear_ibuf [dreg:s6], $0x2FFFF;
	_ =	strace $0x9FFFFFFF  }
0xc2: {  	(tm) =	ssettm $0x7FFFFFFF  }
0xc3: {  	_ =	shalt  }
tec
execute0_lowered:
.L_overlay_start_1:
0x0: {  	(tag) =	ssettag $0x1  }
0x1: {  	s0 =	rddreg [dreg:$0x0]  }
0x2: {  	s1 =	rddreg [dreg:$0x1];
	s3 =	simm.s32 $0x0  }
0x3: {  	s4 =	srdreg.scid;
	s2 =	stileid.u32;
	s16 =	simm.s32 $0x4180  }
0x4: {  	s17 =	simm.s32 $0x2;
	s18 =	simm.s32 $0xC0;
	s19 =	simm.s32 $0x1  }
0x5: {  	s20 =	simm.s32 $0x4080;
	[smem:$0x7FF] =	sst s3;
	s4 =	sand.u32 $0x1, s4  }
0x6: {  	s8 =	smul.u32 $0x55000, s2;
	s5 =	sadd.s32 $0x3C000, s0;
	s6 =	sadd.s32 $0x28600, s0  }
0x7: {  	s7 =	sadd.s32 $0xA00000, s0;
	s15 =	sshll.u32 s2, $0x4;
	s9 =	ssub.s32 $0x2, s4  }
0x8: {  	_ =	strace $0x8000004A;
	s31 =	sshrl.u32 s9, $0x1;
	s10 =	sshrl.u32 s8, $0x2  }
0x9: {  	s8 =	smul.u32 $0x9C40, s2;
	s0 =	ssub.s32 s9, s31;
	s9 =	sadd.s32 s10, s1  }
0xa: {  	v0 =	vlaneseq.u32;
	v2 =	vimm.f32 $0.0e+00;
	s10 =	smul.u32 $0x2A8, s2;
	s11 =	sadd.s32 $0x4400, s9;
	s12 =	sadd.s32 $0x8800, s9  }
0xb: {  	v3 =	vimm.s32 $0x0;
	v4 =	vimm.s32 $0x2A80;
	v1 =	vor.u32 s15, v0;
	s13 =	sadd.s32 $0xCC00, s9;
	s14 =	sadd.s32 $0x11000, s9;
	s15 =	smax.u32 s0, $0x1  }
.LBB2_1:
0xc: {  	s0 =	simm.s32 $0x0;
	s21 =	simm.s32 $0x200  }
.LBB2_2:
0xd: {  	p0 =	sne.s32 s21, $0x10E00;
	[tilespmem:s0+$0x41F0] =	vst v2  }
0xe: {  	[tilespmem:s0+$0x4180] =	vst v2  }
0xf: {  	[tilespmem:s0+$0x4190] =	vst v2  }
.Ltmp0:
0x10: {  	[tilespmem:s0+$0x41A0] =	vst v2;
	(pc) =	sbr.rel @p0 .LBB2_2-.Ltmp0, $4  }
0x11: {  	[tilespmem:s0+$0x41B0] =	vst v2  }
0x12: {  	[tilespmem:s0+$0x41C0] =	vst v2  }
0x13: {  	[tilespmem:s0+$0x41D0] =	vst v2  }
0x14: {  	[tilespmem:s0+$0x41E0] =	vst v2;
	s0 =	sshra.s32 s21, $0x2;
	s21 =	sadd.s32 $0x200, s21  }
0x15: {  	[tilespmem:s0+$0x41F0] =	vst v2  }
0x16: {  	[tilespmem:s0+$0x4180] =	vst v2  }
0x17: {  	[tilespmem:s0+$0x4190] =	vst v2  }
0x18: {  	[tilespmem:s0+$0x41A0] =	vst v2  }
0x19: {  	[tilespmem:s0+$0x41B0] =	vst v2  }
0x1a: {  	[tilespmem:s0+$0x41C0] =	vst v2  }
0x1b: {  	[tilespmem:s0+$0x41D0] =	vst v2  }
0x1c: {  	[tilespmem:s0+$0x41E0] =	vst v2  }
0x1d: {  	[spmem:s9] =	stream.linear.scatter [tilespmem:s16], [sflag:$0x2], $0x4400, $0x38;
	[tilespmem:$0x1F588] =	vst v63  }
0x1e: {  	_ =	swait.ge [sflag:s17], $0x4400  }
0x1f: {  	[sflag:s17] =	ssyncset.done $0x0  }
0x20: {  	[sflag:s17] =	ssyncadd.s32 $0xFFFFBC00  }
0x21: {  	[spmem:s11] =	stream.linear.scatter [tilespmem:s16], [sflag:$0x2], $0x4400, $0x38;
	[tilespmem:$0x1F588] =	vst v63  }
0x22: {  	_ =	swait.ge [sflag:s17], $0x4400  }
0x23: {  	[sflag:s17] =	ssyncset.done $0x0  }
0x24: {  	[sflag:s17] =	ssyncadd.s32 $0xFFFFBC00  }
0x25: {  	[spmem:s12] =	stream.linear.scatter [tilespmem:s16], [sflag:$0x2], $0x4400, $0x38;
	[tilespmem:$0x1F588] =	vst v63  }
0x26: {  	_ =	swait.ge [sflag:s17], $0x4400  }
0x27: {  	[sflag:s17] =	ssyncset.done $0x0  }
0x28: {  	[sflag:s17] =	ssyncadd.s32 $0xFFFFBC00  }
0x29: {  	[spmem:s13] =	stream.linear.scatter [tilespmem:s16], [sflag:$0x2], $0x4400, $0x38;
	[tilespmem:$0x1F588] =	vst v63  }
0x2a: {  	_ =	swait.ge [sflag:s17], $0x4400  }
0x2b: {  	[sflag:s17] =	ssyncset.done $0x0  }
0x2c: {  	[sflag:s17] =	ssyncadd.s32 $0xFFFFBC00  }
0x2d: {  	[spmem:s14] =	stream.linear.scatter [tilespmem:s16], [sflag:$0x2], $0x4400, $0x38;
	[tilespmem:$0x1F588] =	vst v63  }
0x2e: {  	_ =	swait.ge [sflag:s17], $0x4400  }
0x2f: {  	[sflag:s17] =	ssyncset.done $0x0  }
0x30: {  	[sflag:s17] =	ssyncadd.s32 $0xFFFFBC00  }
0x31: {  	s21 =	simm.s32 $0x0;
	[bflag:$0x0] =	sbarrier.arrive $0xFFFF  }
.LBB2_4:
0x32: {  	s0 =	sshll.u32 s21, $0x1  }
.Ltmp1:
0x33: {  	s0 =	sor.u32 s4, s0;
	(pc) =	sbr.rel .LBB2_5-.Ltmp1, $3  }
0x34: {  	s22 =	smul.u32 $0x2A80, s0;
	_ =	sdelay $0x1  }
0x35: {  	s0 =	sadd.s32 $0x2A80, s22  }
0x36: {  	s23 =	simm.s32 $0x0;
	s24 =	simm.s32 $0x0;
	v5 =	vmov s22;
	v6 =	vmov s0  }
.LBB2_11:
0x37: {  	s24 =	sadd.s32 $0x1, s24  }
0x38: {  	p0 =	sne.s32 s24, $0x5  }
.Ltmp2:
0x39: {  	_ = 	snop;
	(pc) =	sbr.rel @!p0 .LBB2_12-.Ltmp2, $1  }
0x3a: {  	_ =	sdelay $0x3  }
.LBB2_5:
0x3b: {  	s0 =	smul.u32 $0x1F40, s24;
	_ =	sdelay $0x1  }
0x3c: {  	s25 =	sadd.s32 s8, s0  }
0x3d: {  	s0 =	sshrl.u32 s25, $0x3  }
.Ltmp3:
0x3e: {  	s26 =	simm.s32 $0x0;
	s0 =	sadd.s32 s6, s0;
	(pc) =	sbr.rel .LBB2_6-.Ltmp3, $4  }
0x3f: {  	[tilespmem:s26], [sflag:$0x2] =	stream.linear.gather [hbm4b:s0+s26], $0x1F40, $0x38;
	[tilespmem:$0x1F588] =	vst v63  }
0x40: {  	_ =	swait.ge [sflag:s17], $0x1F40  }
0x41: {  	[sflag:s17] =	ssyncset.done $0x0  }
0x42: {  	s28 =	simm.s32 $0x0;
	[sflag:s17] =	ssyncadd.s32 $0xFFFFE0C0  }
.LBB2_10:
0x43: {  	s28 =	sadd.s32 $0x1, s28  }
0x44: {  	p1 =	sne.s32 s28, $0x1F4  }
.Ltmp4:
0x45: {  	_ = 	snop;
	(pc) =	sbr.rel @!p1 .LBB2_11-.Ltmp4, $3  }
0x46: {  	_ =	sdelay $0x1  }
0x47: {  	p0 =	sgt.s32 s23, $0xEFF;
	s0 =	sadd.s32 $0xFFFFF100, s23  }
0x48: {  	s23 =	smov.u32 @p0 s0  }
.LBB2_6:
0x49: {  	s0 =	sshll.u32 s28, $0x4  }
0x4a: {  	v7 =	vld [tilespmem:s0+$0x0];
	_ =	sdelay $0x4  }
0x4b: {  	vm0 =	vge.s32 v7, v5;
	vm1 =	vlt.s32 v7, v6  }
0x4c: {  	vm0 =	vmand vm0, vm1  }
0x4d: {  	v8 =	vsel vm0, $0x1, v3  }
0x4e: {  	(xrf0) =	vadd.scan.msk.s32 $0xffff, v8;
	_ =	sdelay $0x5  }
0x4f: {  	v8, _, _ =	vpop (xrf0)  }
0x50: {  	(v2sf) =	vpush v8, $0xF;
	_ =	sdelay $0xc  }
0x51: {  	s0 =	sadd.s32 s25, s0  }
0x52: {  	v8 =	vor.u32 s0, v0  }
0x53: {  	v7 =	vsub.s32 v7, v5;
	[tilespmem:s23+$0x1F80] =	vst.msk vm0, v8;
	s31 =	spop (v2sf)  }
0x54: {  	[tilespmem:s23+$0x3000] =	vst.msk vm0, v7;
	s23 =	sadd.s32 s23, s31  }
0x55: {  	p0 =	slt.s32 s23, $0xF00  }
.Ltmp5:
0x56: {  	_ = 	snop;
	(pc) =	sbr.rel @p0 .LBB2_10-.Ltmp5, $1  }
0x57: {  	_ =	sdelay $0x3  }
0x58: {  	s29 =	simm.s32 $0x3060  }
0x59: {  	v7 =	vld [tilespmem:s29+$0xFFFFFFA0];
	_ =	sdelay $0x4  }
0x5a: {  	[tilespmem:$0x4080] =	vst v7  }
0x5b: {  	v7 =	vld [tilespmem:s29+$0xFFFFFFB0];
	_ =	sdelay $0x4  }
0x5c: {  	[tilespmem:$0x4090] =	vst v7  }
0x5d: {  	v7 =	vld [tilespmem:s29+$0xFFFFFFC0];
	_ =	sdelay $0x4  }
0x5e: {  	[tilespmem:$0x40A0] =	vst v7  }
0x5f: {  	v7 =	vld [tilespmem:s29+$0xFFFFFFD0];
	_ =	sdelay $0x4  }
0x60: {  	[tilespmem:$0x40B0] =	vst v7  }
0x61: {  	v7 =	vld [tilespmem:s29+$0xFFFFFFE0];
	_ =	sdelay $0x4  }
0x62: {  	[tilespmem:$0x40C0] =	vst v7  }
0x63: {  	v7 =	vld [tilespmem:s29+$0xFFFFFFF0];
	_ =	sdelay $0x4  }
0x64: {  	[tilespmem:$0x40D0] =	vst v7  }
0x65: {  	v7 =	vld [tilespmem:s29+$0x0];
	_ =	sdelay $0x4  }
0x66: {  	[tilespmem:$0x40E0] =	vst v7  }
0x67: {  	v7 =	vld [tilespmem:s29+$0x10];
	_ =	sdelay $0x4  }
0x68: {  	s0 =	sand.u32 $0x1FC0, s26;
	[tilespmem:$0x40F0] =	vst v7  }
0x69: {  	v7 =	vld [tilespmem:s0+$0x3080];
	_ =	sdelay $0x4  }
0x6a: {  	[tilespmem:$0x4100] =	vst v7  }
0x6b: {  	v7 =	vld [tilespmem:s29+$0x30];
	_ =	sdelay $0x4  }
0x6c: {  	[tilespmem:$0x4110] =	vst v7  }
0x6d: {  	v7 =	vld [tilespmem:s29+$0x40];
	_ =	sdelay $0x4  }
0x6e: {  	[tilespmem:$0x4120] =	vst v7  }
0x6f: {  	v7 =	vld [tilespmem:s29+$0x50];
	_ =	sdelay $0x4  }
0x70: {  	s30 =	simm.s32 $0x1F80;
	[tilespmem:$0x4130] =	vst v7  }
0x71: {  	[tilespmem:s16], [sflag:$0x1] =	stream.indirect.gather [hbm4b:s5+s18], $0x80, s30, s18, $0xb8;
	[tilespmem:$0x1F588] =	vst v63  }
0x72: {  	_ =	swait.ge [sflag:s19], $0x6000  }
0x73: {  	[sflag:s19] =	ssyncset.done $0x0  }
0x74: {  	[sflag:s19] =	ssyncadd.s32 $0xFFFFA000  }
0x75: {  	[spmem:s1] =	stream.indirect.scatter.add.f32 [tilespmem:s16], [sflag:$0x2], $0x80, s20, s18, $0xb8;
	[tilespmem:$0x1F588] =	vst v63  }
0x76: {  	_ =	swait.ge [sflag:s17], $0x6000  }
0x77: {  	s31 =	simm.s32 $0xC0;
	[sflag:s17] =	ssyncset.done $0x0  }
.LBB2_8:
0x78: {  	[sflag:s17] =	ssyncadd.s32 $0xFFFFA000;
	s30 =	sadd.s32 $0xC0, s30;
	s29 =	sadd.s32 $0xC0, s29  }
0x79: {  	p0 =	sne.s32 s31, $0xE40;
	s0 =	smov.u32 s31;
	s31 =	sadd.s32 $0xC0, s31;
	v7 =	vld [tilespmem:s29+$0xFFFFFFA0]  }
0x7a: {  	_ =	sdelay $0x3  }
0x7b: {  	[tilespmem:$0x4080] =	vst v7  }
0x7c: {  	v7 =	vld [tilespmem:s29+$0xFFFFFFB0];
	_ =	sdelay $0x4  }
0x7d: {  	[tilespmem:$0x4090] =	vst v7  }
0x7e: {  	v7 =	vld [tilespmem:s29+$0xFFFFFFC0];
	_ =	sdelay $0x4  }
0x7f: {  	[tilespmem:$0x40A0] =	vst v7  }
0x80: {  	v7 =	vld [tilespmem:s29+$0xFFFFFFD0];
	_ =	sdelay $0x4  }
0x81: {  	[tilespmem:$0x40B0] =	vst v7  }
0x82: {  	v7 =	vld [tilespmem:s29+$0xFFFFFFE0];
	_ =	sdelay $0x4  }
0x83: {  	[tilespmem:$0x40C0] =	vst v7  }
0x84: {  	v7 =	vld [tilespmem:s29+$0xFFFFFFF0];
	_ =	sdelay $0x4  }
0x85: {  	[tilespmem:$0x40D0] =	vst v7  }
0x86: {  	v7 =	vld [tilespmem:s29+$0x0];
	_ =	sdelay $0x4  }
0x87: {  	[tilespmem:$0x40E0] =	vst v7  }
0x88: {  	v7 =	vld [tilespmem:s29+$0x10];
	_ =	sdelay $0x4  }
0x89: {  	s0 =	sand.u32 $0x1FC0, s0;
	[tilespmem:$0x40F0] =	vst v7  }
0x8a: {  	v7 =	vld [tilespmem:s0+$0x3080];
	_ =	sdelay $0x4  }
0x8b: {  	[tilespmem:$0x4100] =	vst v7  }
0x8c: {  	v7 =	vld [tilespmem:s29+$0x30];
	_ =	sdelay $0x4  }
0x8d: {  	[tilespmem:$0x4110] =	vst v7  }
0x8e: {  	v7 =	vld [tilespmem:s29+$0x40];
	_ =	sdelay $0x4  }
0x8f: {  	[tilespmem:$0x4120] =	vst v7  }
0x90: {  	v7 =	vld [tilespmem:s29+$0x50];
	_ =	sdelay $0x4  }
0x91: {  	[tilespmem:$0x4130] =	vst v7  }
0x92: {  	[tilespmem:s16], [sflag:$0x1] =	stream.indirect.gather [hbm4b:s5+s18], $0x80, s30, s18, $0xb8;
	[tilespmem:$0x1F588] =	vst v63  }
0x93: {  	_ =	swait.ge [sflag:s19], $0x6000  }
.Ltmp6:
0x94: {  	[sflag:s19] =	ssyncset.done $0x0;
	(pc) =	sbr.rel @p0 .LBB2_8-.Ltmp6, $4  }
0x95: {  	[sflag:s19] =	ssyncadd.s32 $0xFFFFA000  }
0x96: {  	[spmem:s1] =	stream.indirect.scatter.add.f32 [tilespmem:s16], [sflag:$0x2], $0x80, s20, s18, $0xb8;
	[tilespmem:$0x1F588] =	vst v63  }
0x97: {  	_ =	swait.ge [sflag:s17], $0x6000  }
0x98: {  	[sflag:s17] =	ssyncset.done $0x0  }
0x99: {  	[sflag:s17] =	ssyncadd.s32 $0xFFFFA000  }
0x9a: {  	v7 =	vld [tilespmem:$0x2E80]  }
0x9b: {  	v8 =	vld [tilespmem:$0x3F00]  }
.Ltmp7:
0x9c: {  	_ = 	snop;
	(pc) =	sbr.rel .LBB2_10-.Ltmp7, $3  }
0x9d: {  	_ =	sdelay $0x1  }
0x9e: {  	[tilespmem:$0x1F80] =	vst v7  }
0x9f: {  	[tilespmem:$0x3000] =	vst v8  }
.LBB2_12:
0xa0: {  	[tilespmem:s23+$0x1F80] =	vst v1  }
0xa1: {  	[tilespmem:s23+$0x3000] =	vst v4  }
0xa2: {  	[tilespmem:s23+$0x1F90] =	vst v1  }
0xa3: {  	[tilespmem:s23+$0x3010] =	vst v4  }
0xa4: {  	[tilespmem:s23+$0x1FA0] =	vst v1;
	s0 =	sadd.s32 $0xBF, s23  }
0xa5: {  	[tilespmem:s23+$0x3020] =	vst v4;
	s24 =	smulhi.u32 $0x2AAAAAAB, s0;
	s0 =	sshra.s32 s0, $0x1F  }
0xa6: {  	[tilespmem:s23+$0x1FB0] =	vst v1;
	s0 =	smul.u32 $0x2AAAAAAB, s0  }
0xa7: {  	[tilespmem:s23+$0x3030] =	vst v4  }
0xa8: {  	[tilespmem:s23+$0x1FC0] =	vst v1;
	s0 =	sadd.s32 s0, s24  }
0xa9: {  	[tilespmem:s23+$0x3040] =	vst v4;
	s24 =	sshrl.u32 s0, $0x1F;
	s0 =	sshra.s32 s0, $0x5  }
0xaa: {  	[tilespmem:s23+$0x1FD0] =	vst v1;
	s0 =	sadd.s32 s24, s0  }
0xab: {  	[tilespmem:s23+$0x3050] =	vst v4;
	s24 =	smul.u32 $0xFFFFFF40, s0  }
0xac: {  	[tilespmem:s23+$0x1FE0] =	vst v1;
	s25 =	ssub.s32 $0xFFFFFF41, s23  }
0xad: {  	[tilespmem:s23+$0x3060] =	vst v4;
	p1 =	slt.s32 s23, $0xFFFFFF42;
	p0 =	sne.s32 s24, s25  }
0xae: {  	[tilespmem:s23+$0x1FF0] =	vst v1;
	p0 =	por !p1, !p0  }
0xaf: {  	[tilespmem:s23+$0x3070] =	vst v4;
	s24 =	simm.s32 $0x1;
	p0 =	por !p0, !p0  }
0xb0: {  	[tilespmem:s23+$0x2000] =	vst v1;
	s24 =	simm.s32 @!p0 $0x0  }
0xb1: {  	[tilespmem:s23+$0x3080] =	vst v4;
	s0 =	ssub.s32 s0, s24  }
0xb2: {  	[tilespmem:s23+$0x2010] =	vst v1;
	p0 =	slt.s32 s0, $0x1  }
.Ltmp8:
0xb3: {  	[tilespmem:s23+$0x3090] =	vst v4;
	(pc) =	sbr.rel @p0 .LBB2_16-.Ltmp8, $4  }
0xb4: {  	[tilespmem:s23+$0x2020] =	vst v1  }
0xb5: {  	[tilespmem:s23+$0x30A0] =	vst v4  }
0xb6: {  	[tilespmem:s23+$0x2030] =	vst v1  }
0xb7: {  	[tilespmem:s23+$0x30B0] =	vst v4  }
0xb8: {  	s24 =	simm.s32 $0x3060  }
0xb9: {  	v5 =	vld [tilespmem:s24+$0xFFFFFFA0];
	_ =	sdelay $0x4  }
0xba: {  	[tilespmem:$0x4080] =	vst v5  }
0xbb: {  	v5 =	vld [tilespmem:s24+$0xFFFFFFB0];
	_ =	sdelay $0x4  }
0xbc: {  	[tilespmem:$0x4090] =	vst v5  }
0xbd: {  	v5 =	vld [tilespmem:s24+$0xFFFFFFC0];
	_ =	sdelay $0x4  }
0xbe: {  	[tilespmem:$0x40A0] =	vst v5  }
0xbf: {  	v5 =	vld [tilespmem:s24+$0xFFFFFFD0];
	_ =	sdelay $0x4  }
0xc0: {  	[tilespmem:$0x40B0] =	vst v5  }
0xc1: {  	v5 =	vld [tilespmem:s24+$0xFFFFFFE0];
	_ =	sdelay $0x4  }
0xc2: {  	[tilespmem:$0x40C0] =	vst v5  }
0xc3: {  	v5 =	vld [tilespmem:s24+$0xFFFFFFF0];
	_ =	sdelay $0x4  }
0xc4: {  	[tilespmem:$0x40D0] =	vst v5  }
0xc5: {  	v5 =	vld [tilespmem:s24+$0x0];
	_ =	sdelay $0x4  }
0xc6: {  	[tilespmem:$0x40E0] =	vst v5  }
0xc7: {  	v5 =	vld [tilespmem:s24+$0x10];
	_ =	sdelay $0x3  }
0xc8: {  	s23 =	simm.s32 $0x0  }
0xc9: {  	s25 =	sand.u32 $0xFFFFFFC0, s23;
	[tilespmem:$0x40F0] =	vst v5  }
0xca: {  	v5 =	vld [tilespmem:s25+$0x3080];
	_ =	sdelay $0x4  }
0xcb: {  	[tilespmem:$0x4100] =	vst v5  }
0xcc: {  	v5 =	vld [tilespmem:s24+$0x30];
	_ =	sdelay $0x4  }
0xcd: {  	[tilespmem:$0x4110] =	vst v5  }
0xce: {  	v5 =	vld [tilespmem:s24+$0x40];
	_ =	sdelay $0x4  }
0xcf: {  	[tilespmem:$0x4120] =	vst v5  }
0xd0: {  	v5 =	vld [tilespmem:s24+$0x50];
	_ =	sdelay $0x4  }
0xd1: {  	s24 =	simm.s32 $0x1F80;
	[tilespmem:$0x4130] =	vst v5  }
0xd2: {  	[tilespmem:s16], [sflag:$0x1] =	stream.indirect.gather [hbm4b:s5+s18], $0x80, s24, s18, $0xb8;
	[tilespmem:$0x1F588] =	vst v63  }
0xd3: {  	p0 =	sne.s32 s0, $0x1;
	_ =	swait.ge [sflag:s19], $0x6000  }
.Ltmp9:
0xd4: {  	[sflag:s19] =	ssyncset.done $0x0;
	(pc) =	sbr.rel @!p0 .LBB2_15-.Ltmp9, $4  }
0xd5: {  	[sflag:s19] =	ssyncadd.s32 $0xFFFFA000  }
0xd6: {  	[spmem:s1] =	stream.indirect.scatter.add.f32 [tilespmem:s16], [sflag:$0x2], $0x80, s20, s18, $0xb8;
	[tilespmem:$0x1F588] =	vst v63  }
0xd7: {  	_ =	swait.ge [sflag:s17], $0x6000  }
0xd8: {  	s26 =	simm.s32 $0x3120;
	s25 =	sadd.s32 $0xFFFFFFFF, s0;
	[sflag:s17] =	ssyncset.done $0x0  }
.LBB2_14:
0xd9: {  	[sflag:s17] =	ssyncadd.s32 $0xFFFFA000;
	s23 =	sadd.s32 $0xC0, s23;
	s24 =	sadd.s32 $0xC0, s24  }
0xda: {  	p0 =	sne.s32 s25, $0x1;
	s25 =	sadd.s32 $0xFFFFFFFF, s25;
	v5 =	vld [tilespmem:s26+$0xFFFFFFA0];
	_ =	sdelay $0x4  }
0xdb: {  	[tilespmem:$0x4080] =	vst v5  }
0xdc: {  	v5 =	vld [tilespmem:s26+$0xFFFFFFB0];
	_ =	sdelay $0x4  }
0xdd: {  	[tilespmem:$0x4090] =	vst v5  }
0xde: {  	v5 =	vld [tilespmem:s26+$0xFFFFFFC0];
	_ =	sdelay $0x4  }
0xdf: {  	[tilespmem:$0x40A0] =	vst v5  }
0xe0: {  	v5 =	vld [tilespmem:s26+$0xFFFFFFD0];
	_ =	sdelay $0x4  }
0xe1: {  	[tilespmem:$0x40B0] =	vst v5  }
0xe2: {  	v5 =	vld [tilespmem:s26+$0xFFFFFFE0];
	_ =	sdelay $0x4  }
0xe3: {  	[tilespmem:$0x40C0] =	vst v5  }
0xe4: {  	v5 =	vld [tilespmem:s26+$0xFFFFFFF0];
	_ =	sdelay $0x4  }
0xe5: {  	[tilespmem:$0x40D0] =	vst v5  }
0xe6: {  	v5 =	vld [tilespmem:s26+$0x0];
	_ =	sdelay $0x4  }
0xe7: {  	[tilespmem:$0x40E0] =	vst v5  }
0xe8: {  	v5 =	vld [tilespmem:s26+$0x10];
	_ =	sdelay $0x4  }
0xe9: {  	s0 =	sand.u32 $0xFFFFFFC0, s23;
	[tilespmem:$0x40F0] =	vst v5  }
0xea: {  	v5 =	vld [tilespmem:s0+$0x3080];
	_ =	sdelay $0x4  }
0xeb: {  	[tilespmem:$0x4100] =	vst v5  }
0xec: {  	v5 =	vld [tilespmem:s26+$0x30];
	_ =	sdelay $0x4  }
0xed: {  	[tilespmem:$0x4110] =	vst v5  }
0xee: {  	v5 =	vld [tilespmem:s26+$0x40];
	_ =	sdelay $0x4  }
0xef: {  	[tilespmem:$0x4120] =	vst v5  }
0xf0: {  	v5 =	vld [tilespmem:s26+$0x50];
	_ =	sdelay $0x4  }
0xf1: {  	[tilespmem:$0x4130] =	vst v5  }
0xf2: {  	[tilespmem:s16], [sflag:$0x1] =	stream.indirect.gather [hbm4b:s5+s18], $0x80, s24, s18, $0xb8;
	[tilespmem:$0x1F588] =	vst v63  }
0xf3: {  	_ =	swait.ge [sflag:s19], $0x6000  }
.Ltmp10:
0xf4: {  	[sflag:s19] =	ssyncset.done $0x0;
	(pc) =	sbr.rel @p0 .LBB2_14-.Ltmp10, $4  }
0xf5: {  	[sflag:s19] =	ssyncadd.s32 $0xFFFFA000  }
0xf6: {  	[spmem:s1] =	stream.indirect.scatter.add.f32 [tilespmem:s16], [sflag:$0x2], $0x80, s20, s18, $0xb8;
	[tilespmem:$0x1F588] =	vst v63  }
0xf7: {  	_ =	swait.ge [sflag:s17], $0x6000  }
0xf8: {  	s26 =	sadd.s32 $0xC0, s26;
	[sflag:s17] =	ssyncset.done $0x0  }
.LBB2_15:
0xf9: {  	[sflag:s17] =	ssyncadd.s32 $0xFFFFA000  }
.LBB2_16:
0xfa: {  	s0 =	sadd.s32 s10, s22  }
0xfb: {  	[bflag:$0x0] =	sbarrier.arrive $0xFFFF;
	s31 =	sshll.u32 s2, $0x6;
	s0 =	sshll.u32 s0, $0x4  }
0xfc: {  	s23 =	sshrl.u32 s9, $0x3;
	s22 =	sor.u32 $0x1C02, s31;
	s0 =	sadd.s32 s7, s0  }
0xfd: {  	[hbm:s0], [sflag:s22] =	dma.local [spmem:s23], $0x2A80  }
0xfe: {  	_ =	swait.ge [sflag:s17], $0x2A80  }
0xff: {  	[sflag:s17] =	ssyncset.done $0x0  }
0x100: {  	s0 =	simm.s32 $0x0;
	s22 =	simm.s32 $0x200;
	[sflag:s17] =	ssyncadd.s32 $0xFFFFD580  }
.LBB2_17:
0x101: {  	p0 =	sne.s32 s22, $0x10E00;
	[tilespmem:s0+$0x41F0] =	vst v2  }
0x102: {  	[tilespmem:s0+$0x4180] =	vst v2  }
0x103: {  	[tilespmem:s0+$0x4190] =	vst v2  }
.Ltmp11:
0x104: {  	[tilespmem:s0+$0x41A0] =	vst v2;
	(pc) =	sbr.rel @p0 .LBB2_17-.Ltmp11, $4  }
0x105: {  	[tilespmem:s0+$0x41B0] =	vst v2  }
0x106: {  	[tilespmem:s0+$0x41C0] =	vst v2  }
0x107: {  	[tilespmem:s0+$0x41D0] =	vst v2  }
0x108: {  	[tilespmem:s0+$0x41E0] =	vst v2;
	s0 =	sshra.s32 s22, $0x2;
	s22 =	sadd.s32 $0x200, s22  }
0x109: {  	[tilespmem:s0+$0x41F0] =	vst v2  }
0x10a: {  	[tilespmem:s0+$0x4180] =	vst v2  }
0x10b: {  	[tilespmem:s0+$0x4190] =	vst v2  }
0x10c: {  	[tilespmem:s0+$0x41A0] =	vst v2  }
0x10d: {  	[tilespmem:s0+$0x41B0] =	vst v2  }
0x10e: {  	[tilespmem:s0+$0x41C0] =	vst v2  }
0x10f: {  	[tilespmem:s0+$0x41D0] =	vst v2  }
0x110: {  	[tilespmem:s0+$0x41E0] =	vst v2  }
0x111: {  	[spmem:s9] =	stream.linear.scatter [tilespmem:s16], [sflag:$0x2], $0x4400, $0x38;
	[tilespmem:$0x1F588] =	vst v63  }
0x112: {  	_ =	swait.ge [sflag:s17], $0x4400  }
0x113: {  	[sflag:s17] =	ssyncset.done $0x0  }
0x114: {  	[sflag:s17] =	ssyncadd.s32 $0xFFFFBC00  }
0x115: {  	[spmem:s11] =	stream.linear.scatter [tilespmem:s16], [sflag:$0x2], $0x4400, $0x38;
	[tilespmem:$0x1F588] =	vst v63  }
0x116: {  	_ =	swait.ge [sflag:s17], $0x4400  }
0x117: {  	[sflag:s17] =	ssyncset.done $0x0  }
0x118: {  	[sflag:s17] =	ssyncadd.s32 $0xFFFFBC00  }
0x119: {  	[spmem:s12] =	stream.linear.scatter [tilespmem:s16], [sflag:$0x2], $0x4400, $0x38;
	[tilespmem:$0x1F588] =	vst v63  }
0x11a: {  	_ =	swait.ge [sflag:s17], $0x4400  }
0x11b: {  	[sflag:s17] =	ssyncset.done $0x0  }
0x11c: {  	[sflag:s17] =	ssyncadd.s32 $0xFFFFBC00  }
0x11d: {  	[spmem:s13] =	stream.linear.scatter [tilespmem:s16], [sflag:$0x2], $0x4400, $0x38;
	[tilespmem:$0x1F588] =	vst v63  }
0x11e: {  	_ =	swait.ge [sflag:s17], $0x4400  }
0x11f: {  	s21 =	sadd.s32 $0x1, s21;
	[sflag:s17] =	ssyncset.done $0x0  }
0x120: {  	p0 =	sne.s32 s21, $0xF;
	[sflag:s17] =	ssyncadd.s32 $0xFFFFBC00  }
0x121: {  	[spmem:s14] =	stream.linear.scatter [tilespmem:s16], [sflag:$0x2], $0x4400, $0x38;
	[tilespmem:$0x1F588] =	vst v63  }
.Ltmp12:
0x122: {  	_ =	swait.ge [sflag:s17], $0x4400;
	(pc) =	sbr.rel @p0 .LBB2_4-.Ltmp12, $3  }
0x123: {  	[sflag:s17] =	ssyncset.done $0x0  }
0x124: {  	[sflag:s17] =	ssyncadd.s32 $0xFFFFBC00  }
0x125: {  	[bflag:$0x0] =	sbarrier.arrive $0xFFFF;
	_ =	sdelay $0x1  }
0x126: {  	s3 =	sadd.s32 $0x1, s3  }
0x127: {  	p0 =	sne.s32 s3, s15  }
.Ltmp13:
0x128: {  	_ = 	snop;
	(pc) =	sbr.rel @p0 .LBB2_1-.Ltmp13, $1  }
0x129: {  	_ =	sdelay $0x3  }
0x12a: {  	_ =	sfence.sel $0x180000  }
0x12b: {  	[bflag:$0x0] =	sbarrier.arrive $0xFFFF  }
0x12c: {  	_ =	strace $0x9000004A  }
0x12d: {  	[bflag:$0x2] =	sbarrier.arrive $0xFFFF  }
0x12e: {  	p0 =	sne.s32 s2, $0x0;
	s0 =	rddreg [dreg:$0x2]  }
0x12f: {  	s0 =	sadd.s32 @!p0 $0x100000, s0  }
0x130: {  	[sflag:s0] =	ssyncadd.tile.s32 @!p0 $0x1;
	_ =	shalt  }
.Lfunc_end2:
_tile_overlayer_lowered:
.L_overlay_start_2:
0x131: {  	(tag) =	ssettag $0x2  }
0x132: {  	s0 =	rddreg [dreg:$0x0];
	s2 =	stileid.u32  }
0x133: {  	s1 =	rddreg [dreg:$0x1];
	p0 =	sne.s32 s2, $0x0  }
0x134: {  	s3 =	rddreg [dreg:$0x2];
	[bflag:$0x3] =	sbarrier.arrive $0xFFFF;
	s2 =	simm.s32 @!p0 $0x1C02  }
0x135: {  	[timem:s3], [sflag:s2] =	dma.local @!p0 [hbm:s0], s1  }
0x136: {  	s0 =	simm.s32 @!p0 $0x2  }
0x137: {  	_ =	swait.ge @!p0 [sflag:s0], s1  }
0x138: {  	s1 =	ssub.s32 @!p0 $0x0, s1;
	[sflag:s0] =	ssyncset.done @!p0 $0x0  }
0x139: {  	[sflag:s0] =	ssyncadd.s32 @!p0 s1  }
0x13a: {  	[bflag:$0x3] =	sbarrier.arrive $0xFFFF  }
0x13b: {  	_ =	shalt  }

// kernel: kernel.7.cloned.1.call-start
scs
__scs_entry_jumppad:
0x0: {  	(pc) =	sbr.rel $0x88, $3  }
0x1: {  	(tag) =	ssettag $0x0;
	lr =	simm.s32 $0x1  }
0x2: {  	[smem:$0x3F9B] =	sst lr;
	_ =	strace $0xD0000000  }
0x3: {  	_ = 	snop  }
0x4: {  	_ = 	snop  }
0x5: {  	_ = 	snop  }
0x6: {  	_ = 	snop  }
0x7: {  	_ = 	snop  }
__scs_overlays_trampoline_lowered:
0x8: {  	[smem:$0x3FAA] =	sst s0  }
0x9: {  	[smem:$0x3FAB] =	sst s1  }
0xa: {  	[smem:$0x3FAC] =	sst s2  }
0xb: {  	[smem:$0x3FAD] =	sst s3  }
0xc: {  	[smem:$0x3FAE] =	sst s4  }
0xd: {  	[smem:$0x3FAF] =	sst s5  }
0xe: {  	[smem:$0x3FB0] =	sst s6  }
0xf: {  	[smem:$0x3FB1] =	sst s7  }
0x10: {  	[smem:$0x3FB2] =	sst s8  }
0x11: {  	[smem:$0x3FB3] =	sst s9;
	s0 =	simm.s32 @!p0 $0x0  }
0x12: {  	s1 =	sld [smem:$0x3F99];
	s0 =	simm.s32 @p0 $0x1  }
0x13: {  	[smem:$0x3FB4] =	sst s0;
	s0 =	simm.s32 @!p1 $0x0  }
0x14: {  	s2 =	sld [smem:$0x3F98];
	s0 =	simm.s32 @p1 $0x1  }
0x15: {  	[smem:$0x3FB5] =	sst s0;
	s0 =	simm.s32 @!p2 $0x0  }
0x16: {  	s3 =	sld [smem:$0x3FDB];
	s0 =	simm.s32 @p2 $0x1  }
0x17: {  	s4 =	simm.s32 $0x1BF5;
	[smem:$0x3FB7] =	sst s0  }
0x18: {  	s0 =	sld [smem:$0x3F9A];
	_ =	swait.ge [sflag:s4], $0x0  }
0x19: {  	s7 =	sld [smem:$0x3F9B]  }
0x1a: {  	s8 =	sadd.s32 $0xFFFFE003, lr  }
0x1b: {  	s9 =	sadd.s32 $0xFFFFFEF7, lr;
	s5 =	simm.s32 $0xFFFFFFFF;
	p2 =	slt.u32 s8, $0xFFFFF086  }
0x1c: {  	p1 =	slt.u32 s9, $0xF7A;
	s5 =	simm.s32 @!p2 $0x0  }
0x1d: {  	s5 =	simm.s32 @p1 $0x1;
	p0 =	seq.s32 s7, s2  }
0x1e: {  	s7 =	smul.u32 @!p0 $0xF7A, s2;
	p2 =	seq.s32 @!p0 s5, $0x0  }
0x1f: {  	s9 =	smul.u32 $0xF7A, s1;
	s8 =	simm.s32 @!p0 $0x1BF5;
	p2 =	por !p2, p0  }
0x20: {  	[sflag:s8] =	ssyncset.s32 @!p0 $0xFFFFF086;
	s6 =	sadd.s32 @!p0 s3, s7;
	s7 =	simm.s32 @!p0 $0x108  }
0x21: {  	s3 =	sadd.s32 s3, s9;
	s6 =	sadd.s32 @!p0 $0x88, s6;
	s7 =	simm.s32 @p2 $0x1082  }
0x22: {  	[simem:s7], [sflag:s8] =	dma.local @!p0 [hbm:s6], $0xF7A  }
0x23: {  	s9 =	sor.u32 $0xD0000000, s2;
	s6 =	simm.s32 $0x108;
	_ =	swait.ge @!p0 [sflag:s8], $0x0  }
0x24: {  	s3 =	sadd.s32 $0x88, s3;
	s6 =	simm.s32 @!p1 $0x1082;
	[sflag:s4] =	ssyncset.s32 $0xFFFFF086  }
0x25: {  	[simem:s6], [sflag:s4] =	dma.local [hbm:s3], $0xF7A  }
0x26: {  	[smem:$0x3F9B] =	sst s1;
	(tag) =	ssettag s2;
	_ =	strace s9  }
0x27: {  	s1 =	sld [smem:$0x3FAB]  }
0x28: {  	s2 =	sld [smem:$0x3FAC]  }
0x29: {  	s4 =	sld [smem:$0x3FAE]  }
0x2a: {  	p0 =	seq.s32 s5, $0x0;
	s5 =	sld [smem:$0x3FAF]  }
0x2b: {  	s6 =	sld [smem:$0x3FB0]  }
0x2c: {  	s7 =	sld [smem:$0x3FB1]  }
0x2d: {  	s3 =	simm.s32 $0x108;
	s8 =	sld [smem:$0x3FB2]  }
0x2e: {  	s3 =	simm.s32 @!p0 $0x1082;
	s9 =	sld [smem:$0x3FB3]  }
0x2f: {  	lr =	sadd.s32 s0, s3;
	s0 =	sld [smem:$0x3FAA]  }
0x30: {  	s3 =	sld [smem:$0x3FAD]  }
0x31: {  	[smem:$0x3FB6] =	sst s10  }
0x32: {  	s10 =	sld [smem:$0x3FB4];
	_ =	sdelay $0x3  }
0x33: {  	p0 =	seq.s32 s10, $0x1;
	s10 =	sld [smem:$0x3FB6];
	_ =	sdelay $0x3  }
0x34: {  	[smem:$0x3FB6] =	sst s10  }
0x35: {  	s10 =	sld [smem:$0x3FB5];
	_ =	sdelay $0x3  }
0x36: {  	p1 =	seq.s32 s10, $0x1;
	s10 =	sld [smem:$0x3FB6];
	_ =	sdelay $0x3  }
0x37: {  	[smem:$0x3FB6] =	sst s10  }
0x38: {  	s10 =	sld [smem:$0x3FB7]  }
0x39: {  	_ = 	snop;
	(pc) =	sbr.ind lr, $3  }
0x3a: {  	_ = 	snop  }
0x3b: {  	_ = 	snop  }
0x3c: {  	p2 =	seq.s32 s10, $0x1;
	s10 =	sld [smem:$0x3FB6]  }
0x3d: {  	_ =	shalt  }
0x3e: {  	_ =	shalt  }
0x3f: {  	_ =	shalt  }
0x40: {  	_ =	shalt  }
0x41: {  	_ =	shalt  }
0x42: {  	_ =	shalt  }
0x43: {  	_ =	shalt  }
0x44: {  	_ =	shalt  }
0x45: {  	_ =	shalt  }
0x46: {  	_ =	shalt  }
0x47: {  	_ =	shalt  }
0x48: {  	_ =	shalt  }
0x49: {  	_ =	shalt  }
0x4a: {  	_ =	shalt  }
0x4b: {  	_ =	shalt  }
0x4c: {  	_ =	shalt  }
0x4d: {  	_ =	shalt  }
0x4e: {  	_ =	shalt  }
0x4f: {  	_ =	shalt  }
0x50: {  	_ =	shalt  }
0x51: {  	_ =	shalt  }
0x52: {  	_ =	shalt  }
0x53: {  	_ =	shalt  }
0x54: {  	_ =	shalt  }
0x55: {  	_ =	shalt  }
0x56: {  	_ =	shalt  }
0x57: {  	_ =	shalt  }
0x58: {  	_ =	shalt  }
0x59: {  	_ =	shalt  }
0x5a: {  	_ =	shalt  }
0x5b: {  	_ =	shalt  }
0x5c: {  	_ =	shalt  }
0x5d: {  	_ =	shalt  }
0x5e: {  	_ =	shalt  }
0x5f: {  	_ =	shalt  }
0x60: {  	_ =	shalt  }
0x61: {  	_ =	shalt  }
0x62: {  	_ =	shalt  }
0x63: {  	_ =	shalt  }
0x64: {  	_ =	shalt  }
0x65: {  	_ =	shalt  }
0x66: {  	_ =	shalt  }
0x67: {  	_ =	shalt  }
0x68: {  	_ =	shalt  }
0x69: {  	_ =	shalt  }
0x6a: {  	_ =	shalt  }
0x6b: {  	_ =	shalt  }
0x6c: {  	_ =	shalt  }
0x6d: {  	_ =	shalt  }
0x6e: {  	_ =	shalt  }
0x6f: {  	_ =	shalt  }
0x70: {  	_ =	shalt  }
0x71: {  	_ =	shalt  }
0x72: {  	_ =	shalt  }
0x73: {  	_ =	shalt  }
0x74: {  	_ =	shalt  }
0x75: {  	_ =	shalt  }
0x76: {  	_ =	shalt  }
0x77: {  	_ =	shalt  }
0x78: {  	_ =	shalt  }
0x79: {  	_ =	shalt  }
0x7a: {  	_ =	shalt  }
0x7b: {  	_ =	shalt  }
0x7c: {  	_ =	shalt  }
0x7d: {  	_ =	shalt  }
0x7e: {  	_ =	shalt  }
0x7f: {  	_ =	shalt  }
0x80: {  	_ =	shalt  }
0x81: {  	_ =	shalt  }
0x82: {  	_ =	shalt  }
0x83: {  	_ =	shalt  }
0x84: {  	_ =	shalt  }
0x85: {  	_ =	shalt  }
0x86: {  	_ =	shalt  }
0x87: {  	_ =	shalt  }
.Lfunc_end0:
.L_simem_size_0:
called_computation_lowered:
.L_overlay_start_0:
0x88: {  	s2 =	sld [smem:$0x3FD9]  }
0x89: {  	s3 =	sld [smem:$0x3FFE];
	_ =	sdelay $0x1  }
0x8a: {  	s1 =	srdreg.scid  }
0x8b: {  	s0 =	sand.u32 $0x1, s1  }
0x8c: {  	s17 =	sshll.u32 s0, $0xA;
	s2 =	sadd.s32 s3, s2  }
0x8d: {  	s2 =	sadd.s32 s2, s17  }
0x8e: {  	[smem:$0x3FC2] =	sst s2  }
0x8f: {  	_ = 	snop  }
0x90: {  	s2 =	sld [smem:$0x3FD0];
	(tm) =	ssettm $0x1  }
0x91: {  	s18 =	sld [smem:$0x3FFB];
	_ =	sdelay $0x3  }
0x92: {  	_ =	strace s18  }
0x93: {  	s3 =	sld [smem:$0x3FFC];
	_ =	sdelay $0x3  }
0x94: {  	_ =	strace s3  }
0x95: {  	s3 =	sld [smem:$0x3FFD];
	_ =	sdelay $0x3  }
0x96: {  	_ =	strace s3  }
0x97: {  	_ =	strace $0x8FFFFFFF  }
0x98: {  	s19 =	sld [smem:$0x3FDB];
	_ =	sdelay $0x1  }
0x99: {  	s4 =	simm.s32 $_scs_section_size  }
0x9a: {  	s5 =	simm.s32 $_size__tile_overlayer_lowered;
	s6 =	simm.s32 $_tile_overlayer_lowered  }
0x9b: {  	s22 =	simm.s32 $0x1BFF;
	s21 =	sshll.u32 s6, $0x1;
	s3 =	sadd.s32 s4, s19  }
0x9c: {  	s7 =	simm.s32 $0x0;
	s20 =	sshll.u32 s5, $0x1;
	s5 =	sadd.s32 s21, s3  }
0x9d: {  	[timem:s7], [sflag:s22] =	dma.local [hbm:s5], s20  }
0x9e: {  	_ =	swait.ge [sflag:s22], s20  }
0x9f: {  	s4 =	ssub.s32 $0x0, s20;
	[sflag:s22] =	ssyncset.done $0x0  }
0xa0: {  	[sflag:s22] =	ssyncadd.s32 s4;
	_ =	sdelay $0x1  }
0xa1: {  	s23 =	simm.s32 $0x1B8B  }
0xa2: {  	_ =	swait.ge [sflag:s23], $0x1  }
0xa3: {  	[sflag:s23] =	ssyncset.done $0x0  }
0xa4: {  	s25 =	simm.s32 $0x1B8E;
	s24 =	sld [smem:$0x3FFE];
	[sflag:s23] =	ssyncadd.s32 $0xFFFFFFFF  }
0xa5: {  	s26 =	simm.s32 $execute0_lowered;
	[smem:$0x3FD2] =	sst s25  }
0xa6: {  	s5 =	sshll.u32 s26, $0x1;
	_ =	strace $0x80000046;
	[dreg:$0x1] =	wrdreg $0xFFFFFFFF  }
0xa7: {  	s28 =	simm.s32 $_size_execute0_lowered;
	s3 =	sadd.s32 s3, s5;
	[dreg:$0x0] =	wrdreg $0x0  }
0xa8: {  	s5 =	sshll.u32 s28, $0x1;
	[dreg:$0x2] =	wrdreg s3  }
0xa9: {  	[dreg:$0x3] =	wrdreg s5  }
0xaa: {  	[dreg:$0x4] =	wrdreg $0xC0  }
0xab: {  	_ =	task [dreg:s7], $0x5FFFF  }
0xac: {  	[dreg:$0x1] =	wrdreg $0xFFFFFFFF  }
0xad: {  	[dreg:$0x0] =	wrdreg $0x60  }
0xae: {  	[dreg:$0x2] =	wrdreg s2  }
0xaf: {  	[dreg:$0x3] =	wrdreg s24  }
0xb0: {  	[dreg:$0x4] =	wrdreg $0x9  }
0xb1: {  	_ =	task.clear_ibuf [dreg:s7], $0x5FFFF;
	_ =	strace $0x90000046  }
0xb2: {  	s29 =	simm.s32 $0x9;
	_ =	strace $0x80000048  }
0xb3: {  	_ =	swait.ge [sflag:s29], $0x1  }
0xb4: {  	[sflag:s29] =	ssyncadd.s32 $0xFFFFFFFF  }
0xb5: {  	_ =	strace $0x90000048  }
0xb6: {  	_ =	sfence  }
0xb7: {  	s30 =	sld [smem:$0x0];
	_ =	sdelay $0x2  }
0xb8: {  	s31 =	sshll.u32 s1, $0xD;
	s1 =	sshrl.u32 s1, $0x2  }
0xb9: {  	s3 =	sand.u32 $0x4000, s31;
	s1 =	sadd.s32 s1, s30  }
0xba: {  	s0 =	sor.u32 s3, s0;
	s1 =	sshll.u32 s1, $0x11  }
0xbb: {  	s0 =	sor.u32 s1, s0  }
0xbc: {  	s0 =	sadd.s32 $0x8F2B, s0  }
0xbd: {  	[sflag:s0] =	ssyncadd.remote.s32 $0x1  }
0xbe: {  	_ =	sfence.sel $0xFFFF  }
0xbf: {  	[dreg:$0x0] =	wrdreg $0xFFFFFFFF;
	(pc) =	sbr.abs _section_cstart, $3  }
0xc0: {  	[dreg:$0x1] =	wrdreg $0xFFFFFFFF  }
0xc1: {  	_ =	task.clear_ibuf [dreg:s7], $0x2FFFF;
	_ =	strace $0x9FFFFFFF  }
0xc2: {  	(tm) =	ssettm $0x7FFFFFFF  }
0xc3: {  	_ =	shalt  }
tec
execute0_lowered:
.L_overlay_start_1:
0x0: {  	(tag) =	ssettag $0x1  }
0x1: {  	s1 =	rddreg [dreg:$0x0]  }
0x2: {  	s0 =	rddreg [dreg:$0x1];
	s3 =	simm.s32 $0x0;
	s2 =	srdreg.scid  }
0x3: {  	s4 =	stileid.u32;
	s28 =	simm.s32 $0x2;
	s29 =	simm.s32 $0xA0  }
0x4: {  	s30 =	simm.s32 $0x300;
	s15 =	simm.s32 $0x1;
	s16 =	simm.s32 $0x5  }
0x5: {  	s17 =	simm.s32 $0x3;
	[smem:$0x7FF] =	sst s3;
	s2 =	sand.u32 $0x1, s2  }
0x6: {  	s6 =	sshll.u32 s4, $0x1;
	s4 =	sadd.s32 $0x3C000, s0;
	s5 =	sadd.s32 $0x51E000, s0  }
0x7: {  	s8 =	sadd.s32 $0x1200, s0;
	s9 =	sadd.s32 $0x28600, s0;
	s7 =	sor.u32 s2, s6  }
0x8: {  	s10 =	sadd.s32 $0xA00000, s0;
	s2 =	ssub.s32 $0x2, s2;
	s13 =	smul.u32 $0x4E20, s7  }
0x9: {  	_ =	strace $0x80000047;
	s11 =	sshrl.u32 s2, $0x1;
	s7 =	smul.u32 $0x271000, s7  }
0xa: {  	s6 =	sadd.s32 $0x14C00, s0;
	s20 =	ssub.s32 s2, s11;
	s21 =	sshrl.u32 s13, $0x3  }
0xb: {  	s23 =	sadd.s32 $0xA0, s13;
	s7 =	sshrl.u32 s7, $0x3;
	s26 =	sadd.s32 $0x140, s13  }
0xc: {  	s19 =	sadd.s32 $0x1E0, s13;
	s0 =	smax.u32 s20, $0x1;
	s22 =	sadd.s32 s6, s21  }
0xd: {  	s12 =	sadd.s32 s8, s21;
	s2 =	sadd.s32 s9, s21;
	[dreg:$0x9] =	wrdreg s26  }
0xe: {  	s18 =	smov.u32 s23;
	s24 =	sshrl.u32 s23, $0x3;
	[dreg:$0xb] =	wrdreg s0  }
0xf: {  	s31 =	sadd.s32 s10, s7;
	s23 =	simm.s32 $0x200;
	[dreg:$0x3] =	wrdreg s22  }
0x10: {  	s26 =	simm.s32 $0xF500;
	s7 =	simm.s32 $0x0;
	[dreg:$0x4] =	wrdreg s12  }
0x11: {  	[dreg:$0x5] =	wrdreg s2;
	s11 =	sadd.s32 s6, s24;
	s25 =	sadd.s32 s8, s24  }
0x12: {  	s2 =	sadd.s32 s9, s24;
	s12 =	smov.u32 s13;
	[dreg:$0x6] =	wrdreg s11  }
0x13: {  	s22 =	simm.s32 $0x100;
	s24 =	simm.s32 $0xF300;
	[dreg:$0x7] =	wrdreg s25  }
0x14: {  	[dreg:$0x8] =	wrdreg s2;
	s2 =	sadd.s32 $0x4D800, s31;
	s25 =	simm.s32 $0xF400  }
0x15: {  	s11 =	simm.s32 $0xF600;
	[dreg:$0xa] =	wrdreg s2;
	s2 =	simm.s32 $0x4  }
.LBB2_1:
0x16: {  	[dreg:$0xc] =	wrdreg s7  }
0x17: {  	s0 =	rddreg [dreg:$0x3]  }
0x18: {  	[tilespmem:s3], [sflag:$0x2] =	stream.linear.gather [hbm4b:s0+s3], $0xA0, $0x38;
	[tilespmem:$0x1E600] =	vst v63  }
0x19: {  	s31 =	rddreg [dreg:$0x4]  }
0x1a: {  	[tilespmem:s22], [sflag:$0x2] =	stream.linear.gather [hbm4b:s31+s3], $0xA0, $0x38;
	[tilespmem:$0x1E600] =	vst v63  }
0x1b: {  	s7 =	rddreg [dreg:$0x5]  }
0x1c: {  	[tilespmem:s23], [sflag:$0x2] =	stream.linear.gather [hbm4b:s7+s3], $0xA0, $0x38;
	[tilespmem:$0x1E600] =	vst v63  }
0x1d: {  	s13 =	rddreg [dreg:$0x6]  }
0x1e: {  	[tilespmem:s24], [sflag:$0x4] =	stream.linear.gather [hbm4b:s13+s3], $0xA0, $0x38;
	[tilespmem:$0x1E600] =	vst v63  }
0x1f: {  	s14 =	rddreg [dreg:$0x7]  }
0x20: {  	[tilespmem:s25], [sflag:$0x4] =	stream.linear.gather [hbm4b:s14+s3], $0xA0, $0x38;
	[tilespmem:$0x1E600] =	vst v63  }
0x21: {  	s20 =	rddreg [dreg:$0x8]  }
0x22: {  	[tilespmem:s26], [sflag:$0x4] =	stream.linear.gather [hbm4b:s20+s3], $0xA0, $0x38;
	[tilespmem:$0x1E600] =	vst v63  }
0x23: {  	_ =	swait.ge [sflag:s28], $0xA0  }
0x24: {  	[sflag:s28] =	ssyncset.done $0x0  }
0x25: {  	[sflag:s28] =	ssyncadd.s32 $0xFFFFFF60  }
0x26: {  	_ =	swait.ge [sflag:s28], $0xA0  }
0x27: {  	[sflag:s28] =	ssyncset.done $0x0  }
0x28: {  	[sflag:s28] =	ssyncadd.s32 $0xFFFFFF60  }
0x29: {  	_ =	swait.ge [sflag:s28], $0xA0  }
0x2a: {  	[sflag:s28] =	ssyncset.done $0x0  }
0x2b: {  	[sflag:s28] =	ssyncadd.s32 $0xFFFFFF60  }
0x2c: {  	[tilespmem:s30], [sflag:$0x1] =	stream.indirect.gather [hbm4b:s1+s29], $0x80, s3, s29, $0xb8;
	[tilespmem:$0x1E600] =	vst v63  }
0x2d: {  	s21 =	simm.s32 $0x5300  }
0x2e: {  	[tilespmem:s21], [sflag:$0x1] =	stream.indirect.gather [hbm4b:s4+s29], $0x80, s22, s29, $0xb8;
	[tilespmem:$0x1E600] =	vst v63  }
0x2f: {  	s31 =	simm.s32 $0xA300;
	s21 =	simm.s32 $0x0  }
0x30: {  	[tilespmem:s31], [sflag:$0x1] =	stream.indirect.gather [hbm4b:s5+s29], $0x80, s23, s29, $0xb8;
	[tilespmem:$0x1E600] =	vst v63  }
.LBB2_2:
0x31: {  	_ =	swait.ge [sflag:s2], $0xA0  }
0x32: {  	[sflag:s2] =	ssyncset.done $0x0  }
0x33: {  	[sflag:s2] =	ssyncadd.s32 $0xFFFFFF60  }
0x34: {  	_ =	swait.ge [sflag:s2], $0xA0  }
0x35: {  	[sflag:s2] =	ssyncset.done $0x0  }
0x36: {  	[sflag:s2] =	ssyncadd.s32 $0xFFFFFF60  }
0x37: {  	_ =	swait.ge [sflag:s2], $0xA0  }
0x38: {  	[sflag:s2] =	ssyncset.done $0x0  }
0x39: {  	[sflag:s2] =	ssyncadd.s32 $0xFFFFFF60  }
0x3a: {  	[tilespmem:s11], [sflag:$0x3] =	stream.indirect.gather [hbm4b:s1+s29], $0x80, s24, s29, $0xb8;
	[tilespmem:$0x1E600] =	vst v63  }
0x3b: {  	s0 =	simm.s32 $0x14600  }
0x3c: {  	[tilespmem:s0], [sflag:$0x3] =	stream.indirect.gather [hbm4b:s4+s29], $0x80, s25, s29, $0xb8;
	[tilespmem:$0x1E600] =	vst v63  }
0x3d: {  	s7 =	simm.s32 $0x19600  }
0x3e: {  	[tilespmem:s7], [sflag:$0x3] =	stream.indirect.gather [hbm4b:s5+s29], $0x80, s26, s29, $0xb8;
	[tilespmem:$0x1E600] =	vst v63  }
0x3f: {  	_ =	swait.ge [sflag:s15], $0x5000  }
0x40: {  	[sflag:s15] =	ssyncset.done $0x0  }
0x41: {  	[sflag:s15] =	ssyncadd.s32 $0xFFFFB000  }
0x42: {  	_ =	swait.ge [sflag:s15], $0x5000  }
0x43: {  	[sflag:s15] =	ssyncset.done $0x0  }
0x44: {  	[sflag:s15] =	ssyncadd.s32 $0xFFFFB000  }
0x45: {  	s20 =	smul.u32 $0x140, s21;
	_ =	swait.ge [sflag:s15], $0x5000  }
0x46: {  	s13 =	rddreg [dreg:$0x9]  }
0x47: {  	s0 =	sadd.s32 s20, s13  }
0x48: {  	[sflag:s15] =	ssyncset.done $0x0;
	s0 =	sshrl.u32 s0, $0x3  }
0x49: {  	[sflag:s15] =	ssyncadd.s32 $0xFFFFB000;
	s7 =	sadd.s32 s6, s0  }
0x4a: {  	[tilespmem:s3], [sflag:$0x2] =	stream.linear.gather [hbm4b:s7+s3], $0xA0, $0x38;
	[tilespmem:$0x1E600] =	vst v63  }
0x4b: {  	s14 =	sadd.s32 s8, s0  }
0x4c: {  	[tilespmem:s22], [sflag:$0x2] =	stream.linear.gather [hbm4b:s14+s3], $0xA0, $0x38;
	[tilespmem:$0x1E600] =	vst v63  }
0x4d: {  	s0 =	sadd.s32 s9, s0;
	s14 =	simm.s32 $0x400  }
0x4e: {  	[tilespmem:s23], [sflag:$0x2] =	stream.linear.gather [hbm4b:s0+s3], $0xA0, $0x38;
	[tilespmem:$0x1E600] =	vst v63  }
0x4f: {  	s13 =	simm.s32 $0x5400;
	v0 =	vld [tilespmem:s14+$0xFFFFFF00]  }
0x50: {  	v1 =	vld [tilespmem:s13+$0xFFFFFF00]  }
0x51: {  	s31 =	simm.s32 $0xA400  }
0x52: {  	v2 =	vld [tilespmem:s31+$0xFFFFFF00];
	_ =	sdelay $0x2  }
0x53: {  	v0 =	vadd.f32 v1, v0;
	_ =	sdelay $0x1  }
0x54: {  	v0 =	vadd.f32 v2, v0;
	_ =	sdelay $0x1  }
0x55: {  	[tilespmem:s14+$0xFFFFFF00] =	vst v0;
	v0 =	vld [tilespmem:s14+$0xFFFFFF10]  }
0x56: {  	v1 =	vld [tilespmem:s13+$0xFFFFFF10];
	_ =	sdelay $0x1  }
0x57: {  	v2 =	vld [tilespmem:s31+$0xFFFFFF10];
	_ =	sdelay $0x2  }
0x58: {  	v0 =	vadd.f32 v1, v0;
	_ =	sdelay $0x1  }
0x59: {  	v0 =	vadd.f32 v2, v0;
	_ =	sdelay $0x1  }
0x5a: {  	[tilespmem:s14+$0xFFFFFF10] =	vst v0;
	v0 =	vld [tilespmem:s14+$0xFFFFFF20]  }
0x5b: {  	v1 =	vld [tilespmem:s13+$0xFFFFFF20];
	_ =	sdelay $0x1  }
0x5c: {  	v2 =	vld [tilespmem:s31+$0xFFFFFF20];
	_ =	sdelay $0x2  }
0x5d: {  	v0 =	vadd.f32 v1, v0;
	_ =	sdelay $0x1  }
0x5e: {  	v0 =	vadd.f32 v2, v0;
	_ =	sdelay $0x1  }
0x5f: {  	[tilespmem:s14+$0xFFFFFF20] =	vst v0;
	v0 =	vld [tilespmem:s14+$0xFFFFFF30]  }
0x60: {  	v1 =	vld [tilespmem:s13+$0xFFFFFF30];
	_ =	sdelay $0x1  }
0x61: {  	v2 =	vld [tilespmem:s31+$0xFFFFFF30];
	_ =	sdelay $0x2  }
0x62: {  	v0 =	vadd.f32 v1, v0;
	_ =	sdelay $0x1  }
0x63: {  	v0 =	vadd.f32 v2, v0;
	_ =	sdelay $0x1  }
0x64: {  	[tilespmem:s14+$0xFFFFFF30] =	vst v0;
	v0 =	vld [tilespmem:s14+$0xFFFFFF40]  }
0x65: {  	v1 =	vld [tilespmem:s13+$0xFFFFFF40];
	_ =	sdelay $0x1  }
0x66: {  	v2 =	vld [tilespmem:s31+$0xFFFFFF40];
	_ =	sdelay $0x2  }
0x67: {  	v0 =	vadd.f32 v1, v0;
	_ =	sdelay $0x1  }
0x68: {  	v0 =	vadd.f32 v2, v0;
	_ =	sdelay $0x1  }
0x69: {  	[tilespmem:s14+$0xFFFFFF40] =	vst v0;
	v0 =	vld [tilespmem:s14+$0xFFFFFF50]  }
0x6a: {  	v1 =	vld [tilespmem:s13+$0xFFFFFF50];
	_ =	sdelay $0x1  }
0x6b: {  	v2 =	vld [tilespmem:s31+$0xFFFFFF50];
	_ =	sdelay $0x2  }
0x6c: {  	v0 =	vadd.f32 v1, v0;
	_ =	sdelay $0x1  }
0x6d: {  	v0 =	vadd.f32 v2, v0;
	_ =	sdelay $0x1  }
0x6e: {  	[tilespmem:s14+$0xFFFFFF50] =	vst v0;
	v0 =	vld [tilespmem:s14+$0xFFFFFF60]  }
0x6f: {  	v1 =	vld [tilespmem:s13+$0xFFFFFF60];
	_ =	sdelay $0x1  }
0x70: {  	v2 =	vld [tilespmem:s31+$0xFFFFFF60];
	_ =	sdelay $0x2  }
0x71: {  	v0 =	vadd.f32 v1, v0;
	_ =	sdelay $0x1  }
0x72: {  	v0 =	vadd.f32 v2, v0;
	_ =	sdelay $0x1  }
0x73: {  	[tilespmem:s14+$0xFFFFFF60] =	vst v0;
	v0 =	vld [tilespmem:s14+$0xFFFFFF70]  }
0x74: {  	v1 =	vld [tilespmem:s13+$0xFFFFFF70];
	_ =	sdelay $0x1  }
0x75: {  	v2 =	vld [tilespmem:s31+$0xFFFFFF70];
	_ =	sdelay $0x2  }
0x76: {  	v0 =	vadd.f32 v1, v0;
	_ =	sdelay $0x1  }
0x77: {  	v0 =	vadd.f32 v2, v0;
	_ =	sdelay $0x1  }
0x78: {  	[tilespmem:s14+$0xFFFFFF70] =	vst v0;
	v0 =	vld [tilespmem:s14+$0xFFFFFF80]  }
0x79: {  	v1 =	vld [tilespmem:s13+$0xFFFFFF80];
	_ =	sdelay $0x1  }
0x7a: {  	v2 =	vld [tilespmem:s31+$0xFFFFFF80];
	_ =	sdelay $0x2  }
0x7b: {  	v0 =	vadd.f32 v1, v0;
	_ =	sdelay $0x1  }
0x7c: {  	v0 =	vadd.f32 v2, v0;
	_ =	sdelay $0x1  }
0x7d: {  	[tilespmem:s14+$0xFFFFFF80] =	vst v0;
	v0 =	vld [tilespmem:s14+$0xFFFFFF90]  }
0x7e: {  	v1 =	vld [tilespmem:s13+$0xFFFFFF90];
	_ =	sdelay $0x1  }
0x7f: {  	v2 =	vld [tilespmem:s31+$0xFFFFFF90];
	_ =	sdelay $0x2  }
0x80: {  	v0 =	vadd.f32 v1, v0;
	_ =	sdelay $0x1  }
0x81: {  	v0 =	vadd.f32 v2, v0;
	_ =	sdelay $0x1  }
0x82: {  	[tilespmem:s14+$0xFFFFFF90] =	vst v0;
	v0 =	vld [tilespmem:s14+$0xFFFFFFA0]  }
0x83: {  	v1 =	vld [tilespmem:s13+$0xFFFFFFA0];
	_ =	sdelay $0x1  }
0x84: {  	v2 =	vld [tilespmem:s31+$0xFFFFFFA0];
	_ =	sdelay $0x2  }
0x85: {  	v0 =	vadd.f32 v1, v0;
	_ =	sdelay $0x1  }
0x86: {  	v0 =	vadd.f32 v2, v0;
	_ =	sdelay $0x1  }
0x87: {  	[tilespmem:s14+$0xFFFFFFA0] =	vst v0;
	v0 =	vld [tilespmem:s14+$0xFFFFFFB0]  }
0x88: {  	v1 =	vld [tilespmem:s13+$0xFFFFFFB0];
	_ =	sdelay $0x1  }
0x89: {  	v2 =	vld [tilespmem:s31+$0xFFFFFFB0];
	_ =	sdelay $0x2  }
0x8a: {  	v0 =	vadd.f32 v1, v0;
	_ =	sdelay $0x1  }
0x8b: {  	v0 =	vadd.f32 v2, v0;
	_ =	sdelay $0x1  }
0x8c: {  	[tilespmem:s14+$0xFFFFFFB0] =	vst v0;
	v0 =	vld [tilespmem:s14+$0xFFFFFFC0]  }
0x8d: {  	v1 =	vld [tilespmem:s13+$0xFFFFFFC0];
	_ =	sdelay $0x1  }
0x8e: {  	v2 =	vld [tilespmem:s31+$0xFFFFFFC0];
	_ =	sdelay $0x2  }
0x8f: {  	v0 =	vadd.f32 v1, v0;
	_ =	sdelay $0x1  }
0x90: {  	v0 =	vadd.f32 v2, v0;
	_ =	sdelay $0x1  }
0x91: {  	[tilespmem:s14+$0xFFFFFFC0] =	vst v0;
	v0 =	vld [tilespmem:s14+$0xFFFFFFD0]  }
0x92: {  	v1 =	vld [tilespmem:s13+$0xFFFFFFD0];
	_ =	sdelay $0x1  }
0x93: {  	v2 =	vld [tilespmem:s31+$0xFFFFFFD0];
	_ =	sdelay $0x2  }
0x94: {  	v0 =	vadd.f32 v1, v0;
	_ =	sdelay $0x1  }
0x95: {  	v0 =	vadd.f32 v2, v0;
	_ =	sdelay $0x1  }
0x96: {  	[tilespmem:s14+$0xFFFFFFD0] =	vst v0;
	v0 =	vld [tilespmem:s14+$0xFFFFFFE0]  }
0x97: {  	v1 =	vld [tilespmem:s13+$0xFFFFFFE0];
	_ =	sdelay $0x1  }
0x98: {  	v2 =	vld [tilespmem:s31+$0xFFFFFFE0];
	_ =	sdelay $0x2  }
0x99: {  	v0 =	vadd.f32 v1, v0;
	_ =	sdelay $0x1  }
0x9a: {  	v0 =	vadd.f32 v2, v0;
	_ =	sdelay $0x1  }
0x9b: {  	[tilespmem:s14+$0xFFFFFFE0] =	vst v0;
	v0 =	vld [tilespmem:s14+$0xFFFFFFF0]  }
0x9c: {  	v1 =	vld [tilespmem:s13+$0xFFFFFFF0];
	_ =	sdelay $0x1  }
0x9d: {  	v2 =	vld [tilespmem:s31+$0xFFFFFFF0];
	_ =	sdelay $0x2  }
0x9e: {  	v0 =	vadd.f32 v1, v0;
	_ =	sdelay $0x1  }
0x9f: {  	v0 =	vadd.f32 v2, v0;
	_ =	sdelay $0x1  }
0xa0: {  	[tilespmem:s14+$0xFFFFFFF0] =	vst v0;
	v0 =	vld [tilespmem:s14+$0x0]  }
0xa1: {  	v1 =	vld [tilespmem:s13+$0x0];
	_ =	sdelay $0x1  }
0xa2: {  	v2 =	vld [tilespmem:s31+$0x0];
	_ =	sdelay $0x2  }
0xa3: {  	v0 =	vadd.f32 v1, v0;
	_ =	sdelay $0x1  }
0xa4: {  	v0 =	vadd.f32 v2, v0;
	_ =	sdelay $0x1  }
0xa5: {  	[tilespmem:s14+$0x0] =	vst v0;
	v0 =	vld [tilespmem:s14+$0x10]  }
0xa6: {  	v1 =	vld [tilespmem:s13+$0x10];
	_ =	sdelay $0x1  }
0xa7: {  	v2 =	vld [tilespmem:s31+$0x10];
	_ =	sdelay $0x2  }
0xa8: {  	v0 =	vadd.f32 v1, v0;
	_ =	sdelay $0x1  }
0xa9: {  	v0 =	vadd.f32 v2, v0;
	_ =	sdelay $0x1  }
0xaa: {  	[tilespmem:s14+$0x10] =	vst v0;
	v0 =	vld [tilespmem:s14+$0x20]  }
0xab: {  	v1 =	vld [tilespmem:s13+$0x20];
	_ =	sdelay $0x1  }
0xac: {  	v2 =	vld [tilespmem:s31+$0x20];
	_ =	sdelay $0x2  }
0xad: {  	v0 =	vadd.f32 v1, v0;
	_ =	sdelay $0x1  }
0xae: {  	v0 =	vadd.f32 v2, v0;
	_ =	sdelay $0x1  }
0xaf: {  	[tilespmem:s14+$0x20] =	vst v0;
	v0 =	vld [tilespmem:s14+$0x30]  }
0xb0: {  	v1 =	vld [tilespmem:s13+$0x30];
	_ =	sdelay $0x1  }
0xb1: {  	v2 =	vld [tilespmem:s31+$0x30];
	_ =	sdelay $0x2  }
0xb2: {  	v0 =	vadd.f32 v1, v0;
	_ =	sdelay $0x1  }
0xb3: {  	v0 =	vadd.f32 v2, v0;
	_ =	sdelay $0x1  }
0xb4: {  	[tilespmem:s14+$0x30] =	vst v0;
	v0 =	vld [tilespmem:s14+$0x40]  }
0xb5: {  	v1 =	vld [tilespmem:s13+$0x40];
	_ =	sdelay $0x1  }
0xb6: {  	v2 =	vld [tilespmem:s31+$0x40];
	_ =	sdelay $0x2  }
0xb7: {  	v0 =	vadd.f32 v1, v0;
	_ =	sdelay $0x1  }
0xb8: {  	v0 =	vadd.f32 v2, v0;
	_ =	sdelay $0x1  }
0xb9: {  	[tilespmem:s14+$0x40] =	vst v0;
	v0 =	vld [tilespmem:s14+$0x50]  }
0xba: {  	v1 =	vld [tilespmem:s13+$0x50];
	_ =	sdelay $0x1  }
0xbb: {  	v2 =	vld [tilespmem:s31+$0x50];
	_ =	sdelay $0x2  }
0xbc: {  	v0 =	vadd.f32 v1, v0;
	_ =	sdelay $0x1  }
0xbd: {  	v0 =	vadd.f32 v2, v0;
	_ =	sdelay $0x1  }
0xbe: {  	[tilespmem:s14+$0x50] =	vst v0;
	v0 =	vld [tilespmem:s14+$0x60]  }
0xbf: {  	v1 =	vld [tilespmem:s13+$0x60];
	_ =	sdelay $0x1  }
0xc0: {  	v2 =	vld [tilespmem:s31+$0x60];
	_ =	sdelay $0x2  }
0xc1: {  	v0 =	vadd.f32 v1, v0;
	_ =	sdelay $0x1  }
0xc2: {  	v0 =	vadd.f32 v2, v0;
	_ =	sdelay $0x1  }
0xc3: {  	[tilespmem:s14+$0x60] =	vst v0;
	v0 =	vld [tilespmem:s14+$0x70]  }
0xc4: {  	v1 =	vld [tilespmem:s13+$0x70];
	_ =	sdelay $0x1  }
0xc5: {  	v2 =	vld [tilespmem:s31+$0x70];
	_ =	sdelay $0x2  }
0xc6: {  	v0 =	vadd.f32 v1, v0;
	_ =	sdelay $0x1  }
0xc7: {  	v0 =	vadd.f32 v2, v0;
	_ =	sdelay $0x1  }
0xc8: {  	[tilespmem:s14+$0x70] =	vst v0;
	v0 =	vld [tilespmem:s14+$0x80]  }
0xc9: {  	v1 =	vld [tilespmem:s13+$0x80];
	_ =	sdelay $0x1  }
0xca: {  	v2 =	vld [tilespmem:s31+$0x80];
	_ =	sdelay $0x2  }
0xcb: {  	v0 =	vadd.f32 v1, v0;
	_ =	sdelay $0x1  }
0xcc: {  	v0 =	vadd.f32 v2, v0;
	_ =	sdelay $0x1  }
0xcd: {  	[tilespmem:s14+$0x80] =	vst v0;
	v0 =	vld [tilespmem:s14+$0x90]  }
0xce: {  	v1 =	vld [tilespmem:s13+$0x90];
	_ =	sdelay $0x1  }
0xcf: {  	v2 =	vld [tilespmem:s31+$0x90];
	_ =	sdelay $0x2  }
0xd0: {  	v0 =	vadd.f32 v1, v0;
	_ =	sdelay $0x1  }
0xd1: {  	v0 =	vadd.f32 v2, v0;
	_ =	sdelay $0x1  }
0xd2: {  	[tilespmem:s14+$0x90] =	vst v0;
	v0 =	vld [tilespmem:s14+$0xA0]  }
0xd3: {  	v1 =	vld [tilespmem:s13+$0xA0];
	_ =	sdelay $0x1  }
0xd4: {  	v2 =	vld [tilespmem:s31+$0xA0];
	_ =	sdelay $0x2  }
0xd5: {  	v0 =	vadd.f32 v1, v0;
	_ =	sdelay $0x1  }
0xd6: {  	v0 =	vadd.f32 v2, v0;
	_ =	sdelay $0x1  }
0xd7: {  	[tilespmem:s14+$0xA0] =	vst v0;
	v0 =	vld [tilespmem:s14+$0xB0]  }
0xd8: {  	v1 =	vld [tilespmem:s13+$0xB0];
	_ =	sdelay $0x1  }
0xd9: {  	v2 =	vld [tilespmem:s31+$0xB0];
	_ =	sdelay $0x2  }
0xda: {  	v0 =	vadd.f32 v1, v0;
	_ =	sdelay $0x1  }
0xdb: {  	v0 =	vadd.f32 v2, v0;
	_ =	sdelay $0x1  }
0xdc: {  	[tilespmem:s14+$0xB0] =	vst v0;
	v0 =	vld [tilespmem:s14+$0xC0]  }
0xdd: {  	v1 =	vld [tilespmem:s13+$0xC0];
	_ =	sdelay $0x1  }
0xde: {  	v2 =	vld [tilespmem:s31+$0xC0];
	_ =	sdelay $0x2  }
0xdf: {  	v0 =	vadd.f32 v1, v0;
	_ =	sdelay $0x1  }
0xe0: {  	v0 =	vadd.f32 v2, v0;
	_ =	sdelay $0x1  }
0xe1: {  	[tilespmem:s14+$0xC0] =	vst v0;
	v0 =	vld [tilespmem:s14+$0xD0]  }
0xe2: {  	v1 =	vld [tilespmem:s13+$0xD0];
	_ =	sdelay $0x1  }
0xe3: {  	v2 =	vld [tilespmem:s31+$0xD0];
	_ =	sdelay $0x2  }
0xe4: {  	v0 =	vadd.f32 v1, v0;
	_ =	sdelay $0x1  }
0xe5: {  	v0 =	vadd.f32 v2, v0;
	_ =	sdelay $0x1  }
0xe6: {  	[tilespmem:s14+$0xD0] =	vst v0;
	v0 =	vld [tilespmem:s14+$0xE0]  }
0xe7: {  	v1 =	vld [tilespmem:s13+$0xE0];
	_ =	sdelay $0x1  }
0xe8: {  	v2 =	vld [tilespmem:s31+$0xE0];
	_ =	sdelay $0x2  }
0xe9: {  	v0 =	vadd.f32 v1, v0;
	_ =	sdelay $0x1  }
0xea: {  	v0 =	vadd.f32 v2, v0;
	_ =	sdelay $0x1  }
0xeb: {  	[tilespmem:s14+$0xE0] =	vst v0;
	v0 =	vld [tilespmem:s14+$0xF0]  }
0xec: {  	v1 =	vld [tilespmem:s13+$0xF0];
	_ =	sdelay $0x1  }
0xed: {  	v2 =	vld [tilespmem:s31+$0xF0];
	_ =	sdelay $0x2  }
0xee: {  	v0 =	vadd.f32 v1, v0;
	_ =	sdelay $0x1  }
0xef: {  	v0 =	vadd.f32 v2, v0  }
0xf0: {  	s7 =	simm.s32 $0x600;
	s0 =	simm.s32 $0x0  }
.LBB2_3:
0xf1: {  	v1 =	vld [tilespmem:s7+$0xFFFFFF00];
	s0 =	sadd.s32 $0x4, s0;
	[tilespmem:s14+$0xF0] =	vst v0;
	s13 =	sadd.s32 $0x200, s13;
	s31 =	sadd.s32 $0x200, s31  }
0xf2: {  	s14 =	smov.u32 s7;
	v0 =	vld [tilespmem:s13+$0xFFFFFF00];
	p0 =	slt.u32 s0, $0x9C;
	_ =	sdelay $0x1  }
0xf3: {  	v2 =	vld [tilespmem:s31+$0xFFFFFF00];
	_ =	sdelay $0x2  }
0xf4: {  	v0 =	vadd.f32 v0, v1;
	_ =	sdelay $0x1  }
0xf5: {  	v0 =	vadd.f32 v2, v0;
	_ =	sdelay $0x1  }
0xf6: {  	[tilespmem:s7+$0xFFFFFF00] =	vst v0;
	v0 =	vld [tilespmem:s7+$0xFFFFFF10]  }
0xf7: {  	v1 =	vld [tilespmem:s13+$0xFFFFFF10];
	_ =	sdelay $0x1  }
0xf8: {  	v2 =	vld [tilespmem:s31+$0xFFFFFF10];
	_ =	sdelay $0x2  }
0xf9: {  	v0 =	vadd.f32 v1, v0;
	_ =	sdelay $0x1  }
0xfa: {  	v0 =	vadd.f32 v2, v0;
	_ =	sdelay $0x1  }
0xfb: {  	[tilespmem:s7+$0xFFFFFF10] =	vst v0;
	v0 =	vld [tilespmem:s7+$0xFFFFFF20]  }
0xfc: {  	v1 =	vld [tilespmem:s13+$0xFFFFFF20];
	_ =	sdelay $0x1  }
0xfd: {  	v2 =	vld [tilespmem:s31+$0xFFFFFF20];
	_ =	sdelay $0x2  }
0xfe: {  	v0 =	vadd.f32 v1, v0;
	_ =	sdelay $0x1  }
0xff: {  	v0 =	vadd.f32 v2, v0;
	_ =	sdelay $0x1  }
0x100: {  	[tilespmem:s7+$0xFFFFFF20] =	vst v0;
	v0 =	vld [tilespmem:s7+$0xFFFFFF30]  }
0x101: {  	v1 =	vld [tilespmem:s13+$0xFFFFFF30];
	_ =	sdelay $0x1  }
0x102: {  	v2 =	vld [tilespmem:s31+$0xFFFFFF30];
	_ =	sdelay $0x2  }
0x103: {  	v0 =	vadd.f32 v1, v0;
	_ =	sdelay $0x1  }
0x104: {  	v0 =	vadd.f32 v2, v0;
	_ =	sdelay $0x1  }
0x105: {  	[tilespmem:s7+$0xFFFFFF30] =	vst v0;
	v0 =	vld [tilespmem:s7+$0xFFFFFF40]  }
0x106: {  	v1 =	vld [tilespmem:s13+$0xFFFFFF40];
	_ =	sdelay $0x1  }
0x107: {  	v2 =	vld [tilespmem:s31+$0xFFFFFF40];
	_ =	sdelay $0x2  }
0x108: {  	v0 =	vadd.f32 v1, v0;
	_ =	sdelay $0x1  }
0x109: {  	v0 =	vadd.f32 v2, v0;
	_ =	sdelay $0x1  }
0x10a: {  	[tilespmem:s7+$0xFFFFFF40] =	vst v0;
	v0 =	vld [tilespmem:s7+$0xFFFFFF50]  }
0x10b: {  	v1 =	vld [tilespmem:s13+$0xFFFFFF50];
	_ =	sdelay $0x1  }
0x10c: {  	v2 =	vld [tilespmem:s31+$0xFFFFFF50];
	_ =	sdelay $0x2  }
0x10d: {  	v0 =	vadd.f32 v1, v0;
	_ =	sdelay $0x1  }
0x10e: {  	v0 =	vadd.f32 v2, v0;
	_ =	sdelay $0x1  }
0x10f: {  	[tilespmem:s7+$0xFFFFFF50] =	vst v0;
	v0 =	vld [tilespmem:s7+$0xFFFFFF60]  }
0x110: {  	v1 =	vld [tilespmem:s13+$0xFFFFFF60];
	_ =	sdelay $0x1  }
0x111: {  	v2 =	vld [tilespmem:s31+$0xFFFFFF60];
	_ =	sdelay $0x2  }
0x112: {  	v0 =	vadd.f32 v1, v0;
	_ =	sdelay $0x1  }
0x113: {  	v0 =	vadd.f32 v2, v0;
	_ =	sdelay $0x1  }
0x114: {  	[tilespmem:s7+$0xFFFFFF60] =	vst v0;
	v0 =	vld [tilespmem:s7+$0xFFFFFF70]  }
0x115: {  	v1 =	vld [tilespmem:s13+$0xFFFFFF70];
	_ =	sdelay $0x1  }
0x116: {  	v2 =	vld [tilespmem:s31+$0xFFFFFF70];
	_ =	sdelay $0x2  }
0x117: {  	v0 =	vadd.f32 v1, v0;
	_ =	sdelay $0x1  }
0x118: {  	v0 =	vadd.f32 v2, v0;
	_ =	sdelay $0x1  }
0x119: {  	[tilespmem:s7+$0xFFFFFF70] =	vst v0;
	v0 =	vld [tilespmem:s7+$0xFFFFFF80]  }
0x11a: {  	v1 =	vld [tilespmem:s13+$0xFFFFFF80];
	_ =	sdelay $0x1  }
0x11b: {  	v2 =	vld [tilespmem:s31+$0xFFFFFF80];
	_ =	sdelay $0x2  }
0x11c: {  	v0 =	vadd.f32 v1, v0;
	_ =	sdelay $0x1  }
0x11d: {  	v0 =	vadd.f32 v2, v0;
	_ =	sdelay $0x1  }
0x11e: {  	[tilespmem:s7+$0xFFFFFF80] =	vst v0;
	v0 =	vld [tilespmem:s7+$0xFFFFFF90]  }
0x11f: {  	v1 =	vld [tilespmem:s13+$0xFFFFFF90];
	_ =	sdelay $0x1  }
0x120: {  	v2 =	vld [tilespmem:s31+$0xFFFFFF90];
	_ =	sdelay $0x2  }
0x121: {  	v0 =	vadd.f32 v1, v0;
	_ =	sdelay $0x1  }
0x122: {  	v0 =	vadd.f32 v2, v0;
	_ =	sdelay $0x1  }
0x123: {  	[tilespmem:s7+$0xFFFFFF90] =	vst v0;
	v0 =	vld [tilespmem:s7+$0xFFFFFFA0]  }
0x124: {  	v1 =	vld [tilespmem:s13+$0xFFFFFFA0];
	_ =	sdelay $0x1  }
0x125: {  	v2 =	vld [tilespmem:s31+$0xFFFFFFA0];
	_ =	sdelay $0x2  }
0x126: {  	v0 =	vadd.f32 v1, v0;
	_ =	sdelay $0x1  }
0x127: {  	v0 =	vadd.f32 v2, v0;
	_ =	sdelay $0x1  }
0x128: {  	[tilespmem:s7+$0xFFFFFFA0] =	vst v0;
	v0 =	vld [tilespmem:s7+$0xFFFFFFB0]  }
0x129: {  	v1 =	vld [tilespmem:s13+$0xFFFFFFB0];
	_ =	sdelay $0x1  }
0x12a: {  	v2 =	vld [tilespmem:s31+$0xFFFFFFB0];
	_ =	sdelay $0x2  }
0x12b: {  	v0 =	vadd.f32 v1, v0;
	_ =	sdelay $0x1  }
0x12c: {  	v0 =	vadd.f32 v2, v0;
	_ =	sdelay $0x1  }
0x12d: {  	[tilespmem:s7+$0xFFFFFFB0] =	vst v0;
	v0 =	vld [tilespmem:s7+$0xFFFFFFC0]  }
0x12e: {  	v1 =	vld [tilespmem:s13+$0xFFFFFFC0];
	_ =	sdelay $0x1  }
0x12f: {  	v2 =	vld [tilespmem:s31+$0xFFFFFFC0];
	_ =	sdelay $0x2  }
0x130: {  	v0 =	vadd.f32 v1, v0;
	_ =	sdelay $0x1  }
0x131: {  	v0 =	vadd.f32 v2, v0;
	_ =	sdelay $0x1  }
0x132: {  	[tilespmem:s7+$0xFFFFFFC0] =	vst v0;
	v0 =	vld [tilespmem:s7+$0xFFFFFFD0]  }
0x133: {  	v1 =	vld [tilespmem:s13+$0xFFFFFFD0];
	_ =	sdelay $0x1  }
0x134: {  	v2 =	vld [tilespmem:s31+$0xFFFFFFD0];
	_ =	sdelay $0x2  }
0x135: {  	v0 =	vadd.f32 v1, v0;
	_ =	sdelay $0x1  }
0x136: {  	v0 =	vadd.f32 v2, v0;
	_ =	sdelay $0x1  }
0x137: {  	[tilespmem:s7+$0xFFFFFFD0] =	vst v0;
	v0 =	vld [tilespmem:s7+$0xFFFFFFE0]  }
0x138: {  	v1 =	vld [tilespmem:s13+$0xFFFFFFE0];
	_ =	sdelay $0x1  }
0x139: {  	v2 =	vld [tilespmem:s31+$0xFFFFFFE0];
	_ =	sdelay $0x2  }
0x13a: {  	v0 =	vadd.f32 v1, v0;
	_ =	sdelay $0x1  }
0x13b: {  	v0 =	vadd.f32 v2, v0;
	_ =	sdelay $0x1  }
0x13c: {  	[tilespmem:s7+$0xFFFFFFE0] =	vst v0;
	v0 =	vld [tilespmem:s7+$0xFFFFFFF0]  }
0x13d: {  	v1 =	vld [tilespmem:s13+$0xFFFFFFF0];
	_ =	sdelay $0x1  }
0x13e: {  	v2 =	vld [tilespmem:s31+$0xFFFFFFF0];
	_ =	sdelay $0x2  }
0x13f: {  	v0 =	vadd.f32 v1, v0;
	_ =	sdelay $0x1  }
0x140: {  	v0 =	vadd.f32 v2, v0;
	_ =	sdelay $0x1  }
0x141: {  	[tilespmem:s7+$0xFFFFFFF0] =	vst v0;
	v0 =	vld [tilespmem:s7+$0x0]  }
0x142: {  	v1 =	vld [tilespmem:s13+$0x0];
	_ =	sdelay $0x1  }
0x143: {  	v2 =	vld [tilespmem:s31+$0x0];
	_ =	sdelay $0x2  }
0x144: {  	v0 =	vadd.f32 v1, v0;
	_ =	sdelay $0x1  }
0x145: {  	v0 =	vadd.f32 v2, v0;
	_ =	sdelay $0x1  }
0x146: {  	[tilespmem:s7+$0x0] =	vst v0;
	v0 =	vld [tilespmem:s7+$0x10]  }
0x147: {  	v1 =	vld [tilespmem:s13+$0x10]  }
0x148: {  	v2 =	vld [tilespmem:s31+$0x10];
	_ =	sdelay $0x3  }
0x149: {  	v0 =	vadd.f32 v1, v0;
	_ =	sdelay $0x1  }
0x14a: {  	v0 =	vadd.f32 v2, v0;
	_ =	sdelay $0x1  }
0x14b: {  	[tilespmem:s7+$0x10] =	vst v0;
	v0 =	vld [tilespmem:s7+$0x20]  }
0x14c: {  	v1 =	vld [tilespmem:s13+$0x20]  }
0x14d: {  	v2 =	vld [tilespmem:s31+$0x20];
	_ =	sdelay $0x3  }
0x14e: {  	v0 =	vadd.f32 v1, v0;
	_ =	sdelay $0x1  }
0x14f: {  	v0 =	vadd.f32 v2, v0;
	_ =	sdelay $0x1  }
0x150: {  	[tilespmem:s7+$0x20] =	vst v0;
	v0 =	vld [tilespmem:s7+$0x30]  }
0x151: {  	v1 =	vld [tilespmem:s13+$0x30]  }
0x152: {  	v2 =	vld [tilespmem:s31+$0x30];
	_ =	sdelay $0x3  }
0x153: {  	v0 =	vadd.f32 v1, v0;
	_ =	sdelay $0x1  }
0x154: {  	v0 =	vadd.f32 v2, v0;
	_ =	sdelay $0x1  }
0x155: {  	[tilespmem:s7+$0x30] =	vst v0;
	v0 =	vld [tilespmem:s7+$0x40]  }
0x156: {  	v1 =	vld [tilespmem:s13+$0x40]  }
0x157: {  	v2 =	vld [tilespmem:s31+$0x40];
	_ =	sdelay $0x3  }
0x158: {  	v0 =	vadd.f32 v1, v0;
	_ =	sdelay $0x1  }
0x159: {  	v0 =	vadd.f32 v2, v0;
	_ =	sdelay $0x1  }
0x15a: {  	[tilespmem:s7+$0x40] =	vst v0;
	v0 =	vld [tilespmem:s7+$0x50]  }
0x15b: {  	v1 =	vld [tilespmem:s13+$0x50]  }
0x15c: {  	v2 =	vld [tilespmem:s31+$0x50];
	_ =	sdelay $0x3  }
0x15d: {  	v0 =	vadd.f32 v1, v0;
	_ =	sdelay $0x1  }
0x15e: {  	v0 =	vadd.f32 v2, v0;
	_ =	sdelay $0x1  }
0x15f: {  	[tilespmem:s7+$0x50] =	vst v0;
	v0 =	vld [tilespmem:s7+$0x60]  }
0x160: {  	v1 =	vld [tilespmem:s13+$0x60]  }
0x161: {  	v2 =	vld [tilespmem:s31+$0x60];
	_ =	sdelay $0x3  }
0x162: {  	v0 =	vadd.f32 v1, v0;
	_ =	sdelay $0x1  }
0x163: {  	v0 =	vadd.f32 v2, v0;
	_ =	sdelay $0x1  }
0x164: {  	[tilespmem:s7+$0x60] =	vst v0;
	v0 =	vld [tilespmem:s7+$0x70]  }
0x165: {  	v1 =	vld [tilespmem:s13+$0x70]  }
0x166: {  	v2 =	vld [tilespmem:s31+$0x70];
	_ =	sdelay $0x3  }
0x167: {  	v0 =	vadd.f32 v1, v0;
	_ =	sdelay $0x1  }
0x168: {  	v0 =	vadd.f32 v2, v0;
	_ =	sdelay $0x1  }
0x169: {  	[tilespmem:s7+$0x70] =	vst v0;
	v0 =	vld [tilespmem:s7+$0x80]  }
0x16a: {  	v1 =	vld [tilespmem:s13+$0x80]  }
0x16b: {  	v2 =	vld [tilespmem:s31+$0x80];
	_ =	sdelay $0x3  }
0x16c: {  	v0 =	vadd.f32 v1, v0;
	_ =	sdelay $0x1  }
0x16d: {  	v0 =	vadd.f32 v2, v0;
	_ =	sdelay $0x1  }
0x16e: {  	[tilespmem:s7+$0x80] =	vst v0;
	v0 =	vld [tilespmem:s7+$0x90]  }
0x16f: {  	v1 =	vld [tilespmem:s13+$0x90]  }
0x170: {  	v2 =	vld [tilespmem:s31+$0x90];
	_ =	sdelay $0x3  }
0x171: {  	v0 =	vadd.f32 v1, v0;
	_ =	sdelay $0x1  }
0x172: {  	v0 =	vadd.f32 v2, v0;
	_ =	sdelay $0x1  }
0x173: {  	[tilespmem:s7+$0x90] =	vst v0;
	v0 =	vld [tilespmem:s7+$0xA0]  }
0x174: {  	v1 =	vld [tilespmem:s13+$0xA0]  }
0x175: {  	v2 =	vld [tilespmem:s31+$0xA0];
	_ =	sdelay $0x3  }
0x176: {  	v0 =	vadd.f32 v1, v0;
	_ =	sdelay $0x1  }
0x177: {  	v0 =	vadd.f32 v2, v0;
	_ =	sdelay $0x1  }
0x178: {  	[tilespmem:s7+$0xA0] =	vst v0;
	v0 =	vld [tilespmem:s7+$0xB0]  }
0x179: {  	v1 =	vld [tilespmem:s13+$0xB0]  }
0x17a: {  	v2 =	vld [tilespmem:s31+$0xB0];
	_ =	sdelay $0x3  }
0x17b: {  	v0 =	vadd.f32 v1, v0;
	_ =	sdelay $0x1  }
0x17c: {  	v0 =	vadd.f32 v2, v0;
	_ =	sdelay $0x1  }
0x17d: {  	[tilespmem:s7+$0xB0] =	vst v0;
	v0 =	vld [tilespmem:s7+$0xC0]  }
0x17e: {  	v1 =	vld [tilespmem:s13+$0xC0]  }
0x17f: {  	v2 =	vld [tilespmem:s31+$0xC0];
	_ =	sdelay $0x3  }
0x180: {  	v0 =	vadd.f32 v1, v0;
	_ =	sdelay $0x1  }
0x181: {  	v0 =	vadd.f32 v2, v0;
	_ =	sdelay $0x1  }
0x182: {  	[tilespmem:s7+$0xC0] =	vst v0;
	v0 =	vld [tilespmem:s7+$0xD0]  }
0x183: {  	v1 =	vld [tilespmem:s13+$0xD0]  }
0x184: {  	v2 =	vld [tilespmem:s31+$0xD0];
	_ =	sdelay $0x3  }
0x185: {  	v0 =	vadd.f32 v1, v0;
	_ =	sdelay $0x1  }
0x186: {  	v0 =	vadd.f32 v2, v0;
	_ =	sdelay $0x1  }
0x187: {  	[tilespmem:s7+$0xD0] =	vst v0;
	v0 =	vld [tilespmem:s7+$0xE0]  }
0x188: {  	v1 =	vld [tilespmem:s13+$0xE0]  }
0x189: {  	v2 =	vld [tilespmem:s31+$0xE0];
	_ =	sdelay $0x3  }
0x18a: {  	v0 =	vadd.f32 v1, v0;
	_ =	sdelay $0x1  }
0x18b: {  	v0 =	vadd.f32 v2, v0;
	_ =	sdelay $0x1  }
0x18c: {  	[tilespmem:s7+$0xE0] =	vst v0;
	v0 =	vld [tilespmem:s7+$0xF0]  }
0x18d: {  	v1 =	vld [tilespmem:s13+$0xF0]  }
0x18e: {  	v2 =	vld [tilespmem:s31+$0xF0];
	_ =	sdelay $0x2  }
.Ltmp0:
0x18f: {  	(pc) =	sbr.rel @p0 .LBB2_3-.Ltmp0, $3  }
0x190: {  	v0 =	vadd.f32 v1, v0;
	_ =	sdelay $0x1  }
0x191: {  	v0 =	vadd.f32 v2, v0  }
0x192: {  	s7 =	sadd.s32 $0x200, s7  }
0x193: {  	s0 =	sadd.s32 s12, s20  }
0x194: {  	s0 =	sshll.u32 s0, $0x4  }
0x195: {  	[tilespmem:s14+$0xF0] =	vst v0;
	s0 =	sadd.s32 s10, s0  }
0x196: {  	[hbm4b:s0+s3] =	stream.linear.scatter [tilespmem:s30], [sflag:$0x5], $0x5000, $0x38;
	[tilespmem:$0x1E600] =	vst v63  }
0x197: {  	_ =	swait.ge [sflag:s16], $0x5000  }
0x198: {  	[sflag:s16] =	ssyncset.done $0x0  }
0x199: {  	[sflag:s16] =	ssyncadd.s32 $0xFFFFB000  }
0x19a: {  	_ =	swait.ge [sflag:s28], $0xA0  }
0x19b: {  	[sflag:s28] =	ssyncset.done $0x0  }
0x19c: {  	[sflag:s28] =	ssyncadd.s32 $0xFFFFFF60  }
0x19d: {  	_ =	swait.ge [sflag:s28], $0xA0  }
0x19e: {  	[sflag:s28] =	ssyncset.done $0x0  }
0x19f: {  	[sflag:s28] =	ssyncadd.s32 $0xFFFFFF60  }
0x1a0: {  	_ =	swait.ge [sflag:s28], $0xA0  }
0x1a1: {  	[sflag:s28] =	ssyncset.done $0x0  }
0x1a2: {  	[sflag:s28] =	ssyncadd.s32 $0xFFFFFF60  }
0x1a3: {  	[tilespmem:s30], [sflag:$0x1] =	stream.indirect.gather [hbm4b:s1+s29], $0x80, s3, s29, $0xb8;
	[tilespmem:$0x1E600] =	vst v63  }
0x1a4: {  	s14 =	simm.s32 $0x5300  }
0x1a5: {  	[tilespmem:s14], [sflag:$0x1] =	stream.indirect.gather [hbm4b:s4+s29], $0x80, s22, s29, $0xb8;
	[tilespmem:$0x1E600] =	vst v63  }
0x1a6: {  	s7 =	simm.s32 $0xA300  }
0x1a7: {  	[tilespmem:s7], [sflag:$0x1] =	stream.indirect.gather [hbm4b:s5+s29], $0x80, s23, s29, $0xb8;
	[tilespmem:$0x1E600] =	vst v63  }
0x1a8: {  	_ =	swait.ge [sflag:s17], $0x5000  }
0x1a9: {  	[sflag:s17] =	ssyncset.done $0x0  }
0x1aa: {  	s13 =	sshll.u32 s21, $0x1;
	[sflag:s17] =	ssyncadd.s32 $0xFFFFB000  }
0x1ab: {  	s0 =	smin.u32 s13, $0x79;
	_ =	swait.ge [sflag:s17], $0x5000  }
0x1ac: {  	s0 =	smul.u32 $0xA0, s0;
	[sflag:s17] =	ssyncset.done $0x0  }
0x1ad: {  	[sflag:s17] =	ssyncadd.s32 $0xFFFFB000  }
0x1ae: {  	s0 =	sadd.s32 s0, s19;
	_ =	swait.ge [sflag:s17], $0x5000  }
0x1af: {  	s0 =	sshrl.u32 s0, $0x3;
	[sflag:s17] =	ssyncset.done $0x0  }
0x1b0: {  	s7 =	sadd.s32 s6, s0;
	[sflag:s17] =	ssyncadd.s32 $0xFFFFB000  }
0x1b1: {  	[tilespmem:s24], [sflag:$0x4] =	stream.linear.gather [hbm4b:s7+s3], $0xA0, $0x38;
	[tilespmem:$0x1E600] =	vst v63  }
0x1b2: {  	s14 =	sadd.s32 s8, s0  }
0x1b3: {  	[tilespmem:s25], [sflag:$0x4] =	stream.linear.gather [hbm4b:s14+s3], $0xA0, $0x38;
	[tilespmem:$0x1E600] =	vst v63  }
0x1b4: {  	s0 =	sadd.s32 s9, s0;
	s14 =	simm.s32 $0xF700  }
0x1b5: {  	[tilespmem:s26], [sflag:$0x4] =	stream.linear.gather [hbm4b:s0+s3], $0xA0, $0x38;
	[tilespmem:$0x1E600] =	vst v63  }
0x1b6: {  	s13 =	simm.s32 $0x14700;
	v0 =	vld [tilespmem:s14+$0xFFFFFF00]  }
0x1b7: {  	v1 =	vld [tilespmem:s13+$0xFFFFFF00]  }
0x1b8: {  	s31 =	simm.s32 $0x19700  }
0x1b9: {  	v2 =	vld [tilespmem:s31+$0xFFFFFF00];
	_ =	sdelay $0x2  }
0x1ba: {  	v0 =	vadd.f32 v1, v0;
	_ =	sdelay $0x1  }
0x1bb: {  	v0 =	vadd.f32 v2, v0;
	_ =	sdelay $0x1  }
0x1bc: {  	[tilespmem:s14+$0xFFFFFF00] =	vst v0;
	v0 =	vld [tilespmem:s14+$0xFFFFFF10]  }
0x1bd: {  	v1 =	vld [tilespmem:s13+$0xFFFFFF10];
	_ =	sdelay $0x1  }
0x1be: {  	v2 =	vld [tilespmem:s31+$0xFFFFFF10];
	_ =	sdelay $0x2  }
0x1bf: {  	v0 =	vadd.f32 v1, v0;
	_ =	sdelay $0x1  }
0x1c0: {  	v0 =	vadd.f32 v2, v0;
	_ =	sdelay $0x1  }
0x1c1: {  	[tilespmem:s14+$0xFFFFFF10] =	vst v0;
	v0 =	vld [tilespmem:s14+$0xFFFFFF20]  }
0x1c2: {  	v1 =	vld [tilespmem:s13+$0xFFFFFF20];
	_ =	sdelay $0x1  }
0x1c3: {  	v2 =	vld [tilespmem:s31+$0xFFFFFF20];
	_ =	sdelay $0x2  }
0x1c4: {  	v0 =	vadd.f32 v1, v0;
	_ =	sdelay $0x1  }
0x1c5: {  	v0 =	vadd.f32 v2, v0;
	_ =	sdelay $0x1  }
0x1c6: {  	[tilespmem:s14+$0xFFFFFF20] =	vst v0;
	v0 =	vld [tilespmem:s14+$0xFFFFFF30]  }
0x1c7: {  	v1 =	vld [tilespmem:s13+$0xFFFFFF30];
	_ =	sdelay $0x1  }
0x1c8: {  	v2 =	vld [tilespmem:s31+$0xFFFFFF30];
	_ =	sdelay $0x2  }
0x1c9: {  	v0 =	vadd.f32 v1, v0;
	_ =	sdelay $0x1  }
0x1ca: {  	v0 =	vadd.f32 v2, v0;
	_ =	sdelay $0x1  }
0x1cb: {  	[tilespmem:s14+$0xFFFFFF30] =	vst v0;
	v0 =	vld [tilespmem:s14+$0xFFFFFF40]  }
0x1cc: {  	v1 =	vld [tilespmem:s13+$0xFFFFFF40];
	_ =	sdelay $0x1  }
0x1cd: {  	v2 =	vld [tilespmem:s31+$0xFFFFFF40];
	_ =	sdelay $0x2  }
0x1ce: {  	v0 =	vadd.f32 v1, v0;
	_ =	sdelay $0x1  }
0x1cf: {  	v0 =	vadd.f32 v2, v0;
	_ =	sdelay $0x1  }
0x1d0: {  	[tilespmem:s14+$0xFFFFFF40] =	vst v0;
	v0 =	vld [tilespmem:s14+$0xFFFFFF50]  }
0x1d1: {  	v1 =	vld [tilespmem:s13+$0xFFFFFF50];
	_ =	sdelay $0x1  }
0x1d2: {  	v2 =	vld [tilespmem:s31+$0xFFFFFF50];
	_ =	sdelay $0x2  }
0x1d3: {  	v0 =	vadd.f32 v1, v0;
	_ =	sdelay $0x1  }
0x1d4: {  	v0 =	vadd.f32 v2, v0;
	_ =	sdelay $0x1  }
0x1d5: {  	[tilespmem:s14+$0xFFFFFF50] =	vst v0;
	v0 =	vld [tilespmem:s14+$0xFFFFFF60]  }
0x1d6: {  	v1 =	vld [tilespmem:s13+$0xFFFFFF60];
	_ =	sdelay $0x1  }
0x1d7: {  	v2 =	vld [tilespmem:s31+$0xFFFFFF60];
	_ =	sdelay $0x2  }
0x1d8: {  	v0 =	vadd.f32 v1, v0;
	_ =	sdelay $0x1  }
0x1d9: {  	v0 =	vadd.f32 v2, v0;
	_ =	sdelay $0x1  }
0x1da: {  	[tilespmem:s14+$0xFFFFFF60] =	vst v0;
	v0 =	vld [tilespmem:s14+$0xFFFFFF70]  }
0x1db: {  	v1 =	vld [tilespmem:s13+$0xFFFFFF70];
	_ =	sdelay $0x1  }
0x1dc: {  	v2 =	vld [tilespmem:s31+$0xFFFFFF70];
	_ =	sdelay $0x2  }
0x1dd: {  	v0 =	vadd.f32 v1, v0;
	_ =	sdelay $0x1  }
0x1de: {  	v0 =	vadd.f32 v2, v0;
	_ =	sdelay $0x1  }
0x1df: {  	[tilespmem:s14+$0xFFFFFF70] =	vst v0;
	v0 =	vld [tilespmem:s14+$0xFFFFFF80]  }
0x1e0: {  	v1 =	vld [tilespmem:s13+$0xFFFFFF80];
	_ =	sdelay $0x1  }
0x1e1: {  	v2 =	vld [tilespmem:s31+$0xFFFFFF80];
	_ =	sdelay $0x2  }
0x1e2: {  	v0 =	vadd.f32 v1, v0;
	_ =	sdelay $0x1  }
0x1e3: {  	v0 =	vadd.f32 v2, v0;
	_ =	sdelay $0x1  }
0x1e4: {  	[tilespmem:s14+$0xFFFFFF80] =	vst v0;
	v0 =	vld [tilespmem:s14+$0xFFFFFF90]  }
0x1e5: {  	v1 =	vld [tilespmem:s13+$0xFFFFFF90];
	_ =	sdelay $0x1  }
0x1e6: {  	v2 =	vld [tilespmem:s31+$0xFFFFFF90];
	_ =	sdelay $0x2  }
0x1e7: {  	v0 =	vadd.f32 v1, v0;
	_ =	sdelay $0x1  }
0x1e8: {  	v0 =	vadd.f32 v2, v0;
	_ =	sdelay $0x1  }
0x1e9: {  	[tilespmem:s14+$0xFFFFFF90] =	vst v0;
	v0 =	vld [tilespmem:s14+$0xFFFFFFA0]  }
0x1ea: {  	v1 =	vld [tilespmem:s13+$0xFFFFFFA0];
	_ =	sdelay $0x1  }
0x1eb: {  	v2 =	vld [tilespmem:s31+$0xFFFFFFA0];
	_ =	sdelay $0x2  }
0x1ec: {  	v0 =	vadd.f32 v1, v0;
	_ =	sdelay $0x1  }
0x1ed: {  	v0 =	vadd.f32 v2, v0;
	_ =	sdelay $0x1  }
0x1ee: {  	[tilespmem:s14+$0xFFFFFFA0] =	vst v0;
	v0 =	vld [tilespmem:s14+$0xFFFFFFB0]  }
0x1ef: {  	v1 =	vld [tilespmem:s13+$0xFFFFFFB0];
	_ =	sdelay $0x1  }
0x1f0: {  	v2 =	vld [tilespmem:s31+$0xFFFFFFB0];
	_ =	sdelay $0x2  }
0x1f1: {  	v0 =	vadd.f32 v1, v0;
	_ =	sdelay $0x1  }
0x1f2: {  	v0 =	vadd.f32 v2, v0;
	_ =	sdelay $0x1  }
0x1f3: {  	[tilespmem:s14+$0xFFFFFFB0] =	vst v0;
	v0 =	vld [tilespmem:s14+$0xFFFFFFC0]  }
0x1f4: {  	v1 =	vld [tilespmem:s13+$0xFFFFFFC0];
	_ =	sdelay $0x1  }
0x1f5: {  	v2 =	vld [tilespmem:s31+$0xFFFFFFC0];
	_ =	sdelay $0x2  }
0x1f6: {  	v0 =	vadd.f32 v1, v0;
	_ =	sdelay $0x1  }
0x1f7: {  	v0 =	vadd.f32 v2, v0;
	_ =	sdelay $0x1  }
0x1f8: {  	[tilespmem:s14+$0xFFFFFFC0] =	vst v0;
	v0 =	vld [tilespmem:s14+$0xFFFFFFD0]  }
0x1f9: {  	v1 =	vld [tilespmem:s13+$0xFFFFFFD0];
	_ =	sdelay $0x1  }
0x1fa: {  	v2 =	vld [tilespmem:s31+$0xFFFFFFD0];
	_ =	sdelay $0x2  }
0x1fb: {  	v0 =	vadd.f32 v1, v0;
	_ =	sdelay $0x1  }
0x1fc: {  	v0 =	vadd.f32 v2, v0;
	_ =	sdelay $0x1  }
0x1fd: {  	[tilespmem:s14+$0xFFFFFFD0] =	vst v0;
	v0 =	vld [tilespmem:s14+$0xFFFFFFE0]  }
0x1fe: {  	v1 =	vld [tilespmem:s13+$0xFFFFFFE0];
	_ =	sdelay $0x1  }
0x1ff: {  	v2 =	vld [tilespmem:s31+$0xFFFFFFE0];
	_ =	sdelay $0x2  }
0x200: {  	v0 =	vadd.f32 v1, v0;
	_ =	sdelay $0x1  }
0x201: {  	v0 =	vadd.f32 v2, v0;
	_ =	sdelay $0x1  }
0x202: {  	[tilespmem:s14+$0xFFFFFFE0] =	vst v0;
	v0 =	vld [tilespmem:s14+$0xFFFFFFF0]  }
0x203: {  	v1 =	vld [tilespmem:s13+$0xFFFFFFF0];
	_ =	sdelay $0x1  }
0x204: {  	v2 =	vld [tilespmem:s31+$0xFFFFFFF0];
	_ =	sdelay $0x2  }
0x205: {  	v0 =	vadd.f32 v1, v0;
	_ =	sdelay $0x1  }
0x206: {  	v0 =	vadd.f32 v2, v0;
	_ =	sdelay $0x1  }
0x207: {  	[tilespmem:s14+$0xFFFFFFF0] =	vst v0;
	v0 =	vld [tilespmem:s14+$0x0]  }
0x208: {  	v1 =	vld [tilespmem:s13+$0x0];
	_ =	sdelay $0x1  }
0x209: {  	v2 =	vld [tilespmem:s31+$0x0];
	_ =	sdelay $0x2  }
0x20a: {  	v0 =	vadd.f32 v1, v0;
	_ =	sdelay $0x1  }
0x20b: {  	v0 =	vadd.f32 v2, v0;
	_ =	sdelay $0x1  }
0x20c: {  	[tilespmem:s14+$0x0] =	vst v0;
	v0 =	vld [tilespmem:s14+$0x10]  }
0x20d: {  	v1 =	vld [tilespmem:s13+$0x10];
	_ =	sdelay $0x1  }
0x20e: {  	v2 =	vld [tilespmem:s31+$0x10];
	_ =	sdelay $0x2  }
0x20f: {  	v0 =	vadd.f32 v1, v0;
	_ =	sdelay $0x1  }
0x210: {  	v0 =	vadd.f32 v2, v0;
	_ =	sdelay $0x1  }
0x211: {  	[tilespmem:s14+$0x10] =	vst v0;
	v0 =	vld [tilespmem:s14+$0x20]  }
0x212: {  	v1 =	vld [tilespmem:s13+$0x20];
	_ =	sdelay $0x1  }
0x213: {  	v2 =	vld [tilespmem:s31+$0x20];
	_ =	sdelay $0x2  }
0x214: {  	v0 =	vadd.f32 v1, v0;
	_ =	sdelay $0x1  }
0x215: {  	v0 =	vadd.f32 v2, v0;
	_ =	sdelay $0x1  }
0x216: {  	[tilespmem:s14+$0x20] =	vst v0;
	v0 =	vld [tilespmem:s14+$0x30]  }
0x217: {  	v1 =	vld [tilespmem:s13+$0x30];
	_ =	sdelay $0x1  }
0x218: {  	v2 =	vld [tilespmem:s31+$0x30];
	_ =	sdelay $0x2  }
0x219: {  	v0 =	vadd.f32 v1, v0;
	_ =	sdelay $0x1  }
0x21a: {  	v0 =	vadd.f32 v2, v0;
	_ =	sdelay $0x1  }
0x21b: {  	[tilespmem:s14+$0x30] =	vst v0;
	v0 =	vld [tilespmem:s14+$0x40]  }
0x21c: {  	v1 =	vld [tilespmem:s13+$0x40];
	_ =	sdelay $0x1  }
0x21d: {  	v2 =	vld [tilespmem:s31+$0x40];
	_ =	sdelay $0x2  }
0x21e: {  	v0 =	vadd.f32 v1, v0;
	_ =	sdelay $0x1  }
0x21f: {  	v0 =	vadd.f32 v2, v0;
	_ =	sdelay $0x1  }
0x220: {  	[tilespmem:s14+$0x40] =	vst v0;
	v0 =	vld [tilespmem:s14+$0x50]  }
0x221: {  	v1 =	vld [tilespmem:s13+$0x50];
	_ =	sdelay $0x1  }
0x222: {  	v2 =	vld [tilespmem:s31+$0x50];
	_ =	sdelay $0x2  }
0x223: {  	v0 =	vadd.f32 v1, v0;
	_ =	sdelay $0x1  }
0x224: {  	v0 =	vadd.f32 v2, v0;
	_ =	sdelay $0x1  }
0x225: {  	[tilespmem:s14+$0x50] =	vst v0;
	v0 =	vld [tilespmem:s14+$0x60]  }
0x226: {  	v1 =	vld [tilespmem:s13+$0x60];
	_ =	sdelay $0x1  }
0x227: {  	v2 =	vld [tilespmem:s31+$0x60];
	_ =	sdelay $0x2  }
0x228: {  	v0 =	vadd.f32 v1, v0;
	_ =	sdelay $0x1  }
0x229: {  	v0 =	vadd.f32 v2, v0;
	_ =	sdelay $0x1  }
0x22a: {  	[tilespmem:s14+$0x60] =	vst v0;
	v0 =	vld [tilespmem:s14+$0x70]  }
0x22b: {  	v1 =	vld [tilespmem:s13+$0x70];
	_ =	sdelay $0x1  }
0x22c: {  	v2 =	vld [tilespmem:s31+$0x70];
	_ =	sdelay $0x2  }
0x22d: {  	v0 =	vadd.f32 v1, v0;
	_ =	sdelay $0x1  }
0x22e: {  	v0 =	vadd.f32 v2, v0;
	_ =	sdelay $0x1  }
0x22f: {  	[tilespmem:s14+$0x70] =	vst v0;
	v0 =	vld [tilespmem:s14+$0x80]  }
0x230: {  	v1 =	vld [tilespmem:s13+$0x80];
	_ =	sdelay $0x1  }
0x231: {  	v2 =	vld [tilespmem:s31+$0x80];
	_ =	sdelay $0x2  }
0x232: {  	v0 =	vadd.f32 v1, v0;
	_ =	sdelay $0x1  }
0x233: {  	v0 =	vadd.f32 v2, v0;
	_ =	sdelay $0x1  }
0x234: {  	[tilespmem:s14+$0x80] =	vst v0;
	v0 =	vld [tilespmem:s14+$0x90]  }
0x235: {  	v1 =	vld [tilespmem:s13+$0x90];
	_ =	sdelay $0x1  }
0x236: {  	v2 =	vld [tilespmem:s31+$0x90];
	_ =	sdelay $0x2  }
0x237: {  	v0 =	vadd.f32 v1, v0;
	_ =	sdelay $0x1  }
0x238: {  	v0 =	vadd.f32 v2, v0;
	_ =	sdelay $0x1  }
0x239: {  	[tilespmem:s14+$0x90] =	vst v0;
	v0 =	vld [tilespmem:s14+$0xA0]  }
0x23a: {  	v1 =	vld [tilespmem:s13+$0xA0];
	_ =	sdelay $0x1  }
0x23b: {  	v2 =	vld [tilespmem:s31+$0xA0];
	_ =	sdelay $0x2  }
0x23c: {  	v0 =	vadd.f32 v1, v0;
	_ =	sdelay $0x1  }
0x23d: {  	v0 =	vadd.f32 v2, v0;
	_ =	sdelay $0x1  }
0x23e: {  	[tilespmem:s14+$0xA0] =	vst v0;
	v0 =	vld [tilespmem:s14+$0xB0]  }
0x23f: {  	v1 =	vld [tilespmem:s13+$0xB0];
	_ =	sdelay $0x1  }
0x240: {  	v2 =	vld [tilespmem:s31+$0xB0];
	_ =	sdelay $0x2  }
0x241: {  	v0 =	vadd.f32 v1, v0;
	_ =	sdelay $0x1  }
0x242: {  	v0 =	vadd.f32 v2, v0;
	_ =	sdelay $0x1  }
0x243: {  	[tilespmem:s14+$0xB0] =	vst v0;
	v0 =	vld [tilespmem:s14+$0xC0]  }
0x244: {  	v1 =	vld [tilespmem:s13+$0xC0];
	_ =	sdelay $0x1  }
0x245: {  	v2 =	vld [tilespmem:s31+$0xC0];
	_ =	sdelay $0x2  }
0x246: {  	v0 =	vadd.f32 v1, v0;
	_ =	sdelay $0x1  }
0x247: {  	v0 =	vadd.f32 v2, v0;
	_ =	sdelay $0x1  }
0x248: {  	[tilespmem:s14+$0xC0] =	vst v0;
	v0 =	vld [tilespmem:s14+$0xD0]  }
0x249: {  	v1 =	vld [tilespmem:s13+$0xD0];
	_ =	sdelay $0x1  }
0x24a: {  	v2 =	vld [tilespmem:s31+$0xD0];
	_ =	sdelay $0x2  }
0x24b: {  	v0 =	vadd.f32 v1, v0;
	_ =	sdelay $0x1  }
0x24c: {  	v0 =	vadd.f32 v2, v0;
	_ =	sdelay $0x1  }
0x24d: {  	[tilespmem:s14+$0xD0] =	vst v0;
	v0 =	vld [tilespmem:s14+$0xE0]  }
0x24e: {  	v1 =	vld [tilespmem:s13+$0xE0];
	_ =	sdelay $0x1  }
0x24f: {  	v2 =	vld [tilespmem:s31+$0xE0];
	_ =	sdelay $0x2  }
0x250: {  	v0 =	vadd.f32 v1, v0;
	_ =	sdelay $0x1  }
0x251: {  	v0 =	vadd.f32 v2, v0;
	_ =	sdelay $0x1  }
0x252: {  	[tilespmem:s14+$0xE0] =	vst v0;
	v0 =	vld [tilespmem:s14+$0xF0]  }
0x253: {  	v1 =	vld [tilespmem:s13+$0xF0];
	_ =	sdelay $0x1  }
0x254: {  	v2 =	vld [tilespmem:s31+$0xF0];
	_ =	sdelay $0x2  }
0x255: {  	v0 =	vadd.f32 v1, v0;
	_ =	sdelay $0x1  }
0x256: {  	v0 =	vadd.f32 v2, v0  }
0x257: {  	s7 =	simm.s32 $0xF900;
	s0 =	simm.s32 $0x0  }
.LBB2_5:
0x258: {  	v1 =	vld [tilespmem:s7+$0xFFFFFF00];
	s0 =	sadd.s32 $0x4, s0;
	[tilespmem:s14+$0xF0] =	vst v0;
	s13 =	sadd.s32 $0x200, s13;
	s31 =	sadd.s32 $0x200, s31  }
0x259: {  	s14 =	smov.u32 s7;
	v0 =	vld [tilespmem:s13+$0xFFFFFF00];
	p0 =	slt.u32 s0, $0x9C;
	_ =	sdelay $0x1  }
0x25a: {  	v2 =	vld [tilespmem:s31+$0xFFFFFF00];
	_ =	sdelay $0x2  }
0x25b: {  	v0 =	vadd.f32 v0, v1;
	_ =	sdelay $0x1  }
0x25c: {  	v0 =	vadd.f32 v2, v0;
	_ =	sdelay $0x1  }
0x25d: {  	[tilespmem:s7+$0xFFFFFF00] =	vst v0;
	v0 =	vld [tilespmem:s7+$0xFFFFFF10]  }
0x25e: {  	v1 =	vld [tilespmem:s13+$0xFFFFFF10];
	_ =	sdelay $0x1  }
0x25f: {  	v2 =	vld [tilespmem:s31+$0xFFFFFF10];
	_ =	sdelay $0x2  }
0x260: {  	v0 =	vadd.f32 v1, v0;
	_ =	sdelay $0x1  }
0x261: {  	v0 =	vadd.f32 v2, v0;
	_ =	sdelay $0x1  }
0x262: {  	[tilespmem:s7+$0xFFFFFF10] =	vst v0;
	v0 =	vld [tilespmem:s7+$0xFFFFFF20]  }
0x263: {  	v1 =	vld [tilespmem:s13+$0xFFFFFF20];
	_ =	sdelay $0x1  }
0x264: {  	v2 =	vld [tilespmem:s31+$0xFFFFFF20];
	_ =	sdelay $0x2  }
0x265: {  	v0 =	vadd.f32 v1, v0;
	_ =	sdelay $0x1  }
0x266: {  	v0 =	vadd.f32 v2, v0;
	_ =	sdelay $0x1  }
0x267: {  	[tilespmem:s7+$0xFFFFFF20] =	vst v0;
	v0 =	vld [tilespmem:s7+$0xFFFFFF30]  }
0x268: {  	v1 =	vld [tilespmem:s13+$0xFFFFFF30];
	_ =	sdelay $0x1  }
0x269: {  	v2 =	vld [tilespmem:s31+$0xFFFFFF30];
	_ =	sdelay $0x2  }
0x26a: {  	v0 =	vadd.f32 v1, v0;
	_ =	sdelay $0x1  }
0x26b: {  	v0 =	vadd.f32 v2, v0;
	_ =	sdelay $0x1  }
0x26c: {  	[tilespmem:s7+$0xFFFFFF30] =	vst v0;
	v0 =	vld [tilespmem:s7+$0xFFFFFF40]  }
0x26d: {  	v1 =	vld [tilespmem:s13+$0xFFFFFF40];
	_ =	sdelay $0x1  }
0x26e: {  	v2 =	vld [tilespmem:s31+$0xFFFFFF40];
	_ =	sdelay $0x2  }
0x26f: {  	v0 =	vadd.f32 v1, v0;
	_ =	sdelay $0x1  }
0x270: {  	v0 =	vadd.f32 v2, v0;
	_ =	sdelay $0x1  }
0x271: {  	[tilespmem:s7+$0xFFFFFF40] =	vst v0;
	v0 =	vld [tilespmem:s7+$0xFFFFFF50]  }
0x272: {  	v1 =	vld [tilespmem:s13+$0xFFFFFF50];
	_ =	sdelay $0x1  }
0x273: {  	v2 =	vld [tilespmem:s31+$0xFFFFFF50];
	_ =	sdelay $0x2  }
0x274: {  	v0 =	vadd.f32 v1, v0;
	_ =	sdelay $0x1  }
0x275: {  	v0 =	vadd.f32 v2, v0;
	_ =	sdelay $0x1  }
0x276: {  	[tilespmem:s7+$0xFFFFFF50] =	vst v0;
	v0 =	vld [tilespmem:s7+$0xFFFFFF60]  }
0x277: {  	v1 =	vld [tilespmem:s13+$0xFFFFFF60];
	_ =	sdelay $0x1  }
0x278: {  	v2 =	vld [tilespmem:s31+$0xFFFFFF60];
	_ =	sdelay $0x2  }
0x279: {  	v0 =	vadd.f32 v1, v0;
	_ =	sdelay $0x1  }
0x27a: {  	v0 =	vadd.f32 v2, v0;
	_ =	sdelay $0x1  }
0x27b: {  	[tilespmem:s7+$0xFFFFFF60] =	vst v0;
	v0 =	vld [tilespmem:s7+$0xFFFFFF70]  }
0x27c: {  	v1 =	vld [tilespmem:s13+$0xFFFFFF70];
	_ =	sdelay $0x1  }
0x27d: {  	v2 =	vld [tilespmem:s31+$0xFFFFFF70];
	_ =	sdelay $0x2  }
0x27e: {  	v0 =	vadd.f32 v1, v0;
	_ =	sdelay $0x1  }
0x27f: {  	v0 =	vadd.f32 v2, v0;
	_ =	sdelay $0x1  }
0x280: {  	[tilespmem:s7+$0xFFFFFF70] =	vst v0;
	v0 =	vld [tilespmem:s7+$0xFFFFFF80]  }
0x281: {  	v1 =	vld [tilespmem:s13+$0xFFFFFF80];
	_ =	sdelay $0x1  }
0x282: {  	v2 =	vld [tilespmem:s31+$0xFFFFFF80];
	_ =	sdelay $0x2  }
0x283: {  	v0 =	vadd.f32 v1, v0;
	_ =	sdelay $0x1  }
0x284: {  	v0 =	vadd.f32 v2, v0;
	_ =	sdelay $0x1  }
0x285: {  	[tilespmem:s7+$0xFFFFFF80] =	vst v0;
	v0 =	vld [tilespmem:s7+$0xFFFFFF90]  }
0x286: {  	v1 =	vld [tilespmem:s13+$0xFFFFFF90];
	_ =	sdelay $0x1  }
0x287: {  	v2 =	vld [tilespmem:s31+$0xFFFFFF90];
	_ =	sdelay $0x2  }
0x288: {  	v0 =	vadd.f32 v1, v0;
	_ =	sdelay $0x1  }
0x289: {  	v0 =	vadd.f32 v2, v0;
	_ =	sdelay $0x1  }
0x28a: {  	[tilespmem:s7+$0xFFFFFF90] =	vst v0;
	v0 =	vld [tilespmem:s7+$0xFFFFFFA0]  }
0x28b: {  	v1 =	vld [tilespmem:s13+$0xFFFFFFA0];
	_ =	sdelay $0x1  }
0x28c: {  	v2 =	vld [tilespmem:s31+$0xFFFFFFA0];
	_ =	sdelay $0x2  }
0x28d: {  	v0 =	vadd.f32 v1, v0;
	_ =	sdelay $0x1  }
0x28e: {  	v0 =	vadd.f32 v2, v0;
	_ =	sdelay $0x1  }
0x28f: {  	[tilespmem:s7+$0xFFFFFFA0] =	vst v0;
	v0 =	vld [tilespmem:s7+$0xFFFFFFB0]  }
0x290: {  	v1 =	vld [tilespmem:s13+$0xFFFFFFB0];
	_ =	sdelay $0x1  }
0x291: {  	v2 =	vld [tilespmem:s31+$0xFFFFFFB0];
	_ =	sdelay $0x2  }
0x292: {  	v0 =	vadd.f32 v1, v0;
	_ =	sdelay $0x1  }
0x293: {  	v0 =	vadd.f32 v2, v0;
	_ =	sdelay $0x1  }
0x294: {  	[tilespmem:s7+$0xFFFFFFB0] =	vst v0;
	v0 =	vld [tilespmem:s7+$0xFFFFFFC0]  }
0x295: {  	v1 =	vld [tilespmem:s13+$0xFFFFFFC0];
	_ =	sdelay $0x1  }
0x296: {  	v2 =	vld [tilespmem:s31+$0xFFFFFFC0];
	_ =	sdelay $0x2  }
0x297: {  	v0 =	vadd.f32 v1, v0;
	_ =	sdelay $0x1  }
0x298: {  	v0 =	vadd.f32 v2, v0;
	_ =	sdelay $0x1  }
0x299: {  	[tilespmem:s7+$0xFFFFFFC0] =	vst v0;
	v0 =	vld [tilespmem:s7+$0xFFFFFFD0]  }
0x29a: {  	v1 =	vld [tilespmem:s13+$0xFFFFFFD0];
	_ =	sdelay $0x1  }
0x29b: {  	v2 =	vld [tilespmem:s31+$0xFFFFFFD0];
	_ =	sdelay $0x2  }
0x29c: {  	v0 =	vadd.f32 v1, v0;
	_ =	sdelay $0x1  }
0x29d: {  	v0 =	vadd.f32 v2, v0;
	_ =	sdelay $0x1  }
0x29e: {  	[tilespmem:s7+$0xFFFFFFD0] =	vst v0;
	v0 =	vld [tilespmem:s7+$0xFFFFFFE0]  }
0x29f: {  	v1 =	vld [tilespmem:s13+$0xFFFFFFE0];
	_ =	sdelay $0x1  }
0x2a0: {  	v2 =	vld [tilespmem:s31+$0xFFFFFFE0];
	_ =	sdelay $0x2  }
0x2a1: {  	v0 =	vadd.f32 v1, v0;
	_ =	sdelay $0x1  }
0x2a2: {  	v0 =	vadd.f32 v2, v0;
	_ =	sdelay $0x1  }
0x2a3: {  	[tilespmem:s7+$0xFFFFFFE0] =	vst v0;
	v0 =	vld [tilespmem:s7+$0xFFFFFFF0]  }
0x2a4: {  	v1 =	vld [tilespmem:s13+$0xFFFFFFF0];
	_ =	sdelay $0x1  }
0x2a5: {  	v2 =	vld [tilespmem:s31+$0xFFFFFFF0];
	_ =	sdelay $0x2  }
0x2a6: {  	v0 =	vadd.f32 v1, v0;
	_ =	sdelay $0x1  }
0x2a7: {  	v0 =	vadd.f32 v2, v0;
	_ =	sdelay $0x1  }
0x2a8: {  	[tilespmem:s7+$0xFFFFFFF0] =	vst v0;
	v0 =	vld [tilespmem:s7+$0x0]  }
0x2a9: {  	v1 =	vld [tilespmem:s13+$0x0];
	_ =	sdelay $0x1  }
0x2aa: {  	v2 =	vld [tilespmem:s31+$0x0];
	_ =	sdelay $0x2  }
0x2ab: {  	v0 =	vadd.f32 v1, v0;
	_ =	sdelay $0x1  }
0x2ac: {  	v0 =	vadd.f32 v2, v0;
	_ =	sdelay $0x1  }
0x2ad: {  	[tilespmem:s7+$0x0] =	vst v0;
	v0 =	vld [tilespmem:s7+$0x10]  }
0x2ae: {  	v1 =	vld [tilespmem:s13+$0x10]  }
0x2af: {  	v2 =	vld [tilespmem:s31+$0x10];
	_ =	sdelay $0x3  }
0x2b0: {  	v0 =	vadd.f32 v1, v0;
	_ =	sdelay $0x1  }
0x2b1: {  	v0 =	vadd.f32 v2, v0;
	_ =	sdelay $0x1  }
0x2b2: {  	[tilespmem:s7+$0x10] =	vst v0;
	v0 =	vld [tilespmem:s7+$0x20]  }
0x2b3: {  	v1 =	vld [tilespmem:s13+$0x20]  }
0x2b4: {  	v2 =	vld [tilespmem:s31+$0x20];
	_ =	sdelay $0x3  }
0x2b5: {  	v0 =	vadd.f32 v1, v0;
	_ =	sdelay $0x1  }
0x2b6: {  	v0 =	vadd.f32 v2, v0;
	_ =	sdelay $0x1  }
0x2b7: {  	[tilespmem:s7+$0x20] =	vst v0;
	v0 =	vld [tilespmem:s7+$0x30]  }
0x2b8: {  	v1 =	vld [tilespmem:s13+$0x30]  }
0x2b9: {  	v2 =	vld [tilespmem:s31+$0x30];
	_ =	sdelay $0x3  }
0x2ba: {  	v0 =	vadd.f32 v1, v0;
	_ =	sdelay $0x1  }
0x2bb: {  	v0 =	vadd.f32 v2, v0;
	_ =	sdelay $0x1  }
0x2bc: {  	[tilespmem:s7+$0x30] =	vst v0;
	v0 =	vld [tilespmem:s7+$0x40]  }
0x2bd: {  	v1 =	vld [tilespmem:s13+$0x40]  }
0x2be: {  	v2 =	vld [tilespmem:s31+$0x40];
	_ =	sdelay $0x3  }
0x2bf: {  	v0 =	vadd.f32 v1, v0;
	_ =	sdelay $0x1  }
0x2c0: {  	v0 =	vadd.f32 v2, v0;
	_ =	sdelay $0x1  }
0x2c1: {  	[tilespmem:s7+$0x40] =	vst v0;
	v0 =	vld [tilespmem:s7+$0x50]  }
0x2c2: {  	v1 =	vld [tilespmem:s13+$0x50]  }
0x2c3: {  	v2 =	vld [tilespmem:s31+$0x50];
	_ =	sdelay $0x3  }
0x2c4: {  	v0 =	vadd.f32 v1, v0;
	_ =	sdelay $0x1  }
0x2c5: {  	v0 =	vadd.f32 v2, v0;
	_ =	sdelay $0x1  }
0x2c6: {  	[tilespmem:s7+$0x50] =	vst v0;
	v0 =	vld [tilespmem:s7+$0x60]  }
0x2c7: {  	v1 =	vld [tilespmem:s13+$0x60]  }
0x2c8: {  	v2 =	vld [tilespmem:s31+$0x60];
	_ =	sdelay $0x3  }
0x2c9: {  	v0 =	vadd.f32 v1, v0;
	_ =	sdelay $0x1  }
0x2ca: {  	v0 =	vadd.f32 v2, v0;
	_ =	sdelay $0x1  }
0x2cb: {  	[tilespmem:s7+$0x60] =	vst v0;
	v0 =	vld [tilespmem:s7+$0x70]  }
0x2cc: {  	v1 =	vld [tilespmem:s13+$0x70]  }
0x2cd: {  	v2 =	vld [tilespmem:s31+$0x70];
	_ =	sdelay $0x3  }
0x2ce: {  	v0 =	vadd.f32 v1, v0;
	_ =	sdelay $0x1  }
0x2cf: {  	v0 =	vadd.f32 v2, v0;
	_ =	sdelay $0x1  }
0x2d0: {  	[tilespmem:s7+$0x70] =	vst v0;
	v0 =	vld [tilespmem:s7+$0x80]  }
0x2d1: {  	v1 =	vld [tilespmem:s13+$0x80]  }
0x2d2: {  	v2 =	vld [tilespmem:s31+$0x80];
	_ =	sdelay $0x3  }
0x2d3: {  	v0 =	vadd.f32 v1, v0;
	_ =	sdelay $0x1  }
0x2d4: {  	v0 =	vadd.f32 v2, v0;
	_ =	sdelay $0x1  }
0x2d5: {  	[tilespmem:s7+$0x80] =	vst v0;
	v0 =	vld [tilespmem:s7+$0x90]  }
0x2d6: {  	v1 =	vld [tilespmem:s13+$0x90]  }
0x2d7: {  	v2 =	vld [tilespmem:s31+$0x90];
	_ =	sdelay $0x3  }
0x2d8: {  	v0 =	vadd.f32 v1, v0;
	_ =	sdelay $0x1  }
0x2d9: {  	v0 =	vadd.f32 v2, v0;
	_ =	sdelay $0x1  }
0x2da: {  	[tilespmem:s7+$0x90] =	vst v0;
	v0 =	vld [tilespmem:s7+$0xA0]  }
0x2db: {  	v1 =	vld [tilespmem:s13+$0xA0]  }
0x2dc: {  	v2 =	vld [tilespmem:s31+$0xA0];
	_ =	sdelay $0x3  }
0x2dd: {  	v0 =	vadd.f32 v1, v0;
	_ =	sdelay $0x1  }
0x2de: {  	v0 =	vadd.f32 v2, v0;
	_ =	sdelay $0x1  }
0x2df: {  	[tilespmem:s7+$0xA0] =	vst v0;
	v0 =	vld [tilespmem:s7+$0xB0]  }
0x2e0: {  	v1 =	vld [tilespmem:s13+$0xB0]  }
0x2e1: {  	v2 =	vld [tilespmem:s31+$0xB0];
	_ =	sdelay $0x3  }
0x2e2: {  	v0 =	vadd.f32 v1, v0;
	_ =	sdelay $0x1  }
0x2e3: {  	v0 =	vadd.f32 v2, v0;
	_ =	sdelay $0x1  }
0x2e4: {  	[tilespmem:s7+$0xB0] =	vst v0;
	v0 =	vld [tilespmem:s7+$0xC0]  }
0x2e5: {  	v1 =	vld [tilespmem:s13+$0xC0]  }
0x2e6: {  	v2 =	vld [tilespmem:s31+$0xC0];
	_ =	sdelay $0x3  }
0x2e7: {  	v0 =	vadd.f32 v1, v0;
	_ =	sdelay $0x1  }
0x2e8: {  	v0 =	vadd.f32 v2, v0;
	_ =	sdelay $0x1  }
0x2e9: {  	[tilespmem:s7+$0xC0] =	vst v0;
	v0 =	vld [tilespmem:s7+$0xD0]  }
0x2ea: {  	v1 =	vld [tilespmem:s13+$0xD0]  }
0x2eb: {  	v2 =	vld [tilespmem:s31+$0xD0];
	_ =	sdelay $0x3  }
0x2ec: {  	v0 =	vadd.f32 v1, v0;
	_ =	sdelay $0x1  }
0x2ed: {  	v0 =	vadd.f32 v2, v0;
	_ =	sdelay $0x1  }
0x2ee: {  	[tilespmem:s7+$0xD0] =	vst v0;
	v0 =	vld [tilespmem:s7+$0xE0]  }
0x2ef: {  	v1 =	vld [tilespmem:s13+$0xE0]  }
0x2f0: {  	v2 =	vld [tilespmem:s31+$0xE0];
	_ =	sdelay $0x3  }
0x2f1: {  	v0 =	vadd.f32 v1, v0;
	_ =	sdelay $0x1  }
0x2f2: {  	v0 =	vadd.f32 v2, v0;
	_ =	sdelay $0x1  }
0x2f3: {  	[tilespmem:s7+$0xE0] =	vst v0;
	v0 =	vld [tilespmem:s7+$0xF0]  }
0x2f4: {  	v1 =	vld [tilespmem:s13+$0xF0]  }
0x2f5: {  	v2 =	vld [tilespmem:s31+$0xF0];
	_ =	sdelay $0x2  }
.Ltmp1:
0x2f6: {  	(pc) =	sbr.rel @p0 .LBB2_5-.Ltmp1, $3  }
0x2f7: {  	v0 =	vadd.f32 v1, v0;
	_ =	sdelay $0x1  }
0x2f8: {  	v0 =	vadd.f32 v2, v0  }
0x2f9: {  	s7 =	sadd.s32 $0x200, s7  }
0x2fa: {  	s0 =	sadd.s32 s20, s18;
	s21 =	sadd.s32 $0x1, s21  }
0x2fb: {  	s0 =	sshll.u32 s0, $0x4;
	p0 =	sne.s32 s21, $0x3E  }
.Ltmp2:
0x2fc: {  	[tilespmem:s14+$0xF0] =	vst v0;
	s0 =	sadd.s32 s10, s0;
	(pc) =	sbr.rel @p0 .LBB2_2-.Ltmp2, $4  }
0x2fd: {  	[hbm4b:s0+s3] =	stream.linear.scatter [tilespmem:s11], [sflag:$0x5], $0x5000, $0x38;
	[tilespmem:$0x1E600] =	vst v63  }
0x2fe: {  	_ =	swait.ge [sflag:s16], $0x5000  }
0x2ff: {  	[sflag:s16] =	ssyncset.done $0x0  }
0x300: {  	[sflag:s16] =	ssyncadd.s32 $0xFFFFB000  }
0x301: {  	_ =	swait.ge [sflag:s2], $0xA0  }
0x302: {  	[sflag:s2] =	ssyncset.done $0x0  }
0x303: {  	[sflag:s2] =	ssyncadd.s32 $0xFFFFFF60  }
0x304: {  	_ =	swait.ge [sflag:s2], $0xA0  }
0x305: {  	[sflag:s2] =	ssyncset.done $0x0  }
0x306: {  	[sflag:s2] =	ssyncadd.s32 $0xFFFFFF60  }
0x307: {  	_ =	swait.ge [sflag:s2], $0xA0  }
0x308: {  	[sflag:s2] =	ssyncset.done $0x0  }
0x309: {  	[sflag:s2] =	ssyncadd.s32 $0xFFFFFF60  }
0x30a: {  	_ =	swait.ge [sflag:s15], $0x5000  }
0x30b: {  	[sflag:s15] =	ssyncset.done $0x0  }
0x30c: {  	[sflag:s15] =	ssyncadd.s32 $0xFFFFB000  }
0x30d: {  	_ =	swait.ge [sflag:s15], $0x5000  }
0x30e: {  	[sflag:s15] =	ssyncset.done $0x0  }
0x30f: {  	[sflag:s15] =	ssyncadd.s32 $0xFFFFB000  }
0x310: {  	_ =	swait.ge [sflag:s15], $0x5000  }
0x311: {  	[sflag:s15] =	ssyncset.done $0x0  }
0x312: {  	s20 =	simm.s32 $0x400;
	[sflag:s15] =	ssyncadd.s32 $0xFFFFB000  }
0x313: {  	s13 =	simm.s32 $0x5400;
	v0 =	vld [tilespmem:s20+$0xFFFFFF00]  }
0x314: {  	v1 =	vld [tilespmem:s13+$0xFFFFFF00]  }
0x315: {  	s14 =	simm.s32 $0xA400  }
0x316: {  	v2 =	vld [tilespmem:s14+$0xFFFFFF00];
	_ =	sdelay $0x2  }
0x317: {  	v0 =	vadd.f32 v1, v0;
	_ =	sdelay $0x1  }
0x318: {  	v0 =	vadd.f32 v2, v0;
	_ =	sdelay $0x1  }
0x319: {  	[tilespmem:s20+$0xFFFFFF00] =	vst v0;
	v0 =	vld [tilespmem:s20+$0xFFFFFF10]  }
0x31a: {  	v1 =	vld [tilespmem:s13+$0xFFFFFF10];
	_ =	sdelay $0x1  }
0x31b: {  	v2 =	vld [tilespmem:s14+$0xFFFFFF10];
	_ =	sdelay $0x2  }
0x31c: {  	v0 =	vadd.f32 v1, v0;
	_ =	sdelay $0x1  }
0x31d: {  	v0 =	vadd.f32 v2, v0;
	_ =	sdelay $0x1  }
0x31e: {  	[tilespmem:s20+$0xFFFFFF10] =	vst v0;
	v0 =	vld [tilespmem:s20+$0xFFFFFF20]  }
0x31f: {  	v1 =	vld [tilespmem:s13+$0xFFFFFF20];
	_ =	sdelay $0x1  }
0x320: {  	v2 =	vld [tilespmem:s14+$0xFFFFFF20];
	_ =	sdelay $0x2  }
0x321: {  	v0 =	vadd.f32 v1, v0;
	_ =	sdelay $0x1  }
0x322: {  	v0 =	vadd.f32 v2, v0;
	_ =	sdelay $0x1  }
0x323: {  	[tilespmem:s20+$0xFFFFFF20] =	vst v0;
	v0 =	vld [tilespmem:s20+$0xFFFFFF30]  }
0x324: {  	v1 =	vld [tilespmem:s13+$0xFFFFFF30];
	_ =	sdelay $0x1  }
0x325: {  	v2 =	vld [tilespmem:s14+$0xFFFFFF30];
	_ =	sdelay $0x2  }
0x326: {  	v0 =	vadd.f32 v1, v0;
	_ =	sdelay $0x1  }
0x327: {  	v0 =	vadd.f32 v2, v0;
	_ =	sdelay $0x1  }
0x328: {  	[tilespmem:s20+$0xFFFFFF30] =	vst v0;
	v0 =	vld [tilespmem:s20+$0xFFFFFF40]  }
0x329: {  	v1 =	vld [tilespmem:s13+$0xFFFFFF40];
	_ =	sdelay $0x1  }
0x32a: {  	v2 =	vld [tilespmem:s14+$0xFFFFFF40];
	_ =	sdelay $0x2  }
0x32b: {  	v0 =	vadd.f32 v1, v0;
	_ =	sdelay $0x1  }
0x32c: {  	v0 =	vadd.f32 v2, v0;
	_ =	sdelay $0x1  }
0x32d: {  	[tilespmem:s20+$0xFFFFFF40] =	vst v0;
	v0 =	vld [tilespmem:s20+$0xFFFFFF50]  }
0x32e: {  	v1 =	vld [tilespmem:s13+$0xFFFFFF50];
	_ =	sdelay $0x1  }
0x32f: {  	v2 =	vld [tilespmem:s14+$0xFFFFFF50];
	_ =	sdelay $0x2  }
0x330: {  	v0 =	vadd.f32 v1, v0;
	_ =	sdelay $0x1  }
0x331: {  	v0 =	vadd.f32 v2, v0;
	_ =	sdelay $0x1  }
0x332: {  	[tilespmem:s20+$0xFFFFFF50] =	vst v0;
	v0 =	vld [tilespmem:s20+$0xFFFFFF60]  }
0x333: {  	v1 =	vld [tilespmem:s13+$0xFFFFFF60];
	_ =	sdelay $0x1  }
0x334: {  	v2 =	vld [tilespmem:s14+$0xFFFFFF60];
	_ =	sdelay $0x2  }
0x335: {  	v0 =	vadd.f32 v1, v0;
	_ =	sdelay $0x1  }
0x336: {  	v0 =	vadd.f32 v2, v0;
	_ =	sdelay $0x1  }
0x337: {  	[tilespmem:s20+$0xFFFFFF60] =	vst v0;
	v0 =	vld [tilespmem:s20+$0xFFFFFF70]  }
0x338: {  	v1 =	vld [tilespmem:s13+$0xFFFFFF70];
	_ =	sdelay $0x1  }
0x339: {  	v2 =	vld [tilespmem:s14+$0xFFFFFF70];
	_ =	sdelay $0x2  }
0x33a: {  	v0 =	vadd.f32 v1, v0;
	_ =	sdelay $0x1  }
0x33b: {  	v0 =	vadd.f32 v2, v0;
	_ =	sdelay $0x1  }
0x33c: {  	[tilespmem:s20+$0xFFFFFF70] =	vst v0;
	v0 =	vld [tilespmem:s20+$0xFFFFFF80]  }
0x33d: {  	v1 =	vld [tilespmem:s13+$0xFFFFFF80];
	_ =	sdelay $0x1  }
0x33e: {  	v2 =	vld [tilespmem:s14+$0xFFFFFF80];
	_ =	sdelay $0x2  }
0x33f: {  	v0 =	vadd.f32 v1, v0;
	_ =	sdelay $0x1  }
0x340: {  	v0 =	vadd.f32 v2, v0;
	_ =	sdelay $0x1  }
0x341: {  	[tilespmem:s20+$0xFFFFFF80] =	vst v0;
	v0 =	vld [tilespmem:s20+$0xFFFFFF90]  }
0x342: {  	v1 =	vld [tilespmem:s13+$0xFFFFFF90];
	_ =	sdelay $0x1  }
0x343: {  	v2 =	vld [tilespmem:s14+$0xFFFFFF90];
	_ =	sdelay $0x2  }
0x344: {  	v0 =	vadd.f32 v1, v0;
	_ =	sdelay $0x1  }
0x345: {  	v0 =	vadd.f32 v2, v0;
	_ =	sdelay $0x1  }
0x346: {  	[tilespmem:s20+$0xFFFFFF90] =	vst v0;
	v0 =	vld [tilespmem:s20+$0xFFFFFFA0]  }
0x347: {  	v1 =	vld [tilespmem:s13+$0xFFFFFFA0];
	_ =	sdelay $0x1  }
0x348: {  	v2 =	vld [tilespmem:s14+$0xFFFFFFA0];
	_ =	sdelay $0x2  }
0x349: {  	v0 =	vadd.f32 v1, v0;
	_ =	sdelay $0x1  }
0x34a: {  	v0 =	vadd.f32 v2, v0;
	_ =	sdelay $0x1  }
0x34b: {  	[tilespmem:s20+$0xFFFFFFA0] =	vst v0;
	v0 =	vld [tilespmem:s20+$0xFFFFFFB0]  }
0x34c: {  	v1 =	vld [tilespmem:s13+$0xFFFFFFB0];
	_ =	sdelay $0x1  }
0x34d: {  	v2 =	vld [tilespmem:s14+$0xFFFFFFB0];
	_ =	sdelay $0x2  }
0x34e: {  	v0 =	vadd.f32 v1, v0;
	_ =	sdelay $0x1  }
0x34f: {  	v0 =	vadd.f32 v2, v0;
	_ =	sdelay $0x1  }
0x350: {  	[tilespmem:s20+$0xFFFFFFB0] =	vst v0;
	v0 =	vld [tilespmem:s20+$0xFFFFFFC0]  }
0x351: {  	v1 =	vld [tilespmem:s13+$0xFFFFFFC0];
	_ =	sdelay $0x1  }
0x352: {  	v2 =	vld [tilespmem:s14+$0xFFFFFFC0];
	_ =	sdelay $0x2  }
0x353: {  	v0 =	vadd.f32 v1, v0;
	_ =	sdelay $0x1  }
0x354: {  	v0 =	vadd.f32 v2, v0;
	_ =	sdelay $0x1  }
0x355: {  	[tilespmem:s20+$0xFFFFFFC0] =	vst v0;
	v0 =	vld [tilespmem:s20+$0xFFFFFFD0]  }
0x356: {  	v1 =	vld [tilespmem:s13+$0xFFFFFFD0];
	_ =	sdelay $0x1  }
0x357: {  	v2 =	vld [tilespmem:s14+$0xFFFFFFD0];
	_ =	sdelay $0x2  }
0x358: {  	v0 =	vadd.f32 v1, v0;
	_ =	sdelay $0x1  }
0x359: {  	v0 =	vadd.f32 v2, v0;
	_ =	sdelay $0x1  }
0x35a: {  	[tilespmem:s20+$0xFFFFFFD0] =	vst v0;
	v0 =	vld [tilespmem:s20+$0xFFFFFFE0]  }
0x35b: {  	v1 =	vld [tilespmem:s13+$0xFFFFFFE0];
	_ =	sdelay $0x1  }
0x35c: {  	v2 =	vld [tilespmem:s14+$0xFFFFFFE0];
	_ =	sdelay $0x2  }
0x35d: {  	v0 =	vadd.f32 v1, v0;
	_ =	sdelay $0x1  }
0x35e: {  	v0 =	vadd.f32 v2, v0;
	_ =	sdelay $0x1  }
0x35f: {  	[tilespmem:s20+$0xFFFFFFE0] =	vst v0;
	v0 =	vld [tilespmem:s20+$0xFFFFFFF0]  }
0x360: {  	v1 =	vld [tilespmem:s13+$0xFFFFFFF0];
	_ =	sdelay $0x1  }
0x361: {  	v2 =	vld [tilespmem:s14+$0xFFFFFFF0];
	_ =	sdelay $0x2  }
0x362: {  	v0 =	vadd.f32 v1, v0;
	_ =	sdelay $0x1  }
0x363: {  	v0 =	vadd.f32 v2, v0;
	_ =	sdelay $0x1  }
0x364: {  	[tilespmem:s20+$0xFFFFFFF0] =	vst v0;
	v0 =	vld [tilespmem:s20+$0x0]  }
0x365: {  	v1 =	vld [tilespmem:s13+$0x0];
	_ =	sdelay $0x1  }
0x366: {  	v2 =	vld [tilespmem:s14+$0x0];
	_ =	sdelay $0x2  }
0x367: {  	v0 =	vadd.f32 v1, v0;
	_ =	sdelay $0x1  }
0x368: {  	v0 =	vadd.f32 v2, v0;
	_ =	sdelay $0x1  }
0x369: {  	[tilespmem:s20+$0x0] =	vst v0;
	v0 =	vld [tilespmem:s20+$0x10]  }
0x36a: {  	v1 =	vld [tilespmem:s13+$0x10];
	_ =	sdelay $0x1  }
0x36b: {  	v2 =	vld [tilespmem:s14+$0x10];
	_ =	sdelay $0x2  }
0x36c: {  	v0 =	vadd.f32 v1, v0;
	_ =	sdelay $0x1  }
0x36d: {  	v0 =	vadd.f32 v2, v0;
	_ =	sdelay $0x1  }
0x36e: {  	[tilespmem:s20+$0x10] =	vst v0;
	v0 =	vld [tilespmem:s20+$0x20]  }
0x36f: {  	v1 =	vld [tilespmem:s13+$0x20];
	_ =	sdelay $0x1  }
0x370: {  	v2 =	vld [tilespmem:s14+$0x20];
	_ =	sdelay $0x2  }
0x371: {  	v0 =	vadd.f32 v1, v0;
	_ =	sdelay $0x1  }
0x372: {  	v0 =	vadd.f32 v2, v0;
	_ =	sdelay $0x1  }
0x373: {  	[tilespmem:s20+$0x20] =	vst v0;
	v0 =	vld [tilespmem:s20+$0x30]  }
0x374: {  	v1 =	vld [tilespmem:s13+$0x30];
	_ =	sdelay $0x1  }
0x375: {  	v2 =	vld [tilespmem:s14+$0x30];
	_ =	sdelay $0x2  }
0x376: {  	v0 =	vadd.f32 v1, v0;
	_ =	sdelay $0x1  }
0x377: {  	v0 =	vadd.f32 v2, v0;
	_ =	sdelay $0x1  }
0x378: {  	[tilespmem:s20+$0x30] =	vst v0;
	v0 =	vld [tilespmem:s20+$0x40]  }
0x379: {  	v1 =	vld [tilespmem:s13+$0x40];
	_ =	sdelay $0x1  }
0x37a: {  	v2 =	vld [tilespmem:s14+$0x40];
	_ =	sdelay $0x2  }
0x37b: {  	v0 =	vadd.f32 v1, v0;
	_ =	sdelay $0x1  }
0x37c: {  	v0 =	vadd.f32 v2, v0;
	_ =	sdelay $0x1  }
0x37d: {  	[tilespmem:s20+$0x40] =	vst v0;
	v0 =	vld [tilespmem:s20+$0x50]  }
0x37e: {  	v1 =	vld [tilespmem:s13+$0x50];
	_ =	sdelay $0x1  }
0x37f: {  	v2 =	vld [tilespmem:s14+$0x50];
	_ =	sdelay $0x2  }
0x380: {  	v0 =	vadd.f32 v1, v0;
	_ =	sdelay $0x1  }
0x381: {  	v0 =	vadd.f32 v2, v0;
	_ =	sdelay $0x1  }
0x382: {  	[tilespmem:s20+$0x50] =	vst v0;
	v0 =	vld [tilespmem:s20+$0x60]  }
0x383: {  	v1 =	vld [tilespmem:s13+$0x60];
	_ =	sdelay $0x1  }
0x384: {  	v2 =	vld [tilespmem:s14+$0x60];
	_ =	sdelay $0x2  }
0x385: {  	v0 =	vadd.f32 v1, v0;
	_ =	sdelay $0x1  }
0x386: {  	v0 =	vadd.f32 v2, v0;
	_ =	sdelay $0x1  }
0x387: {  	[tilespmem:s20+$0x60] =	vst v0;
	v0 =	vld [tilespmem:s20+$0x70]  }
0x388: {  	v1 =	vld [tilespmem:s13+$0x70];
	_ =	sdelay $0x1  }
0x389: {  	v2 =	vld [tilespmem:s14+$0x70];
	_ =	sdelay $0x2  }
0x38a: {  	v0 =	vadd.f32 v1, v0;
	_ =	sdelay $0x1  }
0x38b: {  	v0 =	vadd.f32 v2, v0;
	_ =	sdelay $0x1  }
0x38c: {  	[tilespmem:s20+$0x70] =	vst v0;
	v0 =	vld [tilespmem:s20+$0x80]  }
0x38d: {  	v1 =	vld [tilespmem:s13+$0x80];
	_ =	sdelay $0x1  }
0x38e: {  	v2 =	vld [tilespmem:s14+$0x80];
	_ =	sdelay $0x2  }
0x38f: {  	v0 =	vadd.f32 v1, v0;
	_ =	sdelay $0x1  }
0x390: {  	v0 =	vadd.f32 v2, v0;
	_ =	sdelay $0x1  }
0x391: {  	[tilespmem:s20+$0x80] =	vst v0;
	v0 =	vld [tilespmem:s20+$0x90]  }
0x392: {  	v1 =	vld [tilespmem:s13+$0x90];
	_ =	sdelay $0x1  }
0x393: {  	v2 =	vld [tilespmem:s14+$0x90];
	_ =	sdelay $0x2  }
0x394: {  	v0 =	vadd.f32 v1, v0;
	_ =	sdelay $0x1  }
0x395: {  	v0 =	vadd.f32 v2, v0;
	_ =	sdelay $0x1  }
0x396: {  	[tilespmem:s20+$0x90] =	vst v0;
	v0 =	vld [tilespmem:s20+$0xA0]  }
0x397: {  	v1 =	vld [tilespmem:s13+$0xA0];
	_ =	sdelay $0x1  }
0x398: {  	v2 =	vld [tilespmem:s14+$0xA0];
	_ =	sdelay $0x2  }
0x399: {  	v0 =	vadd.f32 v1, v0;
	_ =	sdelay $0x1  }
0x39a: {  	v0 =	vadd.f32 v2, v0;
	_ =	sdelay $0x1  }
0x39b: {  	[tilespmem:s20+$0xA0] =	vst v0;
	v0 =	vld [tilespmem:s20+$0xB0]  }
0x39c: {  	v1 =	vld [tilespmem:s13+$0xB0];
	_ =	sdelay $0x1  }
0x39d: {  	v2 =	vld [tilespmem:s14+$0xB0];
	_ =	sdelay $0x2  }
0x39e: {  	v0 =	vadd.f32 v1, v0;
	_ =	sdelay $0x1  }
0x39f: {  	v0 =	vadd.f32 v2, v0;
	_ =	sdelay $0x1  }
0x3a0: {  	[tilespmem:s20+$0xB0] =	vst v0;
	v0 =	vld [tilespmem:s20+$0xC0]  }
0x3a1: {  	v1 =	vld [tilespmem:s13+$0xC0];
	_ =	sdelay $0x1  }
0x3a2: {  	v2 =	vld [tilespmem:s14+$0xC0];
	_ =	sdelay $0x2  }
0x3a3: {  	v0 =	vadd.f32 v1, v0;
	_ =	sdelay $0x1  }
0x3a4: {  	v0 =	vadd.f32 v2, v0;
	_ =	sdelay $0x1  }
0x3a5: {  	[tilespmem:s20+$0xC0] =	vst v0;
	v0 =	vld [tilespmem:s20+$0xD0]  }
0x3a6: {  	v1 =	vld [tilespmem:s13+$0xD0];
	_ =	sdelay $0x1  }
0x3a7: {  	v2 =	vld [tilespmem:s14+$0xD0];
	_ =	sdelay $0x2  }
0x3a8: {  	v0 =	vadd.f32 v1, v0;
	_ =	sdelay $0x1  }
0x3a9: {  	v0 =	vadd.f32 v2, v0;
	_ =	sdelay $0x1  }
0x3aa: {  	[tilespmem:s20+$0xD0] =	vst v0;
	v0 =	vld [tilespmem:s20+$0xE0]  }
0x3ab: {  	v1 =	vld [tilespmem:s13+$0xE0];
	_ =	sdelay $0x1  }
0x3ac: {  	v2 =	vld [tilespmem:s14+$0xE0];
	_ =	sdelay $0x2  }
0x3ad: {  	v0 =	vadd.f32 v1, v0;
	_ =	sdelay $0x1  }
0x3ae: {  	v0 =	vadd.f32 v2, v0;
	_ =	sdelay $0x1  }
0x3af: {  	[tilespmem:s20+$0xE0] =	vst v0;
	v0 =	vld [tilespmem:s20+$0xF0]  }
0x3b0: {  	v1 =	vld [tilespmem:s13+$0xF0];
	_ =	sdelay $0x1  }
0x3b1: {  	v2 =	vld [tilespmem:s14+$0xF0];
	_ =	sdelay $0x2  }
0x3b2: {  	v0 =	vadd.f32 v1, v0;
	_ =	sdelay $0x1  }
0x3b3: {  	v0 =	vadd.f32 v2, v0  }
0x3b4: {  	s0 =	simm.s32 $0x0;
	s7 =	simm.s32 $0x600  }
.LBB2_8:
0x3b5: {  	v1 =	vld [tilespmem:s7+$0xFFFFFF00];
	s0 =	sadd.s32 $0x4, s0;
	[tilespmem:s20+$0xF0] =	vst v0;
	s13 =	sadd.s32 $0x200, s13;
	s14 =	sadd.s32 $0x200, s14  }
0x3b6: {  	s20 =	smov.u32 s7;
	v0 =	vld [tilespmem:s13+$0xFFFFFF00];
	p0 =	slt.u32 s0, $0x9C;
	_ =	sdelay $0x1  }
0x3b7: {  	v2 =	vld [tilespmem:s14+$0xFFFFFF00];
	_ =	sdelay $0x2  }
0x3b8: {  	v0 =	vadd.f32 v0, v1;
	_ =	sdelay $0x1  }
0x3b9: {  	v0 =	vadd.f32 v2, v0;
	_ =	sdelay $0x1  }
0x3ba: {  	[tilespmem:s7+$0xFFFFFF00] =	vst v0;
	v0 =	vld [tilespmem:s7+$0xFFFFFF10]  }
0x3bb: {  	v1 =	vld [tilespmem:s13+$0xFFFFFF10];
	_ =	sdelay $0x1  }
0x3bc: {  	v2 =	vld [tilespmem:s14+$0xFFFFFF10];
	_ =	sdelay $0x2  }
0x3bd: {  	v0 =	vadd.f32 v1, v0;
	_ =	sdelay $0x1  }
0x3be: {  	v0 =	vadd.f32 v2, v0;
	_ =	sdelay $0x1  }
0x3bf: {  	[tilespmem:s7+$0xFFFFFF10] =	vst v0;
	v0 =	vld [tilespmem:s7+$0xFFFFFF20]  }
0x3c0: {  	v1 =	vld [tilespmem:s13+$0xFFFFFF20];
	_ =	sdelay $0x1  }
0x3c1: {  	v2 =	vld [tilespmem:s14+$0xFFFFFF20];
	_ =	sdelay $0x2  }
0x3c2: {  	v0 =	vadd.f32 v1, v0;
	_ =	sdelay $0x1  }
0x3c3: {  	v0 =	vadd.f32 v2, v0;
	_ =	sdelay $0x1  }
0x3c4: {  	[tilespmem:s7+$0xFFFFFF20] =	vst v0;
	v0 =	vld [tilespmem:s7+$0xFFFFFF30]  }
0x3c5: {  	v1 =	vld [tilespmem:s13+$0xFFFFFF30];
	_ =	sdelay $0x1  }
0x3c6: {  	v2 =	vld [tilespmem:s14+$0xFFFFFF30];
	_ =	sdelay $0x2  }
0x3c7: {  	v0 =	vadd.f32 v1, v0;
	_ =	sdelay $0x1  }
0x3c8: {  	v0 =	vadd.f32 v2, v0;
	_ =	sdelay $0x1  }
0x3c9: {  	[tilespmem:s7+$0xFFFFFF30] =	vst v0;
	v0 =	vld [tilespmem:s7+$0xFFFFFF40]  }
0x3ca: {  	v1 =	vld [tilespmem:s13+$0xFFFFFF40];
	_ =	sdelay $0x1  }
0x3cb: {  	v2 =	vld [tilespmem:s14+$0xFFFFFF40];
	_ =	sdelay $0x2  }
0x3cc: {  	v0 =	vadd.f32 v1, v0;
	_ =	sdelay $0x1  }
0x3cd: {  	v0 =	vadd.f32 v2, v0;
	_ =	sdelay $0x1  }
0x3ce: {  	[tilespmem:s7+$0xFFFFFF40] =	vst v0;
	v0 =	vld [tilespmem:s7+$0xFFFFFF50]  }
0x3cf: {  	v1 =	vld [tilespmem:s13+$0xFFFFFF50];
	_ =	sdelay $0x1  }
0x3d0: {  	v2 =	vld [tilespmem:s14+$0xFFFFFF50];
	_ =	sdelay $0x2  }
0x3d1: {  	v0 =	vadd.f32 v1, v0;
	_ =	sdelay $0x1  }
0x3d2: {  	v0 =	vadd.f32 v2, v0;
	_ =	sdelay $0x1  }
0x3d3: {  	[tilespmem:s7+$0xFFFFFF50] =	vst v0;
	v0 =	vld [tilespmem:s7+$0xFFFFFF60]  }
0x3d4: {  	v1 =	vld [tilespmem:s13+$0xFFFFFF60];
	_ =	sdelay $0x1  }
0x3d5: {  	v2 =	vld [tilespmem:s14+$0xFFFFFF60];
	_ =	sdelay $0x2  }
0x3d6: {  	v0 =	vadd.f32 v1, v0;
	_ =	sdelay $0x1  }
0x3d7: {  	v0 =	vadd.f32 v2, v0;
	_ =	sdelay $0x1  }
0x3d8: {  	[tilespmem:s7+$0xFFFFFF60] =	vst v0;
	v0 =	vld [tilespmem:s7+$0xFFFFFF70]  }
0x3d9: {  	v1 =	vld [tilespmem:s13+$0xFFFFFF70];
	_ =	sdelay $0x1  }
0x3da: {  	v2 =	vld [tilespmem:s14+$0xFFFFFF70];
	_ =	sdelay $0x2  }
0x3db: {  	v0 =	vadd.f32 v1, v0;
	_ =	sdelay $0x1  }
0x3dc: {  	v0 =	vadd.f32 v2, v0;
	_ =	sdelay $0x1  }
0x3dd: {  	[tilespmem:s7+$0xFFFFFF70] =	vst v0;
	v0 =	vld [tilespmem:s7+$0xFFFFFF80]  }
0x3de: {  	v1 =	vld [tilespmem:s13+$0xFFFFFF80];
	_ =	sdelay $0x1  }
0x3df: {  	v2 =	vld [tilespmem:s14+$0xFFFFFF80];
	_ =	sdelay $0x2  }
0x3e0: {  	v0 =	vadd.f32 v1, v0;
	_ =	sdelay $0x1  }
0x3e1: {  	v0 =	vadd.f32 v2, v0;
	_ =	sdelay $0x1  }
0x3e2: {  	[tilespmem:s7+$0xFFFFFF80] =	vst v0;
	v0 =	vld [tilespmem:s7+$0xFFFFFF90]  }
0x3e3: {  	v1 =	vld [tilespmem:s13+$0xFFFFFF90];
	_ =	sdelay $0x1  }
0x3e4: {  	v2 =	vld [tilespmem:s14+$0xFFFFFF90];
	_ =	sdelay $0x2  }
0x3e5: {  	v0 =	vadd.f32 v1, v0;
	_ =	sdelay $0x1  }
0x3e6: {  	v0 =	vadd.f32 v2, v0;
	_ =	sdelay $0x1  }
0x3e7: {  	[tilespmem:s7+$0xFFFFFF90] =	vst v0;
	v0 =	vld [tilespmem:s7+$0xFFFFFFA0]  }
0x3e8: {  	v1 =	vld [tilespmem:s13+$0xFFFFFFA0];
	_ =	sdelay $0x1  }
0x3e9: {  	v2 =	vld [tilespmem:s14+$0xFFFFFFA0];
	_ =	sdelay $0x2  }
0x3ea: {  	v0 =	vadd.f32 v1, v0;
	_ =	sdelay $0x1  }
0x3eb: {  	v0 =	vadd.f32 v2, v0;
	_ =	sdelay $0x1  }
0x3ec: {  	[tilespmem:s7+$0xFFFFFFA0] =	vst v0;
	v0 =	vld [tilespmem:s7+$0xFFFFFFB0]  }
0x3ed: {  	v1 =	vld [tilespmem:s13+$0xFFFFFFB0];
	_ =	sdelay $0x1  }
0x3ee: {  	v2 =	vld [tilespmem:s14+$0xFFFFFFB0];
	_ =	sdelay $0x2  }
0x3ef: {  	v0 =	vadd.f32 v1, v0;
	_ =	sdelay $0x1  }
0x3f0: {  	v0 =	vadd.f32 v2, v0;
	_ =	sdelay $0x1  }
0x3f1: {  	[tilespmem:s7+$0xFFFFFFB0] =	vst v0;
	v0 =	vld [tilespmem:s7+$0xFFFFFFC0]  }
0x3f2: {  	v1 =	vld [tilespmem:s13+$0xFFFFFFC0];
	_ =	sdelay $0x1  }
0x3f3: {  	v2 =	vld [tilespmem:s14+$0xFFFFFFC0];
	_ =	sdelay $0x2  }
0x3f4: {  	v0 =	vadd.f32 v1, v0;
	_ =	sdelay $0x1  }
0x3f5: {  	v0 =	vadd.f32 v2, v0;
	_ =	sdelay $0x1  }
0x3f6: {  	[tilespmem:s7+$0xFFFFFFC0] =	vst v0;
	v0 =	vld [tilespmem:s7+$0xFFFFFFD0]  }
0x3f7: {  	v1 =	vld [tilespmem:s13+$0xFFFFFFD0];
	_ =	sdelay $0x1  }
0x3f8: {  	v2 =	vld [tilespmem:s14+$0xFFFFFFD0];
	_ =	sdelay $0x2  }
0x3f9: {  	v0 =	vadd.f32 v1, v0;
	_ =	sdelay $0x1  }
0x3fa: {  	v0 =	vadd.f32 v2, v0;
	_ =	sdelay $0x1  }
0x3fb: {  	[tilespmem:s7+$0xFFFFFFD0] =	vst v0;
	v0 =	vld [tilespmem:s7+$0xFFFFFFE0]  }
0x3fc: {  	v1 =	vld [tilespmem:s13+$0xFFFFFFE0];
	_ =	sdelay $0x1  }
0x3fd: {  	v2 =	vld [tilespmem:s14+$0xFFFFFFE0];
	_ =	sdelay $0x2  }
0x3fe: {  	v0 =	vadd.f32 v1, v0;
	_ =	sdelay $0x1  }
0x3ff: {  	v0 =	vadd.f32 v2, v0;
	_ =	sdelay $0x1  }
0x400: {  	[tilespmem:s7+$0xFFFFFFE0] =	vst v0;
	v0 =	vld [tilespmem:s7+$0xFFFFFFF0]  }
0x401: {  	v1 =	vld [tilespmem:s13+$0xFFFFFFF0];
	_ =	sdelay $0x1  }
0x402: {  	v2 =	vld [tilespmem:s14+$0xFFFFFFF0];
	_ =	sdelay $0x2  }
0x403: {  	v0 =	vadd.f32 v1, v0;
	_ =	sdelay $0x1  }
0x404: {  	v0 =	vadd.f32 v2, v0;
	_ =	sdelay $0x1  }
0x405: {  	[tilespmem:s7+$0xFFFFFFF0] =	vst v0;
	v0 =	vld [tilespmem:s7+$0x0]  }
0x406: {  	v1 =	vld [tilespmem:s13+$0x0];
	_ =	sdelay $0x1  }
0x407: {  	v2 =	vld [tilespmem:s14+$0x0];
	_ =	sdelay $0x2  }
0x408: {  	v0 =	vadd.f32 v1, v0;
	_ =	sdelay $0x1  }
0x409: {  	v0 =	vadd.f32 v2, v0;
	_ =	sdelay $0x1  }
0x40a: {  	[tilespmem:s7+$0x0] =	vst v0;
	v0 =	vld [tilespmem:s7+$0x10]  }
0x40b: {  	v1 =	vld [tilespmem:s13+$0x10]  }
0x40c: {  	v2 =	vld [tilespmem:s14+$0x10];
	_ =	sdelay $0x3  }
0x40d: {  	v0 =	vadd.f32 v1, v0;
	_ =	sdelay $0x1  }
0x40e: {  	v0 =	vadd.f32 v2, v0;
	_ =	sdelay $0x1  }
0x40f: {  	[tilespmem:s7+$0x10] =	vst v0;
	v0 =	vld [tilespmem:s7+$0x20]  }
0x410: {  	v1 =	vld [tilespmem:s13+$0x20]  }
0x411: {  	v2 =	vld [tilespmem:s14+$0x20];
	_ =	sdelay $0x3  }
0x412: {  	v0 =	vadd.f32 v1, v0;
	_ =	sdelay $0x1  }
0x413: {  	v0 =	vadd.f32 v2, v0;
	_ =	sdelay $0x1  }
0x414: {  	[tilespmem:s7+$0x20] =	vst v0;
	v0 =	vld [tilespmem:s7+$0x30]  }
0x415: {  	v1 =	vld [tilespmem:s13+$0x30]  }
0x416: {  	v2 =	vld [tilespmem:s14+$0x30];
	_ =	sdelay $0x3  }
0x417: {  	v0 =	vadd.f32 v1, v0;
	_ =	sdelay $0x1  }
0x418: {  	v0 =	vadd.f32 v2, v0;
	_ =	sdelay $0x1  }
0x419: {  	[tilespmem:s7+$0x30] =	vst v0;
	v0 =	vld [tilespmem:s7+$0x40]  }
0x41a: {  	v1 =	vld [tilespmem:s13+$0x40]  }
0x41b: {  	v2 =	vld [tilespmem:s14+$0x40];
	_ =	sdelay $0x3  }
0x41c: {  	v0 =	vadd.f32 v1, v0;
	_ =	sdelay $0x1  }
0x41d: {  	v0 =	vadd.f32 v2, v0;
	_ =	sdelay $0x1  }
0x41e: {  	[tilespmem:s7+$0x40] =	vst v0;
	v0 =	vld [tilespmem:s7+$0x50]  }
0x41f: {  	v1 =	vld [tilespmem:s13+$0x50]  }
0x420: {  	v2 =	vld [tilespmem:s14+$0x50];
	_ =	sdelay $0x3  }
0x421: {  	v0 =	vadd.f32 v1, v0;
	_ =	sdelay $0x1  }
0x422: {  	v0 =	vadd.f32 v2, v0;
	_ =	sdelay $0x1  }
0x423: {  	[tilespmem:s7+$0x50] =	vst v0;
	v0 =	vld [tilespmem:s7+$0x60]  }
0x424: {  	v1 =	vld [tilespmem:s13+$0x60]  }
0x425: {  	v2 =	vld [tilespmem:s14+$0x60];
	_ =	sdelay $0x3  }
0x426: {  	v0 =	vadd.f32 v1, v0;
	_ =	sdelay $0x1  }
0x427: {  	v0 =	vadd.f32 v2, v0;
	_ =	sdelay $0x1  }
0x428: {  	[tilespmem:s7+$0x60] =	vst v0;
	v0 =	vld [tilespmem:s7+$0x70]  }
0x429: {  	v1 =	vld [tilespmem:s13+$0x70]  }
0x42a: {  	v2 =	vld [tilespmem:s14+$0x70];
	_ =	sdelay $0x3  }
0x42b: {  	v0 =	vadd.f32 v1, v0;
	_ =	sdelay $0x1  }
0x42c: {  	v0 =	vadd.f32 v2, v0;
	_ =	sdelay $0x1  }
0x42d: {  	[tilespmem:s7+$0x70] =	vst v0;
	v0 =	vld [tilespmem:s7+$0x80]  }
0x42e: {  	v1 =	vld [tilespmem:s13+$0x80]  }
0x42f: {  	v2 =	vld [tilespmem:s14+$0x80];
	_ =	sdelay $0x3  }
0x430: {  	v0 =	vadd.f32 v1, v0;
	_ =	sdelay $0x1  }
0x431: {  	v0 =	vadd.f32 v2, v0;
	_ =	sdelay $0x1  }
0x432: {  	[tilespmem:s7+$0x80] =	vst v0;
	v0 =	vld [tilespmem:s7+$0x90]  }
0x433: {  	v1 =	vld [tilespmem:s13+$0x90]  }
0x434: {  	v2 =	vld [tilespmem:s14+$0x90];
	_ =	sdelay $0x3  }
0x435: {  	v0 =	vadd.f32 v1, v0;
	_ =	sdelay $0x1  }
0x436: {  	v0 =	vadd.f32 v2, v0;
	_ =	sdelay $0x1  }
0x437: {  	[tilespmem:s7+$0x90] =	vst v0;
	v0 =	vld [tilespmem:s7+$0xA0]  }
0x438: {  	v1 =	vld [tilespmem:s13+$0xA0]  }
0x439: {  	v2 =	vld [tilespmem:s14+$0xA0];
	_ =	sdelay $0x3  }
0x43a: {  	v0 =	vadd.f32 v1, v0;
	_ =	sdelay $0x1  }
0x43b: {  	v0 =	vadd.f32 v2, v0;
	_ =	sdelay $0x1  }
0x43c: {  	[tilespmem:s7+$0xA0] =	vst v0;
	v0 =	vld [tilespmem:s7+$0xB0]  }
0x43d: {  	v1 =	vld [tilespmem:s13+$0xB0]  }
0x43e: {  	v2 =	vld [tilespmem:s14+$0xB0];
	_ =	sdelay $0x3  }
0x43f: {  	v0 =	vadd.f32 v1, v0;
	_ =	sdelay $0x1  }
0x440: {  	v0 =	vadd.f32 v2, v0;
	_ =	sdelay $0x1  }
0x441: {  	[tilespmem:s7+$0xB0] =	vst v0;
	v0 =	vld [tilespmem:s7+$0xC0]  }
0x442: {  	v1 =	vld [tilespmem:s13+$0xC0]  }
0x443: {  	v2 =	vld [tilespmem:s14+$0xC0];
	_ =	sdelay $0x3  }
0x444: {  	v0 =	vadd.f32 v1, v0;
	_ =	sdelay $0x1  }
0x445: {  	v0 =	vadd.f32 v2, v0;
	_ =	sdelay $0x1  }
0x446: {  	[tilespmem:s7+$0xC0] =	vst v0;
	v0 =	vld [tilespmem:s7+$0xD0]  }
0x447: {  	v1 =	vld [tilespmem:s13+$0xD0]  }
0x448: {  	v2 =	vld [tilespmem:s14+$0xD0];
	_ =	sdelay $0x3  }
0x449: {  	v0 =	vadd.f32 v1, v0;
	_ =	sdelay $0x1  }
0x44a: {  	v0 =	vadd.f32 v2, v0;
	_ =	sdelay $0x1  }
0x44b: {  	[tilespmem:s7+$0xD0] =	vst v0;
	v0 =	vld [tilespmem:s7+$0xE0]  }
0x44c: {  	v1 =	vld [tilespmem:s13+$0xE0]  }
0x44d: {  	v2 =	vld [tilespmem:s14+$0xE0];
	_ =	sdelay $0x3  }
0x44e: {  	v0 =	vadd.f32 v1, v0;
	_ =	sdelay $0x1  }
0x44f: {  	v0 =	vadd.f32 v2, v0;
	_ =	sdelay $0x1  }
0x450: {  	[tilespmem:s7+$0xE0] =	vst v0;
	v0 =	vld [tilespmem:s7+$0xF0]  }
0x451: {  	v1 =	vld [tilespmem:s13+$0xF0]  }
0x452: {  	v2 =	vld [tilespmem:s14+$0xF0];
	_ =	sdelay $0x2  }
.Ltmp3:
0x453: {  	(pc) =	sbr.rel @p0 .LBB2_8-.Ltmp3, $3  }
0x454: {  	v0 =	vadd.f32 v1, v0;
	_ =	sdelay $0x1  }
0x455: {  	v0 =	vadd.f32 v2, v0  }
0x456: {  	s7 =	sadd.s32 $0x200, s7  }
0x457: {  	[tilespmem:s20+$0xF0] =	vst v0;
	s0 =	rddreg [dreg:$0xa]  }
0x458: {  	[hbm4b:s0+s3] =	stream.linear.scatter [tilespmem:s30], [sflag:$0x5], $0x5000, $0x38;
	[tilespmem:$0x1E600] =	vst v63  }
0x459: {  	_ =	swait.ge [sflag:s16], $0x5000  }
0x45a: {  	s7 =	rddreg [dreg:$0xc]  }
0x45b: {  	s31 =	rddreg [dreg:$0xb];
	s7 =	sadd.s32 $0x1, s7  }
0x45c: {  	p0 =	sne.s32 s7, s31  }
.Ltmp4:
0x45d: {  	_ = 	snop;
	(pc) =	sbr.rel @p0 .LBB2_1-.Ltmp4, $3  }
0x45e: {  	_ =	sdelay $0x1  }
0x45f: {  	[sflag:s16] =	ssyncset.done $0x0  }
0x460: {  	[sflag:s16] =	ssyncadd.s32 $0xFFFFB000  }
0x461: {  	_ =	sfence.sel $0x180000  }
0x462: {  	[bflag:$0x0] =	sbarrier.arrive $0xFFFF  }
0x463: {  	_ =	strace $0x90000047  }
0x464: {  	s0 =	stileid.u32;
	[bflag:$0x2] =	sbarrier.arrive $0xFFFF  }
0x465: {  	p0 =	sne.s32 s0, $0x0;
	s0 =	rddreg [dreg:$0x2]  }
0x466: {  	s0 =	sadd.s32 @!p0 $0x100000, s0  }
0x467: {  	[sflag:s0] =	ssyncadd.tile.s32 @!p0 $0x1;
	_ =	shalt  }
.Lfunc_end2:
_tile_overlayer_lowered:
.L_overlay_start_2:
0x468: {  	(tag) =	ssettag $0x2  }
0x469: {  	s0 =	rddreg [dreg:$0x0];
	s2 =	stileid.u32  }
0x46a: {  	s1 =	rddreg [dreg:$0x1];
	p0 =	sne.s32 s2, $0x0  }
0x46b: {  	s3 =	rddreg [dreg:$0x2];
	[bflag:$0x3] =	sbarrier.arrive $0xFFFF;
	s2 =	simm.s32 @!p0 $0x1C05  }
0x46c: {  	[timem:s3], [sflag:s2] =	dma.local @!p0 [hbm:s0], s1  }
0x46d: {  	s0 =	simm.s32 @!p0 $0x5  }
0x46e: {  	_ =	swait.ge @!p0 [sflag:s0], s1  }
0x46f: {  	s1 =	ssub.s32 @!p0 $0x0, s1;
	[sflag:s0] =	ssyncset.done @!p0 $0x0  }
0x470: {  	[sflag:s0] =	ssyncadd.s32 @!p0 s1  }
0x471: {  	[bflag:$0x3] =	sbarrier.arrive $0xFFFF  }
0x472: {  	_ =	shalt  }

</sc_bundles>
